<compile_context>
chip_gen: v7x
topology: tpu7x:2x2x1
jax: 0.10.2.dev20260603
libtpu: 0.0.44.dev20260713+nightly
codegen_flags: <defaults>
</compile_context>

<pallas_src>
import functools

import jax
import jax.numpy as jnp
from jax import lax
from jax.experimental import pallas as pl
from jax.experimental.pallas import tpu as pltpu
from jax.experimental.pallas import tpu_sc as plsc

_N = 10000
_D = 256
_DH = 128
_K = 128
_NSUB = 16
_NCORE = 2
_NPAD = 10240
_ROWS_PER_TILE = _NPAD // _NSUB
_ROW_CHUNK = 128

_F32 = jnp.float32


def _l2norm_rows(h):
    n = jnp.sqrt(jnp.sum(h * h, axis=1, keepdims=True))
    return h / jnp.maximum(n, 1e-12)



def _pool_body(x_ref, wt_ref, b_ref, h_ref, h2s_ref):
    xb = _l2norm_rows(x_ref[...])
    h = jnp.dot(xb, wt_ref[...], preferred_element_type=_F32) + b_ref[...]
    h = jnp.maximum(h, 0.0)
    h_ref[...] = h
    h2 = h * h
    h2s_ref[0] = h2[:, :_DH]
    h2s_ref[1] = h2[:, _DH:]


def _mid_body(hp_ref, a0_ref, a1_ref, w1t_ref, w2ta_ref, w2tb_ref, bias_ref,
              pwt_ref, pb_ref, hp1_ref, h2s_ref):
    hp = hp_ref[...]
    out = (jnp.dot(hp, w1t_ref[...], preferred_element_type=_F32)
           + jnp.dot(jnp.sqrt(a0_ref[...]), w2ta_ref[...],
                     preferred_element_type=_F32)
           + jnp.dot(jnp.sqrt(a1_ref[...]), w2tb_ref[...],
                     preferred_element_type=_F32)
           + bias_ref[...])
    out = jnp.maximum(out, 0.0)
    h1 = _l2norm_rows(out)
    hp1 = jnp.dot(h1, pwt_ref[...], preferred_element_type=_F32) + pb_ref[...]
    hp1 = jnp.maximum(hp1, 0.0)
    hp1_ref[...] = hp1
    h2 = hp1 * hp1
    h2s_ref[0] = h2[:, :_DH]
    h2s_ref[1] = h2[:, _DH:]


def _final_body(hp_ref, a0_ref, a1_ref, w1t_ref, w2ta_ref, w2tb_ref, bias_ref,
                out_ref):
    out_ref[...] = (jnp.dot(hp_ref[...], w1t_ref[...],
                            preferred_element_type=_F32)
                    + jnp.dot(jnp.sqrt(a0_ref[...]), w2ta_ref[...],
                              preferred_element_type=_F32)
                    + jnp.dot(jnp.sqrt(a1_ref[...]), w2tb_ref[...],
                              preferred_element_type=_F32)
                    + bias_ref[...])


_R = 400
_GRID = _N // _R

_row_spec = pl.BlockSpec((_R, _D), lambda i: (i, 0))
_half_spec = pl.BlockSpec((_R, _DH), lambda i: (i, 0))
_w_spec = pl.BlockSpec((_D, _D), lambda i: (0, 0))
_wh_spec = pl.BlockSpec((_DH, _D), lambda i: (0, 0))
_b_spec = pl.BlockSpec((1, _D), lambda i: (0, 0))
_h2s_spec = pl.BlockSpec((2, _R, _DH), lambda i: (0, i, 0))


def _pool_call(x, wt, b):
    return pl.pallas_call(
        _pool_body,
        grid=(_GRID,),
        in_specs=[_row_spec, _w_spec, _b_spec],
        out_specs=[_row_spec, _h2s_spec],
        out_shape=[jax.ShapeDtypeStruct((_N, _D), _F32),
                   jax.ShapeDtypeStruct((2, _N, _DH), _F32)],
    )(x, wt, b)


def _mid_call(hp, a0, a1, w1t, w2ta, w2tb, bias, pwt, pb):
    return pl.pallas_call(
        _mid_body,
        grid=(_GRID,),
        in_specs=[_row_spec, _half_spec, _half_spec, _w_spec, _wh_spec,
                  _wh_spec, _b_spec, _w_spec, _b_spec],
        out_specs=[_row_spec, _h2s_spec],
        out_shape=[jax.ShapeDtypeStruct((_N, _D), _F32),
                   jax.ShapeDtypeStruct((2, _N, _DH), _F32)],
    )(hp, a0, a1, w1t, w2ta, w2tb, bias, pwt, pb)


def _final_call(hp, a0, a1, w1t, w2ta, w2tb, bias):
    return pl.pallas_call(
        _final_body,
        grid=(_GRID,),
        in_specs=[_row_spec, _half_spec, _half_spec, _w_spec, _wh_spec,
                  _wh_spec, _b_spec],
        out_specs=_row_spec,
        out_shape=jax.ShapeDtypeStruct((_N, _D), _F32),
    )(hp, a0, a1, w1t, w2ta, w2tb, bias)



def _sc_agg_body(src_hbm, dst_hbm, adj_hbm, h2_hbm, out_hbm,
                 idx_v, dst_v, adj_v, gbuf, acc, sem):
    c = lax.axis_index("c")
    s = lax.axis_index("s")
    nchunk = idx_v.shape[0]

    pltpu.sync_copy(src_hbm.at[s], idx_v)
    pltpu.sync_copy(dst_hbm.at[s], dst_v)
    pltpu.sync_copy(adj_hbm.at[s], adj_v)

    off = c * _N

    def _addoff(r, _):
        for q in range(8):
            idx_v[r, pl.ds(q * 16, 16)] = idx_v[r, pl.ds(q * 16, 16)] + off
        return 0

    lax.fori_loop(0, nchunk, _addoff, 0)

    def _zero(r, _):
        for q in range(8):
            gbuf[r, pl.ds(q * 16, 16)] = jnp.zeros((16,), _F32)
        return 0

    lax.fori_loop(0, _K, _zero, 0)
    base = s * _ROWS_PER_TILE
    for k in range(_ROWS_PER_TILE // _ROW_CHUNK):
        pltpu.sync_copy(gbuf.at[pl.ds(0, _ROW_CHUNK)],
                        acc.at[pl.ds(base + k * _ROW_CHUNK, _ROW_CHUNK)])
    plsc.subcore_barrier()

    def _chunk(j, _):
        pltpu.async_copy(h2_hbm.at[idx_v.at[j]], gbuf, sem).wait()

        def _grp(t, _2):
            av = adj_v[j, pl.ds(t * 16, 16)]
            for l in range(16):
                a = av[l]
                i = t * 16 + l
                for q in range(8):
                    gbuf[i, pl.ds(q * 16, 16)] = gbuf[i, pl.ds(q * 16, 16)] * a
            return 0

        lax.fori_loop(0, _K // 16, _grp, 0)
        pltpu.sync_copy(gbuf, acc.at[dst_v.at[j]], add=True)
        return 0

    lax.fori_loop(0, nchunk, _chunk, 0)
    plsc.subcore_barrier()

    for k in range(_ROWS_PER_TILE // _ROW_CHUNK):
        pltpu.sync_copy(acc.at[pl.ds(base + k * _ROW_CHUNK, _ROW_CHUNK)],
                        out_hbm.at[pl.ds(c * _NPAD + base + k * _ROW_CHUNK,
                                         _ROW_CHUNK)])


def _sc_agg(src_p, dst_p, adj_p, h2flat):
    nchunk = src_p.shape[1]
    mesh = plsc.VectorSubcoreMesh(core_axis_name="c", subcore_axis_name="s",
                                  num_cores=_NCORE, num_subcores=_NSUB)
    return pl.kernel(
        _sc_agg_body,
        mesh=mesh,
        out_type=jax.ShapeDtypeStruct((_NCORE * _NPAD, _DH), _F32),
        scratch_types=[
            pltpu.VMEM((nchunk, _K), jnp.int32),
            pltpu.VMEM((nchunk, _K), jnp.int32),
            pltpu.VMEM((nchunk, _K), _F32),
            pltpu.VMEM((_K, _DH), _F32),
            pltpu.VMEM_SHARED((_NPAD, _DH), _F32),
            pltpu.SemaphoreType.DMA,
        ],
    )(src_p, dst_p, adj_p, h2flat)



def kernel(x, edge_index, adj_vals,
           p0_pool_W, p0_pool_b, p0_W1, p0_b1, p0_W2, p0_b2,
           p1_pool_W, p1_pool_b, p1_W1, p1_b1, p1_W2, p1_b2):
    e = adj_vals.shape[0]
    ept = -(-e // (_NSUB * _K)) * _K
    pad = _NSUB * ept - e
    dst = edge_index[0]
    src = edge_index[1]
    src_p = jnp.concatenate([src, jnp.zeros((pad,), jnp.int32)])
    src_p = src_p.reshape(_NSUB, ept // _K, _K)
    dst_p = jnp.concatenate([dst, jnp.zeros((pad,), jnp.int32)])
    dst_p = dst_p.reshape(_NSUB, ept // _K, _K)
    adj_p = jnp.concatenate([adj_vals, jnp.zeros((pad,), _F32)])
    adj_p = adj_p.reshape(_NSUB, ept // _K, _K)

    b0 = (p0_b1 + p0_b2)[None, :]
    b1 = (p1_b1 + p1_b2)[None, :]

    hp0, h2s0 = _pool_call(x, p0_pool_W.T, p0_pool_b[None, :])
    agg0 = _sc_agg(src_p, dst_p, adj_p, h2s0.reshape(_NCORE * _N, _DH))
    hp1, h2s1 = _mid_call(hp0, agg0[:_N], agg0[_NPAD:_NPAD + _N],
                          p0_W1.T, p0_W2.T[:_DH], p0_W2.T[_DH:], b0,
                          p1_pool_W.T, p1_pool_b[None, :])
    agg1 = _sc_agg(src_p, dst_p, adj_p, h2s1.reshape(_NCORE * _N, _DH))
    out = _final_call(hp1, agg1[:_N], agg1[_NPAD:_NPAD + _N],
                      p1_W1.T, p1_W2.T[:_DH], p1_W2.T[_DH:], b1)
    return out

# --- scband reference (transcript-rebuilt; emitter-appended) ---
"""Pipeline reference for scband-graph-sage-35708358099580 (READ-ONLY COPY).

The authoritative reference and input builder live on the scoring server;
editing this copy changes nothing except your own understanding.
"""

import jax, jax.numpy as jnp
import numpy as np

N = 10000
E = 160000
D_IN = 256
D_HID = 256
D_OUT = 256


def _linear(key, fan_in, fan_out):
    scale = np.sqrt(2.0 / (fan_in + fan_out)) * np.sqrt(2.0)  # xavier_normal with relu gain
    W = jax.random.normal(key, (fan_out, fan_in), dtype=jnp.float32) * scale
    b = jnp.zeros((fan_out,), dtype=jnp.float32)
    return W, b


def setup_inputs(seed: int = 0) -> dict:
    key = jax.random.key(seed)
    ks = jax.random.split(key, 10)
    x = jax.random.normal(ks[0], (N, D_IN), dtype=jnp.float32)
    edge_index = jax.random.randint(ks[1], (2, E), 0, N, dtype=jnp.int32)
    adj_vals = jax.random.uniform(ks[2], (E,), dtype=jnp.float32)
    p0_pool_W, p0_pool_b = _linear(ks[3], D_IN, D_IN)
    p0_W1, p0_b1 = _linear(ks[4], D_IN, D_HID)
    p0_W2, p0_b2 = _linear(ks[5], D_IN, D_HID)
    p1_pool_W, p1_pool_b = _linear(ks[6], D_HID, D_HID)
    p1_W1, p1_b1 = _linear(ks[7], D_HID, D_OUT)
    p1_W2, p1_b2 = _linear(ks[8], D_HID, D_OUT)
    return {
        'x': x, 'edge_index': edge_index, 'adj_vals': adj_vals,
        'p0_pool_W': p0_pool_W, 'p0_pool_b': p0_pool_b,
        'p0_W1': p0_W1, 'p0_b1': p0_b1, 'p0_W2': p0_W2, 'p0_b2': p0_b2,
        'p1_pool_W': p1_pool_W, 'p1_pool_b': p1_pool_b,
        'p1_W1': p1_W1, 'p1_b1': p1_b1, 'p1_W2': p1_W2, 'p1_b2': p1_b2,
    }


def _l2norm(h):
    n = jnp.linalg.norm(h, axis=1, keepdims=True)
    return h / jnp.maximum(n, 1e-12)


def reference(x, edge_index, adj_vals,
              p0_pool_W, p0_pool_b, p0_W1, p0_b1, p0_W2, p0_b2,
              p1_pool_W, p1_pool_b, p1_W1, p1_b1, p1_W2, p1_b2):
    dst = edge_index[0]
    src = edge_index[1]
    mu = 2.0

    def sage(h, pW, pb, W1, b1, W2, b2, act):
        h = jax.nn.relu(h @ pW.T + pb)
        h2 = h ** mu
        msg = adj_vals[:, None] * jnp.take(h2, src, axis=0)
        agg = jax.ops.segment_sum(msg, dst, num_segments=N)
        hn = jnp.power(agg, 1.0 / mu)
        out = (h @ W1.T + b1) + (hn @ W2.T + b2)
        if act:
            out = jax.nn.relu(out)
        return out

    h = _l2norm(x)
    h = sage(h, p0_pool_W, p0_pool_b, p0_W1, p0_b1, p0_W2, p0_b2, act=True)
    h = _l2norm(h)
    h = sage(h, p1_pool_W, p1_pool_b, p1_W1, p1_b1, p1_W2, p1_b2, act=False)
    return h

if __name__ == "__main__":
    import jax
    _d = setup_inputs()
    print(jax.jit(kernel)(*tuple(_d.values())))

</pallas_src>

<mosaic_0001>
#map = affine_map<(d0, d1) -> (0, 0, 0)>
#map1 = affine_map<(d0, d1) -> (0, 0)>
module attributes {stable_mosaic.version = 14 : i64} {
  func.func @_sc_agg_body(%arg0: i32, %arg1: i32, %arg2: memref<16x79x128xi32, #tpu.memory_space<hbm>>, %arg3: memref<16x79x128xi32, #tpu.memory_space<hbm>>, %arg4: memref<16x79x128xf32, #tpu.memory_space<hbm>>, %arg5: memref<20000x128xf32, #tpu.memory_space<hbm>>, %arg6: memref<20480x128xf32, #tpu.memory_space<hbm>>, %arg7: memref<79x128xi32, #tpu.memory_space<vmem>>, %arg8: memref<79x128xi32, #tpu.memory_space<vmem>>, %arg9: memref<79x128xf32, #tpu.memory_space<vmem>>, %arg10: memref<128x128xf32, #tpu.memory_space<vmem>>, %arg11: memref<10240x128xf32, #tpu.memory_space<vmem_shared>>, %arg12: memref<!tpu.dma_semaphore, #tpu.memory_space<semaphore_mem>>) attributes {dimension_semantics = [#tpu.dimension_semantics<core_parallel>, #tpu.dimension_semantics<subcore_parallel>], iteration_bounds = array<i64: 2, 16>, scalar_prefetch = 0 : i64, scratch_operands = 6 : i64, tpu.core_type = #tpu.core_type<sc_vector_subcore>, window_params = [{transform_indices = #map}, {transform_indices = #map}, {transform_indices = #map}, {transform_indices = #map1}, {transform_indices = #map1}]} {
    "tpu.region"() ({
      %run_scoped3A = tpu.sem_alloc : memref<!tpu.dma_semaphore, #tpu.memory_space<semaphore_mem>>
      %dma_start3A = arith.constant 0 : i32
      %dma_start3A_68 = arith.constant 0 : i32
      %dma_start3A_69 = tpu.memref_slice %arg2[%arg1, %dma_start3A, %dma_start3A_68] : memref<16x79x128xi32, #tpu.memory_space<hbm>> -> memref<1x79x128xi32, #tpu.memory_space<hbm>>
      %dma_start3A_70 = tpu.memref_squeeze %dma_start3A_69 : memref<1x79x128xi32, #tpu.memory_space<hbm>> -> memref<79x128xi32, #tpu.memory_space<hbm>>
      %dma_start3A_71 = arith.constant 0 : i32
      %dma_start3A_72 = arith.constant 0 : i32
      %dma_start3A_73 = tpu.memref_slice %arg2[%arg1, %dma_start3A_71, %dma_start3A_72] : memref<16x79x128xi32, #tpu.memory_space<hbm>> -> memref<1x79x128xi32, #tpu.memory_space<hbm>>
      %dma_start3A_74 = tpu.memref_squeeze %dma_start3A_73 : memref<1x79x128xi32, #tpu.memory_space<hbm>> -> memref<79x128xi32, #tpu.memory_space<hbm>>
      tpu.enqueue_dma source(%dma_start3A_74 : memref<79x128xi32, #tpu.memory_space<hbm>>) target(%arg7 : memref<79x128xi32, #tpu.memory_space<vmem>>) target_semaphore(%run_scoped3A : memref<!tpu.dma_semaphore, #tpu.memory_space<semaphore_mem>>)
      %dma_wait3A = arith.constant 0 : i32
      %dma_wait3A_75 = arith.constant 0 : i32
      %dma_wait3A_76 = tpu.memref_slice %arg2[%arg1, %dma_wait3A, %dma_wait3A_75] : memref<16x79x128xi32, #tpu.memory_space<hbm>> -> memref<1x79x128xi32, #tpu.memory_space<hbm>>
      %dma_wait3A_77 = tpu.memref_squeeze %dma_wait3A_76 : memref<1x79x128xi32, #tpu.memory_space<hbm>> -> memref<79x128xi32, #tpu.memory_space<hbm>>
      %dma_wait3A_78 = arith.constant 0 : i32
      %dma_wait3A_79 = arith.constant 0 : i32
      %dma_wait3A_80 = tpu.memref_slice %arg2[%arg1, %dma_wait3A_78, %dma_wait3A_79] : memref<16x79x128xi32, #tpu.memory_space<hbm>> -> memref<1x79x128xi32, #tpu.memory_space<hbm>>
      %dma_wait3A_81 = tpu.memref_squeeze %dma_wait3A_80 : memref<1x79x128xi32, #tpu.memory_space<hbm>> -> memref<79x128xi32, #tpu.memory_space<hbm>>
      tpu.wait_dma2 semaphore(%run_scoped3A : memref<!tpu.dma_semaphore, #tpu.memory_space<semaphore_mem>>) src(%dma_wait3A_81 : memref<79x128xi32, #tpu.memory_space<hbm>>) dst(%arg7 : memref<79x128xi32, #tpu.memory_space<vmem>>)
      tpu.yield
    }) : () -> ()
    "tpu.region"() ({
      %run_scoped3A = tpu.sem_alloc : memref<!tpu.dma_semaphore, #tpu.memory_space<semaphore_mem>>
      %dma_start3A = arith.constant 0 : i32
      %dma_start3A_68 = arith.constant 0 : i32
      %dma_start3A_69 = tpu.memref_slice %arg3[%arg1, %dma_start3A, %dma_start3A_68] : memref<16x79x128xi32, #tpu.memory_space<hbm>> -> memref<1x79x128xi32, #tpu.memory_space<hbm>>
      %dma_start3A_70 = tpu.memref_squeeze %dma_start3A_69 : memref<1x79x128xi32, #tpu.memory_space<hbm>> -> memref<79x128xi32, #tpu.memory_space<hbm>>
      %dma_start3A_71 = arith.constant 0 : i32
      %dma_start3A_72 = arith.constant 0 : i32
      %dma_start3A_73 = tpu.memref_slice %arg3[%arg1, %dma_start3A_71, %dma_start3A_72] : memref<16x79x128xi32, #tpu.memory_space<hbm>> -> memref<1x79x128xi32, #tpu.memory_space<hbm>>
      %dma_start3A_74 = tpu.memref_squeeze %dma_start3A_73 : memref<1x79x128xi32, #tpu.memory_space<hbm>> -> memref<79x128xi32, #tpu.memory_space<hbm>>
      tpu.enqueue_dma source(%dma_start3A_74 : memref<79x128xi32, #tpu.memory_space<hbm>>) target(%arg8 : memref<79x128xi32, #tpu.memory_space<vmem>>) target_semaphore(%run_scoped3A : memref<!tpu.dma_semaphore, #tpu.memory_space<semaphore_mem>>)
      %dma_wait3A = arith.constant 0 : i32
      %dma_wait3A_75 = arith.constant 0 : i32
      %dma_wait3A_76 = tpu.memref_slice %arg3[%arg1, %dma_wait3A, %dma_wait3A_75] : memref<16x79x128xi32, #tpu.memory_space<hbm>> -> memref<1x79x128xi32, #tpu.memory_space<hbm>>
      %dma_wait3A_77 = tpu.memref_squeeze %dma_wait3A_76 : memref<1x79x128xi32, #tpu.memory_space<hbm>> -> memref<79x128xi32, #tpu.memory_space<hbm>>
      %dma_wait3A_78 = arith.constant 0 : i32
      %dma_wait3A_79 = arith.constant 0 : i32
      %dma_wait3A_80 = tpu.memref_slice %arg3[%arg1, %dma_wait3A_78, %dma_wait3A_79] : memref<16x79x128xi32, #tpu.memory_space<hbm>> -> memref<1x79x128xi32, #tpu.memory_space<hbm>>
      %dma_wait3A_81 = tpu.memref_squeeze %dma_wait3A_80 : memref<1x79x128xi32, #tpu.memory_space<hbm>> -> memref<79x128xi32, #tpu.memory_space<hbm>>
      tpu.wait_dma2 semaphore(%run_scoped3A : memref<!tpu.dma_semaphore, #tpu.memory_space<semaphore_mem>>) src(%dma_wait3A_81 : memref<79x128xi32, #tpu.memory_space<hbm>>) dst(%arg8 : memref<79x128xi32, #tpu.memory_space<vmem>>)
      tpu.yield
    }) : () -> ()
    "tpu.region"() ({
      %run_scoped3A = tpu.sem_alloc : memref<!tpu.dma_semaphore, #tpu.memory_space<semaphore_mem>>
      %dma_start3A = arith.constant 0 : i32
      %dma_start3A_68 = arith.constant 0 : i32
      %dma_start3A_69 = tpu.memref_slice %arg4[%arg1, %dma_start3A, %dma_start3A_68] : memref<16x79x128xf32, #tpu.memory_space<hbm>> -> memref<1x79x128xf32, #tpu.memory_space<hbm>>
      %dma_start3A_70 = tpu.memref_squeeze %dma_start3A_69 : memref<1x79x128xf32, #tpu.memory_space<hbm>> -> memref<79x128xf32, #tpu.memory_space<hbm>>
      %dma_start3A_71 = arith.constant 0 : i32
      %dma_start3A_72 = arith.constant 0 : i32
      %dma_start3A_73 = tpu.memref_slice %arg4[%arg1, %dma_start3A_71, %dma_start3A_72] : memref<16x79x128xf32, #tpu.memory_space<hbm>> -> memref<1x79x128xf32, #tpu.memory_space<hbm>>
      %dma_start3A_74 = tpu.memref_squeeze %dma_start3A_73 : memref<1x79x128xf32, #tpu.memory_space<hbm>> -> memref<79x128xf32, #tpu.memory_space<hbm>>
      tpu.enqueue_dma source(%dma_start3A_74 : memref<79x128xf32, #tpu.memory_space<hbm>>) target(%arg9 : memref<79x128xf32, #tpu.memory_space<vmem>>) target_semaphore(%run_scoped3A : memref<!tpu.dma_semaphore, #tpu.memory_space<semaphore_mem>>)
      %dma_wait3A = arith.constant 0 : i32
      %dma_wait3A_75 = arith.constant 0 : i32
      %dma_wait3A_76 = tpu.memref_slice %arg4[%arg1, %dma_wait3A, %dma_wait3A_75] : memref<16x79x128xf32, #tpu.memory_space<hbm>> -> memref<1x79x128xf32, #tpu.memory_space<hbm>>
      %dma_wait3A_77 = tpu.memref_squeeze %dma_wait3A_76 : memref<1x79x128xf32, #tpu.memory_space<hbm>> -> memref<79x128xf32, #tpu.memory_space<hbm>>
      %dma_wait3A_78 = arith.constant 0 : i32
      %dma_wait3A_79 = arith.constant 0 : i32
      %dma_wait3A_80 = tpu.memref_slice %arg4[%arg1, %dma_wait3A_78, %dma_wait3A_79] : memref<16x79x128xf32, #tpu.memory_space<hbm>> -> memref<1x79x128xf32, #tpu.memory_space<hbm>>
      %dma_wait3A_81 = tpu.memref_squeeze %dma_wait3A_80 : memref<1x79x128xf32, #tpu.memory_space<hbm>> -> memref<79x128xf32, #tpu.memory_space<hbm>>
      tpu.wait_dma2 semaphore(%run_scoped3A : memref<!tpu.dma_semaphore, #tpu.memory_space<semaphore_mem>>) src(%dma_wait3A_81 : memref<79x128xf32, #tpu.memory_space<hbm>>) dst(%arg9 : memref<79x128xf32, #tpu.memory_space<vmem>>)
      tpu.yield
    }) : () -> ()
    %mul3A = arith.constant 10000 : i32
    %mul3A_0 = arith.muli %arg0, %mul3A : i32
    %scan3A = arith.constant 0 : i32
    %scan3A_1 = arith.constant 0 : i32
    %scan3A_2 = arith.constant 79 : i32
    %scan3A_3 = arith.addi %scan3A_1, %scan3A_2 : i32
    %scan3A_4 = arith.constant 1 : i32
    %scan3A_5 = scf.for %scan3A_68 = %scan3A_1 to %scan3A_3 step %scan3A_4 iter_args(%scan3A_69 = %scan3A) -> (i32)  : i32 {
      %get3A = arith.index_cast %scan3A_68 : i32 to index
      %get3A_70 = arith.constant 0 : index
      %get3A_71 = tpu.vector_load %arg7[%get3A, %get3A_70] {strides = array<i32>} : memref<79x128xi32, #tpu.memory_space<vmem>>, vector<1x16xi32>,
      %get3A_72 = vector.shape_cast %get3A_71 : vector<1x16xi32> to vector<16xi32>
      %add3A_73 = vector.broadcast %mul3A_0 : i32 to vector<16xi32>
      %add3A_74 = arith.addi %get3A_72, %add3A_73 : vector<16xi32>
      %swap3A = arith.index_cast %scan3A_68 : i32 to index
      %swap3A_75 = arith.constant 0 : index
      %swap3A_76 = tpu.vector_load %arg7[%swap3A, %swap3A_75] {strides = array<i32>} : memref<79x128xi32, #tpu.memory_space<vmem>>, vector<1x16xi32>,
      %swap3A_77 = vector.shape_cast %swap3A_76 : vector<1x16xi32> to vector<16xi32>
      %swap3A_78 = vector.shape_cast %add3A_74 : vector<16xi32> to vector<1x16xi32>
      tpu.vector_store %arg7[%swap3A, %swap3A_75], %swap3A_78 {strides = array<i32>} : memref<79x128xi32, #tpu.memory_space<vmem>>, vector<1x16xi32>,
      %get3A_79 = arith.index_cast %scan3A_68 : i32 to index
      %get3A_80 = arith.constant 16 : index
      %get3A_81 = tpu.vector_load %arg7[%get3A_79, %get3A_80] {strides = array<i32>} : memref<79x128xi32, #tpu.memory_space<vmem>>, vector<1x16xi32>,
      %get3A_82 = vector.shape_cast %get3A_81 : vector<1x16xi32> to vector<16xi32>
      %add3A_83 = vector.broadcast %mul3A_0 : i32 to vector<16xi32>
      %add3A_84 = arith.addi %get3A_82, %add3A_83 : vector<16xi32>
      %swap3A_85 = arith.index_cast %scan3A_68 : i32 to index
      %swap3A_86 = arith.constant 16 : index
      %swap3A_87 = tpu.vector_load %arg7[%swap3A_85, %swap3A_86] {strides = array<i32>} : memref<79x128xi32, #tpu.memory_space<vmem>>, vector<1x16xi32>,
      %swap3A_88 = vector.shape_cast %swap3A_87 : vector<1x16xi32> to vector<16xi32>
      %swap3A_89 = vector.shape_cast %add3A_84 : vector<16xi32> to vector<1x16xi32>
      tpu.vector_store %arg7[%swap3A_85, %swap3A_86], %swap3A_89 {strides = array<i32>} : memref<79x128xi32, #tpu.memory_space<vmem>>, vector<1x16xi32>,
      %get3A_90 = arith.index_cast %scan3A_68 : i32 to index
      %get3A_91 = arith.constant 32 : index
      %get3A_92 = tpu.vector_load %arg7[%get3A_90, %get3A_91] {strides = array<i32>} : memref<79x128xi32, #tpu.memory_space<vmem>>, vector<1x16xi32>,
      %get3A_93 = vector.shape_cast %get3A_92 : vector<1x16xi32> to vector<16xi32>
      %add3A_94 = vector.broadcast %mul3A_0 : i32 to vector<16xi32>
      %add3A_95 = arith.addi %get3A_93, %add3A_94 : vector<16xi32>
      %swap3A_96 = arith.index_cast %scan3A_68 : i32 to index
      %swap3A_97 = arith.constant 32 : index
      %swap3A_98 = tpu.vector_load %arg7[%swap3A_96, %swap3A_97] {strides = array<i32>} : memref<79x128xi32, #tpu.memory_space<vmem>>, vector<1x16xi32>,
      %swap3A_99 = vector.shape_cast %swap3A_98 : vector<1x16xi32> to vector<16xi32>
      %swap3A_100 = vector.shape_cast %add3A_95 : vector<16xi32> to vector<1x16xi32>
      tpu.vector_store %arg7[%swap3A_96, %swap3A_97], %swap3A_100 {strides = array<i32>} : memref<79x128xi32, #tpu.memory_space<vmem>>, vector<1x16xi32>,
      %get3A_101 = arith.index_cast %scan3A_68 : i32 to index
      %get3A_102 = arith.constant 48 : index
      %get3A_103 = tpu.vector_load %arg7[%get3A_101, %get3A_102] {strides = array<i32>} : memref<79x128xi32, #tpu.memory_space<vmem>>, vector<1x16xi32>,
      %get3A_104 = vector.shape_cast %get3A_103 : vector<1x16xi32> to vector<16xi32>
      %add3A_105 = vector.broadcast %mul3A_0 : i32 to vector<16xi32>
      %add3A_106 = arith.addi %get3A_104, %add3A_105 : vector<16xi32>
      %swap3A_107 = arith.index_cast %scan3A_68 : i32 to index
      %swap3A_108 = arith.constant 48 : index
      %swap3A_109 = tpu.vector_load %arg7[%swap3A_107, %swap3A_108] {strides = array<i32>} : memref<79x128xi32, #tpu.memory_space<vmem>>, vector<1x16xi32>,
      %swap3A_110 = vector.shape_cast %swap3A_109 : vector<1x16xi32> to vector<16xi32>
      %swap3A_111 = vector.shape_cast %add3A_106 : vector<16xi32> to vector<1x16xi32>
      tpu.vector_store %arg7[%swap3A_107, %swap3A_108], %swap3A_111 {strides = array<i32>} : memref<79x128xi32, #tpu.memory_space<vmem>>, vector<1x16xi32>,
      %get3A_112 = arith.index_cast %scan3A_68 : i32 to index
      %get3A_113 = arith.constant 64 : index
      %get3A_114 = tpu.vector_load %arg7[%get3A_112, %get3A_113] {strides = array<i32>} : memref<79x128xi32, #tpu.memory_space<vmem>>, vector<1x16xi32>,
      %get3A_115 = vector.shape_cast %get3A_114 : vector<1x16xi32> to vector<16xi32>
      %add3A_116 = vector.broadcast %mul3A_0 : i32 to vector<16xi32>
      %add3A_117 = arith.addi %get3A_115, %add3A_116 : vector<16xi32>
      %swap3A_118 = arith.index_cast %scan3A_68 : i32 to index
      %swap3A_119 = arith.constant 64 : index
      %swap3A_120 = tpu.vector_load %arg7[%swap3A_118, %swap3A_119] {strides = array<i32>} : memref<79x128xi32, #tpu.memory_space<vmem>>, vector<1x16xi32>,
      %swap3A_121 = vector.shape_cast %swap3A_120 : vector<1x16xi32> to vector<16xi32>
      %swap3A_122 = vector.shape_cast %add3A_117 : vector<16xi32> to vector<1x16xi32>
      tpu.vector_store %arg7[%swap3A_118, %swap3A_119], %swap3A_122 {strides = array<i32>} : memref<79x128xi32, #tpu.memory_space<vmem>>, vector<1x16xi32>,
      %get3A_123 = arith.index_cast %scan3A_68 : i32 to index
      %get3A_124 = arith.constant 80 : index
      %get3A_125 = tpu.vector_load %arg7[%get3A_123, %get3A_124] {strides = array<i32>} : memref<79x128xi32, #tpu.memory_space<vmem>>, vector<1x16xi32>,
      %get3A_126 = vector.shape_cast %get3A_125 : vector<1x16xi32> to vector<16xi32>
      %add3A_127 = vector.broadcast %mul3A_0 : i32 to vector<16xi32>
      %add3A_128 = arith.addi %get3A_126, %add3A_127 : vector<16xi32>
      %swap3A_129 = arith.index_cast %scan3A_68 : i32 to index
      %swap3A_130 = arith.constant 80 : index
      %swap3A_131 = tpu.vector_load %arg7[%swap3A_129, %swap3A_130] {strides = array<i32>} : memref<79x128xi32, #tpu.memory_space<vmem>>, vector<1x16xi32>,
      %swap3A_132 = vector.shape_cast %swap3A_131 : vector<1x16xi32> to vector<16xi32>
      %swap3A_133 = vector.shape_cast %add3A_128 : vector<16xi32> to vector<1x16xi32>
      tpu.vector_store %arg7[%swap3A_129, %swap3A_130], %swap3A_133 {strides = array<i32>} : memref<79x128xi32, #tpu.memory_space<vmem>>, vector<1x16xi32>,
      %get3A_134 = arith.index_cast %scan3A_68 : i32 to index
      %get3A_135 = arith.constant 96 : index
      %get3A_136 = tpu.vector_load %arg7[%get3A_134, %get3A_135] {strides = array<i32>} : memref<79x128xi32, #tpu.memory_space<vmem>>, vector<1x16xi32>,
      %get3A_137 = vector.shape_cast %get3A_136 : vector<1x16xi32> to vector<16xi32>
      %add3A_138 = vector.broadcast %mul3A_0 : i32 to vector<16xi32>
      %add3A_139 = arith.addi %get3A_137, %add3A_138 : vector<16xi32>
      %swap3A_140 = arith.index_cast %scan3A_68 : i32 to index
      %swap3A_141 = arith.constant 96 : index
      %swap3A_142 = tpu.vector_load %arg7[%swap3A_140, %swap3A_141] {strides = array<i32>} : memref<79x128xi32, #tpu.memory_space<vmem>>, vector<1x16xi32>,
      %swap3A_143 = vector.shape_cast %swap3A_142 : vector<1x16xi32> to vector<16xi32>
      %swap3A_144 = vector.shape_cast %add3A_139 : vector<16xi32> to vector<1x16xi32>
      tpu.vector_store %arg7[%swap3A_140, %swap3A_141], %swap3A_144 {strides = array<i32>} : memref<79x128xi32, #tpu.memory_space<vmem>>, vector<1x16xi32>,
      %get3A_145 = arith.index_cast %scan3A_68 : i32 to index
      %get3A_146 = arith.constant 112 : index
      %get3A_147 = tpu.vector_load %arg7[%get3A_145, %get3A_146] {strides = array<i32>} : memref<79x128xi32, #tpu.memory_space<vmem>>, vector<1x16xi32>,
      %get3A_148 = vector.shape_cast %get3A_147 : vector<1x16xi32> to vector<16xi32>
      %add3A_149 = vector.broadcast %mul3A_0 : i32 to vector<16xi32>
      %add3A_150 = arith.addi %get3A_148, %add3A_149 : vector<16xi32>
      %swap3A_151 = arith.index_cast %scan3A_68 : i32 to index
      %swap3A_152 = arith.constant 112 : index
      %swap3A_153 = tpu.vector_load %arg7[%swap3A_151, %swap3A_152] {strides = array<i32>} : memref<79x128xi32, #tpu.memory_space<vmem>>, vector<1x16xi32>,
      %swap3A_154 = vector.shape_cast %swap3A_153 : vector<1x16xi32> to vector<16xi32>
      %swap3A_155 = vector.shape_cast %add3A_150 : vector<16xi32> to vector<1x16xi32>
      tpu.vector_store %arg7[%swap3A_151, %swap3A_152], %swap3A_155 {strides = array<i32>} : memref<79x128xi32, #tpu.memory_space<vmem>>, vector<1x16xi32>,
      %scan3A_156 = arith.constant 0 : i32
      scf.yield %scan3A_156 : i32
    }
    %scan3A_6 = arith.constant 79 : i32
    %scan3A_7 = arith.constant 0 : i32
    %scan3A_8 = arith.constant 0 : i32
    %scan3A_9 = arith.constant 128 : i32
    %scan3A_10 = arith.addi %scan3A_8, %scan3A_9 : i32
    %scan3A_11 = arith.constant 1 : i32
    %scan3A_12 = scf.for %scan3A_68 = %scan3A_8 to %scan3A_10 step %scan3A_11 iter_args(%scan3A_69 = %scan3A_7) -> (i32)  : i32 {
      %broadcast_in_dim3A = arith.constant 0.000000e+00 : f32
      %broadcast_in_dim3A_70 = vector.broadcast %broadcast_in_dim3A : f32 to vector<16xf32>
      %swap3A = arith.index_cast %scan3A_68 : i32 to index
      %swap3A_71 = arith.constant 0 : index
      %swap3A_72 = tpu.vector_load %arg10[%swap3A, %swap3A_71] {strides = array<i32>} : memref<128x128xf32, #tpu.memory_space<vmem>>, vector<1x16xf32>,
      %swap3A_73 = vector.shape_cast %swap3A_72 : vector<1x16xf32> to vector<16xf32>
      %swap3A_74 = vector.shape_cast %broadcast_in_dim3A_70 : vector<16xf32> to vector<1x16xf32>
      tpu.vector_store %arg10[%swap3A, %swap3A_71], %swap3A_74 {strides = array<i32>} : memref<128x128xf32, #tpu.memory_space<vmem>>, vector<1x16xf32>,
      %broadcast_in_dim3A_75 = arith.constant 0.000000e+00 : f32
      %broadcast_in_dim3A_76 = vector.broadcast %broadcast_in_dim3A_75 : f32 to vector<16xf32>
      %swap3A_77 = arith.index_cast %scan3A_68 : i32 to index
      %swap3A_78 = arith.constant 16 : index
      %swap3A_79 = tpu.vector_load %arg10[%swap3A_77, %swap3A_78] {strides = array<i32>} : memref<128x128xf32, #tpu.memory_space<vmem>>, vector<1x16xf32>,
      %swap3A_80 = vector.shape_cast %swap3A_79 : vector<1x16xf32> to vector<16xf32>
      %swap3A_81 = vector.shape_cast %broadcast_in_dim3A_76 : vector<16xf32> to vector<1x16xf32>
      tpu.vector_store %arg10[%swap3A_77, %swap3A_78], %swap3A_81 {strides = array<i32>} : memref<128x128xf32, #tpu.memory_space<vmem>>, vector<1x16xf32>,
      %broadcast_in_dim3A_82 = arith.constant 0.000000e+00 : f32
      %broadcast_in_dim3A_83 = vector.broadcast %broadcast_in_dim3A_82 : f32 to vector<16xf32>
      %swap3A_84 = arith.index_cast %scan3A_68 : i32 to index
      %swap3A_85 = arith.constant 32 : index
      %swap3A_86 = tpu.vector_load %arg10[%swap3A_84, %swap3A_85] {strides = array<i32>} : memref<128x128xf32, #tpu.memory_space<vmem>>, vector<1x16xf32>,
      %swap3A_87 = vector.shape_cast %swap3A_86 : vector<1x16xf32> to vector<16xf32>
      %swap3A_88 = vector.shape_cast %broadcast_in_dim3A_83 : vector<16xf32> to vector<1x16xf32>
      tpu.vector_store %arg10[%swap3A_84, %swap3A_85], %swap3A_88 {strides = array<i32>} : memref<128x128xf32, #tpu.memory_space<vmem>>, vector<1x16xf32>,
      %broadcast_in_dim3A_89 = arith.constant 0.000000e+00 : f32
      %broadcast_in_dim3A_90 = vector.broadcast %broadcast_in_dim3A_89 : f32 to vector<16xf32>
      %swap3A_91 = arith.index_cast %scan3A_68 : i32 to index
      %swap3A_92 = arith.constant 48 : index
      %swap3A_93 = tpu.vector_load %arg10[%swap3A_91, %swap3A_92] {strides = array<i32>} : memref<128x128xf32, #tpu.memory_space<vmem>>, vector<1x16xf32>,
      %swap3A_94 = vector.shape_cast %swap3A_93 : vector<1x16xf32> to vector<16xf32>
      %swap3A_95 = vector.shape_cast %broadcast_in_dim3A_90 : vector<16xf32> to vector<1x16xf32>
      tpu.vector_store %arg10[%swap3A_91, %swap3A_92], %swap3A_95 {strides = array<i32>} : memref<128x128xf32, #tpu.memory_space<vmem>>, vector<1x16xf32>,
      %broadcast_in_dim3A_96 = arith.constant 0.000000e+00 : f32
      %broadcast_in_dim3A_97 = vector.broadcast %broadcast_in_dim3A_96 : f32 to vector<16xf32>
      %swap3A_98 = arith.index_cast %scan3A_68 : i32 to index
      %swap3A_99 = arith.constant 64 : index
      %swap3A_100 = tpu.vector_load %arg10[%swap3A_98, %swap3A_99] {strides = array<i32>} : memref<128x128xf32, #tpu.memory_space<vmem>>, vector<1x16xf32>,
      %swap3A_101 = vector.shape_cast %swap3A_100 : vector<1x16xf32> to vector<16xf32>
      %swap3A_102 = vector.shape_cast %broadcast_in_dim3A_97 : vector<16xf32> to vector<1x16xf32>
      tpu.vector_store %arg10[%swap3A_98, %swap3A_99], %swap3A_102 {strides = array<i32>} : memref<128x128xf32, #tpu.memory_space<vmem>>, vector<1x16xf32>,
      %broadcast_in_dim3A_103 = arith.constant 0.000000e+00 : f32
      %broadcast_in_dim3A_104 = vector.broadcast %broadcast_in_dim3A_103 : f32 to vector<16xf32>
      %swap3A_105 = arith.index_cast %scan3A_68 : i32 to index
      %swap3A_106 = arith.constant 80 : index
      %swap3A_107 = tpu.vector_load %arg10[%swap3A_105, %swap3A_106] {strides = array<i32>} : memref<128x128xf32, #tpu.memory_space<vmem>>, vector<1x16xf32>,
      %swap3A_108 = vector.shape_cast %swap3A_107 : vector<1x16xf32> to vector<16xf32>
      %swap3A_109 = vector.shape_cast %broadcast_in_dim3A_104 : vector<16xf32> to vector<1x16xf32>
      tpu.vector_store %arg10[%swap3A_105, %swap3A_106], %swap3A_109 {strides = array<i32>} : memref<128x128xf32, #tpu.memory_space<vmem>>, vector<1x16xf32>,
      %broadcast_in_dim3A_110 = arith.constant 0.000000e+00 : f32
      %broadcast_in_dim3A_111 = vector.broadcast %broadcast_in_dim3A_110 : f32 to vector<16xf32>
      %swap3A_112 = arith.index_cast %scan3A_68 : i32 to index
      %swap3A_113 = arith.constant 96 : index
      %swap3A_114 = tpu.vector_load %arg10[%swap3A_112, %swap3A_113] {strides = array<i32>} : memref<128x128xf32, #tpu.memory_space<vmem>>, vector<1x16xf32>,
      %swap3A_115 = vector.shape_cast %swap3A_114 : vector<1x16xf32> to vector<16xf32>
      %swap3A_116 = vector.shape_cast %broadcast_in_dim3A_111 : vector<16xf32> to vector<1x16xf32>
      tpu.vector_store %arg10[%swap3A_112, %swap3A_113], %swap3A_116 {strides = array<i32>} : memref<128x128xf32, #tpu.memory_space<vmem>>, vector<1x16xf32>,
      %broadcast_in_dim3A_117 = arith.constant 0.000000e+00 : f32
      %broadcast_in_dim3A_118 = vector.broadcast %broadcast_in_dim3A_117 : f32 to vector<16xf32>
      %swap3A_119 = arith.index_cast %scan3A_68 : i32 to index
      %swap3A_120 = arith.constant 112 : index
      %swap3A_121 = tpu.vector_load %arg10[%swap3A_119, %swap3A_120] {strides = array<i32>} : memref<128x128xf32, #tpu.memory_space<vmem>>, vector<1x16xf32>,
      %swap3A_122 = vector.shape_cast %swap3A_121 : vector<1x16xf32> to vector<16xf32>
      %swap3A_123 = vector.shape_cast %broadcast_in_dim3A_118 : vector<16xf32> to vector<1x16xf32>
      tpu.vector_store %arg10[%swap3A_119, %swap3A_120], %swap3A_123 {strides = array<i32>} : memref<128x128xf32, #tpu.memory_space<vmem>>, vector<1x16xf32>,
      %scan3A_124 = arith.constant 0 : i32
      scf.yield %scan3A_124 : i32
    }
    %scan3A_13 = arith.constant 128 : i32
    %mul3A_14 = arith.constant 640 : i32
    %mul3A_15 = arith.muli %arg1, %mul3A_14 : i32
    %add3A = arith.constant 0 : i32
    %add3A_16 = arith.addi %mul3A_15, %add3A : i32
    "tpu.region"() ({
      %run_scoped3A = tpu.sem_alloc : memref<!tpu.dma_semaphore, #tpu.memory_space<semaphore_mem>>
      %dma_start3A = arith.constant 0 : i32
      %dma_start3A_68 = arith.constant 0 : i32
      %dma_start3A_69 = tpu.memref_slice %arg10[%dma_start3A, %dma_start3A_68] : memref<128x128xf32, #tpu.memory_space<vmem>> -> memref<128x128xf32, #tpu.memory_space<vmem>>
      %dma_start3A_70 = arith.constant 0 : i32
      %dma_start3A_71 = tpu.memref_slice %arg11[%add3A_16, %dma_start3A_70] : memref<10240x128xf32, #tpu.memory_space<vmem_shared>> -> memref<128x128xf32, #tpu.memory_space<vmem_shared>>
      %dma_start3A_72 = arith.constant 0 : i32
      %dma_start3A_73 = tpu.memref_slice %arg11[%add3A_16, %dma_start3A_72] : memref<10240x128xf32, #tpu.memory_space<vmem_shared>> -> memref<128x128xf32, #tpu.memory_space<vmem_shared>>
      %dma_start3A_74 = arith.constant 0 : i32
      %dma_start3A_75 = arith.constant 0 : i32
      %dma_start3A_76 = tpu.memref_slice %arg10[%dma_start3A_74, %dma_start3A_75] : memref<128x128xf32, #tpu.memory_space<vmem>> -> memref<128x128xf32, #tpu.memory_space<vmem>>
      tpu.enqueue_dma source(%dma_start3A_76 : memref<128x128xf32, #tpu.memory_space<vmem>>) target(%dma_start3A_73 : memref<128x128xf32, #tpu.memory_space<vmem_shared>>) target_semaphore(%run_scoped3A : memref<!tpu.dma_semaphore, #tpu.memory_space<semaphore_mem>>)
      %dma_wait3A = arith.constant 0 : i32
      %dma_wait3A_77 = arith.constant 0 : i32
      %dma_wait3A_78 = tpu.memref_slice %arg10[%dma_wait3A, %dma_wait3A_77] : memref<128x128xf32, #tpu.memory_space<vmem>> -> memref<128x128xf32, #tpu.memory_space<vmem>>
      %dma_wait3A_79 = arith.constant 0 : i32
      %dma_wait3A_80 = tpu.memref_slice %arg11[%add3A_16, %dma_wait3A_79] : memref<10240x128xf32, #tpu.memory_space<vmem_shared>> -> memref<128x128xf32, #tpu.memory_space<vmem_shared>>
      %dma_wait3A_81 = arith.constant 0 : i32
      %dma_wait3A_82 = tpu.memref_slice %arg11[%add3A_16, %dma_wait3A_81] : memref<10240x128xf32, #tpu.memory_space<vmem_shared>> -> memref<128x128xf32, #tpu.memory_space<vmem_shared>>
      %dma_wait3A_83 = arith.constant 0 : i32
      %dma_wait3A_84 = arith.constant 0 : i32
      %dma_wait3A_85 = tpu.memref_slice %arg10[%dma_wait3A_83, %dma_wait3A_84] : memref<128x128xf32, #tpu.memory_space<vmem>> -> memref<128x128xf32, #tpu.memory_space<vmem>>
      tpu.wait_dma2 semaphore(%run_scoped3A : memref<!tpu.dma_semaphore, #tpu.memory_space<semaphore_mem>>) src(%dma_wait3A_85 : memref<128x128xf32, #tpu.memory_space<vmem>>) dst(%dma_wait3A_82 : memref<128x128xf32, #tpu.memory_space<vmem_shared>>)
      tpu.yield
    }) : () -> ()
    %add3A_17 = arith.constant 128 : i32
    %add3A_18 = arith.addi %mul3A_15, %add3A_17 : i32
    "tpu.region"() ({
      %run_scoped3A = tpu.sem_alloc : memref<!tpu.dma_semaphore, #tpu.memory_space<semaphore_mem>>
      %dma_start3A = arith.constant 0 : i32
      %dma_start3A_68 = arith.constant 0 : i32
      %dma_start3A_69 = tpu.memref_slice %arg10[%dma_start3A, %dma_start3A_68] : memref<128x128xf32, #tpu.memory_space<vmem>> -> memref<128x128xf32, #tpu.memory_space<vmem>>
      %dma_start3A_70 = arith.constant 0 : i32
      %dma_start3A_71 = tpu.memref_slice %arg11[%add3A_18, %dma_start3A_70] : memref<10240x128xf32, #tpu.memory_space<vmem_shared>> -> memref<128x128xf32, #tpu.memory_space<vmem_shared>>
      %dma_start3A_72 = arith.constant 0 : i32
      %dma_start3A_73 = tpu.memref_slice %arg11[%add3A_18, %dma_start3A_72] : memref<10240x128xf32, #tpu.memory_space<vmem_shared>> -> memref<128x128xf32, #tpu.memory_space<vmem_shared>>
      %dma_start3A_74 = arith.constant 0 : i32
      %dma_start3A_75 = arith.constant 0 : i32
      %dma_start3A_76 = tpu.memref_slice %arg10[%dma_start3A_74, %dma_start3A_75] : memref<128x128xf32, #tpu.memory_space<vmem>> -> memref<128x128xf32, #tpu.memory_space<vmem>>
      tpu.enqueue_dma source(%dma_start3A_76 : memref<128x128xf32, #tpu.memory_space<vmem>>) target(%dma_start3A_73 : memref<128x128xf32, #tpu.memory_space<vmem_shared>>) target_semaphore(%run_scoped3A : memref<!tpu.dma_semaphore, #tpu.memory_space<semaphore_mem>>)
      %dma_wait3A = arith.constant 0 : i32
      %dma_wait3A_77 = arith.constant 0 : i32
      %dma_wait3A_78 = tpu.memref_slice %arg10[%dma_wait3A, %dma_wait3A_77] : memref<128x128xf32, #tpu.memory_space<vmem>> -> memref<128x128xf32, #tpu.memory_space<vmem>>
      %dma_wait3A_79 = arith.constant 0 : i32
      %dma_wait3A_80 = tpu.memref_slice %arg11[%add3A_18, %dma_wait3A_79] : memref<10240x128xf32, #tpu.memory_space<vmem_shared>> -> memref<128x128xf32, #tpu.memory_space<vmem_shared>>
      %dma_wait3A_81 = arith.constant 0 : i32
      %dma_wait3A_82 = tpu.memref_slice %arg11[%add3A_18, %dma_wait3A_81] : memref<10240x128xf32, #tpu.memory_space<vmem_shared>> -> memref<128x128xf32, #tpu.memory_space<vmem_shared>>
      %dma_wait3A_83 = arith.constant 0 : i32
      %dma_wait3A_84 = arith.constant 0 : i32
      %dma_wait3A_85 = tpu.memref_slice %arg10[%dma_wait3A_83, %dma_wait3A_84] : memref<128x128xf32, #tpu.memory_space<vmem>> -> memref<128x128xf32, #tpu.memory_space<vmem>>
      tpu.wait_dma2 semaphore(%run_scoped3A : memref<!tpu.dma_semaphore, #tpu.memory_space<semaphore_mem>>) src(%dma_wait3A_85 : memref<128x128xf32, #tpu.memory_space<vmem>>) dst(%dma_wait3A_82 : memref<128x128xf32, #tpu.memory_space<vmem_shared>>)
      tpu.yield
    }) : () -> ()
    %add3A_19 = arith.constant 256 : i32
    %add3A_20 = arith.addi %mul3A_15, %add3A_19 : i32
    "tpu.region"() ({
      %run_scoped3A = tpu.sem_alloc : memref<!tpu.dma_semaphore, #tpu.memory_space<semaphore_mem>>
      %dma_start3A = arith.constant 0 : i32
      %dma_start3A_68 = arith.constant 0 : i32
      %dma_start3A_69 = tpu.memref_slice %arg10[%dma_start3A, %dma_start3A_68] : memref<128x128xf32, #tpu.memory_space<vmem>> -> memref<128x128xf32, #tpu.memory_space<vmem>>
      %dma_start3A_70 = arith.constant 0 : i32
      %dma_start3A_71 = tpu.memref_slice %arg11[%add3A_20, %dma_start3A_70] : memref<10240x128xf32, #tpu.memory_space<vmem_shared>> -> memref<128x128xf32, #tpu.memory_space<vmem_shared>>
      %dma_start3A_72 = arith.constant 0 : i32
      %dma_start3A_73 = tpu.memref_slice %arg11[%add3A_20, %dma_start3A_72] : memref<10240x128xf32, #tpu.memory_space<vmem_shared>> -> memref<128x128xf32, #tpu.memory_space<vmem_shared>>
      %dma_start3A_74 = arith.constant 0 : i32
      %dma_start3A_75 = arith.constant 0 : i32
      %dma_start3A_76 = tpu.memref_slice %arg10[%dma_start3A_74, %dma_start3A_75] : memref<128x128xf32, #tpu.memory_space<vmem>> -> memref<128x128xf32, #tpu.memory_space<vmem>>
      tpu.enqueue_dma source(%dma_start3A_76 : memref<128x128xf32, #tpu.memory_space<vmem>>) target(%dma_start3A_73 : memref<128x128xf32, #tpu.memory_space<vmem_shared>>) target_semaphore(%run_scoped3A : memref<!tpu.dma_semaphore, #tpu.memory_space<semaphore_mem>>)
      %dma_wait3A = arith.constant 0 : i32
      %dma_wait3A_77 = arith.constant 0 : i32
      %dma_wait3A_78 = tpu.memref_slice %arg10[%dma_wait3A, %dma_wait3A_77] : memref<128x128xf32, #tpu.memory_space<vmem>> -> memref<128x128xf32, #tpu.memory_space<vmem>>
      %dma_wait3A_79 = arith.constant 0 : i32
      %dma_wait3A_80 = tpu.memref_slice %arg11[%add3A_20, %dma_wait3A_79] : memref<10240x128xf32, #tpu.memory_space<vmem_shared>> -> memref<128x128xf32, #tpu.memory_space<vmem_shared>>
      %dma_wait3A_81 = arith.constant 0 : i32
      %dma_wait3A_82 = tpu.memref_slice %arg11[%add3A_20, %dma_wait3A_81] : memref<10240x128xf32, #tpu.memory_space<vmem_shared>> -> memref<128x128xf32, #tpu.memory_space<vmem_shared>>
      %dma_wait3A_83 = arith.constant 0 : i32
      %dma_wait3A_84 = arith.constant 0 : i32
      %dma_wait3A_85 = tpu.memref_slice %arg10[%dma_wait3A_83, %dma_wait3A_84] : memref<128x128xf32, #tpu.memory_space<vmem>> -> memref<128x128xf32, #tpu.memory_space<vmem>>
      tpu.wait_dma2 semaphore(%run_scoped3A : memref<!tpu.dma_semaphore, #tpu.memory_space<semaphore_mem>>) src(%dma_wait3A_85 : memref<128x128xf32, #tpu.memory_space<vmem>>) dst(%dma_wait3A_82 : memref<128x128xf32, #tpu.memory_space<vmem_shared>>)
      tpu.yield
    }) : () -> ()
    %add3A_21 = arith.constant 384 : i32
    %add3A_22 = arith.addi %mul3A_15, %add3A_21 : i32
    "tpu.region"() ({
      %run_scoped3A = tpu.sem_alloc : memref<!tpu.dma_semaphore, #tpu.memory_space<semaphore_mem>>
      %dma_start3A = arith.constant 0 : i32
      %dma_start3A_68 = arith.constant 0 : i32
      %dma_start3A_69 = tpu.memref_slice %arg10[%dma_start3A, %dma_start3A_68] : memref<128x128xf32, #tpu.memory_space<vmem>> -> memref<128x128xf32, #tpu.memory_space<vmem>>
      %dma_start3A_70 = arith.constant 0 : i32
      %dma_start3A_71 = tpu.memref_slice %arg11[%add3A_22, %dma_start3A_70] : memref<10240x128xf32, #tpu.memory_space<vmem_shared>> -> memref<128x128xf32, #tpu.memory_space<vmem_shared>>
      %dma_start3A_72 = arith.constant 0 : i32
      %dma_start3A_73 = tpu.memref_slice %arg11[%add3A_22, %dma_start3A_72] : memref<10240x128xf32, #tpu.memory_space<vmem_shared>> -> memref<128x128xf32, #tpu.memory_space<vmem_shared>>
      %dma_start3A_74 = arith.constant 0 : i32
      %dma_start3A_75 = arith.constant 0 : i32
      %dma_start3A_76 = tpu.memref_slice %arg10[%dma_start3A_74, %dma_start3A_75] : memref<128x128xf32, #tpu.memory_space<vmem>> -> memref<128x128xf32, #tpu.memory_space<vmem>>
      tpu.enqueue_dma source(%dma_start3A_76 : memref<128x128xf32, #tpu.memory_space<vmem>>) target(%dma_start3A_73 : memref<128x128xf32, #tpu.memory_space<vmem_shared>>) target_semaphore(%run_scoped3A : memref<!tpu.dma_semaphore, #tpu.memory_space<semaphore_mem>>)
      %dma_wait3A = arith.constant 0 : i32
      %dma_wait3A_77 = arith.constant 0 : i32
      %dma_wait3A_78 = tpu.memref_slice %arg10[%dma_wait3A, %dma_wait3A_77] : memref<128x128xf32, #tpu.memory_space<vmem>> -> memref<128x128xf32, #tpu.memory_space<vmem>>
      %dma_wait3A_79 = arith.constant 0 : i32
      %dma_wait3A_80 = tpu.memref_slice %arg11[%add3A_22, %dma_wait3A_79] : memref<10240x128xf32, #tpu.memory_space<vmem_shared>> -> memref<128x128xf32, #tpu.memory_space<vmem_shared>>
      %dma_wait3A_81 = arith.constant 0 : i32
      %dma_wait3A_82 = tpu.memref_slice %arg11[%add3A_22, %dma_wait3A_81] : memref<10240x128xf32, #tpu.memory_space<vmem_shared>> -> memref<128x128xf32, #tpu.memory_space<vmem_shared>>
      %dma_wait3A_83 = arith.constant 0 : i32
      %dma_wait3A_84 = arith.constant 0 : i32
      %dma_wait3A_85 = tpu.memref_slice %arg10[%dma_wait3A_83, %dma_wait3A_84] : memref<128x128xf32, #tpu.memory_space<vmem>> -> memref<128x128xf32, #tpu.memory_space<vmem>>
      tpu.wait_dma2 semaphore(%run_scoped3A : memref<!tpu.dma_semaphore, #tpu.memory_space<semaphore_mem>>) src(%dma_wait3A_85 : memref<128x128xf32, #tpu.memory_space<vmem>>) dst(%dma_wait3A_82 : memref<128x128xf32, #tpu.memory_space<vmem_shared>>)
      tpu.yield
    }) : () -> ()
    %add3A_23 = arith.constant 512 : i32
    %add3A_24 = arith.addi %mul3A_15, %add3A_23 : i32
    "tpu.region"() ({
      %run_scoped3A = tpu.sem_alloc : memref<!tpu.dma_semaphore, #tpu.memory_space<semaphore_mem>>
      %dma_start3A = arith.constant 0 : i32
      %dma_start3A_68 = arith.constant 0 : i32
      %dma_start3A_69 = tpu.memref_slice %arg10[%dma_start3A, %dma_start3A_68] : memref<128x128xf32, #tpu.memory_space<vmem>> -> memref<128x128xf32, #tpu.memory_space<vmem>>
      %dma_start3A_70 = arith.constant 0 : i32
      %dma_start3A_71 = tpu.memref_slice %arg11[%add3A_24, %dma_start3A_70] : memref<10240x128xf32, #tpu.memory_space<vmem_shared>> -> memref<128x128xf32, #tpu.memory_space<vmem_shared>>
      %dma_start3A_72 = arith.constant 0 : i32
      %dma_start3A_73 = tpu.memref_slice %arg11[%add3A_24, %dma_start3A_72] : memref<10240x128xf32, #tpu.memory_space<vmem_shared>> -> memref<128x128xf32, #tpu.memory_space<vmem_shared>>
      %dma_start3A_74 = arith.constant 0 : i32
      %dma_start3A_75 = arith.constant 0 : i32
      %dma_start3A_76 = tpu.memref_slice %arg10[%dma_start3A_74, %dma_start3A_75] : memref<128x128xf32, #tpu.memory_space<vmem>> -> memref<128x128xf32, #tpu.memory_space<vmem>>
      tpu.enqueue_dma source(%dma_start3A_76 : memref<128x128xf32, #tpu.memory_space<vmem>>) target(%dma_start3A_73 : memref<128x128xf32, #tpu.memory_space<vmem_shared>>) target_semaphore(%run_scoped3A : memref<!tpu.dma_semaphore, #tpu.memory_space<semaphore_mem>>)
      %dma_wait3A = arith.constant 0 : i32
      %dma_wait3A_77 = arith.constant 0 : i32
      %dma_wait3A_78 = tpu.memref_slice %arg10[%dma_wait3A, %dma_wait3A_77] : memref<128x128xf32, #tpu.memory_space<vmem>> -> memref<128x128xf32, #tpu.memory_space<vmem>>
      %dma_wait3A_79 = arith.constant 0 : i32
      %dma_wait3A_80 = tpu.memref_slice %arg11[%add3A_24, %dma_wait3A_79] : memref<10240x128xf32, #tpu.memory_space<vmem_shared>> -> memref<128x128xf32, #tpu.memory_space<vmem_shared>>
      %dma_wait3A_81 = arith.constant 0 : i32
      %dma_wait3A_82 = tpu.memref_slice %arg11[%add3A_24, %dma_wait3A_81] : memref<10240x128xf32, #tpu.memory_space<vmem_shared>> -> memref<128x128xf32, #tpu.memory_space<vmem_shared>>
      %dma_wait3A_83 = arith.constant 0 : i32
      %dma_wait3A_84 = arith.constant 0 : i32
      %dma_wait3A_85 = tpu.memref_slice %arg10[%dma_wait3A_83, %dma_wait3A_84] : memref<128x128xf32, #tpu.memory_space<vmem>> -> memref<128x128xf32, #tpu.memory_space<vmem>>
      tpu.wait_dma2 semaphore(%run_scoped3A : memref<!tpu.dma_semaphore, #tpu.memory_space<semaphore_mem>>) src(%dma_wait3A_85 : memref<128x128xf32, #tpu.memory_space<vmem>>) dst(%dma_wait3A_82 : memref<128x128xf32, #tpu.memory_space<vmem_shared>>)
      tpu.yield
    }) : () -> ()
    %barrier3A = arith.constant 0 : index
    tpu.barrier barrier_id(%barrier3A)
    %scan3A_25 = arith.constant 0 : i32
    %scan3A_26 = arith.constant 0 : i32
    %scan3A_27 = arith.constant 79 : i32
    %scan3A_28 = arith.addi %scan3A_26, %scan3A_27 : i32
    %scan3A_29 = arith.constant 1 : i32
    %scan3A_30 = scf.for %scan3A_68 = %scan3A_26 to %scan3A_28 step %scan3A_29 iter_args(%scan3A_69 = %scan3A_25) -> (i32)  : i32 {
      %dma_start3A = arith.constant 0 : i32
      %dma_start3A_70 = tpu.memref_slice %arg7[%scan3A_68, %dma_start3A] : memref<79x128xi32, #tpu.memory_space<vmem>> -> memref<1x128xi32, #tpu.memory_space<vmem>>
      %dma_start3A_71 = tpu.memref_squeeze %dma_start3A_70 : memref<1x128xi32, #tpu.memory_space<vmem>> -> memref<128xi32, #tpu.memory_space<vmem>>
      %dma_start3A_72 = arith.constant 0 : i32
      %dma_start3A_73 = arith.constant 0 : i32
      %dma_start3A_74 = tpu.memref_slice %arg5[%dma_start3A_72, %dma_start3A_73] : memref<20000x128xf32, #tpu.memory_space<hbm>> -> memref<20000x128xf32, #tpu.memory_space<hbm>>
      tpu.enqueue_indirect_dma source(%dma_start3A_74 : memref<20000x128xf32, #tpu.memory_space<hbm>>) target(%arg10 : memref<128x128xf32, #tpu.memory_space<vmem>>) offsets(%dma_start3A_71 : memref<128xi32, #tpu.memory_space<vmem>>) semaphore(%arg12 : memref<!tpu.dma_semaphore, #tpu.memory_space<semaphore_mem>>)
      %dma_wait3A = arith.constant 0 : i32
      %dma_wait3A_75 = tpu.memref_slice %arg7[%scan3A_68, %dma_wait3A] : memref<79x128xi32, #tpu.memory_space<vmem>> -> memref<1x128xi32, #tpu.memory_space<vmem>>
      %dma_wait3A_76 = tpu.memref_squeeze %dma_wait3A_75 : memref<1x128xi32, #tpu.memory_space<vmem>> -> memref<128xi32, #tpu.memory_space<vmem>>
      %dma_wait3A_77 = arith.constant 0 : i32
      %dma_wait3A_78 = arith.constant 0 : i32
      %dma_wait3A_79 = tpu.memref_slice %arg5[%dma_wait3A_77, %dma_wait3A_78] : memref<20000x128xf32, #tpu.memory_space<hbm>> -> memref<20000x128xf32, #tpu.memory_space<hbm>>
      tpu.wait_indirect_dma semaphore(%arg12 : memref<!tpu.dma_semaphore, #tpu.memory_space<semaphore_mem>>) src(%dma_wait3A_79 : memref<20000x128xf32, #tpu.memory_space<hbm>>) dst(%arg10 : memref<128x128xf32, #tpu.memory_space<vmem>>)
      %scan3A_80 = arith.constant 0 : i32
      %scan3A_81 = arith.constant 0 : i32
      %scan3A_82 = arith.constant 8 : i32
      %scan3A_83 = arith.addi %scan3A_81, %scan3A_82 : i32
      %scan3A_84 = arith.constant 1 : i32
      %scan3A_85 = scf.for %scan3A_88 = %scan3A_81 to %scan3A_83 step %scan3A_84 iter_args(%scan3A_89 = %scan3A_80) -> (i32)  : i32 {
        %mul3A_90 = arith.constant 16 : i32
        %mul3A_91 = arith.muli %scan3A_88, %mul3A_90 : i32
        %get3A = arith.index_cast %scan3A_68 : i32 to index
        %get3A_92 = arith.index_cast %mul3A_91 : i32 to index
        %get3A_93 = tpu.vector_load %arg9[%get3A, %get3A_92] {strides = array<i32>} : memref<79x128xf32, #tpu.memory_space<vmem>>, vector<1x16xf32>,
        %get3A_94 = vector.shape_cast %get3A_93 : vector<1x16xf32> to vector<16xf32>
        %slice3A = vector.extract_strided_slice %get3A_94 {offsets = [0], sizes = [1], strides = [1]} : vector<16xf32> to vector<1xf32>
        %squeeze3A = vector.extract %slice3A[0] : f32 from vector<1xf32>
        %mul3A_95 = arith.constant 16 : i32
        %mul3A_96 = arith.muli %scan3A_88, %mul3A_95 : i32
        %add3A_97 = arith.constant 0 : i32
        %add3A_98 = arith.addi %mul3A_96, %add3A_97 : i32
        %get3A_99 = arith.index_cast %add3A_98 : i32 to index
        %get3A_100 = arith.constant 0 : index
        %get3A_101 = tpu.vector_load %arg10[%get3A_99, %get3A_100] {strides = array<i32>} : memref<128x128xf32, #tpu.memory_space<vmem>>, vector<1x16xf32>,
        %get3A_102 = vector.shape_cast %get3A_101 : vector<1x16xf32> to vector<16xf32>
        %mul3A_103 = vector.broadcast %squeeze3A : f32 to vector<16xf32>
        %mul3A_104 = arith.mulf %get3A_102, %mul3A_103 : vector<16xf32>
        %swap3A = arith.index_cast %add3A_98 : i32 to index
        %swap3A_105 = arith.constant 0 : index
        %swap3A_106 = tpu.vector_load %arg10[%swap3A, %swap3A_105] {strides = array<i32>} : memref<128x128xf32, #tpu.memory_space<vmem>>, vector<1x16xf32>,
        %swap3A_107 = vector.shape_cast %swap3A_106 : vector<1x16xf32> to vector<16xf32>
        %swap3A_108 = vector.shape_cast %mul3A_104 : vector<16xf32> to vector<1x16xf32>
        tpu.vector_store %arg10[%swap3A, %swap3A_105], %swap3A_108 {strides = array<i32>} : memref<128x128xf32, #tpu.memory_space<vmem>>, vector<1x16xf32>,
        %get3A_109 = arith.index_cast %add3A_98 : i32 to index
        %get3A_110 = arith.constant 16 : index
        %get3A_111 = tpu.vector_load %arg10[%get3A_109, %get3A_110] {strides = array<i32>} : memref<128x128xf32, #tpu.memory_space<vmem>>, vector<1x16xf32>,
        %get3A_112 = vector.shape_cast %get3A_111 : vector<1x16xf32> to vector<16xf32>
        %mul3A_113 = vector.broadcast %squeeze3A : f32 to vector<16xf32>
        %mul3A_114 = arith.mulf %get3A_112, %mul3A_113 : vector<16xf32>
        %swap3A_115 = arith.index_cast %add3A_98 : i32 to index
        %swap3A_116 = arith.constant 16 : index
        %swap3A_117 = tpu.vector_load %arg10[%swap3A_115, %swap3A_116] {strides = array<i32>} : memref<128x128xf32, #tpu.memory_space<vmem>>, vector<1x16xf32>,
        %swap3A_118 = vector.shape_cast %swap3A_117 : vector<1x16xf32> to vector<16xf32>
        %swap3A_119 = vector.shape_cast %mul3A_114 : vector<16xf32> to vector<1x16xf32>
        tpu.vector_store %arg10[%swap3A_115, %swap3A_116], %swap3A_119 {strides = array<i32>} : memref<128x128xf32, #tpu.memory_space<vmem>>, vector<1x16xf32>,
        %get3A_120 = arith.index_cast %add3A_98 : i32 to index
        %get3A_121 = arith.constant 32 : index
        %get3A_122 = tpu.vector_load %arg10[%get3A_120, %get3A_121] {strides = array<i32>} : memref<128x128xf32, #tpu.memory_space<vmem>>, vector<1x16xf32>,
        %get3A_123 = vector.shape_cast %get3A_122 : vector<1x16xf32> to vector<16xf32>
        %mul3A_124 = vector.broadcast %squeeze3A : f32 to vector<16xf32>
        %mul3A_125 = arith.mulf %get3A_123, %mul3A_124 : vector<16xf32>
        %swap3A_126 = arith.index_cast %add3A_98 : i32 to index
        %swap3A_127 = arith.constant 32 : index
        %swap3A_128 = tpu.vector_load %arg10[%swap3A_126, %swap3A_127] {strides = array<i32>} : memref<128x128xf32, #tpu.memory_space<vmem>>, vector<1x16xf32>,
        %swap3A_129 = vector.shape_cast %swap3A_128 : vector<1x16xf32> to vector<16xf32>
        %swap3A_130 = vector.shape_cast %mul3A_125 : vector<16xf32> to vector<1x16xf32>
        tpu.vector_store %arg10[%swap3A_126, %swap3A_127], %swap3A_130 {strides = array<i32>} : memref<128x128xf32, #tpu.memory_space<vmem>>, vector<1x16xf32>,
        %get3A_131 = arith.index_cast %add3A_98 : i32 to index
        %get3A_132 = arith.constant 48 : index
        %get3A_133 = tpu.vector_load %arg10[%get3A_131, %get3A_132] {strides = array<i32>} : memref<128x128xf32, #tpu.memory_space<vmem>>, vector<1x16xf32>,
        %get3A_134 = vector.shape_cast %get3A_133 : vector<1x16xf32> to vector<16xf32>
        %mul3A_135 = vector.broadcast %squeeze3A : f32 to vector<16xf32>
        %mul3A_136 = arith.mulf %get3A_134, %mul3A_135 : vector<16xf32>
        %swap3A_137 = arith.index_cast %add3A_98 : i32 to index
        %swap3A_138 = arith.constant 48 : index
        %swap3A_139 = tpu.vector_load %arg10[%swap3A_137, %swap3A_138] {strides = array<i32>} : memref<128x128xf32, #tpu.memory_space<vmem>>, vector<1x16xf32>,
        %swap3A_140 = vector.shape_cast %swap3A_139 : vector<1x16xf32> to vector<16xf32>
        %swap3A_141 = vector.shape_cast %mul3A_136 : vector<16xf32> to vector<1x16xf32>
        tpu.vector_store %arg10[%swap3A_137, %swap3A_138], %swap3A_141 {strides = array<i32>} : memref<128x128xf32, #tpu.memory_space<vmem>>, vector<1x16xf32>,
        %get3A_142 = arith.index_cast %add3A_98 : i32 to index
        %get3A_143 = arith.constant 64 : index
        %get3A_144 = tpu.vector_load %arg10[%get3A_142, %get3A_143] {strides = array<i32>} : memref<128x128xf32, #tpu.memory_space<vmem>>, vector<1x16xf32>,
        %get3A_145 = vector.shape_cast %get3A_144 : vector<1x16xf32> to vector<16xf32>
        %mul3A_146 = vector.broadcast %squeeze3A : f32 to vector<16xf32>
        %mul3A_147 = arith.mulf %get3A_145, %mul3A_146 : vector<16xf32>
        %swap3A_148 = arith.index_cast %add3A_98 : i32 to index
        %swap3A_149 = arith.constant 64 : index
        %swap3A_150 = tpu.vector_load %arg10[%swap3A_148, %swap3A_149] {strides = array<i32>} : memref<128x128xf32, #tpu.memory_space<vmem>>, vector<1x16xf32>,
        %swap3A_151 = vector.shape_cast %swap3A_150 : vector<1x16xf32> to vector<16xf32>
        %swap3A_152 = vector.shape_cast %mul3A_147 : vector<16xf32> to vector<1x16xf32>
        tpu.vector_store %arg10[%swap3A_148, %swap3A_149], %swap3A_152 {strides = array<i32>} : memref<128x128xf32, #tpu.memory_space<vmem>>, vector<1x16xf32>,
        %get3A_153 = arith.index_cast %add3A_98 : i32 to index
        %get3A_154 = arith.constant 80 : index
        %get3A_155 = tpu.vector_load %arg10[%get3A_153, %get3A_154] {strides = array<i32>} : memref<128x128xf32, #tpu.memory_space<vmem>>, vector<1x16xf32>,
        %get3A_156 = vector.shape_cast %get3A_155 : vector<1x16xf32> to vector<16xf32>
        %mul3A_157 = vector.broadcast %squeeze3A : f32 to vector<16xf32>
        %mul3A_158 = arith.mulf %get3A_156, %mul3A_157 : vector<16xf32>
        %swap3A_159 = arith.index_cast %add3A_98 : i32 to index
        %swap3A_160 = arith.constant 80 : index
        %swap3A_161 = tpu.vector_load %arg10[%swap3A_159, %swap3A_160] {strides = array<i32>} : memref<128x128xf32, #tpu.memory_space<vmem>>, vector<1x16xf32>,
        %swap3A_162 = vector.shape_cast %swap3A_161 : vector<1x16xf32> to vector<16xf32>
        %swap3A_163 = vector.shape_cast %mul3A_158 : vector<16xf32> to vector<1x16xf32>
        tpu.vector_store %arg10[%swap3A_159, %swap3A_160], %swap3A_163 {strides = array<i32>} : memref<128x128xf32, #tpu.memory_space<vmem>>, vector<1x16xf32>,
        %get3A_164 = arith.index_cast %add3A_98 : i32 to index
        %get3A_165 = arith.constant 96 : index
        %get3A_166 = tpu.vector_load %arg10[%get3A_164, %get3A_165] {strides = array<i32>} : memref<128x128xf32, #tpu.memory_space<vmem>>, vector<1x16xf32>,
        %get3A_167 = vector.shape_cast %get3A_166 : vector<1x16xf32> to vector<16xf32>
        %mul3A_168 = vector.broadcast %squeeze3A : f32 to vector<16xf32>
        %mul3A_169 = arith.mulf %get3A_167, %mul3A_168 : vector<16xf32>
        %swap3A_170 = arith.index_cast %add3A_98 : i32 to index
        %swap3A_171 = arith.constant 96 : index
        %swap3A_172 = tpu.vector_load %arg10[%swap3A_170, %swap3A_171] {strides = array<i32>} : memref<128x128xf32, #tpu.memory_space<vmem>>, vector<1x16xf32>,
        %swap3A_173 = vector.shape_cast %swap3A_172 : vector<1x16xf32> to vector<16xf32>
        %swap3A_174 = vector.shape_cast %mul3A_169 : vector<16xf32> to vector<1x16xf32>
        tpu.vector_store %arg10[%swap3A_170, %swap3A_171], %swap3A_174 {strides = array<i32>} : memref<128x128xf32, #tpu.memory_space<vmem>>, vector<1x16xf32>,
        %get3A_175 = arith.index_cast %add3A_98 : i32 to index
        %get3A_176 = arith.constant 112 : index
        %get3A_177 = tpu.vector_load %arg10[%get3A_175, %get3A_176] {strides = array<i32>} : memref<128x128xf32, #tpu.memory_space<vmem>>, vector<1x16xf32>,
        %get3A_178 = vector.shape_cast %get3A_177 : vector<1x16xf32> to vector<16xf32>
        %mul3A_179 = vector.broadcast %squeeze3A : f32 to vector<16xf32>
        %mul3A_180 = arith.mulf %get3A_178, %mul3A_179 : vector<16xf32>
        %swap3A_181 = arith.index_cast %add3A_98 : i32 to index
        %swap3A_182 = arith.constant 112 : index
        %swap3A_183 = tpu.vector_load %arg10[%swap3A_181, %swap3A_182] {strides = array<i32>} : memref<128x128xf32, #tpu.memory_space<vmem>>, vector<1x16xf32>,
        %swap3A_184 = vector.shape_cast %swap3A_183 : vector<1x16xf32> to vector<16xf32>
        %swap3A_185 = vector.shape_cast %mul3A_180 : vector<16xf32> to vector<1x16xf32>
        tpu.vector_store %arg10[%swap3A_181, %swap3A_182], %swap3A_185 {strides = array<i32>} : memref<128x128xf32, #tpu.memory_space<vmem>>, vector<1x16xf32>,
        %slice3A_186 = vector.extract_strided_slice %get3A_94 {offsets = [1], sizes = [1], strides = [1]} : vector<16xf32> to vector<1xf32>
        %squeeze3A_187 = vector.extract %slice3A_186[0] : f32 from vector<1xf32>
        %mul3A_188 = arith.constant 16 : i32
        %mul3A_189 = arith.muli %scan3A_88, %mul3A_188 : i32
        %add3A_190 = arith.constant 1 : i32
        %add3A_191 = arith.addi %mul3A_189, %add3A_190 : i32
        %get3A_192 = arith.index_cast %add3A_191 : i32 to index
        %get3A_193 = arith.constant 0 : index
        %get3A_194 = tpu.vector_load %arg10[%get3A_192, %get3A_193] {strides = array<i32>} : memref<128x128xf32, #tpu.memory_space<vmem>>, vector<1x16xf32>,
        %get3A_195 = vector.shape_cast %get3A_194 : vector<1x16xf32> to vector<16xf32>
        %mul3A_196 = vector.broadcast %squeeze3A_187 : f32 to vector<16xf32>
        %mul3A_197 = arith.mulf %get3A_195, %mul3A_196 : vector<16xf32>
        %swap3A_198 = arith.index_cast %add3A_191 : i32 to index
        %swap3A_199 = arith.constant 0 : index
        %swap3A_200 = tpu.vector_load %arg10[%swap3A_198, %swap3A_199] {strides = array<i32>} : memref<128x128xf32, #tpu.memory_space<vmem>>, vector<1x16xf32>,
        %swap3A_201 = vector.shape_cast %swap3A_200 : vector<1x16xf32> to vector<16xf32>
        %swap3A_202 = vector.shape_cast %mul3A_197 : vector<16xf32> to vector<1x16xf32>
        tpu.vector_store %arg10[%swap3A_198, %swap3A_199], %swap3A_202 {strides = array<i32>} : memref<128x128xf32, #tpu.memory_space<vmem>>, vector<1x16xf32>,
        %get3A_203 = arith.index_cast %add3A_191 : i32 to index
        %get3A_204 = arith.constant 16 : index
        %get3A_205 = tpu.vector_load %arg10[%get3A_203, %get3A_204] {strides = array<i32>} : memref<128x128xf32, #tpu.memory_space<vmem>>, vector<1x16xf32>,
        %get3A_206 = vector.shape_cast %get3A_205 : vector<1x16xf32> to vector<16xf32>
        %mul3A_207 = vector.broadcast %squeeze3A_187 : f32 to vector<16xf32>
        %mul3A_208 = arith.mulf %get3A_206, %mul3A_207 : vector<16xf32>
        %swap3A_209 = arith.index_cast %add3A_191 : i32 to index
        %swap3A_210 = arith.constant 16 : index
        %swap3A_211 = tpu.vector_load %arg10[%swap3A_209, %swap3A_210] {strides = array<i32>} : memref<128x128xf32, #tpu.memory_space<vmem>>, vector<1x16xf32>,
        %swap3A_212 = vector.shape_cast %swap3A_211 : vector<1x16xf32> to vector<16xf32>
        %swap3A_213 = vector.shape_cast %mul3A_208 : vector<16xf32> to vector<1x16xf32>
        tpu.vector_store %arg10[%swap3A_209, %swap3A_210], %swap3A_213 {strides = array<i32>} : memref<128x128xf32, #tpu.memory_space<vmem>>, vector<1x16xf32>,
        %get3A_214 = arith.index_cast %add3A_191 : i32 to index
        %get3A_215 = arith.constant 32 : index
        %get3A_216 = tpu.vector_load %arg10[%get3A_214, %get3A_215] {strides = array<i32>} : memref<128x128xf32, #tpu.memory_space<vmem>>, vector<1x16xf32>,
        %get3A_217 = vector.shape_cast %get3A_216 : vector<1x16xf32> to vector<16xf32>
        %mul3A_218 = vector.broadcast %squeeze3A_187 : f32 to vector<16xf32>
        %mul3A_219 = arith.mulf %get3A_217, %mul3A_218 : vector<16xf32>
        %swap3A_220 = arith.index_cast %add3A_191 : i32 to index
        %swap3A_221 = arith.constant 32 : index
        %swap3A_222 = tpu.vector_load %arg10[%swap3A_220, %swap3A_221] {strides = array<i32>} : memref<128x128xf32, #tpu.memory_space<vmem>>, vector<1x16xf32>,
        %swap3A_223 = vector.shape_cast %swap3A_222 : vector<1x16xf32> to vector<16xf32>
        %swap3A_224 = vector.shape_cast %mul3A_219 : vector<16xf32> to vector<1x16xf32>
        tpu.vector_store %arg10[%swap3A_220, %swap3A_221], %swap3A_224 {strides = array<i32>} : memref<128x128xf32, #tpu.memory_space<vmem>>, vector<1x16xf32>,
        %get3A_225 = arith.index_cast %add3A_191 : i32 to index
        %get3A_226 = arith.constant 48 : index
        %get3A_227 = tpu.vector_load %arg10[%get3A_225, %get3A_226] {strides = array<i32>} : memref<128x128xf32, #tpu.memory_space<vmem>>, vector<1x16xf32>,
        %get3A_228 = vector.shape_cast %get3A_227 : vector<1x16xf32> to vector<16xf32>
        %mul3A_229 = vector.broadcast %squeeze3A_187 : f32 to vector<16xf32>
        %mul3A_230 = arith.mulf %get3A_228, %mul3A_229 : vector<16xf32>
        %swap3A_231 = arith.index_cast %add3A_191 : i32 to index
        %swap3A_232 = arith.constant 48 : index
        %swap3A_233 = tpu.vector_load %arg10[%swap3A_231, %swap3A_232] {strides = array<i32>} : memref<128x128xf32, #tpu.memory_space<vmem>>, vector<1x16xf32>,
        %swap3A_234 = vector.shape_cast %swap3A_233 : vector<1x16xf32> to vector<16xf32>
        %swap3A_235 = vector.shape_cast %mul3A_230 : vector<16xf32> to vector<1x16xf32>
        tpu.vector_store %arg10[%swap3A_231, %swap3A_232], %swap3A_235 {strides = array<i32>} : memref<128x128xf32, #tpu.memory_space<vmem>>, vector<1x16xf32>,
        %get3A_236 = arith.index_cast %add3A_191 : i32 to index
        %get3A_237 = arith.constant 64 : index
        %get3A_238 = tpu.vector_load %arg10[%get3A_236, %get3A_237] {strides = array<i32>} : memref<128x128xf32, #tpu.memory_space<vmem>>, vector<1x16xf32>,
        %get3A_239 = vector.shape_cast %get3A_238 : vector<1x16xf32> to vector<16xf32>
        %mul3A_240 = vector.broadcast %squeeze3A_187 : f32 to vector<16xf32>
        %mul3A_241 = arith.mulf %get3A_239, %mul3A_240 : vector<16xf32>
        %swap3A_242 = arith.index_cast %add3A_191 : i32 to index
        %swap3A_243 = arith.constant 64 : index
        %swap3A_244 = tpu.vector_load %arg10[%swap3A_242, %swap3A_243] {strides = array<i32>} : memref<128x128xf32, #tpu.memory_space<vmem>>, vector<1x16xf32>,
        %swap3A_245 = vector.shape_cast %swap3A_244 : vector<1x16xf32> to vector<16xf32>
        %swap3A_246 = vector.shape_cast %mul3A_241 : vector<16xf32> to vector<1x16xf32>
        tpu.vector_store %arg10[%swap3A_242, %swap3A_243], %swap3A_246 {strides = array<i32>} : memref<128x128xf32, #tpu.memory_space<vmem>>, vector<1x16xf32>,
        %get3A_247 = arith.index_cast %add3A_191 : i32 to index
        %get3A_248 = arith.constant 80 : index
        %get3A_249 = tpu.vector_load %arg10[%get3A_247, %get3A_248] {strides = array<i32>} : memref<128x128xf32, #tpu.memory_space<vmem>>, vector<1x16xf32>,
        %get3A_250 = vector.shape_cast %get3A_249 : vector<1x16xf32> to vector<16xf32>
        %mul3A_251 = vector.broadcast %squeeze3A_187 : f32 to vector<16xf32>
        %mul3A_252 = arith.mulf %get3A_250, %mul3A_251 : vector<16xf32>
        %swap3A_253 = arith.index_cast %add3A_191 : i32 to index
        %swap3A_254 = arith.constant 80 : index
        %swap3A_255 = tpu.vector_load %arg10[%swap3A_253, %swap3A_254] {strides = array<i32>} : memref<128x128xf32, #tpu.memory_space<vmem>>, vector<1x16xf32>,
        %swap3A_256 = vector.shape_cast %swap3A_255 : vector<1x16xf32> to vector<16xf32>
        %swap3A_257 = vector.shape_cast %mul3A_252 : vector<16xf32> to vector<1x16xf32>
        tpu.vector_store %arg10[%swap3A_253, %swap3A_254], %swap3A_257 {strides = array<i32>} : memref<128x128xf32, #tpu.memory_space<vmem>>, vector<1x16xf32>,
        %get3A_258 = arith.index_cast %add3A_191 : i32 to index
        %get3A_259 = arith.constant 96 : index
        %get3A_260 = tpu.vector_load %arg10[%get3A_258, %get3A_259] {strides = array<i32>} : memref<128x128xf32, #tpu.memory_space<vmem>>, vector<1x16xf32>,
        %get3A_261 = vector.shape_cast %get3A_260 : vector<1x16xf32> to vector<16xf32>
        %mul3A_262 = vector.broadcast %squeeze3A_187 : f32 to vector<16xf32>
        %mul3A_263 = arith.mulf %get3A_261, %mul3A_262 : vector<16xf32>
        %swap3A_264 = arith.index_cast %add3A_191 : i32 to index
        %swap3A_265 = arith.constant 96 : index
        %swap3A_266 = tpu.vector_load %arg10[%swap3A_264, %swap3A_265] {strides = array<i32>} : memref<128x128xf32, #tpu.memory_space<vmem>>, vector<1x16xf32>,
        %swap3A_267 = vector.shape_cast %swap3A_266 : vector<1x16xf32> to vector<16xf32>
        %swap3A_268 = vector.shape_cast %mul3A_263 : vector<16xf32> to vector<1x16xf32>
        tpu.vector_store %arg10[%swap3A_264, %swap3A_265], %swap3A_268 {strides = array<i32>} : memref<128x128xf32, #tpu.memory_space<vmem>>, vector<1x16xf32>,
        %get3A_269 = arith.index_cast %add3A_191 : i32 to index
        %get3A_270 = arith.constant 112 : index
        %get3A_271 = tpu.vector_load %arg10[%get3A_269, %get3A_270] {strides = array<i32>} : memref<128x128xf32, #tpu.memory_space<vmem>>, vector<1x16xf32>,
        %get3A_272 = vector.shape_cast %get3A_271 : vector<1x16xf32> to vector<16xf32>
        %mul3A_273 = vector.broadcast %squeeze3A_187 : f32 to vector<16xf32>
        %mul3A_274 = arith.mulf %get3A_272, %mul3A_273 : vector<16xf32>
        %swap3A_275 = arith.index_cast %add3A_191 : i32 to index
        %swap3A_276 = arith.constant 112 : index
        %swap3A_277 = tpu.vector_load %arg10[%swap3A_275, %swap3A_276] {strides = array<i32>} : memref<128x128xf32, #tpu.memory_space<vmem>>, vector<1x16xf32>,
        %swap3A_278 = vector.shape_cast %swap3A_277 : vector<1x16xf32> to vector<16xf32>
        %swap3A_279 = vector.shape_cast %mul3A_274 : vector<16xf32> to vector<1x16xf32>
        tpu.vector_store %arg10[%swap3A_275, %swap3A_276], %swap3A_279 {strides = array<i32>} : memref<128x128xf32, #tpu.memory_space<vmem>>, vector<1x16xf32>,
        %slice3A_280 = vector.extract_strided_slice %get3A_94 {offsets = [2], sizes = [1], strides = [1]} : vector<16xf32> to vector<1xf32>
        %squeeze3A_281 = vector.extract %slice3A_280[0] : f32 from vector<1xf32>
        %mul3A_282 = arith.constant 16 : i32
        %mul3A_283 = arith.muli %scan3A_88, %mul3A_282 : i32
        %add3A_284 = arith.constant 2 : i32
        %add3A_285 = arith.addi %mul3A_283, %add3A_284 : i32
        %get3A_286 = arith.index_cast %add3A_285 : i32 to index
        %get3A_287 = arith.constant 0 : index
        %get3A_288 = tpu.vector_load %arg10[%get3A_286, %get3A_287] {strides = array<i32>} : memref<128x128xf32, #tpu.memory_space<vmem>>, vector<1x16xf32>,
        %get3A_289 = vector.shape_cast %get3A_288 : vector<1x16xf32> to vector<16xf32>
        %mul3A_290 = vector.broadcast %squeeze3A_281 : f32 to vector<16xf32>
        %mul3A_291 = arith.mulf %get3A_289, %mul3A_290 : vector<16xf32>
        %swap3A_292 = arith.index_cast %add3A_285 : i32 to index
        %swap3A_293 = arith.constant 0 : index
        %swap3A_294 = tpu.vector_load %arg10[%swap3A_292, %swap3A_293] {strides = array<i32>} : memref<128x128xf32, #tpu.memory_space<vmem>>, vector<1x16xf32>,
        %swap3A_295 = vector.shape_cast %swap3A_294 : vector<1x16xf32> to vector<16xf32>
        %swap3A_296 = vector.shape_cast %mul3A_291 : vector<16xf32> to vector<1x16xf32>
        tpu.vector_store %arg10[%swap3A_292, %swap3A_293], %swap3A_296 {strides = array<i32>} : memref<128x128xf32, #tpu.memory_space<vmem>>, vector<1x16xf32>,
        %get3A_297 = arith.index_cast %add3A_285 : i32 to index
        %get3A_298 = arith.constant 16 : index
        %get3A_299 = tpu.vector_load %arg10[%get3A_297, %get3A_298] {strides = array<i32>} : memref<128x128xf32, #tpu.memory_space<vmem>>, vector<1x16xf32>,
        %get3A_300 = vector.shape_cast %get3A_299 : vector<1x16xf32> to vector<16xf32>
        %mul3A_301 = vector.broadcast %squeeze3A_281 : f32 to vector<16xf32>
        %mul3A_302 = arith.mulf %get3A_300, %mul3A_301 : vector<16xf32>
        %swap3A_303 = arith.index_cast %add3A_285 : i32 to index
        %swap3A_304 = arith.constant 16 : index
        %swap3A_305 = tpu.vector_load %arg10[%swap3A_303, %swap3A_304] {strides = array<i32>} : memref<128x128xf32, #tpu.memory_space<vmem>>, vector<1x16xf32>,
        %swap3A_306 = vector.shape_cast %swap3A_305 : vector<1x16xf32> to vector<16xf32>
        %swap3A_307 = vector.shape_cast %mul3A_302 : vector<16xf32> to vector<1x16xf32>
        tpu.vector_store %arg10[%swap3A_303, %swap3A_304], %swap3A_307 {strides = array<i32>} : memref<128x128xf32, #tpu.memory_space<vmem>>, vector<1x16xf32>,
        %get3A_308 = arith.index_cast %add3A_285 : i32 to index
        %get3A_309 = arith.constant 32 : index
        %get3A_310 = tpu.vector_load %arg10[%get3A_308, %get3A_309] {strides = array<i32>} : memref<128x128xf32, #tpu.memory_space<vmem>>, vector<1x16xf32>,
        %get3A_311 = vector.shape_cast %get3A_310 : vector<1x16xf32> to vector<16xf32>
        %mul3A_312 = vector.broadcast %squeeze3A_281 : f32 to vector<16xf32>
        %mul3A_313 = arith.mulf %get3A_311, %mul3A_312 : vector<16xf32>
        %swap3A_314 = arith.index_cast %add3A_285 : i32 to index
        %swap3A_315 = arith.constant 32 : index
        %swap3A_316 = tpu.vector_load %arg10[%swap3A_314, %swap3A_315] {strides = array<i32>} : memref<128x128xf32, #tpu.memory_space<vmem>>, vector<1x16xf32>,
        %swap3A_317 = vector.shape_cast %swap3A_316 : vector<1x16xf32> to vector<16xf32>
        %swap3A_318 = vector.shape_cast %mul3A_313 : vector<16xf32> to vector<1x16xf32>
        tpu.vector_store %arg10[%swap3A_314, %swap3A_315], %swap3A_318 {strides = array<i32>} : memref<128x128xf32, #tpu.memory_space<vmem>>, vector<1x16xf32>,
        %get3A_319 = arith.index_cast %add3A_285 : i32 to index
        %get3A_320 = arith.constant 48 : index
        %get3A_321 = tpu.vector_load %arg10[%get3A_319, %get3A_320] {strides = array<i32>} : memref<128x128xf32, #tpu.memory_space<vmem>>, vector<1x16xf32>,
        %get3A_322 = vector.shape_cast %get3A_321 : vector<1x16xf32> to vector<16xf32>
        %mul3A_323 = vector.broadcast %squeeze3A_281 : f32 to vector<16xf32>
        %mul3A_324 = arith.mulf %get3A_322, %mul3A_323 : vector<16xf32>
        %swap3A_325 = arith.index_cast %add3A_285 : i32 to index
        %swap3A_326 = arith.constant 48 : index
        %swap3A_327 = tpu.vector_load %arg10[%swap3A_325, %swap3A_326] {strides = array<i32>} : memref<128x128xf32, #tpu.memory_space<vmem>>, vector<1x16xf32>,
        %swap3A_328 = vector.shape_cast %swap3A_327 : vector<1x16xf32> to vector<16xf32>
        %swap3A_329 = vector.shape_cast %mul3A_324 : vector<16xf32> to vector<1x16xf32>
        tpu.vector_store %arg10[%swap3A_325, %swap3A_326], %swap3A_329 {strides = array<i32>} : memref<128x128xf32, #tpu.memory_space<vmem>>, vector<1x16xf32>,
        %get3A_330 = arith.index_cast %add3A_285 : i32 to index
        %get3A_331 = arith.constant 64 : index
        %get3A_332 = tpu.vector_load %arg10[%get3A_330, %get3A_331] {strides = array<i32>} : memref<128x128xf32, #tpu.memory_space<vmem>>, vector<1x16xf32>,
        %get3A_333 = vector.shape_cast %get3A_332 : vector<1x16xf32> to vector<16xf32>
        %mul3A_334 = vector.broadcast %squeeze3A_281 : f32 to vector<16xf32>
        %mul3A_335 = arith.mulf %get3A_333, %mul3A_334 : vector<16xf32>
        %swap3A_336 = arith.index_cast %add3A_285 : i32 to index
        %swap3A_337 = arith.constant 64 : index
        %swap3A_338 = tpu.vector_load %arg10[%swap3A_336, %swap3A_337] {strides = array<i32>} : memref<128x128xf32, #tpu.memory_space<vmem>>, vector<1x16xf32>,
        %swap3A_339 = vector.shape_cast %swap3A_338 : vector<1x16xf32> to vector<16xf32>
        %swap3A_340 = vector.shape_cast %mul3A_335 : vector<16xf32> to vector<1x16xf32>
        tpu.vector_store %arg10[%swap3A_336, %swap3A_337], %swap3A_340 {strides = array<i32>} : memref<128x128xf32, #tpu.memory_space<vmem>>, vector<1x16xf32>,
        %get3A_341 = arith.index_cast %add3A_285 : i32 to index
        %get3A_342 = arith.constant 80 : index
        %get3A_343 = tpu.vector_load %arg10[%get3A_341, %get3A_342] {strides = array<i32>} : memref<128x128xf32, #tpu.memory_space<vmem>>, vector<1x16xf32>,
        %get3A_344 = vector.shape_cast %get3A_343 : vector<1x16xf32> to vector<16xf32>
        %mul3A_345 = vector.broadcast %squeeze3A_281 : f32 to vector<16xf32>
        %mul3A_346 = arith.mulf %get3A_344, %mul3A_345 : vector<16xf32>
        %swap3A_347 = arith.index_cast %add3A_285 : i32 to index
        %swap3A_348 = arith.constant 80 : index
        %swap3A_349 = tpu.vector_load %arg10[%swap3A_347, %swap3A_348] {strides = array<i32>} : memref<128x128xf32, #tpu.memory_space<vmem>>, vector<1x16xf32>,
        %swap3A_350 = vector.shape_cast %swap3A_349 : vector<1x16xf32> to vector<16xf32>
        %swap3A_351 = vector.shape_cast %mul3A_346 : vector<16xf32> to vector<1x16xf32>
        tpu.vector_store %arg10[%swap3A_347, %swap3A_348], %swap3A_351 {strides = array<i32>} : memref<128x128xf32, #tpu.memory_space<vmem>>, vector<1x16xf32>,
        %get3A_352 = arith.index_cast %add3A_285 : i32 to index
        %get3A_353 = arith.constant 96 : index
        %get3A_354 = tpu.vector_load %arg10[%get3A_352, %get3A_353] {strides = array<i32>} : memref<128x128xf32, #tpu.memory_space<vmem>>, vector<1x16xf32>,
        %get3A_355 = vector.shape_cast %get3A_354 : vector<1x16xf32> to vector<16xf32>
        %mul3A_356 = vector.broadcast %squeeze3A_281 : f32 to vector<16xf32>
        %mul3A_357 = arith.mulf %get3A_355, %mul3A_356 : vector<16xf32>
        %swap3A_358 = arith.index_cast %add3A_285 : i32 to index
        %swap3A_359 = arith.constant 96 : index
        %swap3A_360 = tpu.vector_load %arg10[%swap3A_358, %swap3A_359] {strides = array<i32>} : memref<128x128xf32, #tpu.memory_space<vmem>>, vector<1x16xf32>,
        %swap3A_361 = vector.shape_cast %swap3A_360 : vector<1x16xf32> to vector<16xf32>
        %swap3A_362 = vector.shape_cast %mul3A_357 : vector<16xf32> to vector<1x16xf32>
        tpu.vector_store %arg10[%swap3A_358, %swap3A_359], %swap3A_362 {strides = array<i32>} : memref<128x128xf32, #tpu.memory_space<vmem>>, vector<1x16xf32>,
        %get3A_363 = arith.index_cast %add3A_285 : i32 to index
        %get3A_364 = arith.constant 112 : index
        %get3A_365 = tpu.vector_load %arg10[%get3A_363, %get3A_364] {strides = array<i32>} : memref<128x128xf32, #tpu.memory_space<vmem>>, vector<1x16xf32>,
        %get3A_366 = vector.shape_cast %get3A_365 : vector<1x16xf32> to vector<16xf32>
        %mul3A_367 = vector.broadcast %squeeze3A_281 : f32 to vector<16xf32>
        %mul3A_368 = arith.mulf %get3A_366, %mul3A_367 : vector<16xf32>
        %swap3A_369 = arith.index_cast %add3A_285 : i32 to index
        %swap3A_370 = arith.constant 112 : index
        %swap3A_371 = tpu.vector_load %arg10[%swap3A_369, %swap3A_370] {strides = array<i32>} : memref<128x128xf32, #tpu.memory_space<vmem>>, vector<1x16xf32>,
        %swap3A_372 = vector.shape_cast %swap3A_371 : vector<1x16xf32> to vector<16xf32>
        %swap3A_373 = vector.shape_cast %mul3A_368 : vector<16xf32> to vector<1x16xf32>
        tpu.vector_store %arg10[%swap3A_369, %swap3A_370], %swap3A_373 {strides = array<i32>} : memref<128x128xf32, #tpu.memory_space<vmem>>, vector<1x16xf32>,
        %slice3A_374 = vector.extract_strided_slice %get3A_94 {offsets = [3], sizes = [1], strides = [1]} : vector<16xf32> to vector<1xf32>
        %squeeze3A_375 = vector.extract %slice3A_374[0] : f32 from vector<1xf32>
        %mul3A_376 = arith.constant 16 : i32
        %mul3A_377 = arith.muli %scan3A_88, %mul3A_376 : i32
        %add3A_378 = arith.constant 3 : i32
        %add3A_379 = arith.addi %mul3A_377, %add3A_378 : i32
        %get3A_380 = arith.index_cast %add3A_379 : i32 to index
        %get3A_381 = arith.constant 0 : index
        %get3A_382 = tpu.vector_load %arg10[%get3A_380, %get3A_381] {strides = array<i32>} : memref<128x128xf32, #tpu.memory_space<vmem>>, vector<1x16xf32>,
        %get3A_383 = vector.shape_cast %get3A_382 : vector<1x16xf32> to vector<16xf32>
        %mul3A_384 = vector.broadcast %squeeze3A_375 : f32 to vector<16xf32>
        %mul3A_385 = arith.mulf %get3A_383, %mul3A_384 : vector<16xf32>
        %swap3A_386 = arith.index_cast %add3A_379 : i32 to index
        %swap3A_387 = arith.constant 0 : index
        %swap3A_388 = tpu.vector_load %arg10[%swap3A_386, %swap3A_387] {strides = array<i32>} : memref<128x128xf32, #tpu.memory_space<vmem>>, vector<1x16xf32>,
        %swap3A_389 = vector.shape_cast %swap3A_388 : vector<1x16xf32> to vector<16xf32>
        %swap3A_390 = vector.shape_cast %mul3A_385 : vector<16xf32> to vector<1x16xf32>
        tpu.vector_store %arg10[%swap3A_386, %swap3A_387], %swap3A_390 {strides = array<i32>} : memref<128x128xf32, #tpu.memory_space<vmem>>, vector<1x16xf32>,
        %get3A_391 = arith.index_cast %add3A_379 : i32 to index
        %get3A_392 = arith.constant 16 : index
        %get3A_393 = tpu.vector_load %arg10[%get3A_391, %get3A_392] {strides = array<i32>} : memref<128x128xf32, #tpu.memory_space<vmem>>, vector<1x16xf32>,
        %get3A_394 = vector.shape_cast %get3A_393 : vector<1x16xf32> to vector<16xf32>
        %mul3A_395 = vector.broadcast %squeeze3A_375 : f32 to vector<16xf32>
        %mul3A_396 = arith.mulf %get3A_394, %mul3A_395 : vector<16xf32>
        %swap3A_397 = arith.index_cast %add3A_379 : i32 to index
        %swap3A_398 = arith.constant 16 : index
        %swap3A_399 = tpu.vector_load %arg10[%swap3A_397, %swap3A_398] {strides = array<i32>} : memref<128x128xf32, #tpu.memory_space<vmem>>, vector<1x16xf32>,
        %swap3A_400 = vector.shape_cast %swap3A_399 : vector<1x16xf32> to vector<16xf32>
        %swap3A_401 = vector.shape_cast %mul3A_396 : vector<16xf32> to vector<1x16xf32>
        tpu.vector_store %arg10[%swap3A_397, %swap3A_398], %swap3A_401 {strides = array<i32>} : memref<128x128xf32, #tpu.memory_space<vmem>>, vector<1x16xf32>,
        %get3A_402 = arith.index_cast %add3A_379 : i32 to index
        %get3A_403 = arith.constant 32 : index
        %get3A_404 = tpu.vector_load %arg10[%get3A_402, %get3A_403] {strides = array<i32>} : memref<128x128xf32, #tpu.memory_space<vmem>>, vector<1x16xf32>,
        %get3A_405 = vector.shape_cast %get3A_404 : vector<1x16xf32> to vector<16xf32>
        %mul3A_406 = vector.broadcast %squeeze3A_375 : f32 to vector<16xf32>
        %mul3A_407 = arith.mulf %get3A_405, %mul3A_406 : vector<16xf32>
        %swap3A_408 = arith.index_cast %add3A_379 : i32 to index
        %swap3A_409 = arith.constant 32 : index
        %swap3A_410 = tpu.vector_load %arg10[%swap3A_408, %swap3A_409] {strides = array<i32>} : memref<128x128xf32, #tpu.memory_space<vmem>>, vector<1x16xf32>,
        %swap3A_411 = vector.shape_cast %swap3A_410 : vector<1x16xf32> to vector<16xf32>
        %swap3A_412 = vector.shape_cast %mul3A_407 : vector<16xf32> to vector<1x16xf32>
        tpu.vector_store %arg10[%swap3A_408, %swap3A_409], %swap3A_412 {strides = array<i32>} : memref<128x128xf32, #tpu.memory_space<vmem>>, vector<1x16xf32>,
        %get3A_413 = arith.index_cast %add3A_379 : i32 to index
        %get3A_414 = arith.constant 48 : index
        %get3A_415 = tpu.vector_load %arg10[%get3A_413, %get3A_414] {strides = array<i32>} : memref<128x128xf32, #tpu.memory_space<vmem>>, vector<1x16xf32>,
        %get3A_416 = vector.shape_cast %get3A_415 : vector<1x16xf32> to vector<16xf32>
        %mul3A_417 = vector.broadcast %squeeze3A_375 : f32 to vector<16xf32>
        %mul3A_418 = arith.mulf %get3A_416, %mul3A_417 : vector<16xf32>
        %swap3A_419 = arith.index_cast %add3A_379 : i32 to index
        %swap3A_420 = arith.constant 48 : index
        %swap3A_421 = tpu.vector_load %arg10[%swap3A_419, %swap3A_420] {strides = array<i32>} : memref<128x128xf32, #tpu.memory_space<vmem>>, vector<1x16xf32>,
        %swap3A_422 = vector.shape_cast %swap3A_421 : vector<1x16xf32> to vector<16xf32>
        %swap3A_423 = vector.shape_cast %mul3A_418 : vector<16xf32> to vector<1x16xf32>
        tpu.vector_store %arg10[%swap3A_419, %swap3A_420], %swap3A_423 {strides = array<i32>} : memref<128x128xf32, #tpu.memory_space<vmem>>, vector<1x16xf32>,
        %get3A_424 = arith.index_cast %add3A_379 : i32 to index
        %get3A_425 = arith.constant 64 : index
        %get3A_426 = tpu.vector_load %arg10[%get3A_424, %get3A_425] {strides = array<i32>} : memref<128x128xf32, #tpu.memory_space<vmem>>, vector<1x16xf32>,
        %get3A_427 = vector.shape_cast %get3A_426 : vector<1x16xf32> to vector<16xf32>
        %mul3A_428 = vector.broadcast %squeeze3A_375 : f32 to vector<16xf32>
        %mul3A_429 = arith.mulf %get3A_427, %mul3A_428 : vector<16xf32>
        %swap3A_430 = arith.index_cast %add3A_379 : i32 to index
        %swap3A_431 = arith.constant 64 : index
        %swap3A_432 = tpu.vector_load %arg10[%swap3A_430, %swap3A_431] {strides = array<i32>} : memref<128x128xf32, #tpu.memory_space<vmem>>, vector<1x16xf32>,
        %swap3A_433 = vector.shape_cast %swap3A_432 : vector<1x16xf32> to vector<16xf32>
        %swap3A_434 = vector.shape_cast %mul3A_429 : vector<16xf32> to vector<1x16xf32>
        tpu.vector_store %arg10[%swap3A_430, %swap3A_431], %swap3A_434 {strides = array<i32>} : memref<128x128xf32, #tpu.memory_space<vmem>>, vector<1x16xf32>,
        %get3A_435 = arith.index_cast %add3A_379 : i32 to index
        %get3A_436 = arith.constant 80 : index
        %get3A_437 = tpu.vector_load %arg10[%get3A_435, %get3A_436] {strides = array<i32>} : memref<128x128xf32, #tpu.memory_space<vmem>>, vector<1x16xf32>,
        %get3A_438 = vector.shape_cast %get3A_437 : vector<1x16xf32> to vector<16xf32>
        %mul3A_439 = vector.broadcast %squeeze3A_375 : f32 to vector<16xf32>
        %mul3A_440 = arith.mulf %get3A_438, %mul3A_439 : vector<16xf32>
        %swap3A_441 = arith.index_cast %add3A_379 : i32 to index
        %swap3A_442 = arith.constant 80 : index
        %swap3A_443 = tpu.vector_load %arg10[%swap3A_441, %swap3A_442] {strides = array<i32>} : memref<128x128xf32, #tpu.memory_space<vmem>>, vector<1x16xf32>,
        %swap3A_444 = vector.shape_cast %swap3A_443 : vector<1x16xf32> to vector<16xf32>
        %swap3A_445 = vector.shape_cast %mul3A_440 : vector<16xf32> to vector<1x16xf32>
        tpu.vector_store %arg10[%swap3A_441, %swap3A_442], %swap3A_445 {strides = array<i32>} : memref<128x128xf32, #tpu.memory_space<vmem>>, vector<1x16xf32>,
        %get3A_446 = arith.index_cast %add3A_379 : i32 to index
        %get3A_447 = arith.constant 96 : index
        %get3A_448 = tpu.vector_load %arg10[%get3A_446, %get3A_447] {strides = array<i32>} : memref<128x128xf32, #tpu.memory_space<vmem>>, vector<1x16xf32>,
        %get3A_449 = vector.shape_cast %get3A_448 : vector<1x16xf32> to vector<16xf32>
        %mul3A_450 = vector.broadcast %squeeze3A_375 : f32 to vector<16xf32>
        %mul3A_451 = arith.mulf %get3A_449, %mul3A_450 : vector<16xf32>
        %swap3A_452 = arith.index_cast %add3A_379 : i32 to index
        %swap3A_453 = arith.constant 96 : index
        %swap3A_454 = tpu.vector_load %arg10[%swap3A_452, %swap3A_453] {strides = array<i32>} : memref<128x128xf32, #tpu.memory_space<vmem>>, vector<1x16xf32>,
        %swap3A_455 = vector.shape_cast %swap3A_454 : vector<1x16xf32> to vector<16xf32>
        %swap3A_456 = vector.shape_cast %mul3A_451 : vector<16xf32> to vector<1x16xf32>
        tpu.vector_store %arg10[%swap3A_452, %swap3A_453], %swap3A_456 {strides = array<i32>} : memref<128x128xf32, #tpu.memory_space<vmem>>, vector<1x16xf32>,
        %get3A_457 = arith.index_cast %add3A_379 : i32 to index
        %get3A_458 = arith.constant 112 : index
        %get3A_459 = tpu.vector_load %arg10[%get3A_457, %get3A_458] {strides = array<i32>} : memref<128x128xf32, #tpu.memory_space<vmem>>, vector<1x16xf32>,
        %get3A_460 = vector.shape_cast %get3A_459 : vector<1x16xf32> to vector<16xf32>
        %mul3A_461 = vector.broadcast %squeeze3A_375 : f32 to vector<16xf32>
        %mul3A_462 = arith.mulf %get3A_460, %mul3A_461 : vector<16xf32>
        %swap3A_463 = arith.index_cast %add3A_379 : i32 to index
        %swap3A_464 = arith.constant 112 : index
        %swap3A_465 = tpu.vector_load %arg10[%swap3A_463, %swap3A_464] {strides = array<i32>} : memref<128x128xf32, #tpu.memory_space<vmem>>, vector<1x16xf32>,
        %swap3A_466 = vector.shape_cast %swap3A_465 : vector<1x16xf32> to vector<16xf32>
        %swap3A_467 = vector.shape_cast %mul3A_462 : vector<16xf32> to vector<1x16xf32>
        tpu.vector_store %arg10[%swap3A_463, %swap3A_464], %swap3A_467 {strides = array<i32>} : memref<128x128xf32, #tpu.memory_space<vmem>>, vector<1x16xf32>,
        %slice3A_468 = vector.extract_strided_slice %get3A_94 {offsets = [4], sizes = [1], strides = [1]} : vector<16xf32> to vector<1xf32>
        %squeeze3A_469 = vector.extract %slice3A_468[0] : f32 from vector<1xf32>
        %mul3A_470 = arith.constant 16 : i32
        %mul3A_471 = arith.muli %scan3A_88, %mul3A_470 : i32
        %add3A_472 = arith.constant 4 : i32
        %add3A_473 = arith.addi %mul3A_471, %add3A_472 : i32
        %get3A_474 = arith.index_cast %add3A_473 : i32 to index
        %get3A_475 = arith.constant 0 : index
        %get3A_476 = tpu.vector_load %arg10[%get3A_474, %get3A_475] {strides = array<i32>} : memref<128x128xf32, #tpu.memory_space<vmem>>, vector<1x16xf32>,
        %get3A_477 = vector.shape_cast %get3A_476 : vector<1x16xf32> to vector<16xf32>
        %mul3A_478 = vector.broadcast %squeeze3A_469 : f32 to vector<16xf32>
        %mul3A_479 = arith.mulf %get3A_477, %mul3A_478 : vector<16xf32>
        %swap3A_480 = arith.index_cast %add3A_473 : i32 to index
        %swap3A_481 = arith.constant 0 : index
        %swap3A_482 = tpu.vector_load %arg10[%swap3A_480, %swap3A_481] {strides = array<i32>} : memref<128x128xf32, #tpu.memory_space<vmem>>, vector<1x16xf32>,
        %swap3A_483 = vector.shape_cast %swap3A_482 : vector<1x16xf32> to vector<16xf32>
        %swap3A_484 = vector.shape_cast %mul3A_479 : vector<16xf32> to vector<1x16xf32>
        tpu.vector_store %arg10[%swap3A_480, %swap3A_481], %swap3A_484 {strides = array<i32>} : memref<128x128xf32, #tpu.memory_space<vmem>>, vector<1x16xf32>,
        %get3A_485 = arith.index_cast %add3A_473 : i32 to index
        %get3A_486 = arith.constant 16 : index
        %get3A_487 = tpu.vector_load %arg10[%get3A_485, %get3A_486] {strides = array<i32>} : memref<128x128xf32, #tpu.memory_space<vmem>>, vector<1x16xf32>,
        %get3A_488 = vector.shape_cast %get3A_487 : vector<1x16xf32> to vector<16xf32>
        %mul3A_489 = vector.broadcast %squeeze3A_469 : f32 to vector<16xf32>
        %mul3A_490 = arith.mulf %get3A_488, %mul3A_489 : vector<16xf32>
        %swap3A_491 = arith.index_cast %add3A_473 : i32 to index
        %swap3A_492 = arith.constant 16 : index
        %swap3A_493 = tpu.vector_load %arg10[%swap3A_491, %swap3A_492] {strides = array<i32>} : memref<128x128xf32, #tpu.memory_space<vmem>>, vector<1x16xf32>,
        %swap3A_494 = vector.shape_cast %swap3A_493 : vector<1x16xf32> to vector<16xf32>
        %swap3A_495 = vector.shape_cast %mul3A_490 : vector<16xf32> to vector<1x16xf32>
        tpu.vector_store %arg10[%swap3A_491, %swap3A_492], %swap3A_495 {strides = array<i32>} : memref<128x128xf32, #tpu.memory_space<vmem>>, vector<1x16xf32>,
        %get3A_496 = arith.index_cast %add3A_473 : i32 to index
        %get3A_497 = arith.constant 32 : index
        %get3A_498 = tpu.vector_load %arg10[%get3A_496, %get3A_497] {strides = array<i32>} : memref<128x128xf32, #tpu.memory_space<vmem>>, vector<1x16xf32>,
        %get3A_499 = vector.shape_cast %get3A_498 : vector<1x16xf32> to vector<16xf32>
        %mul3A_500 = vector.broadcast %squeeze3A_469 : f32 to vector<16xf32>
        %mul3A_501 = arith.mulf %get3A_499, %mul3A_500 : vector<16xf32>
        %swap3A_502 = arith.index_cast %add3A_473 : i32 to index
        %swap3A_503 = arith.constant 32 : index
        %swap3A_504 = tpu.vector_load %arg10[%swap3A_502, %swap3A_503] {strides = array<i32>} : memref<128x128xf32, #tpu.memory_space<vmem>>, vector<1x16xf32>,
        %swap3A_505 = vector.shape_cast %swap3A_504 : vector<1x16xf32> to vector<16xf32>
        %swap3A_506 = vector.shape_cast %mul3A_501 : vector<16xf32> to vector<1x16xf32>
        tpu.vector_store %arg10[%swap3A_502, %swap3A_503], %swap3A_506 {strides = array<i32>} : memref<128x128xf32, #tpu.memory_space<vmem>>, vector<1x16xf32>,
        %get3A_507 = arith.index_cast %add3A_473 : i32 to index
        %get3A_508 = arith.constant 48 : index
        %get3A_509 = tpu.vector_load %arg10[%get3A_507, %get3A_508] {strides = array<i32>} : memref<128x128xf32, #tpu.memory_space<vmem>>, vector<1x16xf32>,
        %get3A_510 = vector.shape_cast %get3A_509 : vector<1x16xf32> to vector<16xf32>
        %mul3A_511 = vector.broadcast %squeeze3A_469 : f32 to vector<16xf32>
        %mul3A_512 = arith.mulf %get3A_510, %mul3A_511 : vector<16xf32>
        %swap3A_513 = arith.index_cast %add3A_473 : i32 to index
        %swap3A_514 = arith.constant 48 : index
        %swap3A_515 = tpu.vector_load %arg10[%swap3A_513, %swap3A_514] {strides = array<i32>} : memref<128x128xf32, #tpu.memory_space<vmem>>, vector<1x16xf32>,
        %swap3A_516 = vector.shape_cast %swap3A_515 : vector<1x16xf32> to vector<16xf32>
        %swap3A_517 = vector.shape_cast %mul3A_512 : vector<16xf32> to vector<1x16xf32>
        tpu.vector_store %arg10[%swap3A_513, %swap3A_514], %swap3A_517 {strides = array<i32>} : memref<128x128xf32, #tpu.memory_space<vmem>>, vector<1x16xf32>,
        %get3A_518 = arith.index_cast %add3A_473 : i32 to index
        %get3A_519 = arith.constant 64 : index
        %get3A_520 = tpu.vector_load %arg10[%get3A_518, %get3A_519] {strides = array<i32>} : memref<128x128xf32, #tpu.memory_space<vmem>>, vector<1x16xf32>,
        %get3A_521 = vector.shape_cast %get3A_520 : vector<1x16xf32> to vector<16xf32>
        %mul3A_522 = vector.broadcast %squeeze3A_469 : f32 to vector<16xf32>
        %mul3A_523 = arith.mulf %get3A_521, %mul3A_522 : vector<16xf32>
        %swap3A_524 = arith.index_cast %add3A_473 : i32 to index
        %swap3A_525 = arith.constant 64 : index
        %swap3A_526 = tpu.vector_load %arg10[%swap3A_524, %swap3A_525] {strides = array<i32>} : memref<128x128xf32, #tpu.memory_space<vmem>>, vector<1x16xf32>,
        %swap3A_527 = vector.shape_cast %swap3A_526 : vector<1x16xf32> to vector<16xf32>
        %swap3A_528 = vector.shape_cast %mul3A_523 : vector<16xf32> to vector<1x16xf32>
        tpu.vector_store %arg10[%swap3A_524, %swap3A_525], %swap3A_528 {strides = array<i32>} : memref<128x128xf32, #tpu.memory_space<vmem>>, vector<1x16xf32>,
        %get3A_529 = arith.index_cast %add3A_473 : i32 to index
        %get3A_530 = arith.constant 80 : index
        %get3A_531 = tpu.vector_load %arg10[%get3A_529, %get3A_530] {strides = array<i32>} : memref<128x128xf32, #tpu.memory_space<vmem>>, vector<1x16xf32>,
        %get3A_532 = vector.shape_cast %get3A_531 : vector<1x16xf32> to vector<16xf32>
        %mul3A_533 = vector.broadcast %squeeze3A_469 : f32 to vector<16xf32>
        %mul3A_534 = arith.mulf %get3A_532, %mul3A_533 : vector<16xf32>
        %swap3A_535 = arith.index_cast %add3A_473 : i32 to index
        %swap3A_536 = arith.constant 80 : index
        %swap3A_537 = tpu.vector_load %arg10[%swap3A_535, %swap3A_536] {strides = array<i32>} : memref<128x128xf32, #tpu.memory_space<vmem>>, vector<1x16xf32>,
        %swap3A_538 = vector.shape_cast %swap3A_537 : vector<1x16xf32> to vector<16xf32>
        %swap3A_539 = vector.shape_cast %mul3A_534 : vector<16xf32> to vector<1x16xf32>
        tpu.vector_store %arg10[%swap3A_535, %swap3A_536], %swap3A_539 {strides = array<i32>} : memref<128x128xf32, #tpu.memory_space<vmem>>, vector<1x16xf32>,
        %get3A_540 = arith.index_cast %add3A_473 : i32 to index
        %get3A_541 = arith.constant 96 : index
        %get3A_542 = tpu.vector_load %arg10[%get3A_540, %get3A_541] {strides = array<i32>} : memref<128x128xf32, #tpu.memory_space<vmem>>, vector<1x16xf32>,
        %get3A_543 = vector.shape_cast %get3A_542 : vector<1x16xf32> to vector<16xf32>
        %mul3A_544 = vector.broadcast %squeeze3A_469 : f32 to vector<16xf32>
        %mul3A_545 = arith.mulf %get3A_543, %mul3A_544 : vector<16xf32>
        %swap3A_546 = arith.index_cast %add3A_473 : i32 to index
        %swap3A_547 = arith.constant 96 : index
        %swap3A_548 = tpu.vector_load %arg10[%swap3A_546, %swap3A_547] {strides = array<i32>} : memref<128x128xf32, #tpu.memory_space<vmem>>, vector<1x16xf32>,
        %swap3A_549 = vector.shape_cast %swap3A_548 : vector<1x16xf32> to vector<16xf32>
        %swap3A_550 = vector.shape_cast %mul3A_545 : vector<16xf32> to vector<1x16xf32>
        tpu.vector_store %arg10[%swap3A_546, %swap3A_547], %swap3A_550 {strides = array<i32>} : memref<128x128xf32, #tpu.memory_space<vmem>>, vector<1x16xf32>,
        %get3A_551 = arith.index_cast %add3A_473 : i32 to index
        %get3A_552 = arith.constant 112 : index
        %get3A_553 = tpu.vector_load %arg10[%get3A_551, %get3A_552] {strides = array<i32>} : memref<128x128xf32, #tpu.memory_space<vmem>>, vector<1x16xf32>,
        %get3A_554 = vector.shape_cast %get3A_553 : vector<1x16xf32> to vector<16xf32>
        %mul3A_555 = vector.broadcast %squeeze3A_469 : f32 to vector<16xf32>
        %mul3A_556 = arith.mulf %get3A_554, %mul3A_555 : vector<16xf32>
        %swap3A_557 = arith.index_cast %add3A_473 : i32 to index
        %swap3A_558 = arith.constant 112 : index
        %swap3A_559 = tpu.vector_load %arg10[%swap3A_557, %swap3A_558] {strides = array<i32>} : memref<128x128xf32, #tpu.memory_space<vmem>>, vector<1x16xf32>,
        %swap3A_560 = vector.shape_cast %swap3A_559 : vector<1x16xf32> to vector<16xf32>
        %swap3A_561 = vector.shape_cast %mul3A_556 : vector<16xf32> to vector<1x16xf32>
        tpu.vector_store %arg10[%swap3A_557, %swap3A_558], %swap3A_561 {strides = array<i32>} : memref<128x128xf32, #tpu.memory_space<vmem>>, vector<1x16xf32>,
        %slice3A_562 = vector.extract_strided_slice %get3A_94 {offsets = [5], sizes = [1], strides = [1]} : vector<16xf32> to vector<1xf32>
        %squeeze3A_563 = vector.extract %slice3A_562[0] : f32 from vector<1xf32>
        %mul3A_564 = arith.constant 16 : i32
        %mul3A_565 = arith.muli %scan3A_88, %mul3A_564 : i32
        %add3A_566 = arith.constant 5 : i32
        %add3A_567 = arith.addi %mul3A_565, %add3A_566 : i32
        %get3A_568 = arith.index_cast %add3A_567 : i32 to index
        %get3A_569 = arith.constant 0 : index
        %get3A_570 = tpu.vector_load %arg10[%get3A_568, %get3A_569] {strides = array<i32>} : memref<128x128xf32, #tpu.memory_space<vmem>>, vector<1x16xf32>,
        %get3A_571 = vector.shape_cast %get3A_570 : vector<1x16xf32> to vector<16xf32>
        %mul3A_572 = vector.broadcast %squeeze3A_563 : f32 to vector<16xf32>
        %mul3A_573 = arith.mulf %get3A_571, %mul3A_572 : vector<16xf32>
        %swap3A_574 = arith.index_cast %add3A_567 : i32 to index
        %swap3A_575 = arith.constant 0 : index
        %swap3A_576 = tpu.vector_load %arg10[%swap3A_574, %swap3A_575] {strides = array<i32>} : memref<128x128xf32, #tpu.memory_space<vmem>>, vector<1x16xf32>,
        %swap3A_577 = vector.shape_cast %swap3A_576 : vector<1x16xf32> to vector<16xf32>
        %swap3A_578 = vector.shape_cast %mul3A_573 : vector<16xf32> to vector<1x16xf32>
        tpu.vector_store %arg10[%swap3A_574, %swap3A_575], %swap3A_578 {strides = array<i32>} : memref<128x128xf32, #tpu.memory_space<vmem>>, vector<1x16xf32>,
        %get3A_579 = arith.index_cast %add3A_567 : i32 to index
        %get3A_580 = arith.constant 16 : index
        %get3A_581 = tpu.vector_load %arg10[%get3A_579, %get3A_580] {strides = array<i32>} : memref<128x128xf32, #tpu.memory_space<vmem>>, vector<1x16xf32>,
        %get3A_582 = vector.shape_cast %get3A_581 : vector<1x16xf32> to vector<16xf32>
        %mul3A_583 = vector.broadcast %squeeze3A_563 : f32 to vector<16xf32>
        %mul3A_584 = arith.mulf %get3A_582, %mul3A_583 : vector<16xf32>
        %swap3A_585 = arith.index_cast %add3A_567 : i32 to index
        %swap3A_586 = arith.constant 16 : index
        %swap3A_587 = tpu.vector_load %arg10[%swap3A_585, %swap3A_586] {strides = array<i32>} : memref<128x128xf32, #tpu.memory_space<vmem>>, vector<1x16xf32>,
        %swap3A_588 = vector.shape_cast %swap3A_587 : vector<1x16xf32> to vector<16xf32>
        %swap3A_589 = vector.shape_cast %mul3A_584 : vector<16xf32> to vector<1x16xf32>
        tpu.vector_store %arg10[%swap3A_585, %swap3A_586], %swap3A_589 {strides = array<i32>} : memref<128x128xf32, #tpu.memory_space<vmem>>, vector<1x16xf32>,
        %get3A_590 = arith.index_cast %add3A_567 : i32 to index
        %get3A_591 = arith.constant 32 : index
        %get3A_592 = tpu.vector_load %arg10[%get3A_590, %get3A_591] {strides = array<i32>} : memref<128x128xf32, #tpu.memory_space<vmem>>, vector<1x16xf32>,
        %get3A_593 = vector.shape_cast %get3A_592 : vector<1x16xf32> to vector<16xf32>
        %mul3A_594 = vector.broadcast %squeeze3A_563 : f32 to vector<16xf32>
        %mul3A_595 = arith.mulf %get3A_593, %mul3A_594 : vector<16xf32>
        %swap3A_596 = arith.index_cast %add3A_567 : i32 to index
        %swap3A_597 = arith.constant 32 : index
        %swap3A_598 = tpu.vector_load %arg10[%swap3A_596, %swap3A_597] {strides = array<i32>} : memref<128x128xf32, #tpu.memory_space<vmem>>, vector<1x16xf32>,
        %swap3A_599 = vector.shape_cast %swap3A_598 : vector<1x16xf32> to vector<16xf32>
        %swap3A_600 = vector.shape_cast %mul3A_595 : vector<16xf32> to vector<1x16xf32>
        tpu.vector_store %arg10[%swap3A_596, %swap3A_597], %swap3A_600 {strides = array<i32>} : memref<128x128xf32, #tpu.memory_space<vmem>>, vector<1x16xf32>,
        %get3A_601 = arith.index_cast %add3A_567 : i32 to index
        %get3A_602 = arith.constant 48 : index
        %get3A_603 = tpu.vector_load %arg10[%get3A_601, %get3A_602] {strides = array<i32>} : memref<128x128xf32, #tpu.memory_space<vmem>>, vector<1x16xf32>,
        %get3A_604 = vector.shape_cast %get3A_603 : vector<1x16xf32> to vector<16xf32>
        %mul3A_605 = vector.broadcast %squeeze3A_563 : f32 to vector<16xf32>
        %mul3A_606 = arith.mulf %get3A_604, %mul3A_605 : vector<16xf32>
        %swap3A_607 = arith.index_cast %add3A_567 : i32 to index
        %swap3A_608 = arith.constant 48 : index
        %swap3A_609 = tpu.vector_load %arg10[%swap3A_607, %swap3A_608] {strides = array<i32>} : memref<128x128xf32, #tpu.memory_space<vmem>>, vector<1x16xf32>,
        %swap3A_610 = vector.shape_cast %swap3A_609 : vector<1x16xf32> to vector<16xf32>
        %swap3A_611 = vector.shape_cast %mul3A_606 : vector<16xf32> to vector<1x16xf32>
        tpu.vector_store %arg10[%swap3A_607, %swap3A_608], %swap3A_611 {strides = array<i32>} : memref<128x128xf32, #tpu.memory_space<vmem>>, vector<1x16xf32>,
        %get3A_612 = arith.index_cast %add3A_567 : i32 to index
        %get3A_613 = arith.constant 64 : index
        %get3A_614 = tpu.vector_load %arg10[%get3A_612, %get3A_613] {strides = array<i32>} : memref<128x128xf32, #tpu.memory_space<vmem>>, vector<1x16xf32>,
        %get3A_615 = vector.shape_cast %get3A_614 : vector<1x16xf32> to vector<16xf32>
        %mul3A_616 = vector.broadcast %squeeze3A_563 : f32 to vector<16xf32>
        %mul3A_617 = arith.mulf %get3A_615, %mul3A_616 : vector<16xf32>
        %swap3A_618 = arith.index_cast %add3A_567 : i32 to index
        %swap3A_619 = arith.constant 64 : index
        %swap3A_620 = tpu.vector_load %arg10[%swap3A_618, %swap3A_619] {strides = array<i32>} : memref<128x128xf32, #tpu.memory_space<vmem>>, vector<1x16xf32>,
        %swap3A_621 = vector.shape_cast %swap3A_620 : vector<1x16xf32> to vector<16xf32>
        %swap3A_622 = vector.shape_cast %mul3A_617 : vector<16xf32> to vector<1x16xf32>
        tpu.vector_store %arg10[%swap3A_618, %swap3A_619], %swap3A_622 {strides = array<i32>} : memref<128x128xf32, #tpu.memory_space<vmem>>, vector<1x16xf32>,
        %get3A_623 = arith.index_cast %add3A_567 : i32 to index
        %get3A_624 = arith.constant 80 : index
        %get3A_625 = tpu.vector_load %arg10[%get3A_623, %get3A_624] {strides = array<i32>} : memref<128x128xf32, #tpu.memory_space<vmem>>, vector<1x16xf32>,
        %get3A_626 = vector.shape_cast %get3A_625 : vector<1x16xf32> to vector<16xf32>
        %mul3A_627 = vector.broadcast %squeeze3A_563 : f32 to vector<16xf32>
        %mul3A_628 = arith.mulf %get3A_626, %mul3A_627 : vector<16xf32>
        %swap3A_629 = arith.index_cast %add3A_567 : i32 to index
        %swap3A_630 = arith.constant 80 : index
        %swap3A_631 = tpu.vector_load %arg10[%swap3A_629, %swap3A_630] {strides = array<i32>} : memref<128x128xf32, #tpu.memory_space<vmem>>, vector<1x16xf32>,
        %swap3A_632 = vector.shape_cast %swap3A_631 : vector<1x16xf32> to vector<16xf32>
        %swap3A_633 = vector.shape_cast %mul3A_628 : vector<16xf32> to vector<1x16xf32>
        tpu.vector_store %arg10[%swap3A_629, %swap3A_630], %swap3A_633 {strides = array<i32>} : memref<128x128xf32, #tpu.memory_space<vmem>>, vector<1x16xf32>,
        %get3A_634 = arith.index_cast %add3A_567 : i32 to index
        %get3A_635 = arith.constant 96 : index
        %get3A_636 = tpu.vector_load %arg10[%get3A_634, %get3A_635] {strides = array<i32>} : memref<128x128xf32, #tpu.memory_space<vmem>>, vector<1x16xf32>,
        %get3A_637 = vector.shape_cast %get3A_636 : vector<1x16xf32> to vector<16xf32>
        %mul3A_638 = vector.broadcast %squeeze3A_563 : f32 to vector<16xf32>
        %mul3A_639 = arith.mulf %get3A_637, %mul3A_638 : vector<16xf32>
        %swap3A_640 = arith.index_cast %add3A_567 : i32 to index
        %swap3A_641 = arith.constant 96 : index
        %swap3A_642 = tpu.vector_load %arg10[%swap3A_640, %swap3A_641] {strides = array<i32>} : memref<128x128xf32, #tpu.memory_space<vmem>>, vector<1x16xf32>,
        %swap3A_643 = vector.shape_cast %swap3A_642 : vector<1x16xf32> to vector<16xf32>
        %swap3A_644 = vector.shape_cast %mul3A_639 : vector<16xf32> to vector<1x16xf32>
        tpu.vector_store %arg10[%swap3A_640, %swap3A_641], %swap3A_644 {strides = array<i32>} : memref<128x128xf32, #tpu.memory_space<vmem>>, vector<1x16xf32>,
        %get3A_645 = arith.index_cast %add3A_567 : i32 to index
        %get3A_646 = arith.constant 112 : index
        %get3A_647 = tpu.vector_load %arg10[%get3A_645, %get3A_646] {strides = array<i32>} : memref<128x128xf32, #tpu.memory_space<vmem>>, vector<1x16xf32>,
        %get3A_648 = vector.shape_cast %get3A_647 : vector<1x16xf32> to vector<16xf32>
        %mul3A_649 = vector.broadcast %squeeze3A_563 : f32 to vector<16xf32>
        %mul3A_650 = arith.mulf %get3A_648, %mul3A_649 : vector<16xf32>
        %swap3A_651 = arith.index_cast %add3A_567 : i32 to index
        %swap3A_652 = arith.constant 112 : index
        %swap3A_653 = tpu.vector_load %arg10[%swap3A_651, %swap3A_652] {strides = array<i32>} : memref<128x128xf32, #tpu.memory_space<vmem>>, vector<1x16xf32>,
        %swap3A_654 = vector.shape_cast %swap3A_653 : vector<1x16xf32> to vector<16xf32>
        %swap3A_655 = vector.shape_cast %mul3A_650 : vector<16xf32> to vector<1x16xf32>
        tpu.vector_store %arg10[%swap3A_651, %swap3A_652], %swap3A_655 {strides = array<i32>} : memref<128x128xf32, #tpu.memory_space<vmem>>, vector<1x16xf32>,
        %slice3A_656 = vector.extract_strided_slice %get3A_94 {offsets = [6], sizes = [1], strides = [1]} : vector<16xf32> to vector<1xf32>
        %squeeze3A_657 = vector.extract %slice3A_656[0] : f32 from vector<1xf32>
        %mul3A_658 = arith.constant 16 : i32
        %mul3A_659 = arith.muli %scan3A_88, %mul3A_658 : i32
        %add3A_660 = arith.constant 6 : i32
        %add3A_661 = arith.addi %mul3A_659, %add3A_660 : i32
        %get3A_662 = arith.index_cast %add3A_661 : i32 to index
        %get3A_663 = arith.constant 0 : index
        %get3A_664 = tpu.vector_load %arg10[%get3A_662, %get3A_663] {strides = array<i32>} : memref<128x128xf32, #tpu.memory_space<vmem>>, vector<1x16xf32>,
        %get3A_665 = vector.shape_cast %get3A_664 : vector<1x16xf32> to vector<16xf32>
        %mul3A_666 = vector.broadcast %squeeze3A_657 : f32 to vector<16xf32>
        %mul3A_667 = arith.mulf %get3A_665, %mul3A_666 : vector<16xf32>
        %swap3A_668 = arith.index_cast %add3A_661 : i32 to index
        %swap3A_669 = arith.constant 0 : index
        %swap3A_670 = tpu.vector_load %arg10[%swap3A_668, %swap3A_669] {strides = array<i32>} : memref<128x128xf32, #tpu.memory_space<vmem>>, vector<1x16xf32>,
        %swap3A_671 = vector.shape_cast %swap3A_670 : vector<1x16xf32> to vector<16xf32>
        %swap3A_672 = vector.shape_cast %mul3A_667 : vector<16xf32> to vector<1x16xf32>
        tpu.vector_store %arg10[%swap3A_668, %swap3A_669], %swap3A_672 {strides = array<i32>} : memref<128x128xf32, #tpu.memory_space<vmem>>, vector<1x16xf32>,
        %get3A_673 = arith.index_cast %add3A_661 : i32 to index
        %get3A_674 = arith.constant 16 : index
        %get3A_675 = tpu.vector_load %arg10[%get3A_673, %get3A_674] {strides = array<i32>} : memref<128x128xf32, #tpu.memory_space<vmem>>, vector<1x16xf32>,
        %get3A_676 = vector.shape_cast %get3A_675 : vector<1x16xf32> to vector<16xf32>
        %mul3A_677 = vector.broadcast %squeeze3A_657 : f32 to vector<16xf32>
        %mul3A_678 = arith.mulf %get3A_676, %mul3A_677 : vector<16xf32>
        %swap3A_679 = arith.index_cast %add3A_661 : i32 to index
        %swap3A_680 = arith.constant 16 : index
        %swap3A_681 = tpu.vector_load %arg10[%swap3A_679, %swap3A_680] {strides = array<i32>} : memref<128x128xf32, #tpu.memory_space<vmem>>, vector<1x16xf32>,
        %swap3A_682 = vector.shape_cast %swap3A_681 : vector<1x16xf32> to vector<16xf32>
        %swap3A_683 = vector.shape_cast %mul3A_678 : vector<16xf32> to vector<1x16xf32>
        tpu.vector_store %arg10[%swap3A_679, %swap3A_680], %swap3A_683 {strides = array<i32>} : memref<128x128xf32, #tpu.memory_space<vmem>>, vector<1x16xf32>,
        %get3A_684 = arith.index_cast %add3A_661 : i32 to index
        %get3A_685 = arith.constant 32 : index
        %get3A_686 = tpu.vector_load %arg10[%get3A_684, %get3A_685] {strides = array<i32>} : memref<128x128xf32, #tpu.memory_space<vmem>>, vector<1x16xf32>,
        %get3A_687 = vector.shape_cast %get3A_686 : vector<1x16xf32> to vector<16xf32>
        %mul3A_688 = vector.broadcast %squeeze3A_657 : f32 to vector<16xf32>
        %mul3A_689 = arith.mulf %get3A_687, %mul3A_688 : vector<16xf32>
        %swap3A_690 = arith.index_cast %add3A_661 : i32 to index
        %swap3A_691 = arith.constant 32 : index
        %swap3A_692 = tpu.vector_load %arg10[%swap3A_690, %swap3A_691] {strides = array<i32>} : memref<128x128xf32, #tpu.memory_space<vmem>>, vector<1x16xf32>,
        %swap3A_693 = vector.shape_cast %swap3A_692 : vector<1x16xf32> to vector<16xf32>
        %swap3A_694 = vector.shape_cast %mul3A_689 : vector<16xf32> to vector<1x16xf32>
        tpu.vector_store %arg10[%swap3A_690, %swap3A_691], %swap3A_694 {strides = array<i32>} : memref<128x128xf32, #tpu.memory_space<vmem>>, vector<1x16xf32>,
        %get3A_695 = arith.index_cast %add3A_661 : i32 to index
        %get3A_696 = arith.constant 48 : index
        %get3A_697 = tpu.vector_load %arg10[%get3A_695, %get3A_696] {strides = array<i32>} : memref<128x128xf32, #tpu.memory_space<vmem>>, vector<1x16xf32>,
        %get3A_698 = vector.shape_cast %get3A_697 : vector<1x16xf32> to vector<16xf32>
        %mul3A_699 = vector.broadcast %squeeze3A_657 : f32 to vector<16xf32>
        %mul3A_700 = arith.mulf %get3A_698, %mul3A_699 : vector<16xf32>
        %swap3A_701 = arith.index_cast %add3A_661 : i32 to index
        %swap3A_702 = arith.constant 48 : index
        %swap3A_703 = tpu.vector_load %arg10[%swap3A_701, %swap3A_702] {strides = array<i32>} : memref<128x128xf32, #tpu.memory_space<vmem>>, vector<1x16xf32>,
        %swap3A_704 = vector.shape_cast %swap3A_703 : vector<1x16xf32> to vector<16xf32>
        %swap3A_705 = vector.shape_cast %mul3A_700 : vector<16xf32> to vector<1x16xf32>
        tpu.vector_store %arg10[%swap3A_701, %swap3A_702], %swap3A_705 {strides = array<i32>} : memref<128x128xf32, #tpu.memory_space<vmem>>, vector<1x16xf32>,
        %get3A_706 = arith.index_cast %add3A_661 : i32 to index
        %get3A_707 = arith.constant 64 : index
        %get3A_708 = tpu.vector_load %arg10[%get3A_706, %get3A_707] {strides = array<i32>} : memref<128x128xf32, #tpu.memory_space<vmem>>, vector<1x16xf32>,
        %get3A_709 = vector.shape_cast %get3A_708 : vector<1x16xf32> to vector<16xf32>
        %mul3A_710 = vector.broadcast %squeeze3A_657 : f32 to vector<16xf32>
        %mul3A_711 = arith.mulf %get3A_709, %mul3A_710 : vector<16xf32>
        %swap3A_712 = arith.index_cast %add3A_661 : i32 to index
        %swap3A_713 = arith.constant 64 : index
        %swap3A_714 = tpu.vector_load %arg10[%swap3A_712, %swap3A_713] {strides = array<i32>} : memref<128x128xf32, #tpu.memory_space<vmem>>, vector<1x16xf32>,
        %swap3A_715 = vector.shape_cast %swap3A_714 : vector<1x16xf32> to vector<16xf32>
        %swap3A_716 = vector.shape_cast %mul3A_711 : vector<16xf32> to vector<1x16xf32>
        tpu.vector_store %arg10[%swap3A_712, %swap3A_713], %swap3A_716 {strides = array<i32>} : memref<128x128xf32, #tpu.memory_space<vmem>>, vector<1x16xf32>,
        %get3A_717 = arith.index_cast %add3A_661 : i32 to index
        %get3A_718 = arith.constant 80 : index
        %get3A_719 = tpu.vector_load %arg10[%get3A_717, %get3A_718] {strides = array<i32>} : memref<128x128xf32, #tpu.memory_space<vmem>>, vector<1x16xf32>,
        %get3A_720 = vector.shape_cast %get3A_719 : vector<1x16xf32> to vector<16xf32>
        %mul3A_721 = vector.broadcast %squeeze3A_657 : f32 to vector<16xf32>
        %mul3A_722 = arith.mulf %get3A_720, %mul3A_721 : vector<16xf32>
        %swap3A_723 = arith.index_cast %add3A_661 : i32 to index
        %swap3A_724 = arith.constant 80 : index
        %swap3A_725 = tpu.vector_load %arg10[%swap3A_723, %swap3A_724] {strides = array<i32>} : memref<128x128xf32, #tpu.memory_space<vmem>>, vector<1x16xf32>,
        %swap3A_726 = vector.shape_cast %swap3A_725 : vector<1x16xf32> to vector<16xf32>
        %swap3A_727 = vector.shape_cast %mul3A_722 : vector<16xf32> to vector<1x16xf32>
        tpu.vector_store %arg10[%swap3A_723, %swap3A_724], %swap3A_727 {strides = array<i32>} : memref<128x128xf32, #tpu.memory_space<vmem>>, vector<1x16xf32>,
        %get3A_728 = arith.index_cast %add3A_661 : i32 to index
        %get3A_729 = arith.constant 96 : index
        %get3A_730 = tpu.vector_load %arg10[%get3A_728, %get3A_729] {strides = array<i32>} : memref<128x128xf32, #tpu.memory_space<vmem>>, vector<1x16xf32>,
        %get3A_731 = vector.shape_cast %get3A_730 : vector<1x16xf32> to vector<16xf32>
        %mul3A_732 = vector.broadcast %squeeze3A_657 : f32 to vector<16xf32>
        %mul3A_733 = arith.mulf %get3A_731, %mul3A_732 : vector<16xf32>
        %swap3A_734 = arith.index_cast %add3A_661 : i32 to index
        %swap3A_735 = arith.constant 96 : index
        %swap3A_736 = tpu.vector_load %arg10[%swap3A_734, %swap3A_735] {strides = array<i32>} : memref<128x128xf32, #tpu.memory_space<vmem>>, vector<1x16xf32>,
        %swap3A_737 = vector.shape_cast %swap3A_736 : vector<1x16xf32> to vector<16xf32>
        %swap3A_738 = vector.shape_cast %mul3A_733 : vector<16xf32> to vector<1x16xf32>
        tpu.vector_store %arg10[%swap3A_734, %swap3A_735], %swap3A_738 {strides = array<i32>} : memref<128x128xf32, #tpu.memory_space<vmem>>, vector<1x16xf32>,
        %get3A_739 = arith.index_cast %add3A_661 : i32 to index
        %get3A_740 = arith.constant 112 : index
        %get3A_741 = tpu.vector_load %arg10[%get3A_739, %get3A_740] {strides = array<i32>} : memref<128x128xf32, #tpu.memory_space<vmem>>, vector<1x16xf32>,
        %get3A_742 = vector.shape_cast %get3A_741 : vector<1x16xf32> to vector<16xf32>
        %mul3A_743 = vector.broadcast %squeeze3A_657 : f32 to vector<16xf32>
        %mul3A_744 = arith.mulf %get3A_742, %mul3A_743 : vector<16xf32>
        %swap3A_745 = arith.index_cast %add3A_661 : i32 to index
        %swap3A_746 = arith.constant 112 : index
        %swap3A_747 = tpu.vector_load %arg10[%swap3A_745, %swap3A_746] {strides = array<i32>} : memref<128x128xf32, #tpu.memory_space<vmem>>, vector<1x16xf32>,
        %swap3A_748 = vector.shape_cast %swap3A_747 : vector<1x16xf32> to vector<16xf32>
        %swap3A_749 = vector.shape_cast %mul3A_744 : vector<16xf32> to vector<1x16xf32>
        tpu.vector_store %arg10[%swap3A_745, %swap3A_746], %swap3A_749 {strides = array<i32>} : memref<128x128xf32, #tpu.memory_space<vmem>>, vector<1x16xf32>,
        %slice3A_750 = vector.extract_strided_slice %get3A_94 {offsets = [7], sizes = [1], strides = [1]} : vector<16xf32> to vector<1xf32>
        %squeeze3A_751 = vector.extract %slice3A_750[0] : f32 from vector<1xf32>
        %mul3A_752 = arith.constant 16 : i32
        %mul3A_753 = arith.muli %scan3A_88, %mul3A_752 : i32
        %add3A_754 = arith.constant 7 : i32
        %add3A_755 = arith.addi %mul3A_753, %add3A_754 : i32
        %get3A_756 = arith.index_cast %add3A_755 : i32 to index
        %get3A_757 = arith.constant 0 : index
        %get3A_758 = tpu.vector_load %arg10[%get3A_756, %get3A_757] {strides = array<i32>} : memref<128x128xf32, #tpu.memory_space<vmem>>, vector<1x16xf32>,
        %get3A_759 = vector.shape_cast %get3A_758 : vector<1x16xf32> to vector<16xf32>
        %mul3A_760 = vector.broadcast %squeeze3A_751 : f32 to vector<16xf32>
        %mul3A_761 = arith.mulf %get3A_759, %mul3A_760 : vector<16xf32>
        %swap3A_762 = arith.index_cast %add3A_755 : i32 to index
        %swap3A_763 = arith.constant 0 : index
        %swap3A_764 = tpu.vector_load %arg10[%swap3A_762, %swap3A_763] {strides = array<i32>} : memref<128x128xf32, #tpu.memory_space<vmem>>, vector<1x16xf32>,
        %swap3A_765 = vector.shape_cast %swap3A_764 : vector<1x16xf32> to vector<16xf32>
        %swap3A_766 = vector.shape_cast %mul3A_761 : vector<16xf32> to vector<1x16xf32>
        tpu.vector_store %arg10[%swap3A_762, %swap3A_763], %swap3A_766 {strides = array<i32>} : memref<128x128xf32, #tpu.memory_space<vmem>>, vector<1x16xf32>,
        %get3A_767 = arith.index_cast %add3A_755 : i32 to index
        %get3A_768 = arith.constant 16 : index
        %get3A_769 = tpu.vector_load %arg10[%get3A_767, %get3A_768] {strides = array<i32>} : memref<128x128xf32, #tpu.memory_space<vmem>>, vector<1x16xf32>,
        %get3A_770 = vector.shape_cast %get3A_769 : vector<1x16xf32> to vector<16xf32>
        %mul3A_771 = vector.broadcast %squeeze3A_751 : f32 to vector<16xf32>
        %mul3A_772 = arith.mulf %get3A_770, %mul3A_771 : vector<16xf32>
        %swap3A_773 = arith.index_cast %add3A_755 : i32 to index
        %swap3A_774 = arith.constant 16 : index
        %swap3A_775 = tpu.vector_load %arg10[%swap3A_773, %swap3A_774] {strides = array<i32>} : memref<128x128xf32, #tpu.memory_space<vmem>>, vector<1x16xf32>,
        %swap3A_776 = vector.shape_cast %swap3A_775 : vector<1x16xf32> to vector<16xf32>
        %swap3A_777 = vector.shape_cast %mul3A_772 : vector<16xf32> to vector<1x16xf32>
        tpu.vector_store %arg10[%swap3A_773, %swap3A_774], %swap3A_777 {strides = array<i32>} : memref<128x128xf32, #tpu.memory_space<vmem>>, vector<1x16xf32>,
        %get3A_778 = arith.index_cast %add3A_755 : i32 to index
        %get3A_779 = arith.constant 32 : index
        %get3A_780 = tpu.vector_load %arg10[%get3A_778, %get3A_779] {strides = array<i32>} : memref<128x128xf32, #tpu.memory_space<vmem>>, vector<1x16xf32>,
        %get3A_781 = vector.shape_cast %get3A_780 : vector<1x16xf32> to vector<16xf32>
        %mul3A_782 = vector.broadcast %squeeze3A_751 : f32 to vector<16xf32>
        %mul3A_783 = arith.mulf %get3A_781, %mul3A_782 : vector<16xf32>
        %swap3A_784 = arith.index_cast %add3A_755 : i32 to index
        %swap3A_785 = arith.constant 32 : index
        %swap3A_786 = tpu.vector_load %arg10[%swap3A_784, %swap3A_785] {strides = array<i32>} : memref<128x128xf32, #tpu.memory_space<vmem>>, vector<1x16xf32>,
        %swap3A_787 = vector.shape_cast %swap3A_786 : vector<1x16xf32> to vector<16xf32>
        %swap3A_788 = vector.shape_cast %mul3A_783 : vector<16xf32> to vector<1x16xf32>
        tpu.vector_store %arg10[%swap3A_784, %swap3A_785], %swap3A_788 {strides = array<i32>} : memref<128x128xf32, #tpu.memory_space<vmem>>, vector<1x16xf32>,
        %get3A_789 = arith.index_cast %add3A_755 : i32 to index
        %get3A_790 = arith.constant 48 : index
        %get3A_791 = tpu.vector_load %arg10[%get3A_789, %get3A_790] {strides = array<i32>} : memref<128x128xf32, #tpu.memory_space<vmem>>, vector<1x16xf32>,
        %get3A_792 = vector.shape_cast %get3A_791 : vector<1x16xf32> to vector<16xf32>
        %mul3A_793 = vector.broadcast %squeeze3A_751 : f32 to vector<16xf32>
        %mul3A_794 = arith.mulf %get3A_792, %mul3A_793 : vector<16xf32>
        %swap3A_795 = arith.index_cast %add3A_755 : i32 to index
        %swap3A_796 = arith.constant 48 : index
        %swap3A_797 = tpu.vector_load %arg10[%swap3A_795, %swap3A_796] {strides = array<i32>} : memref<128x128xf32, #tpu.memory_space<vmem>>, vector<1x16xf32>,
        %swap3A_798 = vector.shape_cast %swap3A_797 : vector<1x16xf32> to vector<16xf32>
        %swap3A_799 = vector.shape_cast %mul3A_794 : vector<16xf32> to vector<1x16xf32>
        tpu.vector_store %arg10[%swap3A_795, %swap3A_796], %swap3A_799 {strides = array<i32>} : memref<128x128xf32, #tpu.memory_space<vmem>>, vector<1x16xf32>,
        %get3A_800 = arith.index_cast %add3A_755 : i32 to index
        %get3A_801 = arith.constant 64 : index
        %get3A_802 = tpu.vector_load %arg10[%get3A_800, %get3A_801] {strides = array<i32>} : memref<128x128xf32, #tpu.memory_space<vmem>>, vector<1x16xf32>,
        %get3A_803 = vector.shape_cast %get3A_802 : vector<1x16xf32> to vector<16xf32>
        %mul3A_804 = vector.broadcast %squeeze3A_751 : f32 to vector<16xf32>
        %mul3A_805 = arith.mulf %get3A_803, %mul3A_804 : vector<16xf32>
        %swap3A_806 = arith.index_cast %add3A_755 : i32 to index
        %swap3A_807 = arith.constant 64 : index
        %swap3A_808 = tpu.vector_load %arg10[%swap3A_806, %swap3A_807] {strides = array<i32>} : memref<128x128xf32, #tpu.memory_space<vmem>>, vector<1x16xf32>,
        %swap3A_809 = vector.shape_cast %swap3A_808 : vector<1x16xf32> to vector<16xf32>
        %swap3A_810 = vector.shape_cast %mul3A_805 : vector<16xf32> to vector<1x16xf32>
        tpu.vector_store %arg10[%swap3A_806, %swap3A_807], %swap3A_810 {strides = array<i32>} : memref<128x128xf32, #tpu.memory_space<vmem>>, vector<1x16xf32>,
        %get3A_811 = arith.index_cast %add3A_755 : i32 to index
        %get3A_812 = arith.constant 80 : index
        %get3A_813 = tpu.vector_load %arg10[%get3A_811, %get3A_812] {strides = array<i32>} : memref<128x128xf32, #tpu.memory_space<vmem>>, vector<1x16xf32>,
        %get3A_814 = vector.shape_cast %get3A_813 : vector<1x16xf32> to vector<16xf32>
        %mul3A_815 = vector.broadcast %squeeze3A_751 : f32 to vector<16xf32>
        %mul3A_816 = arith.mulf %get3A_814, %mul3A_815 : vector<16xf32>
        %swap3A_817 = arith.index_cast %add3A_755 : i32 to index
        %swap3A_818 = arith.constant 80 : index
        %swap3A_819 = tpu.vector_load %arg10[%swap3A_817, %swap3A_818] {strides = array<i32>} : memref<128x128xf32, #tpu.memory_space<vmem>>, vector<1x16xf32>,
        %swap3A_820 = vector.shape_cast %swap3A_819 : vector<1x16xf32> to vector<16xf32>
        %swap3A_821 = vector.shape_cast %mul3A_816 : vector<16xf32> to vector<1x16xf32>
        tpu.vector_store %arg10[%swap3A_817, %swap3A_818], %swap3A_821 {strides = array<i32>} : memref<128x128xf32, #tpu.memory_space<vmem>>, vector<1x16xf32>,
        %get3A_822 = arith.index_cast %add3A_755 : i32 to index
        %get3A_823 = arith.constant 96 : index
        %get3A_824 = tpu.vector_load %arg10[%get3A_822, %get3A_823] {strides = array<i32>} : memref<128x128xf32, #tpu.memory_space<vmem>>, vector<1x16xf32>,
        %get3A_825 = vector.shape_cast %get3A_824 : vector<1x16xf32> to vector<16xf32>
        %mul3A_826 = vector.broadcast %squeeze3A_751 : f32 to vector<16xf32>
        %mul3A_827 = arith.mulf %get3A_825, %mul3A_826 : vector<16xf32>
        %swap3A_828 = arith.index_cast %add3A_755 : i32 to index
        %swap3A_829 = arith.constant 96 : index
        %swap3A_830 = tpu.vector_load %arg10[%swap3A_828, %swap3A_829] {strides = array<i32>} : memref<128x128xf32, #tpu.memory_space<vmem>>, vector<1x16xf32>,
        %swap3A_831 = vector.shape_cast %swap3A_830 : vector<1x16xf32> to vector<16xf32>
        %swap3A_832 = vector.shape_cast %mul3A_827 : vector<16xf32> to vector<1x16xf32>
        tpu.vector_store %arg10[%swap3A_828, %swap3A_829], %swap3A_832 {strides = array<i32>} : memref<128x128xf32, #tpu.memory_space<vmem>>, vector<1x16xf32>,
        %get3A_833 = arith.index_cast %add3A_755 : i32 to index
        %get3A_834 = arith.constant 112 : index
        %get3A_835 = tpu.vector_load %arg10[%get3A_833, %get3A_834] {strides = array<i32>} : memref<128x128xf32, #tpu.memory_space<vmem>>, vector<1x16xf32>,
        %get3A_836 = vector.shape_cast %get3A_835 : vector<1x16xf32> to vector<16xf32>
        %mul3A_837 = vector.broadcast %squeeze3A_751 : f32 to vector<16xf32>
        %mul3A_838 = arith.mulf %get3A_836, %mul3A_837 : vector<16xf32>
        %swap3A_839 = arith.index_cast %add3A_755 : i32 to index
        %swap3A_840 = arith.constant 112 : index
        %swap3A_841 = tpu.vector_load %arg10[%swap3A_839, %swap3A_840] {strides = array<i32>} : memref<128x128xf32, #tpu.memory_space<vmem>>, vector<1x16xf32>,
        %swap3A_842 = vector.shape_cast %swap3A_841 : vector<1x16xf32> to vector<16xf32>
        %swap3A_843 = vector.shape_cast %mul3A_838 : vector<16xf32> to vector<1x16xf32>
        tpu.vector_store %arg10[%swap3A_839, %swap3A_840], %swap3A_843 {strides = array<i32>} : memref<128x128xf32, #tpu.memory_space<vmem>>, vector<1x16xf32>,
        %slice3A_844 = vector.extract_strided_slice %get3A_94 {offsets = [8], sizes = [1], strides = [1]} : vector<16xf32> to vector<1xf32>
        %squeeze3A_845 = vector.extract %slice3A_844[0] : f32 from vector<1xf32>
        %mul3A_846 = arith.constant 16 : i32
        %mul3A_847 = arith.muli %scan3A_88, %mul3A_846 : i32
        %add3A_848 = arith.constant 8 : i32
        %add3A_849 = arith.addi %mul3A_847, %add3A_848 : i32
        %get3A_850 = arith.index_cast %add3A_849 : i32 to index
        %get3A_851 = arith.constant 0 : index
        %get3A_852 = tpu.vector_load %arg10[%get3A_850, %get3A_851] {strides = array<i32>} : memref<128x128xf32, #tpu.memory_space<vmem>>, vector<1x16xf32>,
        %get3A_853 = vector.shape_cast %get3A_852 : vector<1x16xf32> to vector<16xf32>
        %mul3A_854 = vector.broadcast %squeeze3A_845 : f32 to vector<16xf32>
        %mul3A_855 = arith.mulf %get3A_853, %mul3A_854 : vector<16xf32>
        %swap3A_856 = arith.index_cast %add3A_849 : i32 to index
        %swap3A_857 = arith.constant 0 : index
        %swap3A_858 = tpu.vector_load %arg10[%swap3A_856, %swap3A_857] {strides = array<i32>} : memref<128x128xf32, #tpu.memory_space<vmem>>, vector<1x16xf32>,
        %swap3A_859 = vector.shape_cast %swap3A_858 : vector<1x16xf32> to vector<16xf32>
        %swap3A_860 = vector.shape_cast %mul3A_855 : vector<16xf32> to vector<1x16xf32>
        tpu.vector_store %arg10[%swap3A_856, %swap3A_857], %swap3A_860 {strides = array<i32>} : memref<128x128xf32, #tpu.memory_space<vmem>>, vector<1x16xf32>,
        %get3A_861 = arith.index_cast %add3A_849 : i32 to index
        %get3A_862 = arith.constant 16 : index
        %get3A_863 = tpu.vector_load %arg10[%get3A_861, %get3A_862] {strides = array<i32>} : memref<128x128xf32, #tpu.memory_space<vmem>>, vector<1x16xf32>,
        %get3A_864 = vector.shape_cast %get3A_863 : vector<1x16xf32> to vector<16xf32>
        %mul3A_865 = vector.broadcast %squeeze3A_845 : f32 to vector<16xf32>
        %mul3A_866 = arith.mulf %get3A_864, %mul3A_865 : vector<16xf32>
        %swap3A_867 = arith.index_cast %add3A_849 : i32 to index
        %swap3A_868 = arith.constant 16 : index
        %swap3A_869 = tpu.vector_load %arg10[%swap3A_867, %swap3A_868] {strides = array<i32>} : memref<128x128xf32, #tpu.memory_space<vmem>>, vector<1x16xf32>,
        %swap3A_870 = vector.shape_cast %swap3A_869 : vector<1x16xf32> to vector<16xf32>
        %swap3A_871 = vector.shape_cast %mul3A_866 : vector<16xf32> to vector<1x16xf32>
        tpu.vector_store %arg10[%swap3A_867, %swap3A_868], %swap3A_871 {strides = array<i32>} : memref<128x128xf32, #tpu.memory_space<vmem>>, vector<1x16xf32>,
        %get3A_872 = arith.index_cast %add3A_849 : i32 to index
        %get3A_873 = arith.constant 32 : index
        %get3A_874 = tpu.vector_load %arg10[%get3A_872, %get3A_873] {strides = array<i32>} : memref<128x128xf32, #tpu.memory_space<vmem>>, vector<1x16xf32>,
        %get3A_875 = vector.shape_cast %get3A_874 : vector<1x16xf32> to vector<16xf32>
        %mul3A_876 = vector.broadcast %squeeze3A_845 : f32 to vector<16xf32>
        %mul3A_877 = arith.mulf %get3A_875, %mul3A_876 : vector<16xf32>
        %swap3A_878 = arith.index_cast %add3A_849 : i32 to index
        %swap3A_879 = arith.constant 32 : index
        %swap3A_880 = tpu.vector_load %arg10[%swap3A_878, %swap3A_879] {strides = array<i32>} : memref<128x128xf32, #tpu.memory_space<vmem>>, vector<1x16xf32>,
        %swap3A_881 = vector.shape_cast %swap3A_880 : vector<1x16xf32> to vector<16xf32>
        %swap3A_882 = vector.shape_cast %mul3A_877 : vector<16xf32> to vector<1x16xf32>
        tpu.vector_store %arg10[%swap3A_878, %swap3A_879], %swap3A_882 {strides = array<i32>} : memref<128x128xf32, #tpu.memory_space<vmem>>, vector<1x16xf32>,
        %get3A_883 = arith.index_cast %add3A_849 : i32 to index
        %get3A_884 = arith.constant 48 : index
        %get3A_885 = tpu.vector_load %arg10[%get3A_883, %get3A_884] {strides = array<i32>} : memref<128x128xf32, #tpu.memory_space<vmem>>, vector<1x16xf32>,
        %get3A_886 = vector.shape_cast %get3A_885 : vector<1x16xf32> to vector<16xf32>
        %mul3A_887 = vector.broadcast %squeeze3A_845 : f32 to vector<16xf32>
        %mul3A_888 = arith.mulf %get3A_886, %mul3A_887 : vector<16xf32>
        %swap3A_889 = arith.index_cast %add3A_849 : i32 to index
        %swap3A_890 = arith.constant 48 : index
        %swap3A_891 = tpu.vector_load %arg10[%swap3A_889, %swap3A_890] {strides = array<i32>} : memref<128x128xf32, #tpu.memory_space<vmem>>, vector<1x16xf32>,
        %swap3A_892 = vector.shape_cast %swap3A_891 : vector<1x16xf32> to vector<16xf32>
        %swap3A_893 = vector.shape_cast %mul3A_888 : vector<16xf32> to vector<1x16xf32>
        tpu.vector_store %arg10[%swap3A_889, %swap3A_890], %swap3A_893 {strides = array<i32>} : memref<128x128xf32, #tpu.memory_space<vmem>>, vector<1x16xf32>,
        %get3A_894 = arith.index_cast %add3A_849 : i32 to index
        %get3A_895 = arith.constant 64 : index
        %get3A_896 = tpu.vector_load %arg10[%get3A_894, %get3A_895] {strides = array<i32>} : memref<128x128xf32, #tpu.memory_space<vmem>>, vector<1x16xf32>,
        %get3A_897 = vector.shape_cast %get3A_896 : vector<1x16xf32> to vector<16xf32>
        %mul3A_898 = vector.broadcast %squeeze3A_845 : f32 to vector<16xf32>
        %mul3A_899 = arith.mulf %get3A_897, %mul3A_898 : vector<16xf32>
        %swap3A_900 = arith.index_cast %add3A_849 : i32 to index
        %swap3A_901 = arith.constant 64 : index
        %swap3A_902 = tpu.vector_load %arg10[%swap3A_900, %swap3A_901] {strides = array<i32>} : memref<128x128xf32, #tpu.memory_space<vmem>>, vector<1x16xf32>,
        %swap3A_903 = vector.shape_cast %swap3A_902 : vector<1x16xf32> to vector<16xf32>
        %swap3A_904 = vector.shape_cast %mul3A_899 : vector<16xf32> to vector<1x16xf32>
        tpu.vector_store %arg10[%swap3A_900, %swap3A_901], %swap3A_904 {strides = array<i32>} : memref<128x128xf32, #tpu.memory_space<vmem>>, vector<1x16xf32>,
        %get3A_905 = arith.index_cast %add3A_849 : i32 to index
        %get3A_906 = arith.constant 80 : index
        %get3A_907 = tpu.vector_load %arg10[%get3A_905, %get3A_906] {strides = array<i32>} : memref<128x128xf32, #tpu.memory_space<vmem>>, vector<1x16xf32>,
        %get3A_908 = vector.shape_cast %get3A_907 : vector<1x16xf32> to vector<16xf32>
        %mul3A_909 = vector.broadcast %squeeze3A_845 : f32 to vector<16xf32>
        %mul3A_910 = arith.mulf %get3A_908, %mul3A_909 : vector<16xf32>
        %swap3A_911 = arith.index_cast %add3A_849 : i32 to index
        %swap3A_912 = arith.constant 80 : index
        %swap3A_913 = tpu.vector_load %arg10[%swap3A_911, %swap3A_912] {strides = array<i32>} : memref<128x128xf32, #tpu.memory_space<vmem>>, vector<1x16xf32>,
        %swap3A_914 = vector.shape_cast %swap3A_913 : vector<1x16xf32> to vector<16xf32>
        %swap3A_915 = vector.shape_cast %mul3A_910 : vector<16xf32> to vector<1x16xf32>
        tpu.vector_store %arg10[%swap3A_911, %swap3A_912], %swap3A_915 {strides = array<i32>} : memref<128x128xf32, #tpu.memory_space<vmem>>, vector<1x16xf32>,
        %get3A_916 = arith.index_cast %add3A_849 : i32 to index
        %get3A_917 = arith.constant 96 : index
        %get3A_918 = tpu.vector_load %arg10[%get3A_916, %get3A_917] {strides = array<i32>} : memref<128x128xf32, #tpu.memory_space<vmem>>, vector<1x16xf32>,
        %get3A_919 = vector.shape_cast %get3A_918 : vector<1x16xf32> to vector<16xf32>
        %mul3A_920 = vector.broadcast %squeeze3A_845 : f32 to vector<16xf32>
        %mul3A_921 = arith.mulf %get3A_919, %mul3A_920 : vector<16xf32>
        %swap3A_922 = arith.index_cast %add3A_849 : i32 to index
        %swap3A_923 = arith.constant 96 : index
        %swap3A_924 = tpu.vector_load %arg10[%swap3A_922, %swap3A_923] {strides = array<i32>} : memref<128x128xf32, #tpu.memory_space<vmem>>, vector<1x16xf32>,
        %swap3A_925 = vector.shape_cast %swap3A_924 : vector<1x16xf32> to vector<16xf32>
        %swap3A_926 = vector.shape_cast %mul3A_921 : vector<16xf32> to vector<1x16xf32>
        tpu.vector_store %arg10[%swap3A_922, %swap3A_923], %swap3A_926 {strides = array<i32>} : memref<128x128xf32, #tpu.memory_space<vmem>>, vector<1x16xf32>,
        %get3A_927 = arith.index_cast %add3A_849 : i32 to index
        %get3A_928 = arith.constant 112 : index
        %get3A_929 = tpu.vector_load %arg10[%get3A_927, %get3A_928] {strides = array<i32>} : memref<128x128xf32, #tpu.memory_space<vmem>>, vector<1x16xf32>,
        %get3A_930 = vector.shape_cast %get3A_929 : vector<1x16xf32> to vector<16xf32>
        %mul3A_931 = vector.broadcast %squeeze3A_845 : f32 to vector<16xf32>
        %mul3A_932 = arith.mulf %get3A_930, %mul3A_931 : vector<16xf32>
        %swap3A_933 = arith.index_cast %add3A_849 : i32 to index
        %swap3A_934 = arith.constant 112 : index
        %swap3A_935 = tpu.vector_load %arg10[%swap3A_933, %swap3A_934] {strides = array<i32>} : memref<128x128xf32, #tpu.memory_space<vmem>>, vector<1x16xf32>,
        %swap3A_936 = vector.shape_cast %swap3A_935 : vector<1x16xf32> to vector<16xf32>
        %swap3A_937 = vector.shape_cast %mul3A_932 : vector<16xf32> to vector<1x16xf32>
        tpu.vector_store %arg10[%swap3A_933, %swap3A_934], %swap3A_937 {strides = array<i32>} : memref<128x128xf32, #tpu.memory_space<vmem>>, vector<1x16xf32>,
        %slice3A_938 = vector.extract_strided_slice %get3A_94 {offsets = [9], sizes = [1], strides = [1]} : vector<16xf32> to vector<1xf32>
        %squeeze3A_939 = vector.extract %slice3A_938[0] : f32 from vector<1xf32>
        %mul3A_940 = arith.constant 16 : i32
        %mul3A_941 = arith.muli %scan3A_88, %mul3A_940 : i32
        %add3A_942 = arith.constant 9 : i32
        %add3A_943 = arith.addi %mul3A_941, %add3A_942 : i32
        %get3A_944 = arith.index_cast %add3A_943 : i32 to index
        %get3A_945 = arith.constant 0 : index
        %get3A_946 = tpu.vector_load %arg10[%get3A_944, %get3A_945] {strides = array<i32>} : memref<128x128xf32, #tpu.memory_space<vmem>>, vector<1x16xf32>,
        %get3A_947 = vector.shape_cast %get3A_946 : vector<1x16xf32> to vector<16xf32>
        %mul3A_948 = vector.broadcast %squeeze3A_939 : f32 to vector<16xf32>
        %mul3A_949 = arith.mulf %get3A_947, %mul3A_948 : vector<16xf32>
        %swap3A_950 = arith.index_cast %add3A_943 : i32 to index
        %swap3A_951 = arith.constant 0 : index
        %swap3A_952 = tpu.vector_load %arg10[%swap3A_950, %swap3A_951] {strides = array<i32>} : memref<128x128xf32, #tpu.memory_space<vmem>>, vector<1x16xf32>,
        %swap3A_953 = vector.shape_cast %swap3A_952 : vector<1x16xf32> to vector<16xf32>
        %swap3A_954 = vector.shape_cast %mul3A_949 : vector<16xf32> to vector<1x16xf32>
        tpu.vector_store %arg10[%swap3A_950, %swap3A_951], %swap3A_954 {strides = array<i32>} : memref<128x128xf32, #tpu.memory_space<vmem>>, vector<1x16xf32>,
        %get3A_955 = arith.index_cast %add3A_943 : i32 to index
        %get3A_956 = arith.constant 16 : index
        %get3A_957 = tpu.vector_load %arg10[%get3A_955, %get3A_956] {strides = array<i32>} : memref<128x128xf32, #tpu.memory_space<vmem>>, vector<1x16xf32>,
        %get3A_958 = vector.shape_cast %get3A_957 : vector<1x16xf32> to vector<16xf32>
        %mul3A_959 = vector.broadcast %squeeze3A_939 : f32 to vector<16xf32>
        %mul3A_960 = arith.mulf %get3A_958, %mul3A_959 : vector<16xf32>
        %swap3A_961 = arith.index_cast %add3A_943 : i32 to index
        %swap3A_962 = arith.constant 16 : index
        %swap3A_963 = tpu.vector_load %arg10[%swap3A_961, %swap3A_962] {strides = array<i32>} : memref<128x128xf32, #tpu.memory_space<vmem>>, vector<1x16xf32>,
        %swap3A_964 = vector.shape_cast %swap3A_963 : vector<1x16xf32> to vector<16xf32>
        %swap3A_965 = vector.shape_cast %mul3A_960 : vector<16xf32> to vector<1x16xf32>
        tpu.vector_store %arg10[%swap3A_961, %swap3A_962], %swap3A_965 {strides = array<i32>} : memref<128x128xf32, #tpu.memory_space<vmem>>, vector<1x16xf32>,
        %get3A_966 = arith.index_cast %add3A_943 : i32 to index
        %get3A_967 = arith.constant 32 : index
        %get3A_968 = tpu.vector_load %arg10[%get3A_966, %get3A_967] {strides = array<i32>} : memref<128x128xf32, #tpu.memory_space<vmem>>, vector<1x16xf32>,
        %get3A_969 = vector.shape_cast %get3A_968 : vector<1x16xf32> to vector<16xf32>
        %mul3A_970 = vector.broadcast %squeeze3A_939 : f32 to vector<16xf32>
        %mul3A_971 = arith.mulf %get3A_969, %mul3A_970 : vector<16xf32>
        %swap3A_972 = arith.index_cast %add3A_943 : i32 to index
        %swap3A_973 = arith.constant 32 : index
        %swap3A_974 = tpu.vector_load %arg10[%swap3A_972, %swap3A_973] {strides = array<i32>} : memref<128x128xf32, #tpu.memory_space<vmem>>, vector<1x16xf32>,
        %swap3A_975 = vector.shape_cast %swap3A_974 : vector<1x16xf32> to vector<16xf32>
        %swap3A_976 = vector.shape_cast %mul3A_971 : vector<16xf32> to vector<1x16xf32>
        tpu.vector_store %arg10[%swap3A_972, %swap3A_973], %swap3A_976 {strides = array<i32>} : memref<128x128xf32, #tpu.memory_space<vmem>>, vector<1x16xf32>,
        %get3A_977 = arith.index_cast %add3A_943 : i32 to index
        %get3A_978 = arith.constant 48 : index
        %get3A_979 = tpu.vector_load %arg10[%get3A_977, %get3A_978] {strides = array<i32>} : memref<128x128xf32, #tpu.memory_space<vmem>>, vector<1x16xf32>,
        %get3A_980 = vector.shape_cast %get3A_979 : vector<1x16xf32> to vector<16xf32>
        %mul3A_981 = vector.broadcast %squeeze3A_939 : f32 to vector<16xf32>
        %mul3A_982 = arith.mulf %get3A_980, %mul3A_981 : vector<16xf32>
        %swap3A_983 = arith.index_cast %add3A_943 : i32 to index
        %swap3A_984 = arith.constant 48 : index
        %swap3A_985 = tpu.vector_load %arg10[%swap3A_983, %swap3A_984] {strides = array<i32>} : memref<128x128xf32, #tpu.memory_space<vmem>>, vector<1x16xf32>,
        %swap3A_986 = vector.shape_cast %swap3A_985 : vector<1x16xf32> to vector<16xf32>
        %swap3A_987 = vector.shape_cast %mul3A_982 : vector<16xf32> to vector<1x16xf32>
        tpu.vector_store %arg10[%swap3A_983, %swap3A_984], %swap3A_987 {strides = array<i32>} : memref<128x128xf32, #tpu.memory_space<vmem>>, vector<1x16xf32>,
        %get3A_988 = arith.index_cast %add3A_943 : i32 to index
        %get3A_989 = arith.constant 64 : index
        %get3A_990 = tpu.vector_load %arg10[%get3A_988, %get3A_989] {strides = array<i32>} : memref<128x128xf32, #tpu.memory_space<vmem>>, vector<1x16xf32>,
        %get3A_991 = vector.shape_cast %get3A_990 : vector<1x16xf32> to vector<16xf32>
        %mul3A_992 = vector.broadcast %squeeze3A_939 : f32 to vector<16xf32>
        %mul3A_993 = arith.mulf %get3A_991, %mul3A_992 : vector<16xf32>
        %swap3A_994 = arith.index_cast %add3A_943 : i32 to index
        %swap3A_995 = arith.constant 64 : index
        %swap3A_996 = tpu.vector_load %arg10[%swap3A_994, %swap3A_995] {strides = array<i32>} : memref<128x128xf32, #tpu.memory_space<vmem>>, vector<1x16xf32>,
        %swap3A_997 = vector.shape_cast %swap3A_996 : vector<1x16xf32> to vector<16xf32>
        %swap3A_998 = vector.shape_cast %mul3A_993 : vector<16xf32> to vector<1x16xf32>
        tpu.vector_store %arg10[%swap3A_994, %swap3A_995], %swap3A_998 {strides = array<i32>} : memref<128x128xf32, #tpu.memory_space<vmem>>, vector<1x16xf32>,
        %get3A_999 = arith.index_cast %add3A_943 : i32 to index
        %get3A_1000 = arith.constant 80 : index
        %get3A_1001 = tpu.vector_load %arg10[%get3A_999, %get3A_1000] {strides = array<i32>} : memref<128x128xf32, #tpu.memory_space<vmem>>, vector<1x16xf32>,
        %get3A_1002 = vector.shape_cast %get3A_1001 : vector<1x16xf32> to vector<16xf32>
        %mul3A_1003 = vector.broadcast %squeeze3A_939 : f32 to vector<16xf32>
        %mul3A_1004 = arith.mulf %get3A_1002, %mul3A_1003 : vector<16xf32>
        %swap3A_1005 = arith.index_cast %add3A_943 : i32 to index
        %swap3A_1006 = arith.constant 80 : index
        %swap3A_1007 = tpu.vector_load %arg10[%swap3A_1005, %swap3A_1006] {strides = array<i32>} : memref<128x128xf32, #tpu.memory_space<vmem>>, vector<1x16xf32>,
        %swap3A_1008 = vector.shape_cast %swap3A_1007 : vector<1x16xf32> to vector<16xf32>
        %swap3A_1009 = vector.shape_cast %mul3A_1004 : vector<16xf32> to vector<1x16xf32>
        tpu.vector_store %arg10[%swap3A_1005, %swap3A_1006], %swap3A_1009 {strides = array<i32>} : memref<128x128xf32, #tpu.memory_space<vmem>>, vector<1x16xf32>,
        %get3A_1010 = arith.index_cast %add3A_943 : i32 to index
        %get3A_1011 = arith.constant 96 : index
        %get3A_1012 = tpu.vector_load %arg10[%get3A_1010, %get3A_1011] {strides = array<i32>} : memref<128x128xf32, #tpu.memory_space<vmem>>, vector<1x16xf32>,
        %get3A_1013 = vector.shape_cast %get3A_1012 : vector<1x16xf32> to vector<16xf32>
        %mul3A_1014 = vector.broadcast %squeeze3A_939 : f32 to vector<16xf32>
        %mul3A_1015 = arith.mulf %get3A_1013, %mul3A_1014 : vector<16xf32>
        %swap3A_1016 = arith.index_cast %add3A_943 : i32 to index
        %swap3A_1017 = arith.constant 96 : index
        %swap3A_1018 = tpu.vector_load %arg10[%swap3A_1016, %swap3A_1017] {strides = array<i32>} : memref<128x128xf32, #tpu.memory_space<vmem>>, vector<1x16xf32>,
        %swap3A_1019 = vector.shape_cast %swap3A_1018 : vector<1x16xf32> to vector<16xf32>
        %swap3A_1020 = vector.shape_cast %mul3A_1015 : vector<16xf32> to vector<1x16xf32>
        tpu.vector_store %arg10[%swap3A_1016, %swap3A_1017], %swap3A_1020 {strides = array<i32>} : memref<128x128xf32, #tpu.memory_space<vmem>>, vector<1x16xf32>,
        %get3A_1021 = arith.index_cast %add3A_943 : i32 to index
        %get3A_1022 = arith.constant 112 : index
        %get3A_1023 = tpu.vector_load %arg10[%get3A_1021, %get3A_1022] {strides = array<i32>} : memref<128x128xf32, #tpu.memory_space<vmem>>, vector<1x16xf32>,
        %get3A_1024 = vector.shape_cast %get3A_1023 : vector<1x16xf32> to vector<16xf32>
        %mul3A_1025 = vector.broadcast %squeeze3A_939 : f32 to vector<16xf32>
        %mul3A_1026 = arith.mulf %get3A_1024, %mul3A_1025 : vector<16xf32>
        %swap3A_1027 = arith.index_cast %add3A_943 : i32 to index
        %swap3A_1028 = arith.constant 112 : index
        %swap3A_1029 = tpu.vector_load %arg10[%swap3A_1027, %swap3A_1028] {strides = array<i32>} : memref<128x128xf32, #tpu.memory_space<vmem>>, vector<1x16xf32>,
        %swap3A_1030 = vector.shape_cast %swap3A_1029 : vector<1x16xf32> to vector<16xf32>
        %swap3A_1031 = vector.shape_cast %mul3A_1026 : vector<16xf32> to vector<1x16xf32>
        tpu.vector_store %arg10[%swap3A_1027, %swap3A_1028], %swap3A_1031 {strides = array<i32>} : memref<128x128xf32, #tpu.memory_space<vmem>>, vector<1x16xf32>,
        %slice3A_1032 = vector.extract_strided_slice %get3A_94 {offsets = [10], sizes = [1], strides = [1]} : vector<16xf32> to vector<1xf32>
        %squeeze3A_1033 = vector.extract %slice3A_1032[0] : f32 from vector<1xf32>
        %mul3A_1034 = arith.constant 16 : i32
        %mul3A_1035 = arith.muli %scan3A_88, %mul3A_1034 : i32
        %add3A_1036 = arith.constant 10 : i32
        %add3A_1037 = arith.addi %mul3A_1035, %add3A_1036 : i32
        %get3A_1038 = arith.index_cast %add3A_1037 : i32 to index
        %get3A_1039 = arith.constant 0 : index
        %get3A_1040 = tpu.vector_load %arg10[%get3A_1038, %get3A_1039] {strides = array<i32>} : memref<128x128xf32, #tpu.memory_space<vmem>>, vector<1x16xf32>,
        %get3A_1041 = vector.shape_cast %get3A_1040 : vector<1x16xf32> to vector<16xf32>
        %mul3A_1042 = vector.broadcast %squeeze3A_1033 : f32 to vector<16xf32>
        %mul3A_1043 = arith.mulf %get3A_1041, %mul3A_1042 : vector<16xf32>
        %swap3A_1044 = arith.index_cast %add3A_1037 : i32 to index
        %swap3A_1045 = arith.constant 0 : index
        %swap3A_1046 = tpu.vector_load %arg10[%swap3A_1044, %swap3A_1045] {strides = array<i32>} : memref<128x128xf32, #tpu.memory_space<vmem>>, vector<1x16xf32>,
        %swap3A_1047 = vector.shape_cast %swap3A_1046 : vector<1x16xf32> to vector<16xf32>
        %swap3A_1048 = vector.shape_cast %mul3A_1043 : vector<16xf32> to vector<1x16xf32>
        tpu.vector_store %arg10[%swap3A_1044, %swap3A_1045], %swap3A_1048 {strides = array<i32>} : memref<128x128xf32, #tpu.memory_space<vmem>>, vector<1x16xf32>,
        %get3A_1049 = arith.index_cast %add3A_1037 : i32 to index
        %get3A_1050 = arith.constant 16 : index
        %get3A_1051 = tpu.vector_load %arg10[%get3A_1049, %get3A_1050] {strides = array<i32>} : memref<128x128xf32, #tpu.memory_space<vmem>>, vector<1x16xf32>,
        %get3A_1052 = vector.shape_cast %get3A_1051 : vector<1x16xf32> to vector<16xf32>
        %mul3A_1053 = vector.broadcast %squeeze3A_1033 : f32 to vector<16xf32>
        %mul3A_1054 = arith.mulf %get3A_1052, %mul3A_1053 : vector<16xf32>
        %swap3A_1055 = arith.index_cast %add3A_1037 : i32 to index
        %swap3A_1056 = arith.constant 16 : index
        %swap3A_1057 = tpu.vector_load %arg10[%swap3A_1055, %swap3A_1056] {strides = array<i32>} : memref<128x128xf32, #tpu.memory_space<vmem>>, vector<1x16xf32>,
        %swap3A_1058 = vector.shape_cast %swap3A_1057 : vector<1x16xf32> to vector<16xf32>
        %swap3A_1059 = vector.shape_cast %mul3A_1054 : vector<16xf32> to vector<1x16xf32>
        tpu.vector_store %arg10[%swap3A_1055, %swap3A_1056], %swap3A_1059 {strides = array<i32>} : memref<128x128xf32, #tpu.memory_space<vmem>>, vector<1x16xf32>,
        %get3A_1060 = arith.index_cast %add3A_1037 : i32 to index
        %get3A_1061 = arith.constant 32 : index
        %get3A_1062 = tpu.vector_load %arg10[%get3A_1060, %get3A_1061] {strides = array<i32>} : memref<128x128xf32, #tpu.memory_space<vmem>>, vector<1x16xf32>,
        %get3A_1063 = vector.shape_cast %get3A_1062 : vector<1x16xf32> to vector<16xf32>
        %mul3A_1064 = vector.broadcast %squeeze3A_1033 : f32 to vector<16xf32>
        %mul3A_1065 = arith.mulf %get3A_1063, %mul3A_1064 : vector<16xf32>
        %swap3A_1066 = arith.index_cast %add3A_1037 : i32 to index
        %swap3A_1067 = arith.constant 32 : index
        %swap3A_1068 = tpu.vector_load %arg10[%swap3A_1066, %swap3A_1067] {strides = array<i32>} : memref<128x128xf32, #tpu.memory_space<vmem>>, vector<1x16xf32>,
        %swap3A_1069 = vector.shape_cast %swap3A_1068 : vector<1x16xf32> to vector<16xf32>
        %swap3A_1070 = vector.shape_cast %mul3A_1065 : vector<16xf32> to vector<1x16xf32>
        tpu.vector_store %arg10[%swap3A_1066, %swap3A_1067], %swap3A_1070 {strides = array<i32>} : memref<128x128xf32, #tpu.memory_space<vmem>>, vector<1x16xf32>,
        %get3A_1071 = arith.index_cast %add3A_1037 : i32 to index
        %get3A_1072 = arith.constant 48 : index
        %get3A_1073 = tpu.vector_load %arg10[%get3A_1071, %get3A_1072] {strides = array<i32>} : memref<128x128xf32, #tpu.memory_space<vmem>>, vector<1x16xf32>,
        %get3A_1074 = vector.shape_cast %get3A_1073 : vector<1x16xf32> to vector<16xf32>
        %mul3A_1075 = vector.broadcast %squeeze3A_1033 : f32 to vector<16xf32>
        %mul3A_1076 = arith.mulf %get3A_1074, %mul3A_1075 : vector<16xf32>
        %swap3A_1077 = arith.index_cast %add3A_1037 : i32 to index
        %swap3A_1078 = arith.constant 48 : index
        %swap3A_1079 = tpu.vector_load %arg10[%swap3A_1077, %swap3A_1078] {strides = array<i32>} : memref<128x128xf32, #tpu.memory_space<vmem>>, vector<1x16xf32>,
        %swap3A_1080 = vector.shape_cast %swap3A_1079 : vector<1x16xf32> to vector<16xf32>
        %swap3A_1081 = vector.shape_cast %mul3A_1076 : vector<16xf32> to vector<1x16xf32>
        tpu.vector_store %arg10[%swap3A_1077, %swap3A_1078], %swap3A_1081 {strides = array<i32>} : memref<128x128xf32, #tpu.memory_space<vmem>>, vector<1x16xf32>,
        %get3A_1082 = arith.index_cast %add3A_1037 : i32 to index
        %get3A_1083 = arith.constant 64 : index
        %get3A_1084 = tpu.vector_load %arg10[%get3A_1082, %get3A_1083] {strides = array<i32>} : memref<128x128xf32, #tpu.memory_space<vmem>>, vector<1x16xf32>,
        %get3A_1085 = vector.shape_cast %get3A_1084 : vector<1x16xf32> to vector<16xf32>
        %mul3A_1086 = vector.broadcast %squeeze3A_1033 : f32 to vector<16xf32>
        %mul3A_1087 = arith.mulf %get3A_1085, %mul3A_1086 : vector<16xf32>
        %swap3A_1088 = arith.index_cast %add3A_1037 : i32 to index
        %swap3A_1089 = arith.constant 64 : index
        %swap3A_1090 = tpu.vector_load %arg10[%swap3A_1088, %swap3A_1089] {strides = array<i32>} : memref<128x128xf32, #tpu.memory_space<vmem>>, vector<1x16xf32>,
        %swap3A_1091 = vector.shape_cast %swap3A_1090 : vector<1x16xf32> to vector<16xf32>
        %swap3A_1092 = vector.shape_cast %mul3A_1087 : vector<16xf32> to vector<1x16xf32>
        tpu.vector_store %arg10[%swap3A_1088, %swap3A_1089], %swap3A_1092 {strides = array<i32>} : memref<128x128xf32, #tpu.memory_space<vmem>>, vector<1x16xf32>,
        %get3A_1093 = arith.index_cast %add3A_1037 : i32 to index
        %get3A_1094 = arith.constant 80 : index
        %get3A_1095 = tpu.vector_load %arg10[%get3A_1093, %get3A_1094] {strides = array<i32>} : memref<128x128xf32, #tpu.memory_space<vmem>>, vector<1x16xf32>,
        %get3A_1096 = vector.shape_cast %get3A_1095 : vector<1x16xf32> to vector<16xf32>
        %mul3A_1097 = vector.broadcast %squeeze3A_1033 : f32 to vector<16xf32>
        %mul3A_1098 = arith.mulf %get3A_1096, %mul3A_1097 : vector<16xf32>
        %swap3A_1099 = arith.index_cast %add3A_1037 : i32 to index
        %swap3A_1100 = arith.constant 80 : index
        %swap3A_1101 = tpu.vector_load %arg10[%swap3A_1099, %swap3A_1100] {strides = array<i32>} : memref<128x128xf32, #tpu.memory_space<vmem>>, vector<1x16xf32>,
        %swap3A_1102 = vector.shape_cast %swap3A_1101 : vector<1x16xf32> to vector<16xf32>
        %swap3A_1103 = vector.shape_cast %mul3A_1098 : vector<16xf32> to vector<1x16xf32>
        tpu.vector_store %arg10[%swap3A_1099, %swap3A_1100], %swap3A_1103 {strides = array<i32>} : memref<128x128xf32, #tpu.memory_space<vmem>>, vector<1x16xf32>,
        %get3A_1104 = arith.index_cast %add3A_1037 : i32 to index
        %get3A_1105 = arith.constant 96 : index
        %get3A_1106 = tpu.vector_load %arg10[%get3A_1104, %get3A_1105] {strides = array<i32>} : memref<128x128xf32, #tpu.memory_space<vmem>>, vector<1x16xf32>,
        %get3A_1107 = vector.shape_cast %get3A_1106 : vector<1x16xf32> to vector<16xf32>
        %mul3A_1108 = vector.broadcast %squeeze3A_1033 : f32 to vector<16xf32>
        %mul3A_1109 = arith.mulf %get3A_1107, %mul3A_1108 : vector<16xf32>
        %swap3A_1110 = arith.index_cast %add3A_1037 : i32 to index
        %swap3A_1111 = arith.constant 96 : index
        %swap3A_1112 = tpu.vector_load %arg10[%swap3A_1110, %swap3A_1111] {strides = array<i32>} : memref<128x128xf32, #tpu.memory_space<vmem>>, vector<1x16xf32>,
        %swap3A_1113 = vector.shape_cast %swap3A_1112 : vector<1x16xf32> to vector<16xf32>
        %swap3A_1114 = vector.shape_cast %mul3A_1109 : vector<16xf32> to vector<1x16xf32>
        tpu.vector_store %arg10[%swap3A_1110, %swap3A_1111], %swap3A_1114 {strides = array<i32>} : memref<128x128xf32, #tpu.memory_space<vmem>>, vector<1x16xf32>,
        %get3A_1115 = arith.index_cast %add3A_1037 : i32 to index
        %get3A_1116 = arith.constant 112 : index
        %get3A_1117 = tpu.vector_load %arg10[%get3A_1115, %get3A_1116] {strides = array<i32>} : memref<128x128xf32, #tpu.memory_space<vmem>>, vector<1x16xf32>,
        %get3A_1118 = vector.shape_cast %get3A_1117 : vector<1x16xf32> to vector<16xf32>
        %mul3A_1119 = vector.broadcast %squeeze3A_1033 : f32 to vector<16xf32>
        %mul3A_1120 = arith.mulf %get3A_1118, %mul3A_1119 : vector<16xf32>
        %swap3A_1121 = arith.index_cast %add3A_1037 : i32 to index
        %swap3A_1122 = arith.constant 112 : index
        %swap3A_1123 = tpu.vector_load %arg10[%swap3A_1121, %swap3A_1122] {strides = array<i32>} : memref<128x128xf32, #tpu.memory_space<vmem>>, vector<1x16xf32>,
        %swap3A_1124 = vector.shape_cast %swap3A_1123 : vector<1x16xf32> to vector<16xf32>
        %swap3A_1125 = vector.shape_cast %mul3A_1120 : vector<16xf32> to vector<1x16xf32>
        tpu.vector_store %arg10[%swap3A_1121, %swap3A_1122], %swap3A_1125 {strides = array<i32>} : memref<128x128xf32, #tpu.memory_space<vmem>>, vector<1x16xf32>,
        %slice3A_1126 = vector.extract_strided_slice %get3A_94 {offsets = [11], sizes = [1], strides = [1]} : vector<16xf32> to vector<1xf32>
        %squeeze3A_1127 = vector.extract %slice3A_1126[0] : f32 from vector<1xf32>
        %mul3A_1128 = arith.constant 16 : i32
        %mul3A_1129 = arith.muli %scan3A_88, %mul3A_1128 : i32
        %add3A_1130 = arith.constant 11 : i32
        %add3A_1131 = arith.addi %mul3A_1129, %add3A_1130 : i32
        %get3A_1132 = arith.index_cast %add3A_1131 : i32 to index
        %get3A_1133 = arith.constant 0 : index
        %get3A_1134 = tpu.vector_load %arg10[%get3A_1132, %get3A_1133] {strides = array<i32>} : memref<128x128xf32, #tpu.memory_space<vmem>>, vector<1x16xf32>,
        %get3A_1135 = vector.shape_cast %get3A_1134 : vector<1x16xf32> to vector<16xf32>
        %mul3A_1136 = vector.broadcast %squeeze3A_1127 : f32 to vector<16xf32>
        %mul3A_1137 = arith.mulf %get3A_1135, %mul3A_1136 : vector<16xf32>
        %swap3A_1138 = arith.index_cast %add3A_1131 : i32 to index
        %swap3A_1139 = arith.constant 0 : index
        %swap3A_1140 = tpu.vector_load %arg10[%swap3A_1138, %swap3A_1139] {strides = array<i32>} : memref<128x128xf32, #tpu.memory_space<vmem>>, vector<1x16xf32>,
        %swap3A_1141 = vector.shape_cast %swap3A_1140 : vector<1x16xf32> to vector<16xf32>
        %swap3A_1142 = vector.shape_cast %mul3A_1137 : vector<16xf32> to vector<1x16xf32>
        tpu.vector_store %arg10[%swap3A_1138, %swap3A_1139], %swap3A_1142 {strides = array<i32>} : memref<128x128xf32, #tpu.memory_space<vmem>>, vector<1x16xf32>,
        %get3A_1143 = arith.index_cast %add3A_1131 : i32 to index
        %get3A_1144 = arith.constant 16 : index
        %get3A_1145 = tpu.vector_load %arg10[%get3A_1143, %get3A_1144] {strides = array<i32>} : memref<128x128xf32, #tpu.memory_space<vmem>>, vector<1x16xf32>,
        %get3A_1146 = vector.shape_cast %get3A_1145 : vector<1x16xf32> to vector<16xf32>
        %mul3A_1147 = vector.broadcast %squeeze3A_1127 : f32 to vector<16xf32>
        %mul3A_1148 = arith.mulf %get3A_1146, %mul3A_1147 : vector<16xf32>
        %swap3A_1149 = arith.index_cast %add3A_1131 : i32 to index
        %swap3A_1150 = arith.constant 16 : index
        %swap3A_1151 = tpu.vector_load %arg10[%swap3A_1149, %swap3A_1150] {strides = array<i32>} : memref<128x128xf32, #tpu.memory_space<vmem>>, vector<1x16xf32>,
        %swap3A_1152 = vector.shape_cast %swap3A_1151 : vector<1x16xf32> to vector<16xf32>
        %swap3A_1153 = vector.shape_cast %mul3A_1148 : vector<16xf32> to vector<1x16xf32>
        tpu.vector_store %arg10[%swap3A_1149, %swap3A_1150], %swap3A_1153 {strides = array<i32>} : memref<128x128xf32, #tpu.memory_space<vmem>>, vector<1x16xf32>,
        %get3A_1154 = arith.index_cast %add3A_1131 : i32 to index
        %get3A_1155 = arith.constant 32 : index
        %get3A_1156 = tpu.vector_load %arg10[%get3A_1154, %get3A_1155] {strides = array<i32>} : memref<128x128xf32, #tpu.memory_space<vmem>>, vector<1x16xf32>,
        %get3A_1157 = vector.shape_cast %get3A_1156 : vector<1x16xf32> to vector<16xf32>
        %mul3A_1158 = vector.broadcast %squeeze3A_1127 : f32 to vector<16xf32>
        %mul3A_1159 = arith.mulf %get3A_1157, %mul3A_1158 : vector<16xf32>
        %swap3A_1160 = arith.index_cast %add3A_1131 : i32 to index
        %swap3A_1161 = arith.constant 32 : index
        %swap3A_1162 = tpu.vector_load %arg10[%swap3A_1160, %swap3A_1161] {strides = array<i32>} : memref<128x128xf32, #tpu.memory_space<vmem>>, vector<1x16xf32>,
        %swap3A_1163 = vector.shape_cast %swap3A_1162 : vector<1x16xf32> to vector<16xf32>
        %swap3A_1164 = vector.shape_cast %mul3A_1159 : vector<16xf32> to vector<1x16xf32>
        tpu.vector_store %arg10[%swap3A_1160, %swap3A_1161], %swap3A_1164 {strides = array<i32>} : memref<128x128xf32, #tpu.memory_space<vmem>>, vector<1x16xf32>,
        %get3A_1165 = arith.index_cast %add3A_1131 : i32 to index
        %get3A_1166 = arith.constant 48 : index
        %get3A_1167 = tpu.vector_load %arg10[%get3A_1165, %get3A_1166] {strides = array<i32>} : memref<128x128xf32, #tpu.memory_space<vmem>>, vector<1x16xf32>,
        %get3A_1168 = vector.shape_cast %get3A_1167 : vector<1x16xf32> to vector<16xf32>
        %mul3A_1169 = vector.broadcast %squeeze3A_1127 : f32 to vector<16xf32>
        %mul3A_1170 = arith.mulf %get3A_1168, %mul3A_1169 : vector<16xf32>
        %swap3A_1171 = arith.index_cast %add3A_1131 : i32 to index
        %swap3A_1172 = arith.constant 48 : index
        %swap3A_1173 = tpu.vector_load %arg10[%swap3A_1171, %swap3A_1172] {strides = array<i32>} : memref<128x128xf32, #tpu.memory_space<vmem>>, vector<1x16xf32>,
        %swap3A_1174 = vector.shape_cast %swap3A_1173 : vector<1x16xf32> to vector<16xf32>
        %swap3A_1175 = vector.shape_cast %mul3A_1170 : vector<16xf32> to vector<1x16xf32>
        tpu.vector_store %arg10[%swap3A_1171, %swap3A_1172], %swap3A_1175 {strides = array<i32>} : memref<128x128xf32, #tpu.memory_space<vmem>>, vector<1x16xf32>,
        %get3A_1176 = arith.index_cast %add3A_1131 : i32 to index
        %get3A_1177 = arith.constant 64 : index
        %get3A_1178 = tpu.vector_load %arg10[%get3A_1176, %get3A_1177] {strides = array<i32>} : memref<128x128xf32, #tpu.memory_space<vmem>>, vector<1x16xf32>,
        %get3A_1179 = vector.shape_cast %get3A_1178 : vector<1x16xf32> to vector<16xf32>
        %mul3A_1180 = vector.broadcast %squeeze3A_1127 : f32 to vector<16xf32>
        %mul3A_1181 = arith.mulf %get3A_1179, %mul3A_1180 : vector<16xf32>
        %swap3A_1182 = arith.index_cast %add3A_1131 : i32 to index
        %swap3A_1183 = arith.constant 64 : index
        %swap3A_1184 = tpu.vector_load %arg10[%swap3A_1182, %swap3A_1183] {strides = array<i32>} : memref<128x128xf32, #tpu.memory_space<vmem>>, vector<1x16xf32>,
        %swap3A_1185 = vector.shape_cast %swap3A_1184 : vector<1x16xf32> to vector<16xf32>
        %swap3A_1186 = vector.shape_cast %mul3A_1181 : vector<16xf32> to vector<1x16xf32>
        tpu.vector_store %arg10[%swap3A_1182, %swap3A_1183], %swap3A_1186 {strides = array<i32>} : memref<128x128xf32, #tpu.memory_space<vmem>>, vector<1x16xf32>,
        %get3A_1187 = arith.index_cast %add3A_1131 : i32 to index
        %get3A_1188 = arith.constant 80 : index
        %get3A_1189 = tpu.vector_load %arg10[%get3A_1187, %get3A_1188] {strides = array<i32>} : memref<128x128xf32, #tpu.memory_space<vmem>>, vector<1x16xf32>,
        %get3A_1190 = vector.shape_cast %get3A_1189 : vector<1x16xf32> to vector<16xf32>
        %mul3A_1191 = vector.broadcast %squeeze3A_1127 : f32 to vector<16xf32>
        %mul3A_1192 = arith.mulf %get3A_1190, %mul3A_1191 : vector<16xf32>
        %swap3A_1193 = arith.index_cast %add3A_1131 : i32 to index
        %swap3A_1194 = arith.constant 80 : index
        %swap3A_1195 = tpu.vector_load %arg10[%swap3A_1193, %swap3A_1194] {strides = array<i32>} : memref<128x128xf32, #tpu.memory_space<vmem>>, vector<1x16xf32>,
        %swap3A_1196 = vector.shape_cast %swap3A_1195 : vector<1x16xf32> to vector<16xf32>
        %swap3A_1197 = vector.shape_cast %mul3A_1192 : vector<16xf32> to vector<1x16xf32>
        tpu.vector_store %arg10[%swap3A_1193, %swap3A_1194], %swap3A_1197 {strides = array<i32>} : memref<128x128xf32, #tpu.memory_space<vmem>>, vector<1x16xf32>,
        %get3A_1198 = arith.index_cast %add3A_1131 : i32 to index
        %get3A_1199 = arith.constant 96 : index
        %get3A_1200 = tpu.vector_load %arg10[%get3A_1198, %get3A_1199] {strides = array<i32>} : memref<128x128xf32, #tpu.memory_space<vmem>>, vector<1x16xf32>,
        %get3A_1201 = vector.shape_cast %get3A_1200 : vector<1x16xf32> to vector<16xf32>
        %mul3A_1202 = vector.broadcast %squeeze3A_1127 : f32 to vector<16xf32>
        %mul3A_1203 = arith.mulf %get3A_1201, %mul3A_1202 : vector<16xf32>
        %swap3A_1204 = arith.index_cast %add3A_1131 : i32 to index
        %swap3A_1205 = arith.constant 96 : index
        %swap3A_1206 = tpu.vector_load %arg10[%swap3A_1204, %swap3A_1205] {strides = array<i32>} : memref<128x128xf32, #tpu.memory_space<vmem>>, vector<1x16xf32>,
        %swap3A_1207 = vector.shape_cast %swap3A_1206 : vector<1x16xf32> to vector<16xf32>
        %swap3A_1208 = vector.shape_cast %mul3A_1203 : vector<16xf32> to vector<1x16xf32>
        tpu.vector_store %arg10[%swap3A_1204, %swap3A_1205], %swap3A_1208 {strides = array<i32>} : memref<128x128xf32, #tpu.memory_space<vmem>>, vector<1x16xf32>,
        %get3A_1209 = arith.index_cast %add3A_1131 : i32 to index
        %get3A_1210 = arith.constant 112 : index
        %get3A_1211 = tpu.vector_load %arg10[%get3A_1209, %get3A_1210] {strides = array<i32>} : memref<128x128xf32, #tpu.memory_space<vmem>>, vector<1x16xf32>,
        %get3A_1212 = vector.shape_cast %get3A_1211 : vector<1x16xf32> to vector<16xf32>
        %mul3A_1213 = vector.broadcast %squeeze3A_1127 : f32 to vector<16xf32>
        %mul3A_1214 = arith.mulf %get3A_1212, %mul3A_1213 : vector<16xf32>
        %swap3A_1215 = arith.index_cast %add3A_1131 : i32 to index
        %swap3A_1216 = arith.constant 112 : index
        %swap3A_1217 = tpu.vector_load %arg10[%swap3A_1215, %swap3A_1216] {strides = array<i32>} : memref<128x128xf32, #tpu.memory_space<vmem>>, vector<1x16xf32>,
        %swap3A_1218 = vector.shape_cast %swap3A_1217 : vector<1x16xf32> to vector<16xf32>
        %swap3A_1219 = vector.shape_cast %mul3A_1214 : vector<16xf32> to vector<1x16xf32>
        tpu.vector_store %arg10[%swap3A_1215, %swap3A_1216], %swap3A_1219 {strides = array<i32>} : memref<128x128xf32, #tpu.memory_space<vmem>>, vector<1x16xf32>,
        %slice3A_1220 = vector.extract_strided_slice %get3A_94 {offsets = [12], sizes = [1], strides = [1]} : vector<16xf32> to vector<1xf32>
        %squeeze3A_1221 = vector.extract %slice3A_1220[0] : f32 from vector<1xf32>
        %mul3A_1222 = arith.constant 16 : i32
        %mul3A_1223 = arith.muli %scan3A_88, %mul3A_1222 : i32
        %add3A_1224 = arith.constant 12 : i32
        %add3A_1225 = arith.addi %mul3A_1223, %add3A_1224 : i32
        %get3A_1226 = arith.index_cast %add3A_1225 : i32 to index
        %get3A_1227 = arith.constant 0 : index
        %get3A_1228 = tpu.vector_load %arg10[%get3A_1226, %get3A_1227] {strides = array<i32>} : memref<128x128xf32, #tpu.memory_space<vmem>>, vector<1x16xf32>,
        %get3A_1229 = vector.shape_cast %get3A_1228 : vector<1x16xf32> to vector<16xf32>
        %mul3A_1230 = vector.broadcast %squeeze3A_1221 : f32 to vector<16xf32>
        %mul3A_1231 = arith.mulf %get3A_1229, %mul3A_1230 : vector<16xf32>
        %swap3A_1232 = arith.index_cast %add3A_1225 : i32 to index
        %swap3A_1233 = arith.constant 0 : index
        %swap3A_1234 = tpu.vector_load %arg10[%swap3A_1232, %swap3A_1233] {strides = array<i32>} : memref<128x128xf32, #tpu.memory_space<vmem>>, vector<1x16xf32>,
        %swap3A_1235 = vector.shape_cast %swap3A_1234 : vector<1x16xf32> to vector<16xf32>
        %swap3A_1236 = vector.shape_cast %mul3A_1231 : vector<16xf32> to vector<1x16xf32>
        tpu.vector_store %arg10[%swap3A_1232, %swap3A_1233], %swap3A_1236 {strides = array<i32>} : memref<128x128xf32, #tpu.memory_space<vmem>>, vector<1x16xf32>,
        %get3A_1237 = arith.index_cast %add3A_1225 : i32 to index
        %get3A_1238 = arith.constant 16 : index
        %get3A_1239 = tpu.vector_load %arg10[%get3A_1237, %get3A_1238] {strides = array<i32>} : memref<128x128xf32, #tpu.memory_space<vmem>>, vector<1x16xf32>,
        %get3A_1240 = vector.shape_cast %get3A_1239 : vector<1x16xf32> to vector<16xf32>
        %mul3A_1241 = vector.broadcast %squeeze3A_1221 : f32 to vector<16xf32>
        %mul3A_1242 = arith.mulf %get3A_1240, %mul3A_1241 : vector<16xf32>
        %swap3A_1243 = arith.index_cast %add3A_1225 : i32 to index
        %swap3A_1244 = arith.constant 16 : index
        %swap3A_1245 = tpu.vector_load %arg10[%swap3A_1243, %swap3A_1244] {strides = array<i32>} : memref<128x128xf32, #tpu.memory_space<vmem>>, vector<1x16xf32>,
        %swap3A_1246 = vector.shape_cast %swap3A_1245 : vector<1x16xf32> to vector<16xf32>
        %swap3A_1247 = vector.shape_cast %mul3A_1242 : vector<16xf32> to vector<1x16xf32>
        tpu.vector_store %arg10[%swap3A_1243, %swap3A_1244], %swap3A_1247 {strides = array<i32>} : memref<128x128xf32, #tpu.memory_space<vmem>>, vector<1x16xf32>,
        %get3A_1248 = arith.index_cast %add3A_1225 : i32 to index
        %get3A_1249 = arith.constant 32 : index
        %get3A_1250 = tpu.vector_load %arg10[%get3A_1248, %get3A_1249] {strides = array<i32>} : memref<128x128xf32, #tpu.memory_space<vmem>>, vector<1x16xf32>,
        %get3A_1251 = vector.shape_cast %get3A_1250 : vector<1x16xf32> to vector<16xf32>
        %mul3A_1252 = vector.broadcast %squeeze3A_1221 : f32 to vector<16xf32>
        %mul3A_1253 = arith.mulf %get3A_1251, %mul3A_1252 : vector<16xf32>
        %swap3A_1254 = arith.index_cast %add3A_1225 : i32 to index
        %swap3A_1255 = arith.constant 32 : index
        %swap3A_1256 = tpu.vector_load %arg10[%swap3A_1254, %swap3A_1255] {strides = array<i32>} : memref<128x128xf32, #tpu.memory_space<vmem>>, vector<1x16xf32>,
        %swap3A_1257 = vector.shape_cast %swap3A_1256 : vector<1x16xf32> to vector<16xf32>
        %swap3A_1258 = vector.shape_cast %mul3A_1253 : vector<16xf32> to vector<1x16xf32>
        tpu.vector_store %arg10[%swap3A_1254, %swap3A_1255], %swap3A_1258 {strides = array<i32>} : memref<128x128xf32, #tpu.memory_space<vmem>>, vector<1x16xf32>,
        %get3A_1259 = arith.index_cast %add3A_1225 : i32 to index
        %get3A_1260 = arith.constant 48 : index
        %get3A_1261 = tpu.vector_load %arg10[%get3A_1259, %get3A_1260] {strides = array<i32>} : memref<128x128xf32, #tpu.memory_space<vmem>>, vector<1x16xf32>,
        %get3A_1262 = vector.shape_cast %get3A_1261 : vector<1x16xf32> to vector<16xf32>
        %mul3A_1263 = vector.broadcast %squeeze3A_1221 : f32 to vector<16xf32>
        %mul3A_1264 = arith.mulf %get3A_1262, %mul3A_1263 : vector<16xf32>
        %swap3A_1265 = arith.index_cast %add3A_1225 : i32 to index
        %swap3A_1266 = arith.constant 48 : index
        %swap3A_1267 = tpu.vector_load %arg10[%swap3A_1265, %swap3A_1266] {strides = array<i32>} : memref<128x128xf32, #tpu.memory_space<vmem>>, vector<1x16xf32>,
        %swap3A_1268 = vector.shape_cast %swap3A_1267 : vector<1x16xf32> to vector<16xf32>
        %swap3A_1269 = vector.shape_cast %mul3A_1264 : vector<16xf32> to vector<1x16xf32>
        tpu.vector_store %arg10[%swap3A_1265, %swap3A_1266], %swap3A_1269 {strides = array<i32>} : memref<128x128xf32, #tpu.memory_space<vmem>>, vector<1x16xf32>,
        %get3A_1270 = arith.index_cast %add3A_1225 : i32 to index
        %get3A_1271 = arith.constant 64 : index
        %get3A_1272 = tpu.vector_load %arg10[%get3A_1270, %get3A_1271] {strides = array<i32>} : memref<128x128xf32, #tpu.memory_space<vmem>>, vector<1x16xf32>,
        %get3A_1273 = vector.shape_cast %get3A_1272 : vector<1x16xf32> to vector<16xf32>
        %mul3A_1274 = vector.broadcast %squeeze3A_1221 : f32 to vector<16xf32>
        %mul3A_1275 = arith.mulf %get3A_1273, %mul3A_1274 : vector<16xf32>
        %swap3A_1276 = arith.index_cast %add3A_1225 : i32 to index
        %swap3A_1277 = arith.constant 64 : index
        %swap3A_1278 = tpu.vector_load %arg10[%swap3A_1276, %swap3A_1277] {strides = array<i32>} : memref<128x128xf32, #tpu.memory_space<vmem>>, vector<1x16xf32>,
        %swap3A_1279 = vector.shape_cast %swap3A_1278 : vector<1x16xf32> to vector<16xf32>
        %swap3A_1280 = vector.shape_cast %mul3A_1275 : vector<16xf32> to vector<1x16xf32>
        tpu.vector_store %arg10[%swap3A_1276, %swap3A_1277], %swap3A_1280 {strides = array<i32>} : memref<128x128xf32, #tpu.memory_space<vmem>>, vector<1x16xf32>,
        %get3A_1281 = arith.index_cast %add3A_1225 : i32 to index
        %get3A_1282 = arith.constant 80 : index
        %get3A_1283 = tpu.vector_load %arg10[%get3A_1281, %get3A_1282] {strides = array<i32>} : memref<128x128xf32, #tpu.memory_space<vmem>>, vector<1x16xf32>,
        %get3A_1284 = vector.shape_cast %get3A_1283 : vector<1x16xf32> to vector<16xf32>
        %mul3A_1285 = vector.broadcast %squeeze3A_1221 : f32 to vector<16xf32>
        %mul3A_1286 = arith.mulf %get3A_1284, %mul3A_1285 : vector<16xf32>
        %swap3A_1287 = arith.index_cast %add3A_1225 : i32 to index
        %swap3A_1288 = arith.constant 80 : index
        %swap3A_1289 = tpu.vector_load %arg10[%swap3A_1287, %swap3A_1288] {strides = array<i32>} : memref<128x128xf32, #tpu.memory_space<vmem>>, vector<1x16xf32>,
        %swap3A_1290 = vector.shape_cast %swap3A_1289 : vector<1x16xf32> to vector<16xf32>
        %swap3A_1291 = vector.shape_cast %mul3A_1286 : vector<16xf32> to vector<1x16xf32>
        tpu.vector_store %arg10[%swap3A_1287, %swap3A_1288], %swap3A_1291 {strides = array<i32>} : memref<128x128xf32, #tpu.memory_space<vmem>>, vector<1x16xf32>,
        %get3A_1292 = arith.index_cast %add3A_1225 : i32 to index
        %get3A_1293 = arith.constant 96 : index
        %get3A_1294 = tpu.vector_load %arg10[%get3A_1292, %get3A_1293] {strides = array<i32>} : memref<128x128xf32, #tpu.memory_space<vmem>>, vector<1x16xf32>,
        %get3A_1295 = vector.shape_cast %get3A_1294 : vector<1x16xf32> to vector<16xf32>
        %mul3A_1296 = vector.broadcast %squeeze3A_1221 : f32 to vector<16xf32>
        %mul3A_1297 = arith.mulf %get3A_1295, %mul3A_1296 : vector<16xf32>
        %swap3A_1298 = arith.index_cast %add3A_1225 : i32 to index
        %swap3A_1299 = arith.constant 96 : index
        %swap3A_1300 = tpu.vector_load %arg10[%swap3A_1298, %swap3A_1299] {strides = array<i32>} : memref<128x128xf32, #tpu.memory_space<vmem>>, vector<1x16xf32>,
        %swap3A_1301 = vector.shape_cast %swap3A_1300 : vector<1x16xf32> to vector<16xf32>
        %swap3A_1302 = vector.shape_cast %mul3A_1297 : vector<16xf32> to vector<1x16xf32>
        tpu.vector_store %arg10[%swap3A_1298, %swap3A_1299], %swap3A_1302 {strides = array<i32>} : memref<128x128xf32, #tpu.memory_space<vmem>>, vector<1x16xf32>,
        %get3A_1303 = arith.index_cast %add3A_1225 : i32 to index
        %get3A_1304 = arith.constant 112 : index
        %get3A_1305 = tpu.vector_load %arg10[%get3A_1303, %get3A_1304] {strides = array<i32>} : memref<128x128xf32, #tpu.memory_space<vmem>>, vector<1x16xf32>,
        %get3A_1306 = vector.shape_cast %get3A_1305 : vector<1x16xf32> to vector<16xf32>
        %mul3A_1307 = vector.broadcast %squeeze3A_1221 : f32 to vector<16xf32>
        %mul3A_1308 = arith.mulf %get3A_1306, %mul3A_1307 : vector<16xf32>
        %swap3A_1309 = arith.index_cast %add3A_1225 : i32 to index
        %swap3A_1310 = arith.constant 112 : index
        %swap3A_1311 = tpu.vector_load %arg10[%swap3A_1309, %swap3A_1310] {strides = array<i32>} : memref<128x128xf32, #tpu.memory_space<vmem>>, vector<1x16xf32>,
        %swap3A_1312 = vector.shape_cast %swap3A_1311 : vector<1x16xf32> to vector<16xf32>
        %swap3A_1313 = vector.shape_cast %mul3A_1308 : vector<16xf32> to vector<1x16xf32>
        tpu.vector_store %arg10[%swap3A_1309, %swap3A_1310], %swap3A_1313 {strides = array<i32>} : memref<128x128xf32, #tpu.memory_space<vmem>>, vector<1x16xf32>,
        %slice3A_1314 = vector.extract_strided_slice %get3A_94 {offsets = [13], sizes = [1], strides = [1]} : vector<16xf32> to vector<1xf32>
        %squeeze3A_1315 = vector.extract %slice3A_1314[0] : f32 from vector<1xf32>
        %mul3A_1316 = arith.constant 16 : i32
        %mul3A_1317 = arith.muli %scan3A_88, %mul3A_1316 : i32
        %add3A_1318 = arith.constant 13 : i32
        %add3A_1319 = arith.addi %mul3A_1317, %add3A_1318 : i32
        %get3A_1320 = arith.index_cast %add3A_1319 : i32 to index
        %get3A_1321 = arith.constant 0 : index
        %get3A_1322 = tpu.vector_load %arg10[%get3A_1320, %get3A_1321] {strides = array<i32>} : memref<128x128xf32, #tpu.memory_space<vmem>>, vector<1x16xf32>,
        %get3A_1323 = vector.shape_cast %get3A_1322 : vector<1x16xf32> to vector<16xf32>
        %mul3A_1324 = vector.broadcast %squeeze3A_1315 : f32 to vector<16xf32>
        %mul3A_1325 = arith.mulf %get3A_1323, %mul3A_1324 : vector<16xf32>
        %swap3A_1326 = arith.index_cast %add3A_1319 : i32 to index
        %swap3A_1327 = arith.constant 0 : index
        %swap3A_1328 = tpu.vector_load %arg10[%swap3A_1326, %swap3A_1327] {strides = array<i32>} : memref<128x128xf32, #tpu.memory_space<vmem>>, vector<1x16xf32>,
        %swap3A_1329 = vector.shape_cast %swap3A_1328 : vector<1x16xf32> to vector<16xf32>
        %swap3A_1330 = vector.shape_cast %mul3A_1325 : vector<16xf32> to vector<1x16xf32>
        tpu.vector_store %arg10[%swap3A_1326, %swap3A_1327], %swap3A_1330 {strides = array<i32>} : memref<128x128xf32, #tpu.memory_space<vmem>>, vector<1x16xf32>,
        %get3A_1331 = arith.index_cast %add3A_1319 : i32 to index
        %get3A_1332 = arith.constant 16 : index
        %get3A_1333 = tpu.vector_load %arg10[%get3A_1331, %get3A_1332] {strides = array<i32>} : memref<128x128xf32, #tpu.memory_space<vmem>>, vector<1x16xf32>,
        %get3A_1334 = vector.shape_cast %get3A_1333 : vector<1x16xf32> to vector<16xf32>
        %mul3A_1335 = vector.broadcast %squeeze3A_1315 : f32 to vector<16xf32>
        %mul3A_1336 = arith.mulf %get3A_1334, %mul3A_1335 : vector<16xf32>
        %swap3A_1337 = arith.index_cast %add3A_1319 : i32 to index
        %swap3A_1338 = arith.constant 16 : index
        %swap3A_1339 = tpu.vector_load %arg10[%swap3A_1337, %swap3A_1338] {strides = array<i32>} : memref<128x128xf32, #tpu.memory_space<vmem>>, vector<1x16xf32>,
        %swap3A_1340 = vector.shape_cast %swap3A_1339 : vector<1x16xf32> to vector<16xf32>
        %swap3A_1341 = vector.shape_cast %mul3A_1336 : vector<16xf32> to vector<1x16xf32>
        tpu.vector_store %arg10[%swap3A_1337, %swap3A_1338], %swap3A_1341 {strides = array<i32>} : memref<128x128xf32, #tpu.memory_space<vmem>>, vector<1x16xf32>,
        %get3A_1342 = arith.index_cast %add3A_1319 : i32 to index
        %get3A_1343 = arith.constant 32 : index
        %get3A_1344 = tpu.vector_load %arg10[%get3A_1342, %get3A_1343] {strides = array<i32>} : memref<128x128xf32, #tpu.memory_space<vmem>>, vector<1x16xf32>,
        %get3A_1345 = vector.shape_cast %get3A_1344 : vector<1x16xf32> to vector<16xf32>
        %mul3A_1346 = vector.broadcast %squeeze3A_1315 : f32 to vector<16xf32>
        %mul3A_1347 = arith.mulf %get3A_1345, %mul3A_1346 : vector<16xf32>
        %swap3A_1348 = arith.index_cast %add3A_1319 : i32 to index
        %swap3A_1349 = arith.constant 32 : index
        %swap3A_1350 = tpu.vector_load %arg10[%swap3A_1348, %swap3A_1349] {strides = array<i32>} : memref<128x128xf32, #tpu.memory_space<vmem>>, vector<1x16xf32>,
        %swap3A_1351 = vector.shape_cast %swap3A_1350 : vector<1x16xf32> to vector<16xf32>
        %swap3A_1352 = vector.shape_cast %mul3A_1347 : vector<16xf32> to vector<1x16xf32>
        tpu.vector_store %arg10[%swap3A_1348, %swap3A_1349], %swap3A_1352 {strides = array<i32>} : memref<128x128xf32, #tpu.memory_space<vmem>>, vector<1x16xf32>,
        %get3A_1353 = arith.index_cast %add3A_1319 : i32 to index
        %get3A_1354 = arith.constant 48 : index
        %get3A_1355 = tpu.vector_load %arg10[%get3A_1353, %get3A_1354] {strides = array<i32>} : memref<128x128xf32, #tpu.memory_space<vmem>>, vector<1x16xf32>,
        %get3A_1356 = vector.shape_cast %get3A_1355 : vector<1x16xf32> to vector<16xf32>
        %mul3A_1357 = vector.broadcast %squeeze3A_1315 : f32 to vector<16xf32>
        %mul3A_1358 = arith.mulf %get3A_1356, %mul3A_1357 : vector<16xf32>
        %swap3A_1359 = arith.index_cast %add3A_1319 : i32 to index
        %swap3A_1360 = arith.constant 48 : index
        %swap3A_1361 = tpu.vector_load %arg10[%swap3A_1359, %swap3A_1360] {strides = array<i32>} : memref<128x128xf32, #tpu.memory_space<vmem>>, vector<1x16xf32>,
        %swap3A_1362 = vector.shape_cast %swap3A_1361 : vector<1x16xf32> to vector<16xf32>
        %swap3A_1363 = vector.shape_cast %mul3A_1358 : vector<16xf32> to vector<1x16xf32>
        tpu.vector_store %arg10[%swap3A_1359, %swap3A_1360], %swap3A_1363 {strides = array<i32>} : memref<128x128xf32, #tpu.memory_space<vmem>>, vector<1x16xf32>,
        %get3A_1364 = arith.index_cast %add3A_1319 : i32 to index
        %get3A_1365 = arith.constant 64 : index
        %get3A_1366 = tpu.vector_load %arg10[%get3A_1364, %get3A_1365] {strides = array<i32>} : memref<128x128xf32, #tpu.memory_space<vmem>>, vector<1x16xf32>,
        %get3A_1367 = vector.shape_cast %get3A_1366 : vector<1x16xf32> to vector<16xf32>
        %mul3A_1368 = vector.broadcast %squeeze3A_1315 : f32 to vector<16xf32>
        %mul3A_1369 = arith.mulf %get3A_1367, %mul3A_1368 : vector<16xf32>
        %swap3A_1370 = arith.index_cast %add3A_1319 : i32 to index
        %swap3A_1371 = arith.constant 64 : index
        %swap3A_1372 = tpu.vector_load %arg10[%swap3A_1370, %swap3A_1371] {strides = array<i32>} : memref<128x128xf32, #tpu.memory_space<vmem>>, vector<1x16xf32>,
        %swap3A_1373 = vector.shape_cast %swap3A_1372 : vector<1x16xf32> to vector<16xf32>
        %swap3A_1374 = vector.shape_cast %mul3A_1369 : vector<16xf32> to vector<1x16xf32>
        tpu.vector_store %arg10[%swap3A_1370, %swap3A_1371], %swap3A_1374 {strides = array<i32>} : memref<128x128xf32, #tpu.memory_space<vmem>>, vector<1x16xf32>,
        %get3A_1375 = arith.index_cast %add3A_1319 : i32 to index
        %get3A_1376 = arith.constant 80 : index
        %get3A_1377 = tpu.vector_load %arg10[%get3A_1375, %get3A_1376] {strides = array<i32>} : memref<128x128xf32, #tpu.memory_space<vmem>>, vector<1x16xf32>,
        %get3A_1378 = vector.shape_cast %get3A_1377 : vector<1x16xf32> to vector<16xf32>
        %mul3A_1379 = vector.broadcast %squeeze3A_1315 : f32 to vector<16xf32>
        %mul3A_1380 = arith.mulf %get3A_1378, %mul3A_1379 : vector<16xf32>
        %swap3A_1381 = arith.index_cast %add3A_1319 : i32 to index
        %swap3A_1382 = arith.constant 80 : index
        %swap3A_1383 = tpu.vector_load %arg10[%swap3A_1381, %swap3A_1382] {strides = array<i32>} : memref<128x128xf32, #tpu.memory_space<vmem>>, vector<1x16xf32>,
        %swap3A_1384 = vector.shape_cast %swap3A_1383 : vector<1x16xf32> to vector<16xf32>
        %swap3A_1385 = vector.shape_cast %mul3A_1380 : vector<16xf32> to vector<1x16xf32>
        tpu.vector_store %arg10[%swap3A_1381, %swap3A_1382], %swap3A_1385 {strides = array<i32>} : memref<128x128xf32, #tpu.memory_space<vmem>>, vector<1x16xf32>,
        %get3A_1386 = arith.index_cast %add3A_1319 : i32 to index
        %get3A_1387 = arith.constant 96 : index
        %get3A_1388 = tpu.vector_load %arg10[%get3A_1386, %get3A_1387] {strides = array<i32>} : memref<128x128xf32, #tpu.memory_space<vmem>>, vector<1x16xf32>,
        %get3A_1389 = vector.shape_cast %get3A_1388 : vector<1x16xf32> to vector<16xf32>
        %mul3A_1390 = vector.broadcast %squeeze3A_1315 : f32 to vector<16xf32>
        %mul3A_1391 = arith.mulf %get3A_1389, %mul3A_1390 : vector<16xf32>
        %swap3A_1392 = arith.index_cast %add3A_1319 : i32 to index
        %swap3A_1393 = arith.constant 96 : index
        %swap3A_1394 = tpu.vector_load %arg10[%swap3A_1392, %swap3A_1393] {strides = array<i32>} : memref<128x128xf32, #tpu.memory_space<vmem>>, vector<1x16xf32>,
        %swap3A_1395 = vector.shape_cast %swap3A_1394 : vector<1x16xf32> to vector<16xf32>
        %swap3A_1396 = vector.shape_cast %mul3A_1391 : vector<16xf32> to vector<1x16xf32>
        tpu.vector_store %arg10[%swap3A_1392, %swap3A_1393], %swap3A_1396 {strides = array<i32>} : memref<128x128xf32, #tpu.memory_space<vmem>>, vector<1x16xf32>,
        %get3A_1397 = arith.index_cast %add3A_1319 : i32 to index
        %get3A_1398 = arith.constant 112 : index
        %get3A_1399 = tpu.vector_load %arg10[%get3A_1397, %get3A_1398] {strides = array<i32>} : memref<128x128xf32, #tpu.memory_space<vmem>>, vector<1x16xf32>,
        %get3A_1400 = vector.shape_cast %get3A_1399 : vector<1x16xf32> to vector<16xf32>
        %mul3A_1401 = vector.broadcast %squeeze3A_1315 : f32 to vector<16xf32>
        %mul3A_1402 = arith.mulf %get3A_1400, %mul3A_1401 : vector<16xf32>
        %swap3A_1403 = arith.index_cast %add3A_1319 : i32 to index
        %swap3A_1404 = arith.constant 112 : index
        %swap3A_1405 = tpu.vector_load %arg10[%swap3A_1403, %swap3A_1404] {strides = array<i32>} : memref<128x128xf32, #tpu.memory_space<vmem>>, vector<1x16xf32>,
        %swap3A_1406 = vector.shape_cast %swap3A_1405 : vector<1x16xf32> to vector<16xf32>
        %swap3A_1407 = vector.shape_cast %mul3A_1402 : vector<16xf32> to vector<1x16xf32>
        tpu.vector_store %arg10[%swap3A_1403, %swap3A_1404], %swap3A_1407 {strides = array<i32>} : memref<128x128xf32, #tpu.memory_space<vmem>>, vector<1x16xf32>,
        %slice3A_1408 = vector.extract_strided_slice %get3A_94 {offsets = [14], sizes = [1], strides = [1]} : vector<16xf32> to vector<1xf32>
        %squeeze3A_1409 = vector.extract %slice3A_1408[0] : f32 from vector<1xf32>
        %mul3A_1410 = arith.constant 16 : i32
        %mul3A_1411 = arith.muli %scan3A_88, %mul3A_1410 : i32
        %add3A_1412 = arith.constant 14 : i32
        %add3A_1413 = arith.addi %mul3A_1411, %add3A_1412 : i32
        %get3A_1414 = arith.index_cast %add3A_1413 : i32 to index
        %get3A_1415 = arith.constant 0 : index
        %get3A_1416 = tpu.vector_load %arg10[%get3A_1414, %get3A_1415] {strides = array<i32>} : memref<128x128xf32, #tpu.memory_space<vmem>>, vector<1x16xf32>,
        %get3A_1417 = vector.shape_cast %get3A_1416 : vector<1x16xf32> to vector<16xf32>
        %mul3A_1418 = vector.broadcast %squeeze3A_1409 : f32 to vector<16xf32>
        %mul3A_1419 = arith.mulf %get3A_1417, %mul3A_1418 : vector<16xf32>
        %swap3A_1420 = arith.index_cast %add3A_1413 : i32 to index
        %swap3A_1421 = arith.constant 0 : index
        %swap3A_1422 = tpu.vector_load %arg10[%swap3A_1420, %swap3A_1421] {strides = array<i32>} : memref<128x128xf32, #tpu.memory_space<vmem>>, vector<1x16xf32>,
        %swap3A_1423 = vector.shape_cast %swap3A_1422 : vector<1x16xf32> to vector<16xf32>
        %swap3A_1424 = vector.shape_cast %mul3A_1419 : vector<16xf32> to vector<1x16xf32>
        tpu.vector_store %arg10[%swap3A_1420, %swap3A_1421], %swap3A_1424 {strides = array<i32>} : memref<128x128xf32, #tpu.memory_space<vmem>>, vector<1x16xf32>,
        %get3A_1425 = arith.index_cast %add3A_1413 : i32 to index
        %get3A_1426 = arith.constant 16 : index
        %get3A_1427 = tpu.vector_load %arg10[%get3A_1425, %get3A_1426] {strides = array<i32>} : memref<128x128xf32, #tpu.memory_space<vmem>>, vector<1x16xf32>,
        %get3A_1428 = vector.shape_cast %get3A_1427 : vector<1x16xf32> to vector<16xf32>
        %mul3A_1429 = vector.broadcast %squeeze3A_1409 : f32 to vector<16xf32>
        %mul3A_1430 = arith.mulf %get3A_1428, %mul3A_1429 : vector<16xf32>
        %swap3A_1431 = arith.index_cast %add3A_1413 : i32 to index
        %swap3A_1432 = arith.constant 16 : index
        %swap3A_1433 = tpu.vector_load %arg10[%swap3A_1431, %swap3A_1432] {strides = array<i32>} : memref<128x128xf32, #tpu.memory_space<vmem>>, vector<1x16xf32>,
        %swap3A_1434 = vector.shape_cast %swap3A_1433 : vector<1x16xf32> to vector<16xf32>
        %swap3A_1435 = vector.shape_cast %mul3A_1430 : vector<16xf32> to vector<1x16xf32>
        tpu.vector_store %arg10[%swap3A_1431, %swap3A_1432], %swap3A_1435 {strides = array<i32>} : memref<128x128xf32, #tpu.memory_space<vmem>>, vector<1x16xf32>,
        %get3A_1436 = arith.index_cast %add3A_1413 : i32 to index
        %get3A_1437 = arith.constant 32 : index
        %get3A_1438 = tpu.vector_load %arg10[%get3A_1436, %get3A_1437] {strides = array<i32>} : memref<128x128xf32, #tpu.memory_space<vmem>>, vector<1x16xf32>,
        %get3A_1439 = vector.shape_cast %get3A_1438 : vector<1x16xf32> to vector<16xf32>
        %mul3A_1440 = vector.broadcast %squeeze3A_1409 : f32 to vector<16xf32>
        %mul3A_1441 = arith.mulf %get3A_1439, %mul3A_1440 : vector<16xf32>
        %swap3A_1442 = arith.index_cast %add3A_1413 : i32 to index
        %swap3A_1443 = arith.constant 32 : index
        %swap3A_1444 = tpu.vector_load %arg10[%swap3A_1442, %swap3A_1443] {strides = array<i32>} : memref<128x128xf32, #tpu.memory_space<vmem>>, vector<1x16xf32>,
        %swap3A_1445 = vector.shape_cast %swap3A_1444 : vector<1x16xf32> to vector<16xf32>
        %swap3A_1446 = vector.shape_cast %mul3A_1441 : vector<16xf32> to vector<1x16xf32>
        tpu.vector_store %arg10[%swap3A_1442, %swap3A_1443], %swap3A_1446 {strides = array<i32>} : memref<128x128xf32, #tpu.memory_space<vmem>>, vector<1x16xf32>,
        %get3A_1447 = arith.index_cast %add3A_1413 : i32 to index
        %get3A_1448 = arith.constant 48 : index
        %get3A_1449 = tpu.vector_load %arg10[%get3A_1447, %get3A_1448] {strides = array<i32>} : memref<128x128xf32, #tpu.memory_space<vmem>>, vector<1x16xf32>,
        %get3A_1450 = vector.shape_cast %get3A_1449 : vector<1x16xf32> to vector<16xf32>
        %mul3A_1451 = vector.broadcast %squeeze3A_1409 : f32 to vector<16xf32>
        %mul3A_1452 = arith.mulf %get3A_1450, %mul3A_1451 : vector<16xf32>
        %swap3A_1453 = arith.index_cast %add3A_1413 : i32 to index
        %swap3A_1454 = arith.constant 48 : index
        %swap3A_1455 = tpu.vector_load %arg10[%swap3A_1453, %swap3A_1454] {strides = array<i32>} : memref<128x128xf32, #tpu.memory_space<vmem>>, vector<1x16xf32>,
        %swap3A_1456 = vector.shape_cast %swap3A_1455 : vector<1x16xf32> to vector<16xf32>
        %swap3A_1457 = vector.shape_cast %mul3A_1452 : vector<16xf32> to vector<1x16xf32>
        tpu.vector_store %arg10[%swap3A_1453, %swap3A_1454], %swap3A_1457 {strides = array<i32>} : memref<128x128xf32, #tpu.memory_space<vmem>>, vector<1x16xf32>,
        %get3A_1458 = arith.index_cast %add3A_1413 : i32 to index
        %get3A_1459 = arith.constant 64 : index
        %get3A_1460 = tpu.vector_load %arg10[%get3A_1458, %get3A_1459] {strides = array<i32>} : memref<128x128xf32, #tpu.memory_space<vmem>>, vector<1x16xf32>,
        %get3A_1461 = vector.shape_cast %get3A_1460 : vector<1x16xf32> to vector<16xf32>
        %mul3A_1462 = vector.broadcast %squeeze3A_1409 : f32 to vector<16xf32>
        %mul3A_1463 = arith.mulf %get3A_1461, %mul3A_1462 : vector<16xf32>
        %swap3A_1464 = arith.index_cast %add3A_1413 : i32 to index
        %swap3A_1465 = arith.constant 64 : index
        %swap3A_1466 = tpu.vector_load %arg10[%swap3A_1464, %swap3A_1465] {strides = array<i32>} : memref<128x128xf32, #tpu.memory_space<vmem>>, vector<1x16xf32>,
        %swap3A_1467 = vector.shape_cast %swap3A_1466 : vector<1x16xf32> to vector<16xf32>
        %swap3A_1468 = vector.shape_cast %mul3A_1463 : vector<16xf32> to vector<1x16xf32>
        tpu.vector_store %arg10[%swap3A_1464, %swap3A_1465], %swap3A_1468 {strides = array<i32>} : memref<128x128xf32, #tpu.memory_space<vmem>>, vector<1x16xf32>,
        %get3A_1469 = arith.index_cast %add3A_1413 : i32 to index
        %get3A_1470 = arith.constant 80 : index
        %get3A_1471 = tpu.vector_load %arg10[%get3A_1469, %get3A_1470] {strides = array<i32>} : memref<128x128xf32, #tpu.memory_space<vmem>>, vector<1x16xf32>,
        %get3A_1472 = vector.shape_cast %get3A_1471 : vector<1x16xf32> to vector<16xf32>
        %mul3A_1473 = vector.broadcast %squeeze3A_1409 : f32 to vector<16xf32>
        %mul3A_1474 = arith.mulf %get3A_1472, %mul3A_1473 : vector<16xf32>
        %swap3A_1475 = arith.index_cast %add3A_1413 : i32 to index
        %swap3A_1476 = arith.constant 80 : index
        %swap3A_1477 = tpu.vector_load %arg10[%swap3A_1475, %swap3A_1476] {strides = array<i32>} : memref<128x128xf32, #tpu.memory_space<vmem>>, vector<1x16xf32>,
        %swap3A_1478 = vector.shape_cast %swap3A_1477 : vector<1x16xf32> to vector<16xf32>
        %swap3A_1479 = vector.shape_cast %mul3A_1474 : vector<16xf32> to vector<1x16xf32>
        tpu.vector_store %arg10[%swap3A_1475, %swap3A_1476], %swap3A_1479 {strides = array<i32>} : memref<128x128xf32, #tpu.memory_space<vmem>>, vector<1x16xf32>,
        %get3A_1480 = arith.index_cast %add3A_1413 : i32 to index
        %get3A_1481 = arith.constant 96 : index
        %get3A_1482 = tpu.vector_load %arg10[%get3A_1480, %get3A_1481] {strides = array<i32>} : memref<128x128xf32, #tpu.memory_space<vmem>>, vector<1x16xf32>,
        %get3A_1483 = vector.shape_cast %get3A_1482 : vector<1x16xf32> to vector<16xf32>
        %mul3A_1484 = vector.broadcast %squeeze3A_1409 : f32 to vector<16xf32>
        %mul3A_1485 = arith.mulf %get3A_1483, %mul3A_1484 : vector<16xf32>
        %swap3A_1486 = arith.index_cast %add3A_1413 : i32 to index
        %swap3A_1487 = arith.constant 96 : index
        %swap3A_1488 = tpu.vector_load %arg10[%swap3A_1486, %swap3A_1487] {strides = array<i32>} : memref<128x128xf32, #tpu.memory_space<vmem>>, vector<1x16xf32>,
        %swap3A_1489 = vector.shape_cast %swap3A_1488 : vector<1x16xf32> to vector<16xf32>
        %swap3A_1490 = vector.shape_cast %mul3A_1485 : vector<16xf32> to vector<1x16xf32>
        tpu.vector_store %arg10[%swap3A_1486, %swap3A_1487], %swap3A_1490 {strides = array<i32>} : memref<128x128xf32, #tpu.memory_space<vmem>>, vector<1x16xf32>,
        %get3A_1491 = arith.index_cast %add3A_1413 : i32 to index
        %get3A_1492 = arith.constant 112 : index
        %get3A_1493 = tpu.vector_load %arg10[%get3A_1491, %get3A_1492] {strides = array<i32>} : memref<128x128xf32, #tpu.memory_space<vmem>>, vector<1x16xf32>,
        %get3A_1494 = vector.shape_cast %get3A_1493 : vector<1x16xf32> to vector<16xf32>
        %mul3A_1495 = vector.broadcast %squeeze3A_1409 : f32 to vector<16xf32>
        %mul3A_1496 = arith.mulf %get3A_1494, %mul3A_1495 : vector<16xf32>
        %swap3A_1497 = arith.index_cast %add3A_1413 : i32 to index
        %swap3A_1498 = arith.constant 112 : index
        %swap3A_1499 = tpu.vector_load %arg10[%swap3A_1497, %swap3A_1498] {strides = array<i32>} : memref<128x128xf32, #tpu.memory_space<vmem>>, vector<1x16xf32>,
        %swap3A_1500 = vector.shape_cast %swap3A_1499 : vector<1x16xf32> to vector<16xf32>
        %swap3A_1501 = vector.shape_cast %mul3A_1496 : vector<16xf32> to vector<1x16xf32>
        tpu.vector_store %arg10[%swap3A_1497, %swap3A_1498], %swap3A_1501 {strides = array<i32>} : memref<128x128xf32, #tpu.memory_space<vmem>>, vector<1x16xf32>,
        %slice3A_1502 = vector.extract_strided_slice %get3A_94 {offsets = [15], sizes = [1], strides = [1]} : vector<16xf32> to vector<1xf32>
        %squeeze3A_1503 = vector.extract %slice3A_1502[0] : f32 from vector<1xf32>
        %mul3A_1504 = arith.constant 16 : i32
        %mul3A_1505 = arith.muli %scan3A_88, %mul3A_1504 : i32
        %add3A_1506 = arith.constant 15 : i32
        %add3A_1507 = arith.addi %mul3A_1505, %add3A_1506 : i32
        %get3A_1508 = arith.index_cast %add3A_1507 : i32 to index
        %get3A_1509 = arith.constant 0 : index
        %get3A_1510 = tpu.vector_load %arg10[%get3A_1508, %get3A_1509] {strides = array<i32>} : memref<128x128xf32, #tpu.memory_space<vmem>>, vector<1x16xf32>,
        %get3A_1511 = vector.shape_cast %get3A_1510 : vector<1x16xf32> to vector<16xf32>
        %mul3A_1512 = vector.broadcast %squeeze3A_1503 : f32 to vector<16xf32>
        %mul3A_1513 = arith.mulf %get3A_1511, %mul3A_1512 : vector<16xf32>
        %swap3A_1514 = arith.index_cast %add3A_1507 : i32 to index
        %swap3A_1515 = arith.constant 0 : index
        %swap3A_1516 = tpu.vector_load %arg10[%swap3A_1514, %swap3A_1515] {strides = array<i32>} : memref<128x128xf32, #tpu.memory_space<vmem>>, vector<1x16xf32>,
        %swap3A_1517 = vector.shape_cast %swap3A_1516 : vector<1x16xf32> to vector<16xf32>
        %swap3A_1518 = vector.shape_cast %mul3A_1513 : vector<16xf32> to vector<1x16xf32>
        tpu.vector_store %arg10[%swap3A_1514, %swap3A_1515], %swap3A_1518 {strides = array<i32>} : memref<128x128xf32, #tpu.memory_space<vmem>>, vector<1x16xf32>,
        %get3A_1519 = arith.index_cast %add3A_1507 : i32 to index
        %get3A_1520 = arith.constant 16 : index
        %get3A_1521 = tpu.vector_load %arg10[%get3A_1519, %get3A_1520] {strides = array<i32>} : memref<128x128xf32, #tpu.memory_space<vmem>>, vector<1x16xf32>,
        %get3A_1522 = vector.shape_cast %get3A_1521 : vector<1x16xf32> to vector<16xf32>
        %mul3A_1523 = vector.broadcast %squeeze3A_1503 : f32 to vector<16xf32>
        %mul3A_1524 = arith.mulf %get3A_1522, %mul3A_1523 : vector<16xf32>
        %swap3A_1525 = arith.index_cast %add3A_1507 : i32 to index
        %swap3A_1526 = arith.constant 16 : index
        %swap3A_1527 = tpu.vector_load %arg10[%swap3A_1525, %swap3A_1526] {strides = array<i32>} : memref<128x128xf32, #tpu.memory_space<vmem>>, vector<1x16xf32>,
        %swap3A_1528 = vector.shape_cast %swap3A_1527 : vector<1x16xf32> to vector<16xf32>
        %swap3A_1529 = vector.shape_cast %mul3A_1524 : vector<16xf32> to vector<1x16xf32>
        tpu.vector_store %arg10[%swap3A_1525, %swap3A_1526], %swap3A_1529 {strides = array<i32>} : memref<128x128xf32, #tpu.memory_space<vmem>>, vector<1x16xf32>,
        %get3A_1530 = arith.index_cast %add3A_1507 : i32 to index
        %get3A_1531 = arith.constant 32 : index
        %get3A_1532 = tpu.vector_load %arg10[%get3A_1530, %get3A_1531] {strides = array<i32>} : memref<128x128xf32, #tpu.memory_space<vmem>>, vector<1x16xf32>,
        %get3A_1533 = vector.shape_cast %get3A_1532 : vector<1x16xf32> to vector<16xf32>
        %mul3A_1534 = vector.broadcast %squeeze3A_1503 : f32 to vector<16xf32>
        %mul3A_1535 = arith.mulf %get3A_1533, %mul3A_1534 : vector<16xf32>
        %swap3A_1536 = arith.index_cast %add3A_1507 : i32 to index
        %swap3A_1537 = arith.constant 32 : index
        %swap3A_1538 = tpu.vector_load %arg10[%swap3A_1536, %swap3A_1537] {strides = array<i32>} : memref<128x128xf32, #tpu.memory_space<vmem>>, vector<1x16xf32>,
        %swap3A_1539 = vector.shape_cast %swap3A_1538 : vector<1x16xf32> to vector<16xf32>
        %swap3A_1540 = vector.shape_cast %mul3A_1535 : vector<16xf32> to vector<1x16xf32>
        tpu.vector_store %arg10[%swap3A_1536, %swap3A_1537], %swap3A_1540 {strides = array<i32>} : memref<128x128xf32, #tpu.memory_space<vmem>>, vector<1x16xf32>,
        %get3A_1541 = arith.index_cast %add3A_1507 : i32 to index
        %get3A_1542 = arith.constant 48 : index
        %get3A_1543 = tpu.vector_load %arg10[%get3A_1541, %get3A_1542] {strides = array<i32>} : memref<128x128xf32, #tpu.memory_space<vmem>>, vector<1x16xf32>,
        %get3A_1544 = vector.shape_cast %get3A_1543 : vector<1x16xf32> to vector<16xf32>
        %mul3A_1545 = vector.broadcast %squeeze3A_1503 : f32 to vector<16xf32>
        %mul3A_1546 = arith.mulf %get3A_1544, %mul3A_1545 : vector<16xf32>
        %swap3A_1547 = arith.index_cast %add3A_1507 : i32 to index
        %swap3A_1548 = arith.constant 48 : index
        %swap3A_1549 = tpu.vector_load %arg10[%swap3A_1547, %swap3A_1548] {strides = array<i32>} : memref<128x128xf32, #tpu.memory_space<vmem>>, vector<1x16xf32>,
        %swap3A_1550 = vector.shape_cast %swap3A_1549 : vector<1x16xf32> to vector<16xf32>
        %swap3A_1551 = vector.shape_cast %mul3A_1546 : vector<16xf32> to vector<1x16xf32>
        tpu.vector_store %arg10[%swap3A_1547, %swap3A_1548], %swap3A_1551 {strides = array<i32>} : memref<128x128xf32, #tpu.memory_space<vmem>>, vector<1x16xf32>,
        %get3A_1552 = arith.index_cast %add3A_1507 : i32 to index
        %get3A_1553 = arith.constant 64 : index
        %get3A_1554 = tpu.vector_load %arg10[%get3A_1552, %get3A_1553] {strides = array<i32>} : memref<128x128xf32, #tpu.memory_space<vmem>>, vector<1x16xf32>,
        %get3A_1555 = vector.shape_cast %get3A_1554 : vector<1x16xf32> to vector<16xf32>
        %mul3A_1556 = vector.broadcast %squeeze3A_1503 : f32 to vector<16xf32>
        %mul3A_1557 = arith.mulf %get3A_1555, %mul3A_1556 : vector<16xf32>
        %swap3A_1558 = arith.index_cast %add3A_1507 : i32 to index
        %swap3A_1559 = arith.constant 64 : index
        %swap3A_1560 = tpu.vector_load %arg10[%swap3A_1558, %swap3A_1559] {strides = array<i32>} : memref<128x128xf32, #tpu.memory_space<vmem>>, vector<1x16xf32>,
        %swap3A_1561 = vector.shape_cast %swap3A_1560 : vector<1x16xf32> to vector<16xf32>
        %swap3A_1562 = vector.shape_cast %mul3A_1557 : vector<16xf32> to vector<1x16xf32>
        tpu.vector_store %arg10[%swap3A_1558, %swap3A_1559], %swap3A_1562 {strides = array<i32>} : memref<128x128xf32, #tpu.memory_space<vmem>>, vector<1x16xf32>,
        %get3A_1563 = arith.index_cast %add3A_1507 : i32 to index
        %get3A_1564 = arith.constant 80 : index
        %get3A_1565 = tpu.vector_load %arg10[%get3A_1563, %get3A_1564] {strides = array<i32>} : memref<128x128xf32, #tpu.memory_space<vmem>>, vector<1x16xf32>,
        %get3A_1566 = vector.shape_cast %get3A_1565 : vector<1x16xf32> to vector<16xf32>
        %mul3A_1567 = vector.broadcast %squeeze3A_1503 : f32 to vector<16xf32>
        %mul3A_1568 = arith.mulf %get3A_1566, %mul3A_1567 : vector<16xf32>
        %swap3A_1569 = arith.index_cast %add3A_1507 : i32 to index
        %swap3A_1570 = arith.constant 80 : index
        %swap3A_1571 = tpu.vector_load %arg10[%swap3A_1569, %swap3A_1570] {strides = array<i32>} : memref<128x128xf32, #tpu.memory_space<vmem>>, vector<1x16xf32>,
        %swap3A_1572 = vector.shape_cast %swap3A_1571 : vector<1x16xf32> to vector<16xf32>
        %swap3A_1573 = vector.shape_cast %mul3A_1568 : vector<16xf32> to vector<1x16xf32>
        tpu.vector_store %arg10[%swap3A_1569, %swap3A_1570], %swap3A_1573 {strides = array<i32>} : memref<128x128xf32, #tpu.memory_space<vmem>>, vector<1x16xf32>,
        %get3A_1574 = arith.index_cast %add3A_1507 : i32 to index
        %get3A_1575 = arith.constant 96 : index
        %get3A_1576 = tpu.vector_load %arg10[%get3A_1574, %get3A_1575] {strides = array<i32>} : memref<128x128xf32, #tpu.memory_space<vmem>>, vector<1x16xf32>,
        %get3A_1577 = vector.shape_cast %get3A_1576 : vector<1x16xf32> to vector<16xf32>
        %mul3A_1578 = vector.broadcast %squeeze3A_1503 : f32 to vector<16xf32>
        %mul3A_1579 = arith.mulf %get3A_1577, %mul3A_1578 : vector<16xf32>
        %swap3A_1580 = arith.index_cast %add3A_1507 : i32 to index
        %swap3A_1581 = arith.constant 96 : index
        %swap3A_1582 = tpu.vector_load %arg10[%swap3A_1580, %swap3A_1581] {strides = array<i32>} : memref<128x128xf32, #tpu.memory_space<vmem>>, vector<1x16xf32>,
        %swap3A_1583 = vector.shape_cast %swap3A_1582 : vector<1x16xf32> to vector<16xf32>
        %swap3A_1584 = vector.shape_cast %mul3A_1579 : vector<16xf32> to vector<1x16xf32>
        tpu.vector_store %arg10[%swap3A_1580, %swap3A_1581], %swap3A_1584 {strides = array<i32>} : memref<128x128xf32, #tpu.memory_space<vmem>>, vector<1x16xf32>,
        %get3A_1585 = arith.index_cast %add3A_1507 : i32 to index
        %get3A_1586 = arith.constant 112 : index
        %get3A_1587 = tpu.vector_load %arg10[%get3A_1585, %get3A_1586] {strides = array<i32>} : memref<128x128xf32, #tpu.memory_space<vmem>>, vector<1x16xf32>,
        %get3A_1588 = vector.shape_cast %get3A_1587 : vector<1x16xf32> to vector<16xf32>
        %mul3A_1589 = vector.broadcast %squeeze3A_1503 : f32 to vector<16xf32>
        %mul3A_1590 = arith.mulf %get3A_1588, %mul3A_1589 : vector<16xf32>
        %swap3A_1591 = arith.index_cast %add3A_1507 : i32 to index
        %swap3A_1592 = arith.constant 112 : index
        %swap3A_1593 = tpu.vector_load %arg10[%swap3A_1591, %swap3A_1592] {strides = array<i32>} : memref<128x128xf32, #tpu.memory_space<vmem>>, vector<1x16xf32>,
        %swap3A_1594 = vector.shape_cast %swap3A_1593 : vector<1x16xf32> to vector<16xf32>
        %swap3A_1595 = vector.shape_cast %mul3A_1590 : vector<16xf32> to vector<1x16xf32>
        tpu.vector_store %arg10[%swap3A_1591, %swap3A_1592], %swap3A_1595 {strides = array<i32>} : memref<128x128xf32, #tpu.memory_space<vmem>>, vector<1x16xf32>,
        %scan3A_1596 = arith.constant 0 : i32
        scf.yield %scan3A_1596 : i32
      }
      %scan3A_86 = arith.constant 8 : i32
      "tpu.region"() ({
        %run_scoped3A = tpu.sem_alloc : memref<!tpu.dma_semaphore, #tpu.memory_space<semaphore_mem>>
        %dma_start3A_88 = arith.constant 0 : i32
        %dma_start3A_89 = tpu.memref_slice %arg8[%scan3A_68, %dma_start3A_88] : memref<79x128xi32, #tpu.memory_space<vmem>> -> memref<1x128xi32, #tpu.memory_space<vmem>>
        %dma_start3A_90 = tpu.memref_squeeze %dma_start3A_89 : memref<1x128xi32, #tpu.memory_space<vmem>> -> memref<128xi32, #tpu.memory_space<vmem>>
        %dma_start3A_91 = arith.constant 0 : i32
        %dma_start3A_92 = arith.constant 0 : i32
        %dma_start3A_93 = tpu.memref_slice %arg11[%dma_start3A_91, %dma_start3A_92] : memref<10240x128xf32, #tpu.memory_space<vmem_shared>> -> memref<10240x128xf32, #tpu.memory_space<vmem_shared>>
        tpu.enqueue_indirect_dma source(%arg10 : memref<128x128xf32, #tpu.memory_space<vmem>>) target(%dma_start3A_93 : memref<10240x128xf32, #tpu.memory_space<vmem_shared>>) offsets(%dma_start3A_90 : memref<128xi32, #tpu.memory_space<vmem>>) semaphore(%run_scoped3A : memref<!tpu.dma_semaphore, #tpu.memory_space<semaphore_mem>>) {add = true}
        %dma_wait3A_94 = arith.constant 0 : i32
        %dma_wait3A_95 = tpu.memref_slice %arg8[%scan3A_68, %dma_wait3A_94] : memref<79x128xi32, #tpu.memory_space<vmem>> -> memref<1x128xi32, #tpu.memory_space<vmem>>
        %dma_wait3A_96 = tpu.memref_squeeze %dma_wait3A_95 : memref<1x128xi32, #tpu.memory_space<vmem>> -> memref<128xi32, #tpu.memory_space<vmem>>
        %dma_wait3A_97 = arith.constant 0 : i32
        %dma_wait3A_98 = arith.constant 0 : i32
        %dma_wait3A_99 = tpu.memref_slice %arg11[%dma_wait3A_97, %dma_wait3A_98] : memref<10240x128xf32, #tpu.memory_space<vmem_shared>> -> memref<10240x128xf32, #tpu.memory_space<vmem_shared>>
        tpu.wait_indirect_dma semaphore(%run_scoped3A : memref<!tpu.dma_semaphore, #tpu.memory_space<semaphore_mem>>) src(%arg10 : memref<128x128xf32, #tpu.memory_space<vmem>>) dst(%dma_wait3A_99 : memref<10240x128xf32, #tpu.memory_space<vmem_shared>>)
        tpu.yield
      }) : () -> ()
      %scan3A_87 = arith.constant 0 : i32
      scf.yield %scan3A_87 : i32
    }
    %scan3A_31 = arith.constant 79 : i32
    %barrier3A_32 = arith.constant 0 : index
    tpu.barrier barrier_id(%barrier3A_32)
    %add3A_33 = arith.constant 0 : i32
    %add3A_34 = arith.addi %mul3A_15, %add3A_33 : i32
    %mul3A_35 = arith.constant 10240 : i32
    %mul3A_36 = arith.muli %arg0, %mul3A_35 : i32
    %add3A_37 = arith.addi %mul3A_36, %mul3A_15 : i32
    %add3A_38 = arith.constant 0 : i32
    %add3A_39 = arith.addi %add3A_37, %add3A_38 : i32
    "tpu.region"() ({
      %run_scoped3A = tpu.sem_alloc : memref<!tpu.dma_semaphore, #tpu.memory_space<semaphore_mem>>
      %dma_start3A = arith.constant 0 : i32
      %dma_start3A_68 = tpu.memref_slice %arg6[%add3A_39, %dma_start3A] : memref<20480x128xf32, #tpu.memory_space<hbm>> -> memref<128x128xf32, #tpu.memory_space<hbm>>
      %dma_start3A_69 = arith.constant 0 : i32
      %dma_start3A_70 = tpu.memref_slice %arg11[%add3A_34, %dma_start3A_69] : memref<10240x128xf32, #tpu.memory_space<vmem_shared>> -> memref<128x128xf32, #tpu.memory_space<vmem_shared>>
      tpu.enqueue_dma source(%dma_start3A_70 : memref<128x128xf32, #tpu.memory_space<vmem_shared>>) target(%dma_start3A_68 : memref<128x128xf32, #tpu.memory_space<hbm>>) target_semaphore(%run_scoped3A : memref<!tpu.dma_semaphore, #tpu.memory_space<semaphore_mem>>)
      %dma_wait3A = arith.constant 0 : i32
      %dma_wait3A_71 = tpu.memref_slice %arg6[%add3A_39, %dma_wait3A] : memref<20480x128xf32, #tpu.memory_space<hbm>> -> memref<128x128xf32, #tpu.memory_space<hbm>>
      %dma_wait3A_72 = arith.constant 0 : i32
      %dma_wait3A_73 = tpu.memref_slice %arg11[%add3A_34, %dma_wait3A_72] : memref<10240x128xf32, #tpu.memory_space<vmem_shared>> -> memref<128x128xf32, #tpu.memory_space<vmem_shared>>
      tpu.wait_dma2 semaphore(%run_scoped3A : memref<!tpu.dma_semaphore, #tpu.memory_space<semaphore_mem>>) src(%dma_wait3A_73 : memref<128x128xf32, #tpu.memory_space<vmem_shared>>) dst(%dma_wait3A_71 : memref<128x128xf32, #tpu.memory_space<hbm>>)
      tpu.yield
    }) : () -> ()
    %add3A_40 = arith.constant 128 : i32
    %add3A_41 = arith.addi %mul3A_15, %add3A_40 : i32
    %mul3A_42 = arith.constant 10240 : i32
    %mul3A_43 = arith.muli %arg0, %mul3A_42 : i32
    %add3A_44 = arith.addi %mul3A_43, %mul3A_15 : i32
    %add3A_45 = arith.constant 128 : i32
    %add3A_46 = arith.addi %add3A_44, %add3A_45 : i32
    "tpu.region"() ({
      %run_scoped3A = tpu.sem_alloc : memref<!tpu.dma_semaphore, #tpu.memory_space<semaphore_mem>>
      %dma_start3A = arith.constant 0 : i32
      %dma_start3A_68 = tpu.memref_slice %arg6[%add3A_46, %dma_start3A] : memref<20480x128xf32, #tpu.memory_space<hbm>> -> memref<128x128xf32, #tpu.memory_space<hbm>>
      %dma_start3A_69 = arith.constant 0 : i32
      %dma_start3A_70 = tpu.memref_slice %arg11[%add3A_41, %dma_start3A_69] : memref<10240x128xf32, #tpu.memory_space<vmem_shared>> -> memref<128x128xf32, #tpu.memory_space<vmem_shared>>
      tpu.enqueue_dma source(%dma_start3A_70 : memref<128x128xf32, #tpu.memory_space<vmem_shared>>) target(%dma_start3A_68 : memref<128x128xf32, #tpu.memory_space<hbm>>) target_semaphore(%run_scoped3A : memref<!tpu.dma_semaphore, #tpu.memory_space<semaphore_mem>>)
      %dma_wait3A = arith.constant 0 : i32
      %dma_wait3A_71 = tpu.memref_slice %arg6[%add3A_46, %dma_wait3A] : memref<20480x128xf32, #tpu.memory_space<hbm>> -> memref<128x128xf32, #tpu.memory_space<hbm>>
      %dma_wait3A_72 = arith.constant 0 : i32
      %dma_wait3A_73 = tpu.memref_slice %arg11[%add3A_41, %dma_wait3A_72] : memref<10240x128xf32, #tpu.memory_space<vmem_shared>> -> memref<128x128xf32, #tpu.memory_space<vmem_shared>>
      tpu.wait_dma2 semaphore(%run_scoped3A : memref<!tpu.dma_semaphore, #tpu.memory_space<semaphore_mem>>) src(%dma_wait3A_73 : memref<128x128xf32, #tpu.memory_space<vmem_shared>>) dst(%dma_wait3A_71 : memref<128x128xf32, #tpu.memory_space<hbm>>)
      tpu.yield
    }) : () -> ()
    %add3A_47 = arith.constant 256 : i32
    %add3A_48 = arith.addi %mul3A_15, %add3A_47 : i32
    %mul3A_49 = arith.constant 10240 : i32
    %mul3A_50 = arith.muli %arg0, %mul3A_49 : i32
    %add3A_51 = arith.addi %mul3A_50, %mul3A_15 : i32
    %add3A_52 = arith.constant 256 : i32
    %add3A_53 = arith.addi %add3A_51, %add3A_52 : i32
    "tpu.region"() ({
      %run_scoped3A = tpu.sem_alloc : memref<!tpu.dma_semaphore, #tpu.memory_space<semaphore_mem>>
      %dma_start3A = arith.constant 0 : i32
      %dma_start3A_68 = tpu.memref_slice %arg6[%add3A_53, %dma_start3A] : memref<20480x128xf32, #tpu.memory_space<hbm>> -> memref<128x128xf32, #tpu.memory_space<hbm>>
      %dma_start3A_69 = arith.constant 0 : i32
      %dma_start3A_70 = tpu.memref_slice %arg11[%add3A_48, %dma_start3A_69] : memref<10240x128xf32, #tpu.memory_space<vmem_shared>> -> memref<128x128xf32, #tpu.memory_space<vmem_shared>>
      tpu.enqueue_dma source(%dma_start3A_70 : memref<128x128xf32, #tpu.memory_space<vmem_shared>>) target(%dma_start3A_68 : memref<128x128xf32, #tpu.memory_space<hbm>>) target_semaphore(%run_scoped3A : memref<!tpu.dma_semaphore, #tpu.memory_space<semaphore_mem>>)
      %dma_wait3A = arith.constant 0 : i32
      %dma_wait3A_71 = tpu.memref_slice %arg6[%add3A_53, %dma_wait3A] : memref<20480x128xf32, #tpu.memory_space<hbm>> -> memref<128x128xf32, #tpu.memory_space<hbm>>
      %dma_wait3A_72 = arith.constant 0 : i32
      %dma_wait3A_73 = tpu.memref_slice %arg11[%add3A_48, %dma_wait3A_72] : memref<10240x128xf32, #tpu.memory_space<vmem_shared>> -> memref<128x128xf32, #tpu.memory_space<vmem_shared>>
      tpu.wait_dma2 semaphore(%run_scoped3A : memref<!tpu.dma_semaphore, #tpu.memory_space<semaphore_mem>>) src(%dma_wait3A_73 : memref<128x128xf32, #tpu.memory_space<vmem_shared>>) dst(%dma_wait3A_71 : memref<128x128xf32, #tpu.memory_space<hbm>>)
      tpu.yield
    }) : () -> ()
    %add3A_54 = arith.constant 384 : i32
    %add3A_55 = arith.addi %mul3A_15, %add3A_54 : i32
    %mul3A_56 = arith.constant 10240 : i32
    %mul3A_57 = arith.muli %arg0, %mul3A_56 : i32
    %add3A_58 = arith.addi %mul3A_57, %mul3A_15 : i32
    %add3A_59 = arith.constant 384 : i32
    %add3A_60 = arith.addi %add3A_58, %add3A_59 : i32
    "tpu.region"() ({
      %run_scoped3A = tpu.sem_alloc : memref<!tpu.dma_semaphore, #tpu.memory_space<semaphore_mem>>
      %dma_start3A = arith.constant 0 : i32
      %dma_start3A_68 = tpu.memref_slice %arg6[%add3A_60, %dma_start3A] : memref<20480x128xf32, #tpu.memory_space<hbm>> -> memref<128x128xf32, #tpu.memory_space<hbm>>
      %dma_start3A_69 = arith.constant 0 : i32
      %dma_start3A_70 = tpu.memref_slice %arg11[%add3A_55, %dma_start3A_69] : memref<10240x128xf32, #tpu.memory_space<vmem_shared>> -> memref<128x128xf32, #tpu.memory_space<vmem_shared>>
      tpu.enqueue_dma source(%dma_start3A_70 : memref<128x128xf32, #tpu.memory_space<vmem_shared>>) target(%dma_start3A_68 : memref<128x128xf32, #tpu.memory_space<hbm>>) target_semaphore(%run_scoped3A : memref<!tpu.dma_semaphore, #tpu.memory_space<semaphore_mem>>)
      %dma_wait3A = arith.constant 0 : i32
      %dma_wait3A_71 = tpu.memref_slice %arg6[%add3A_60, %dma_wait3A] : memref<20480x128xf32, #tpu.memory_space<hbm>> -> memref<128x128xf32, #tpu.memory_space<hbm>>
      %dma_wait3A_72 = arith.constant 0 : i32
      %dma_wait3A_73 = tpu.memref_slice %arg11[%add3A_55, %dma_wait3A_72] : memref<10240x128xf32, #tpu.memory_space<vmem_shared>> -> memref<128x128xf32, #tpu.memory_space<vmem_shared>>
      tpu.wait_dma2 semaphore(%run_scoped3A : memref<!tpu.dma_semaphore, #tpu.memory_space<semaphore_mem>>) src(%dma_wait3A_73 : memref<128x128xf32, #tpu.memory_space<vmem_shared>>) dst(%dma_wait3A_71 : memref<128x128xf32, #tpu.memory_space<hbm>>)
      tpu.yield
    }) : () -> ()
    %add3A_61 = arith.constant 512 : i32
    %add3A_62 = arith.addi %mul3A_15, %add3A_61 : i32
    %mul3A_63 = arith.constant 10240 : i32
    %mul3A_64 = arith.muli %arg0, %mul3A_63 : i32
    %add3A_65 = arith.addi %mul3A_64, %mul3A_15 : i32
    %add3A_66 = arith.constant 512 : i32
    %add3A_67 = arith.addi %add3A_65, %add3A_66 : i32
    "tpu.region"() ({
      %run_scoped3A = tpu.sem_alloc : memref<!tpu.dma_semaphore, #tpu.memory_space<semaphore_mem>>
      %dma_start3A = arith.constant 0 : i32
      %dma_start3A_68 = tpu.memref_slice %arg6[%add3A_67, %dma_start3A] : memref<20480x128xf32, #tpu.memory_space<hbm>> -> memref<128x128xf32, #tpu.memory_space<hbm>>
      %dma_start3A_69 = arith.constant 0 : i32
      %dma_start3A_70 = tpu.memref_slice %arg11[%add3A_62, %dma_start3A_69] : memref<10240x128xf32, #tpu.memory_space<vmem_shared>> -> memref<128x128xf32, #tpu.memory_space<vmem_shared>>
      tpu.enqueue_dma source(%dma_start3A_70 : memref<128x128xf32, #tpu.memory_space<vmem_shared>>) target(%dma_start3A_68 : memref<128x128xf32, #tpu.memory_space<hbm>>) target_semaphore(%run_scoped3A : memref<!tpu.dma_semaphore, #tpu.memory_space<semaphore_mem>>)
      %dma_wait3A = arith.constant 0 : i32
      %dma_wait3A_71 = tpu.memref_slice %arg6[%add3A_67, %dma_wait3A] : memref<20480x128xf32, #tpu.memory_space<hbm>> -> memref<128x128xf32, #tpu.memory_space<hbm>>
      %dma_wait3A_72 = arith.constant 0 : i32
      %dma_wait3A_73 = tpu.memref_slice %arg11[%add3A_62, %dma_wait3A_72] : memref<10240x128xf32, #tpu.memory_space<vmem_shared>> -> memref<128x128xf32, #tpu.memory_space<vmem_shared>>
      tpu.wait_dma2 semaphore(%run_scoped3A : memref<!tpu.dma_semaphore, #tpu.memory_space<semaphore_mem>>) src(%dma_wait3A_73 : memref<128x128xf32, #tpu.memory_space<vmem_shared>>) dst(%dma_wait3A_71 : memref<128x128xf32, #tpu.memory_space<hbm>>)
      tpu.yield
    }) : () -> ()
    return
  }
}

#map = affine_map<(d0, d1) -> (0, 0, 0)>
#map1 = affine_map<(d0, d1) -> (0, 0)>
module attributes {stable_mosaic.version = 14 : i64} {
  func.func @_sc_agg_body(%arg0: i32, %arg1: i32, %arg2: memref<16x79x128xi32, #tpu.memory_space<hbm>>, %arg3: memref<16x79x128xi32, #tpu.memory_space<hbm>>, %arg4: memref<16x79x128xf32, #tpu.memory_space<hbm>>, %arg5: memref<20000x128xf32, #tpu.memory_space<hbm>>, %arg6: memref<20480x128xf32, #tpu.memory_space<hbm>>, %arg7: memref<79x128xi32, #tpu.memory_space<vmem>>, %arg8: memref<79x128xi32, #tpu.memory_space<vmem>>, %arg9: memref<79x128xf32, #tpu.memory_space<vmem>>, %arg10: memref<128x128xf32, #tpu.memory_space<vmem>>, %arg11: memref<10240x128xf32, #tpu.memory_space<vmem_shared>>, %arg12: memref<!tpu.dma_semaphore, #tpu.memory_space<semaphore_mem>>) attributes {dimension_semantics = [#tpu.dimension_semantics<core_parallel>, #tpu.dimension_semantics<subcore_parallel>], iteration_bounds = array<i64: 2, 16>, scalar_prefetch = 0 : i64, scratch_operands = 6 : i64, tpu.core_type = #tpu.core_type<sc_vector_subcore>, window_params = [{transform_indices = #map}, {transform_indices = #map}, {transform_indices = #map}, {transform_indices = #map1}, {transform_indices = #map1}]} {
    "tpu.region"() ({
      %run_scoped3A = tpu.sem_alloc : memref<!tpu.dma_semaphore, #tpu.memory_space<semaphore_mem>>
      %dma_start3A = arith.constant 0 : i32
      %dma_start3A_68 = arith.constant 0 : i32
      %dma_start3A_69 = tpu.memref_slice %arg2[%arg1, %dma_start3A, %dma_start3A_68] : memref<16x79x128xi32, #tpu.memory_space<hbm>> -> memref<1x79x128xi32, #tpu.memory_space<hbm>>
      %dma_start3A_70 = tpu.memref_squeeze %dma_start3A_69 : memref<1x79x128xi32, #tpu.memory_space<hbm>> -> memref<79x128xi32, #tpu.memory_space<hbm>>
      %dma_start3A_71 = arith.constant 0 : i32
      %dma_start3A_72 = arith.constant 0 : i32
      %dma_start3A_73 = tpu.memref_slice %arg2[%arg1, %dma_start3A_71, %dma_start3A_72] : memref<16x79x128xi32, #tpu.memory_space<hbm>> -> memref<1x79x128xi32, #tpu.memory_space<hbm>>
      %dma_start3A_74 = tpu.memref_squeeze %dma_start3A_73 : memref<1x79x128xi32, #tpu.memory_space<hbm>> -> memref<79x128xi32, #tpu.memory_space<hbm>>
      tpu.enqueue_dma source(%dma_start3A_74 : memref<79x128xi32, #tpu.memory_space<hbm>>) target(%arg7 : memref<79x128xi32, #tpu.memory_space<vmem>>) target_semaphore(%run_scoped3A : memref<!tpu.dma_semaphore, #tpu.memory_space<semaphore_mem>>)
      %dma_wait3A = arith.constant 0 : i32
      %dma_wait3A_75 = arith.constant 0 : i32
      %dma_wait3A_76 = tpu.memref_slice %arg2[%arg1, %dma_wait3A, %dma_wait3A_75] : memref<16x79x128xi32, #tpu.memory_space<hbm>> -> memref<1x79x128xi32, #tpu.memory_space<hbm>>
      %dma_wait3A_77 = tpu.memref_squeeze %dma_wait3A_76 : memref<1x79x128xi32, #tpu.memory_space<hbm>> -> memref<79x128xi32, #tpu.memory_space<hbm>>
      %dma_wait3A_78 = arith.constant 0 : i32
      %dma_wait3A_79 = arith.constant 0 : i32
      %dma_wait3A_80 = tpu.memref_slice %arg2[%arg1, %dma_wait3A_78, %dma_wait3A_79] : memref<16x79x128xi32, #tpu.memory_space<hbm>> -> memref<1x79x128xi32, #tpu.memory_space<hbm>>
      %dma_wait3A_81 = tpu.memref_squeeze %dma_wait3A_80 : memref<1x79x128xi32, #tpu.memory_space<hbm>> -> memref<79x128xi32, #tpu.memory_space<hbm>>
      tpu.wait_dma2 semaphore(%run_scoped3A : memref<!tpu.dma_semaphore, #tpu.memory_space<semaphore_mem>>) src(%dma_wait3A_81 : memref<79x128xi32, #tpu.memory_space<hbm>>) dst(%arg7 : memref<79x128xi32, #tpu.memory_space<vmem>>)
      tpu.yield
    }) : () -> ()
    "tpu.region"() ({
      %run_scoped3A = tpu.sem_alloc : memref<!tpu.dma_semaphore, #tpu.memory_space<semaphore_mem>>
      %dma_start3A = arith.constant 0 : i32
      %dma_start3A_68 = arith.constant 0 : i32
      %dma_start3A_69 = tpu.memref_slice %arg3[%arg1, %dma_start3A, %dma_start3A_68] : memref<16x79x128xi32, #tpu.memory_space<hbm>> -> memref<1x79x128xi32, #tpu.memory_space<hbm>>
      %dma_start3A_70 = tpu.memref_squeeze %dma_start3A_69 : memref<1x79x128xi32, #tpu.memory_space<hbm>> -> memref<79x128xi32, #tpu.memory_space<hbm>>
      %dma_start3A_71 = arith.constant 0 : i32
      %dma_start3A_72 = arith.constant 0 : i32
      %dma_start3A_73 = tpu.memref_slice %arg3[%arg1, %dma_start3A_71, %dma_start3A_72] : memref<16x79x128xi32, #tpu.memory_space<hbm>> -> memref<1x79x128xi32, #tpu.memory_space<hbm>>
      %dma_start3A_74 = tpu.memref_squeeze %dma_start3A_73 : memref<1x79x128xi32, #tpu.memory_space<hbm>> -> memref<79x128xi32, #tpu.memory_space<hbm>>
      tpu.enqueue_dma source(%dma_start3A_74 : memref<79x128xi32, #tpu.memory_space<hbm>>) target(%arg8 : memref<79x128xi32, #tpu.memory_space<vmem>>) target_semaphore(%run_scoped3A : memref<!tpu.dma_semaphore, #tpu.memory_space<semaphore_mem>>)
      %dma_wait3A = arith.constant 0 : i32
      %dma_wait3A_75 = arith.constant 0 : i32
      %dma_wait3A_76 = tpu.memref_slice %arg3[%arg1, %dma_wait3A, %dma_wait3A_75] : memref<16x79x128xi32, #tpu.memory_space<hbm>> -> memref<1x79x128xi32, #tpu.memory_space<hbm>>
      %dma_wait3A_77 = tpu.memref_squeeze %dma_wait3A_76 : memref<1x79x128xi32, #tpu.memory_space<hbm>> -> memref<79x128xi32, #tpu.memory_space<hbm>>
      %dma_wait3A_78 = arith.constant 0 : i32
      %dma_wait3A_79 = arith.constant 0 : i32
      %dma_wait3A_80 = tpu.memref_slice %arg3[%arg1, %dma_wait3A_78, %dma_wait3A_79] : memref<16x79x128xi32, #tpu.memory_space<hbm>> -> memref<1x79x128xi32, #tpu.memory_space<hbm>>
      %dma_wait3A_81 = tpu.memref_squeeze %dma_wait3A_80 : memref<1x79x128xi32, #tpu.memory_space<hbm>> -> memref<79x128xi32, #tpu.memory_space<hbm>>
      tpu.wait_dma2 semaphore(%run_scoped3A : memref<!tpu.dma_semaphore, #tpu.memory_space<semaphore_mem>>) src(%dma_wait3A_81 : memref<79x128xi32, #tpu.memory_space<hbm>>) dst(%arg8 : memref<79x128xi32, #tpu.memory_space<vmem>>)
      tpu.yield
    }) : () -> ()
    "tpu.region"() ({
      %run_scoped3A = tpu.sem_alloc : memref<!tpu.dma_semaphore, #tpu.memory_space<semaphore_mem>>
      %dma_start3A = arith.constant 0 : i32
      %dma_start3A_68 = arith.constant 0 : i32
      %dma_start3A_69 = tpu.memref_slice %arg4[%arg1, %dma_start3A, %dma_start3A_68] : memref<16x79x128xf32, #tpu.memory_space<hbm>> -> memref<1x79x128xf32, #tpu.memory_space<hbm>>
      %dma_start3A_70 = tpu.memref_squeeze %dma_start3A_69 : memref<1x79x128xf32, #tpu.memory_space<hbm>> -> memref<79x128xf32, #tpu.memory_space<hbm>>
      %dma_start3A_71 = arith.constant 0 : i32
      %dma_start3A_72 = arith.constant 0 : i32
      %dma_start3A_73 = tpu.memref_slice %arg4[%arg1, %dma_start3A_71, %dma_start3A_72] : memref<16x79x128xf32, #tpu.memory_space<hbm>> -> memref<1x79x128xf32, #tpu.memory_space<hbm>>
      %dma_start3A_74 = tpu.memref_squeeze %dma_start3A_73 : memref<1x79x128xf32, #tpu.memory_space<hbm>> -> memref<79x128xf32, #tpu.memory_space<hbm>>
      tpu.enqueue_dma source(%dma_start3A_74 : memref<79x128xf32, #tpu.memory_space<hbm>>) target(%arg9 : memref<79x128xf32, #tpu.memory_space<vmem>>) target_semaphore(%run_scoped3A : memref<!tpu.dma_semaphore, #tpu.memory_space<semaphore_mem>>)
      %dma_wait3A = arith.constant 0 : i32
      %dma_wait3A_75 = arith.constant 0 : i32
      %dma_wait3A_76 = tpu.memref_slice %arg4[%arg1, %dma_wait3A, %dma_wait3A_75] : memref<16x79x128xf32, #tpu.memory_space<hbm>> -> memref<1x79x128xf32, #tpu.memory_space<hbm>>
      %dma_wait3A_77 = tpu.memref_squeeze %dma_wait3A_76 : memref<1x79x128xf32, #tpu.memory_space<hbm>> -> memref<79x128xf32, #tpu.memory_space<hbm>>
      %dma_wait3A_78 = arith.constant 0 : i32
      %dma_wait3A_79 = arith.constant 0 : i32
      %dma_wait3A_80 = tpu.memref_slice %arg4[%arg1, %dma_wait3A_78, %dma_wait3A_79] : memref<16x79x128xf32, #tpu.memory_space<hbm>> -> memref<1x79x128xf32, #tpu.memory_space<hbm>>
      %dma_wait3A_81 = tpu.memref_squeeze %dma_wait3A_80 : memref<1x79x128xf32, #tpu.memory_space<hbm>> -> memref<79x128xf32, #tpu.memory_space<hbm>>
      tpu.wait_dma2 semaphore(%run_scoped3A : memref<!tpu.dma_semaphore, #tpu.memory_space<semaphore_mem>>) src(%dma_wait3A_81 : memref<79x128xf32, #tpu.memory_space<hbm>>) dst(%arg9 : memref<79x128xf32, #tpu.memory_space<vmem>>)
      tpu.yield
    }) : () -> ()
    %mul3A = arith.constant 10000 : i32
    %mul3A_0 = arith.muli %arg0, %mul3A : i32
    %scan3A = arith.constant 0 : i32
    %scan3A_1 = arith.constant 0 : i32
    %scan3A_2 = arith.constant 79 : i32
    %scan3A_3 = arith.addi %scan3A_1, %scan3A_2 : i32
    %scan3A_4 = arith.constant 1 : i32
    %scan3A_5 = scf.for %scan3A_68 = %scan3A_1 to %scan3A_3 step %scan3A_4 iter_args(%scan3A_69 = %scan3A) -> (i32)  : i32 {
      %get3A = arith.index_cast %scan3A_68 : i32 to index
      %get3A_70 = arith.constant 0 : index
      %get3A_71 = tpu.vector_load %arg7[%get3A, %get3A_70] {strides = array<i32>} : memref<79x128xi32, #tpu.memory_space<vmem>>, vector<1x16xi32>,
      %get3A_72 = vector.shape_cast %get3A_71 : vector<1x16xi32> to vector<16xi32>
      %add3A_73 = vector.broadcast %mul3A_0 : i32 to vector<16xi32>
      %add3A_74 = arith.addi %get3A_72, %add3A_73 : vector<16xi32>
      %swap3A = arith.index_cast %scan3A_68 : i32 to index
      %swap3A_75 = arith.constant 0 : index
      %swap3A_76 = tpu.vector_load %arg7[%swap3A, %swap3A_75] {strides = array<i32>} : memref<79x128xi32, #tpu.memory_space<vmem>>, vector<1x16xi32>,
      %swap3A_77 = vector.shape_cast %swap3A_76 : vector<1x16xi32> to vector<16xi32>
      %swap3A_78 = vector.shape_cast %add3A_74 : vector<16xi32> to vector<1x16xi32>
      tpu.vector_store %arg7[%swap3A, %swap3A_75], %swap3A_78 {strides = array<i32>} : memref<79x128xi32, #tpu.memory_space<vmem>>, vector<1x16xi32>,
      %get3A_79 = arith.index_cast %scan3A_68 : i32 to index
      %get3A_80 = arith.constant 16 : index
      %get3A_81 = tpu.vector_load %arg7[%get3A_79, %get3A_80] {strides = array<i32>} : memref<79x128xi32, #tpu.memory_space<vmem>>, vector<1x16xi32>,
      %get3A_82 = vector.shape_cast %get3A_81 : vector<1x16xi32> to vector<16xi32>
      %add3A_83 = vector.broadcast %mul3A_0 : i32 to vector<16xi32>
      %add3A_84 = arith.addi %get3A_82, %add3A_83 : vector<16xi32>
      %swap3A_85 = arith.index_cast %scan3A_68 : i32 to index
      %swap3A_86 = arith.constant 16 : index
      %swap3A_87 = tpu.vector_load %arg7[%swap3A_85, %swap3A_86] {strides = array<i32>} : memref<79x128xi32, #tpu.memory_space<vmem>>, vector<1x16xi32>,
      %swap3A_88 = vector.shape_cast %swap3A_87 : vector<1x16xi32> to vector<16xi32>
      %swap3A_89 = vector.shape_cast %add3A_84 : vector<16xi32> to vector<1x16xi32>
      tpu.vector_store %arg7[%swap3A_85, %swap3A_86], %swap3A_89 {strides = array<i32>} : memref<79x128xi32, #tpu.memory_space<vmem>>, vector<1x16xi32>,
      %get3A_90 = arith.index_cast %scan3A_68 : i32 to index
      %get3A_91 = arith.constant 32 : index
      %get3A_92 = tpu.vector_load %arg7[%get3A_90, %get3A_91] {strides = array<i32>} : memref<79x128xi32, #tpu.memory_space<vmem>>, vector<1x16xi32>,
      %get3A_93 = vector.shape_cast %get3A_92 : vector<1x16xi32> to vector<16xi32>
      %add3A_94 = vector.broadcast %mul3A_0 : i32 to vector<16xi32>
      %add3A_95 = arith.addi %get3A_93, %add3A_94 : vector<16xi32>
      %swap3A_96 = arith.index_cast %scan3A_68 : i32 to index
      %swap3A_97 = arith.constant 32 : index
      %swap3A_98 = tpu.vector_load %arg7[%swap3A_96, %swap3A_97] {strides = array<i32>} : memref<79x128xi32, #tpu.memory_space<vmem>>, vector<1x16xi32>,
      %swap3A_99 = vector.shape_cast %swap3A_98 : vector<1x16xi32> to vector<16xi32>
      %swap3A_100 = vector.shape_cast %add3A_95 : vector<16xi32> to vector<1x16xi32>
      tpu.vector_store %arg7[%swap3A_96, %swap3A_97], %swap3A_100 {strides = array<i32>} : memref<79x128xi32, #tpu.memory_space<vmem>>, vector<1x16xi32>,
      %get3A_101 = arith.index_cast %scan3A_68 : i32 to index
      %get3A_102 = arith.constant 48 : index
      %get3A_103 = tpu.vector_load %arg7[%get3A_101, %get3A_102] {strides = array<i32>} : memref<79x128xi32, #tpu.memory_space<vmem>>, vector<1x16xi32>,
      %get3A_104 = vector.shape_cast %get3A_103 : vector<1x16xi32> to vector<16xi32>
      %add3A_105 = vector.broadcast %mul3A_0 : i32 to vector<16xi32>
      %add3A_106 = arith.addi %get3A_104, %add3A_105 : vector<16xi32>
      %swap3A_107 = arith.index_cast %scan3A_68 : i32 to index
      %swap3A_108 = arith.constant 48 : index
      %swap3A_109 = tpu.vector_load %arg7[%swap3A_107, %swap3A_108] {strides = array<i32>} : memref<79x128xi32, #tpu.memory_space<vmem>>, vector<1x16xi32>,
      %swap3A_110 = vector.shape_cast %swap3A_109 : vector<1x16xi32> to vector<16xi32>
      %swap3A_111 = vector.shape_cast %add3A_106 : vector<16xi32> to vector<1x16xi32>
      tpu.vector_store %arg7[%swap3A_107, %swap3A_108], %swap3A_111 {strides = array<i32>} : memref<79x128xi32, #tpu.memory_space<vmem>>, vector<1x16xi32>,
      %get3A_112 = arith.index_cast %scan3A_68 : i32 to index
      %get3A_113 = arith.constant 64 : index
      %get3A_114 = tpu.vector_load %arg7[%get3A_112, %get3A_113] {strides = array<i32>} : memref<79x128xi32, #tpu.memory_space<vmem>>, vector<1x16xi32>,
      %get3A_115 = vector.shape_cast %get3A_114 : vector<1x16xi32> to vector<16xi32>
      %add3A_116 = vector.broadcast %mul3A_0 : i32 to vector<16xi32>
      %add3A_117 = arith.addi %get3A_115, %add3A_116 : vector<16xi32>
      %swap3A_118 = arith.index_cast %scan3A_68 : i32 to index
      %swap3A_119 = arith.constant 64 : index
      %swap3A_120 = tpu.vector_load %arg7[%swap3A_118, %swap3A_119] {strides = array<i32>} : memref<79x128xi32, #tpu.memory_space<vmem>>, vector<1x16xi32>,
      %swap3A_121 = vector.shape_cast %swap3A_120 : vector<1x16xi32> to vector<16xi32>
      %swap3A_122 = vector.shape_cast %add3A_117 : vector<16xi32> to vector<1x16xi32>
      tpu.vector_store %arg7[%swap3A_118, %swap3A_119], %swap3A_122 {strides = array<i32>} : memref<79x128xi32, #tpu.memory_space<vmem>>, vector<1x16xi32>,
      %get3A_123 = arith.index_cast %scan3A_68 : i32 to index
      %get3A_124 = arith.constant 80 : index
      %get3A_125 = tpu.vector_load %arg7[%get3A_123, %get3A_124] {strides = array<i32>} : memref<79x128xi32, #tpu.memory_space<vmem>>, vector<1x16xi32>,
      %get3A_126 = vector.shape_cast %get3A_125 : vector<1x16xi32> to vector<16xi32>
      %add3A_127 = vector.broadcast %mul3A_0 : i32 to vector<16xi32>
      %add3A_128 = arith.addi %get3A_126, %add3A_127 : vector<16xi32>
      %swap3A_129 = arith.index_cast %scan3A_68 : i32 to index
      %swap3A_130 = arith.constant 80 : index
      %swap3A_131 = tpu.vector_load %arg7[%swap3A_129, %swap3A_130] {strides = array<i32>} : memref<79x128xi32, #tpu.memory_space<vmem>>, vector<1x16xi32>,
      %swap3A_132 = vector.shape_cast %swap3A_131 : vector<1x16xi32> to vector<16xi32>
      %swap3A_133 = vector.shape_cast %add3A_128 : vector<16xi32> to vector<1x16xi32>
      tpu.vector_store %arg7[%swap3A_129, %swap3A_130], %swap3A_133 {strides = array<i32>} : memref<79x128xi32, #tpu.memory_space<vmem>>, vector<1x16xi32>,
      %get3A_134 = arith.index_cast %scan3A_68 : i32 to index
      %get3A_135 = arith.constant 96 : index
      %get3A_136 = tpu.vector_load %arg7[%get3A_134, %get3A_135] {strides = array<i32>} : memref<79x128xi32, #tpu.memory_space<vmem>>, vector<1x16xi32>,
      %get3A_137 = vector.shape_cast %get3A_136 : vector<1x16xi32> to vector<16xi32>
      %add3A_138 = vector.broadcast %mul3A_0 : i32 to vector<16xi32>
      %add3A_139 = arith.addi %get3A_137, %add3A_138 : vector<16xi32>
      %swap3A_140 = arith.index_cast %scan3A_68 : i32 to index
      %swap3A_141 = arith.constant 96 : index
      %swap3A_142 = tpu.vector_load %arg7[%swap3A_140, %swap3A_141] {strides = array<i32>} : memref<79x128xi32, #tpu.memory_space<vmem>>, vector<1x16xi32>,
      %swap3A_143 = vector.shape_cast %swap3A_142 : vector<1x16xi32> to vector<16xi32>
      %swap3A_144 = vector.shape_cast %add3A_139 : vector<16xi32> to vector<1x16xi32>
      tpu.vector_store %arg7[%swap3A_140, %swap3A_141], %swap3A_144 {strides = array<i32>} : memref<79x128xi32, #tpu.memory_space<vmem>>, vector<1x16xi32>,
      %get3A_145 = arith.index_cast %scan3A_68 : i32 to index
      %get3A_146 = arith.constant 112 : index
      %get3A_147 = tpu.vector_load %arg7[%get3A_145, %get3A_146] {strides = array<i32>} : memref<79x128xi32, #tpu.memory_space<vmem>>, vector<1x16xi32>,
      %get3A_148 = vector.shape_cast %get3A_147 : vector<1x16xi32> to vector<16xi32>
      %add3A_149 = vector.broadcast %mul3A_0 : i32 to vector<16xi32>
      %add3A_150 = arith.addi %get3A_148, %add3A_149 : vector<16xi32>
      %swap3A_151 = arith.index_cast %scan3A_68 : i32 to index
      %swap3A_152 = arith.constant 112 : index
      %swap3A_153 = tpu.vector_load %arg7[%swap3A_151, %swap3A_152] {strides = array<i32>} : memref<79x128xi32, #tpu.memory_space<vmem>>, vector<1x16xi32>,
      %swap3A_154 = vector.shape_cast %swap3A_153 : vector<1x16xi32> to vector<16xi32>
      %swap3A_155 = vector.shape_cast %add3A_150 : vector<16xi32> to vector<1x16xi32>
      tpu.vector_store %arg7[%swap3A_151, %swap3A_152], %swap3A_155 {strides = array<i32>} : memref<79x128xi32, #tpu.memory_space<vmem>>, vector<1x16xi32>,
      %scan3A_156 = arith.constant 0 : i32
      scf.yield %scan3A_156 : i32
    }
    %scan3A_6 = arith.constant 79 : i32
    %scan3A_7 = arith.constant 0 : i32
    %scan3A_8 = arith.constant 0 : i32
    %scan3A_9 = arith.constant 128 : i32
    %scan3A_10 = arith.addi %scan3A_8, %scan3A_9 : i32
    %scan3A_11 = arith.constant 1 : i32
    %scan3A_12 = scf.for %scan3A_68 = %scan3A_8 to %scan3A_10 step %scan3A_11 iter_args(%scan3A_69 = %scan3A_7) -> (i32)  : i32 {
      %broadcast_in_dim3A = arith.constant 0.000000e+00 : f32
      %broadcast_in_dim3A_70 = vector.broadcast %broadcast_in_dim3A : f32 to vector<16xf32>
      %swap3A = arith.index_cast %scan3A_68 : i32 to index
      %swap3A_71 = arith.constant 0 : index
      %swap3A_72 = tpu.vector_load %arg10[%swap3A, %swap3A_71] {strides = array<i32>} : memref<128x128xf32, #tpu.memory_space<vmem>>, vector<1x16xf32>,
      %swap3A_73 = vector.shape_cast %swap3A_72 : vector<1x16xf32> to vector<16xf32>
      %swap3A_74 = vector.shape_cast %broadcast_in_dim3A_70 : vector<16xf32> to vector<1x16xf32>
      tpu.vector_store %arg10[%swap3A, %swap3A_71], %swap3A_74 {strides = array<i32>} : memref<128x128xf32, #tpu.memory_space<vmem>>, vector<1x16xf32>,
      %broadcast_in_dim3A_75 = arith.constant 0.000000e+00 : f32
      %broadcast_in_dim3A_76 = vector.broadcast %broadcast_in_dim3A_75 : f32 to vector<16xf32>
      %swap3A_77 = arith.index_cast %scan3A_68 : i32 to index
      %swap3A_78 = arith.constant 16 : index
      %swap3A_79 = tpu.vector_load %arg10[%swap3A_77, %swap3A_78] {strides = array<i32>} : memref<128x128xf32, #tpu.memory_space<vmem>>, vector<1x16xf32>,
      %swap3A_80 = vector.shape_cast %swap3A_79 : vector<1x16xf32> to vector<16xf32>
      %swap3A_81 = vector.shape_cast %broadcast_in_dim3A_76 : vector<16xf32> to vector<1x16xf32>
      tpu.vector_store %arg10[%swap3A_77, %swap3A_78], %swap3A_81 {strides = array<i32>} : memref<128x128xf32, #tpu.memory_space<vmem>>, vector<1x16xf32>,
      %broadcast_in_dim3A_82 = arith.constant 0.000000e+00 : f32
      %broadcast_in_dim3A_83 = vector.broadcast %broadcast_in_dim3A_82 : f32 to vector<16xf32>
      %swap3A_84 = arith.index_cast %scan3A_68 : i32 to index
      %swap3A_85 = arith.constant 32 : index
      %swap3A_86 = tpu.vector_load %arg10[%swap3A_84, %swap3A_85] {strides = array<i32>} : memref<128x128xf32, #tpu.memory_space<vmem>>, vector<1x16xf32>,
      %swap3A_87 = vector.shape_cast %swap3A_86 : vector<1x16xf32> to vector<16xf32>
      %swap3A_88 = vector.shape_cast %broadcast_in_dim3A_83 : vector<16xf32> to vector<1x16xf32>
      tpu.vector_store %arg10[%swap3A_84, %swap3A_85], %swap3A_88 {strides = array<i32>} : memref<128x128xf32, #tpu.memory_space<vmem>>, vector<1x16xf32>,
      %broadcast_in_dim3A_89 = arith.constant 0.000000e+00 : f32
      %broadcast_in_dim3A_90 = vector.broadcast %broadcast_in_dim3A_89 : f32 to vector<16xf32>
      %swap3A_91 = arith.index_cast %scan3A_68 : i32 to index
      %swap3A_92 = arith.constant 48 : index
      %swap3A_93 = tpu.vector_load %arg10[%swap3A_91, %swap3A_92] {strides = array<i32>} : memref<128x128xf32, #tpu.memory_space<vmem>>, vector<1x16xf32>,
      %swap3A_94 = vector.shape_cast %swap3A_93 : vector<1x16xf32> to vector<16xf32>
      %swap3A_95 = vector.shape_cast %broadcast_in_dim3A_90 : vector<16xf32> to vector<1x16xf32>
      tpu.vector_store %arg10[%swap3A_91, %swap3A_92], %swap3A_95 {strides = array<i32>} : memref<128x128xf32, #tpu.memory_space<vmem>>, vector<1x16xf32>,
      %broadcast_in_dim3A_96 = arith.constant 0.000000e+00 : f32
      %broadcast_in_dim3A_97 = vector.broadcast %broadcast_in_dim3A_96 : f32 to vector<16xf32>
      %swap3A_98 = arith.index_cast %scan3A_68 : i32 to index
      %swap3A_99 = arith.constant 64 : index
      %swap3A_100 = tpu.vector_load %arg10[%swap3A_98, %swap3A_99] {strides = array<i32>} : memref<128x128xf32, #tpu.memory_space<vmem>>, vector<1x16xf32>,
      %swap3A_101 = vector.shape_cast %swap3A_100 : vector<1x16xf32> to vector<16xf32>
      %swap3A_102 = vector.shape_cast %broadcast_in_dim3A_97 : vector<16xf32> to vector<1x16xf32>
      tpu.vector_store %arg10[%swap3A_98, %swap3A_99], %swap3A_102 {strides = array<i32>} : memref<128x128xf32, #tpu.memory_space<vmem>>, vector<1x16xf32>,
      %broadcast_in_dim3A_103 = arith.constant 0.000000e+00 : f32
      %broadcast_in_dim3A_104 = vector.broadcast %broadcast_in_dim3A_103 : f32 to vector<16xf32>
      %swap3A_105 = arith.index_cast %scan3A_68 : i32 to index
      %swap3A_106 = arith.constant 80 : index
      %swap3A_107 = tpu.vector_load %arg10[%swap3A_105, %swap3A_106] {strides = array<i32>} : memref<128x128xf32, #tpu.memory_space<vmem>>, vector<1x16xf32>,
      %swap3A_108 = vector.shape_cast %swap3A_107 : vector<1x16xf32> to vector<16xf32>
      %swap3A_109 = vector.shape_cast %broadcast_in_dim3A_104 : vector<16xf32> to vector<1x16xf32>
      tpu.vector_store %arg10[%swap3A_105, %swap3A_106], %swap3A_109 {strides = array<i32>} : memref<128x128xf32, #tpu.memory_space<vmem>>, vector<1x16xf32>,
      %broadcast_in_dim3A_110 = arith.constant 0.000000e+00 : f32
      %broadcast_in_dim3A_111 = vector.broadcast %broadcast_in_dim3A_110 : f32 to vector<16xf32>
      %swap3A_112 = arith.index_cast %scan3A_68 : i32 to index
      %swap3A_113 = arith.constant 96 : index
      %swap3A_114 = tpu.vector_load %arg10[%swap3A_112, %swap3A_113] {strides = array<i32>} : memref<128x128xf32, #tpu.memory_space<vmem>>, vector<1x16xf32>,
      %swap3A_115 = vector.shape_cast %swap3A_114 : vector<1x16xf32> to vector<16xf32>
      %swap3A_116 = vector.shape_cast %broadcast_in_dim3A_111 : vector<16xf32> to vector<1x16xf32>
      tpu.vector_store %arg10[%swap3A_112, %swap3A_113], %swap3A_116 {strides = array<i32>} : memref<128x128xf32, #tpu.memory_space<vmem>>, vector<1x16xf32>,
      %broadcast_in_dim3A_117 = arith.constant 0.000000e+00 : f32
      %broadcast_in_dim3A_118 = vector.broadcast %broadcast_in_dim3A_117 : f32 to vector<16xf32>
      %swap3A_119 = arith.index_cast %scan3A_68 : i32 to index
      %swap3A_120 = arith.constant 112 : index
      %swap3A_121 = tpu.vector_load %arg10[%swap3A_119, %swap3A_120] {strides = array<i32>} : memref<128x128xf32, #tpu.memory_space<vmem>>, vector<1x16xf32>,
      %swap3A_122 = vector.shape_cast %swap3A_121 : vector<1x16xf32> to vector<16xf32>
      %swap3A_123 = vector.shape_cast %broadcast_in_dim3A_118 : vector<16xf32> to vector<1x16xf32>
      tpu.vector_store %arg10[%swap3A_119, %swap3A_120], %swap3A_123 {strides = array<i32>} : memref<128x128xf32, #tpu.memory_space<vmem>>, vector<1x16xf32>,
      %scan3A_124 = arith.constant 0 : i32
      scf.yield %scan3A_124 : i32
    }
    %scan3A_13 = arith.constant 128 : i32
    %mul3A_14 = arith.constant 640 : i32
    %mul3A_15 = arith.muli %arg1, %mul3A_14 : i32
    %add3A = arith.constant 0 : i32
    %add3A_16 = arith.addi %mul3A_15, %add3A : i32
    "tpu.region"() ({
      %run_scoped3A = tpu.sem_alloc : memref<!tpu.dma_semaphore, #tpu.memory_space<semaphore_mem>>
      %dma_start3A = arith.constant 0 : i32
      %dma_start3A_68 = arith.constant 0 : i32
      %dma_start3A_69 = tpu.memref_slice %arg10[%dma_start3A, %dma_start3A_68] : memref<128x128xf32, #tpu.memory_space<vmem>> -> memref<128x128xf32, #tpu.memory_space<vmem>>
      %dma_start3A_70 = arith.constant 0 : i32
      %dma_start3A_71 = tpu.memref_slice %arg11[%add3A_16, %dma_start3A_70] : memref<10240x128xf32, #tpu.memory_space<vmem_shared>> -> memref<128x128xf32, #tpu.memory_space<vmem_shared>>
      %dma_start3A_72 = arith.constant 0 : i32
      %dma_start3A_73 = tpu.memref_slice %arg11[%add3A_16, %dma_start3A_72] : memref<10240x128xf32, #tpu.memory_space<vmem_shared>> -> memref<128x128xf32, #tpu.memory_space<vmem_shared>>
      %dma_start3A_74 = arith.constant 0 : i32
      %dma_start3A_75 = arith.constant 0 : i32
      %dma_start3A_76 = tpu.memref_slice %arg10[%dma_start3A_74, %dma_start3A_75] : memref<128x128xf32, #tpu.memory_space<vmem>> -> memref<128x128xf32, #tpu.memory_space<vmem>>
      tpu.enqueue_dma source(%dma_start3A_76 : memref<128x128xf32, #tpu.memory_space<vmem>>) target(%dma_start3A_73 : memref<128x128xf32, #tpu.memory_space<vmem_shared>>) target_semaphore(%run_scoped3A : memref<!tpu.dma_semaphore, #tpu.memory_space<semaphore_mem>>)
      %dma_wait3A = arith.constant 0 : i32
      %dma_wait3A_77 = arith.constant 0 : i32
      %dma_wait3A_78 = tpu.memref_slice %arg10[%dma_wait3A, %dma_wait3A_77] : memref<128x128xf32, #tpu.memory_space<vmem>> -> memref<128x128xf32, #tpu.memory_space<vmem>>
      %dma_wait3A_79 = arith.constant 0 : i32
      %dma_wait3A_80 = tpu.memref_slice %arg11[%add3A_16, %dma_wait3A_79] : memref<10240x128xf32, #tpu.memory_space<vmem_shared>> -> memref<128x128xf32, #tpu.memory_space<vmem_shared>>
      %dma_wait3A_81 = arith.constant 0 : i32
      %dma_wait3A_82 = tpu.memref_slice %arg11[%add3A_16, %dma_wait3A_81] : memref<10240x128xf32, #tpu.memory_space<vmem_shared>> -> memref<128x128xf32, #tpu.memory_space<vmem_shared>>
      %dma_wait3A_83 = arith.constant 0 : i32
      %dma_wait3A_84 = arith.constant 0 : i32
      %dma_wait3A_85 = tpu.memref_slice %arg10[%dma_wait3A_83, %dma_wait3A_84] : memref<128x128xf32, #tpu.memory_space<vmem>> -> memref<128x128xf32, #tpu.memory_space<vmem>>
      tpu.wait_dma2 semaphore(%run_scoped3A : memref<!tpu.dma_semaphore, #tpu.memory_space<semaphore_mem>>) src(%dma_wait3A_85 : memref<128x128xf32, #tpu.memory_space<vmem>>) dst(%dma_wait3A_82 : memref<128x128xf32, #tpu.memory_space<vmem_shared>>)
      tpu.yield
    }) : () -> ()
    %add3A_17 = arith.constant 128 : i32
    %add3A_18 = arith.addi %mul3A_15, %add3A_17 : i32
    "tpu.region"() ({
      %run_scoped3A = tpu.sem_alloc : memref<!tpu.dma_semaphore, #tpu.memory_space<semaphore_mem>>
      %dma_start3A = arith.constant 0 : i32
      %dma_start3A_68 = arith.constant 0 : i32
      %dma_start3A_69 = tpu.memref_slice %arg10[%dma_start3A, %dma_start3A_68] : memref<128x128xf32, #tpu.memory_space<vmem>> -> memref<128x128xf32, #tpu.memory_space<vmem>>
      %dma_start3A_70 = arith.constant 0 : i32
      %dma_start3A_71 = tpu.memref_slice %arg11[%add3A_18, %dma_start3A_70] : memref<10240x128xf32, #tpu.memory_space<vmem_shared>> -> memref<128x128xf32, #tpu.memory_space<vmem_shared>>
      %dma_start3A_72 = arith.constant 0 : i32
      %dma_start3A_73 = tpu.memref_slice %arg11[%add3A_18, %dma_start3A_72] : memref<10240x128xf32, #tpu.memory_space<vmem_shared>> -> memref<128x128xf32, #tpu.memory_space<vmem_shared>>
      %dma_start3A_74 = arith.constant 0 : i32
      %dma_start3A_75 = arith.constant 0 : i32
      %dma_start3A_76 = tpu.memref_slice %arg10[%dma_start3A_74, %dma_start3A_75] : memref<128x128xf32, #tpu.memory_space<vmem>> -> memref<128x128xf32, #tpu.memory_space<vmem>>
      tpu.enqueue_dma source(%dma_start3A_76 : memref<128x128xf32, #tpu.memory_space<vmem>>) target(%dma_start3A_73 : memref<128x128xf32, #tpu.memory_space<vmem_shared>>) target_semaphore(%run_scoped3A : memref<!tpu.dma_semaphore, #tpu.memory_space<semaphore_mem>>)
      %dma_wait3A = arith.constant 0 : i32
      %dma_wait3A_77 = arith.constant 0 : i32
      %dma_wait3A_78 = tpu.memref_slice %arg10[%dma_wait3A, %dma_wait3A_77] : memref<128x128xf32, #tpu.memory_space<vmem>> -> memref<128x128xf32, #tpu.memory_space<vmem>>
      %dma_wait3A_79 = arith.constant 0 : i32
      %dma_wait3A_80 = tpu.memref_slice %arg11[%add3A_18, %dma_wait3A_79] : memref<10240x128xf32, #tpu.memory_space<vmem_shared>> -> memref<128x128xf32, #tpu.memory_space<vmem_shared>>
      %dma_wait3A_81 = arith.constant 0 : i32
      %dma_wait3A_82 = tpu.memref_slice %arg11[%add3A_18, %dma_wait3A_81] : memref<10240x128xf32, #tpu.memory_space<vmem_shared>> -> memref<128x128xf32, #tpu.memory_space<vmem_shared>>
      %dma_wait3A_83 = arith.constant 0 : i32
      %dma_wait3A_84 = arith.constant 0 : i32
      %dma_wait3A_85 = tpu.memref_slice %arg10[%dma_wait3A_83, %dma_wait3A_84] : memref<128x128xf32, #tpu.memory_space<vmem>> -> memref<128x128xf32, #tpu.memory_space<vmem>>
      tpu.wait_dma2 semaphore(%run_scoped3A : memref<!tpu.dma_semaphore, #tpu.memory_space<semaphore_mem>>) src(%dma_wait3A_85 : memref<128x128xf32, #tpu.memory_space<vmem>>) dst(%dma_wait3A_82 : memref<128x128xf32, #tpu.memory_space<vmem_shared>>)
      tpu.yield
    }) : () -> ()
    %add3A_19 = arith.constant 256 : i32
    %add3A_20 = arith.addi %mul3A_15, %add3A_19 : i32
    "tpu.region"() ({
      %run_scoped3A = tpu.sem_alloc : memref<!tpu.dma_semaphore, #tpu.memory_space<semaphore_mem>>
      %dma_start3A = arith.constant 0 : i32
      %dma_start3A_68 = arith.constant 0 : i32
      %dma_start3A_69 = tpu.memref_slice %arg10[%dma_start3A, %dma_start3A_68] : memref<128x128xf32, #tpu.memory_space<vmem>> -> memref<128x128xf32, #tpu.memory_space<vmem>>
      %dma_start3A_70 = arith.constant 0 : i32
      %dma_start3A_71 = tpu.memref_slice %arg11[%add3A_20, %dma_start3A_70] : memref<10240x128xf32, #tpu.memory_space<vmem_shared>> -> memref<128x128xf32, #tpu.memory_space<vmem_shared>>
      %dma_start3A_72 = arith.constant 0 : i32
      %dma_start3A_73 = tpu.memref_slice %arg11[%add3A_20, %dma_start3A_72] : memref<10240x128xf32, #tpu.memory_space<vmem_shared>> -> memref<128x128xf32, #tpu.memory_space<vmem_shared>>
      %dma_start3A_74 = arith.constant 0 : i32
      %dma_start3A_75 = arith.constant 0 : i32
      %dma_start3A_76 = tpu.memref_slice %arg10[%dma_start3A_74, %dma_start3A_75] : memref<128x128xf32, #tpu.memory_space<vmem>> -> memref<128x128xf32, #tpu.memory_space<vmem>>
      tpu.enqueue_dma source(%dma_start3A_76 : memref<128x128xf32, #tpu.memory_space<vmem>>) target(%dma_start3A_73 : memref<128x128xf32, #tpu.memory_space<vmem_shared>>) target_semaphore(%run_scoped3A : memref<!tpu.dma_semaphore, #tpu.memory_space<semaphore_mem>>)
      %dma_wait3A = arith.constant 0 : i32
      %dma_wait3A_77 = arith.constant 0 : i32
      %dma_wait3A_78 = tpu.memref_slice %arg10[%dma_wait3A, %dma_wait3A_77] : memref<128x128xf32, #tpu.memory_space<vmem>> -> memref<128x128xf32, #tpu.memory_space<vmem>>
      %dma_wait3A_79 = arith.constant 0 : i32
      %dma_wait3A_80 = tpu.memref_slice %arg11[%add3A_20, %dma_wait3A_79] : memref<10240x128xf32, #tpu.memory_space<vmem_shared>> -> memref<128x128xf32, #tpu.memory_space<vmem_shared>>
      %dma_wait3A_81 = arith.constant 0 : i32
      %dma_wait3A_82 = tpu.memref_slice %arg11[%add3A_20, %dma_wait3A_81] : memref<10240x128xf32, #tpu.memory_space<vmem_shared>> -> memref<128x128xf32, #tpu.memory_space<vmem_shared>>
      %dma_wait3A_83 = arith.constant 0 : i32
      %dma_wait3A_84 = arith.constant 0 : i32
      %dma_wait3A_85 = tpu.memref_slice %arg10[%dma_wait3A_83, %dma_wait3A_84] : memref<128x128xf32, #tpu.memory_space<vmem>> -> memref<128x128xf32, #tpu.memory_space<vmem>>
      tpu.wait_dma2 semaphore(%run_scoped3A : memref<!tpu.dma_semaphore, #tpu.memory_space<semaphore_mem>>) src(%dma_wait3A_85 : memref<128x128xf32, #tpu.memory_space<vmem>>) dst(%dma_wait3A_82 : memref<128x128xf32, #tpu.memory_space<vmem_shared>>)
      tpu.yield
    }) : () -> ()
    %add3A_21 = arith.constant 384 : i32
    %add3A_22 = arith.addi %mul3A_15, %add3A_21 : i32
    "tpu.region"() ({
      %run_scoped3A = tpu.sem_alloc : memref<!tpu.dma_semaphore, #tpu.memory_space<semaphore_mem>>
      %dma_start3A = arith.constant 0 : i32
      %dma_start3A_68 = arith.constant 0 : i32
      %dma_start3A_69 = tpu.memref_slice %arg10[%dma_start3A, %dma_start3A_68] : memref<128x128xf32, #tpu.memory_space<vmem>> -> memref<128x128xf32, #tpu.memory_space<vmem>>
      %dma_start3A_70 = arith.constant 0 : i32
      %dma_start3A_71 = tpu.memref_slice %arg11[%add3A_22, %dma_start3A_70] : memref<10240x128xf32, #tpu.memory_space<vmem_shared>> -> memref<128x128xf32, #tpu.memory_space<vmem_shared>>
      %dma_start3A_72 = arith.constant 0 : i32
      %dma_start3A_73 = tpu.memref_slice %arg11[%add3A_22, %dma_start3A_72] : memref<10240x128xf32, #tpu.memory_space<vmem_shared>> -> memref<128x128xf32, #tpu.memory_space<vmem_shared>>
      %dma_start3A_74 = arith.constant 0 : i32
      %dma_start3A_75 = arith.constant 0 : i32
      %dma_start3A_76 = tpu.memref_slice %arg10[%dma_start3A_74, %dma_start3A_75] : memref<128x128xf32, #tpu.memory_space<vmem>> -> memref<128x128xf32, #tpu.memory_space<vmem>>
      tpu.enqueue_dma source(%dma_start3A_76 : memref<128x128xf32, #tpu.memory_space<vmem>>) target(%dma_start3A_73 : memref<128x128xf32, #tpu.memory_space<vmem_shared>>) target_semaphore(%run_scoped3A : memref<!tpu.dma_semaphore, #tpu.memory_space<semaphore_mem>>)
      %dma_wait3A = arith.constant 0 : i32
      %dma_wait3A_77 = arith.constant 0 : i32
      %dma_wait3A_78 = tpu.memref_slice %arg10[%dma_wait3A, %dma_wait3A_77] : memref<128x128xf32, #tpu.memory_space<vmem>> -> memref<128x128xf32, #tpu.memory_space<vmem>>
      %dma_wait3A_79 = arith.constant 0 : i32
      %dma_wait3A_80 = tpu.memref_slice %arg11[%add3A_22, %dma_wait3A_79] : memref<10240x128xf32, #tpu.memory_space<vmem_shared>> -> memref<128x128xf32, #tpu.memory_space<vmem_shared>>
      %dma_wait3A_81 = arith.constant 0 : i32
      %dma_wait3A_82 = tpu.memref_slice %arg11[%add3A_22, %dma_wait3A_81] : memref<10240x128xf32, #tpu.memory_space<vmem_shared>> -> memref<128x128xf32, #tpu.memory_space<vmem_shared>>
      %dma_wait3A_83 = arith.constant 0 : i32
      %dma_wait3A_84 = arith.constant 0 : i32
      %dma_wait3A_85 = tpu.memref_slice %arg10[%dma_wait3A_83, %dma_wait3A_84] : memref<128x128xf32, #tpu.memory_space<vmem>> -> memref<128x128xf32, #tpu.memory_space<vmem>>
      tpu.wait_dma2 semaphore(%run_scoped3A : memref<!tpu.dma_semaphore, #tpu.memory_space<semaphore_mem>>) src(%dma_wait3A_85 : memref<128x128xf32, #tpu.memory_space<vmem>>) dst(%dma_wait3A_82 : memref<128x128xf32, #tpu.memory_space<vmem_shared>>)
      tpu.yield
    }) : () -> ()
    %add3A_23 = arith.constant 512 : i32
    %add3A_24 = arith.addi %mul3A_15, %add3A_23 : i32
    "tpu.region"() ({
      %run_scoped3A = tpu.sem_alloc : memref<!tpu.dma_semaphore, #tpu.memory_space<semaphore_mem>>
      %dma_start3A = arith.constant 0 : i32
      %dma_start3A_68 = arith.constant 0 : i32
      %dma_start3A_69 = tpu.memref_slice %arg10[%dma_start3A, %dma_start3A_68] : memref<128x128xf32, #tpu.memory_space<vmem>> -> memref<128x128xf32, #tpu.memory_space<vmem>>
      %dma_start3A_70 = arith.constant 0 : i32
      %dma_start3A_71 = tpu.memref_slice %arg11[%add3A_24, %dma_start3A_70] : memref<10240x128xf32, #tpu.memory_space<vmem_shared>> -> memref<128x128xf32, #tpu.memory_space<vmem_shared>>
      %dma_start3A_72 = arith.constant 0 : i32
      %dma_start3A_73 = tpu.memref_slice %arg11[%add3A_24, %dma_start3A_72] : memref<10240x128xf32, #tpu.memory_space<vmem_shared>> -> memref<128x128xf32, #tpu.memory_space<vmem_shared>>
      %dma_start3A_74 = arith.constant 0 : i32
      %dma_start3A_75 = arith.constant 0 : i32
      %dma_start3A_76 = tpu.memref_slice %arg10[%dma_start3A_74, %dma_start3A_75] : memref<128x128xf32, #tpu.memory_space<vmem>> -> memref<128x128xf32, #tpu.memory_space<vmem>>
      tpu.enqueue_dma source(%dma_start3A_76 : memref<128x128xf32, #tpu.memory_space<vmem>>) target(%dma_start3A_73 : memref<128x128xf32, #tpu.memory_space<vmem_shared>>) target_semaphore(%run_scoped3A : memref<!tpu.dma_semaphore, #tpu.memory_space<semaphore_mem>>)
      %dma_wait3A = arith.constant 0 : i32
      %dma_wait3A_77 = arith.constant 0 : i32
      %dma_wait3A_78 = tpu.memref_slice %arg10[%dma_wait3A, %dma_wait3A_77] : memref<128x128xf32, #tpu.memory_space<vmem>> -> memref<128x128xf32, #tpu.memory_space<vmem>>
      %dma_wait3A_79 = arith.constant 0 : i32
      %dma_wait3A_80 = tpu.memref_slice %arg11[%add3A_24, %dma_wait3A_79] : memref<10240x128xf32, #tpu.memory_space<vmem_shared>> -> memref<128x128xf32, #tpu.memory_space<vmem_shared>>
      %dma_wait3A_81 = arith.constant 0 : i32
      %dma_wait3A_82 = tpu.memref_slice %arg11[%add3A_24, %dma_wait3A_81] : memref<10240x128xf32, #tpu.memory_space<vmem_shared>> -> memref<128x128xf32, #tpu.memory_space<vmem_shared>>
      %dma_wait3A_83 = arith.constant 0 : i32
      %dma_wait3A_84 = arith.constant 0 : i32
      %dma_wait3A_85 = tpu.memref_slice %arg10[%dma_wait3A_83, %dma_wait3A_84] : memref<128x128xf32, #tpu.memory_space<vmem>> -> memref<128x128xf32, #tpu.memory_space<vmem>>
      tpu.wait_dma2 semaphore(%run_scoped3A : memref<!tpu.dma_semaphore, #tpu.memory_space<semaphore_mem>>) src(%dma_wait3A_85 : memref<128x128xf32, #tpu.memory_space<vmem>>) dst(%dma_wait3A_82 : memref<128x128xf32, #tpu.memory_space<vmem_shared>>)
      tpu.yield
    }) : () -> ()
    %barrier3A = arith.constant 0 : index
    tpu.barrier barrier_id(%barrier3A)
    %scan3A_25 = arith.constant 0 : i32
    %scan3A_26 = arith.constant 0 : i32
    %scan3A_27 = arith.constant 79 : i32
    %scan3A_28 = arith.addi %scan3A_26, %scan3A_27 : i32
    %scan3A_29 = arith.constant 1 : i32
    %scan3A_30 = scf.for %scan3A_68 = %scan3A_26 to %scan3A_28 step %scan3A_29 iter_args(%scan3A_69 = %scan3A_25) -> (i32)  : i32 {
      %dma_start3A = arith.constant 0 : i32
      %dma_start3A_70 = tpu.memref_slice %arg7[%scan3A_68, %dma_start3A] : memref<79x128xi32, #tpu.memory_space<vmem>> -> memref<1x128xi32, #tpu.memory_space<vmem>>
      %dma_start3A_71 = tpu.memref_squeeze %dma_start3A_70 : memref<1x128xi32, #tpu.memory_space<vmem>> -> memref<128xi32, #tpu.memory_space<vmem>>
      %dma_start3A_72 = arith.constant 0 : i32
      %dma_start3A_73 = arith.constant 0 : i32
      %dma_start3A_74 = tpu.memref_slice %arg5[%dma_start3A_72, %dma_start3A_73] : memref<20000x128xf32, #tpu.memory_space<hbm>> -> memref<20000x128xf32, #tpu.memory_space<hbm>>
      tpu.enqueue_indirect_dma source(%dma_start3A_74 : memref<20000x128xf32, #tpu.memory_space<hbm>>) target(%arg10 : memref<128x128xf32, #tpu.memory_space<vmem>>) offsets(%dma_start3A_71 : memref<128xi32, #tpu.memory_space<vmem>>) semaphore(%arg12 : memref<!tpu.dma_semaphore, #tpu.memory_space<semaphore_mem>>)
      %dma_wait3A = arith.constant 0 : i32
      %dma_wait3A_75 = tpu.memref_slice %arg7[%scan3A_68, %dma_wait3A] : memref<79x128xi32, #tpu.memory_space<vmem>> -> memref<1x128xi32, #tpu.memory_space<vmem>>
      %dma_wait3A_76 = tpu.memref_squeeze %dma_wait3A_75 : memref<1x128xi32, #tpu.memory_space<vmem>> -> memref<128xi32, #tpu.memory_space<vmem>>
      %dma_wait3A_77 = arith.constant 0 : i32
      %dma_wait3A_78 = arith.constant 0 : i32
      %dma_wait3A_79 = tpu.memref_slice %arg5[%dma_wait3A_77, %dma_wait3A_78] : memref<20000x128xf32, #tpu.memory_space<hbm>> -> memref<20000x128xf32, #tpu.memory_space<hbm>>
      tpu.wait_indirect_dma semaphore(%arg12 : memref<!tpu.dma_semaphore, #tpu.memory_space<semaphore_mem>>) src(%dma_wait3A_79 : memref<20000x128xf32, #tpu.memory_space<hbm>>) dst(%arg10 : memref<128x128xf32, #tpu.memory_space<vmem>>)
      %scan3A_80 = arith.constant 0 : i32
      %scan3A_81 = arith.constant 0 : i32
      %scan3A_82 = arith.constant 8 : i32
      %scan3A_83 = arith.addi %scan3A_81, %scan3A_82 : i32
      %scan3A_84 = arith.constant 1 : i32
      %scan3A_85 = scf.for %scan3A_88 = %scan3A_81 to %scan3A_83 step %scan3A_84 iter_args(%scan3A_89 = %scan3A_80) -> (i32)  : i32 {
        %mul3A_90 = arith.constant 16 : i32
        %mul3A_91 = arith.muli %scan3A_88, %mul3A_90 : i32
        %get3A = arith.index_cast %scan3A_68 : i32 to index
        %get3A_92 = arith.index_cast %mul3A_91 : i32 to index
        %get3A_93 = tpu.vector_load %arg9[%get3A, %get3A_92] {strides = array<i32>} : memref<79x128xf32, #tpu.memory_space<vmem>>, vector<1x16xf32>,
        %get3A_94 = vector.shape_cast %get3A_93 : vector<1x16xf32> to vector<16xf32>
        %slice3A = vector.extract_strided_slice %get3A_94 {offsets = [0], sizes = [1], strides = [1]} : vector<16xf32> to vector<1xf32>
        %squeeze3A = vector.extract %slice3A[0] : f32 from vector<1xf32>
        %mul3A_95 = arith.constant 16 : i32
        %mul3A_96 = arith.muli %scan3A_88, %mul3A_95 : i32
        %add3A_97 = arith.constant 0 : i32
        %add3A_98 = arith.addi %mul3A_96, %add3A_97 : i32
        %get3A_99 = arith.index_cast %add3A_98 : i32 to index
        %get3A_100 = arith.constant 0 : index
        %get3A_101 = tpu.vector_load %arg10[%get3A_99, %get3A_100] {strides = array<i32>} : memref<128x128xf32, #tpu.memory_space<vmem>>, vector<1x16xf32>,
        %get3A_102 = vector.shape_cast %get3A_101 : vector<1x16xf32> to vector<16xf32>
        %mul3A_103 = vector.broadcast %squeeze3A : f32 to vector<16xf32>
        %mul3A_104 = arith.mulf %get3A_102, %mul3A_103 : vector<16xf32>
        %swap3A = arith.index_cast %add3A_98 : i32 to index
        %swap3A_105 = arith.constant 0 : index
        %swap3A_106 = tpu.vector_load %arg10[%swap3A, %swap3A_105] {strides = array<i32>} : memref<128x128xf32, #tpu.memory_space<vmem>>, vector<1x16xf32>,
        %swap3A_107 = vector.shape_cast %swap3A_106 : vector<1x16xf32> to vector<16xf32>
        %swap3A_108 = vector.shape_cast %mul3A_104 : vector<16xf32> to vector<1x16xf32>
        tpu.vector_store %arg10[%swap3A, %swap3A_105], %swap3A_108 {strides = array<i32>} : memref<128x128xf32, #tpu.memory_space<vmem>>, vector<1x16xf32>,
        %get3A_109 = arith.index_cast %add3A_98 : i32 to index
        %get3A_110 = arith.constant 16 : index
        %get3A_111 = tpu.vector_load %arg10[%get3A_109, %get3A_110] {strides = array<i32>} : memref<128x128xf32, #tpu.memory_space<vmem>>, vector<1x16xf32>,
        %get3A_112 = vector.shape_cast %get3A_111 : vector<1x16xf32> to vector<16xf32>
        %mul3A_113 = vector.broadcast %squeeze3A : f32 to vector<16xf32>
        %mul3A_114 = arith.mulf %get3A_112, %mul3A_113 : vector<16xf32>
        %swap3A_115 = arith.index_cast %add3A_98 : i32 to index
        %swap3A_116 = arith.constant 16 : index
        %swap3A_117 = tpu.vector_load %arg10[%swap3A_115, %swap3A_116] {strides = array<i32>} : memref<128x128xf32, #tpu.memory_space<vmem>>, vector<1x16xf32>,
        %swap3A_118 = vector.shape_cast %swap3A_117 : vector<1x16xf32> to vector<16xf32>
        %swap3A_119 = vector.shape_cast %mul3A_114 : vector<16xf32> to vector<1x16xf32>
        tpu.vector_store %arg10[%swap3A_115, %swap3A_116], %swap3A_119 {strides = array<i32>} : memref<128x128xf32, #tpu.memory_space<vmem>>, vector<1x16xf32>,
        %get3A_120 = arith.index_cast %add3A_98 : i32 to index
        %get3A_121 = arith.constant 32 : index
        %get3A_122 = tpu.vector_load %arg10[%get3A_120, %get3A_121] {strides = array<i32>} : memref<128x128xf32, #tpu.memory_space<vmem>>, vector<1x16xf32>,
        %get3A_123 = vector.shape_cast %get3A_122 : vector<1x16xf32> to vector<16xf32>
        %mul3A_124 = vector.broadcast %squeeze3A : f32 to vector<16xf32>
        %mul3A_125 = arith.mulf %get3A_123, %mul3A_124 : vector<16xf32>
        %swap3A_126 = arith.index_cast %add3A_98 : i32 to index
        %swap3A_127 = arith.constant 32 : index
        %swap3A_128 = tpu.vector_load %arg10[%swap3A_126, %swap3A_127] {strides = array<i32>} : memref<128x128xf32, #tpu.memory_space<vmem>>, vector<1x16xf32>,
        %swap3A_129 = vector.shape_cast %swap3A_128 : vector<1x16xf32> to vector<16xf32>
        %swap3A_130 = vector.shape_cast %mul3A_125 : vector<16xf32> to vector<1x16xf32>
        tpu.vector_store %arg10[%swap3A_126, %swap3A_127], %swap3A_130 {strides = array<i32>} : memref<128x128xf32, #tpu.memory_space<vmem>>, vector<1x16xf32>,
        %get3A_131 = arith.index_cast %add3A_98 : i32 to index
        %get3A_132 = arith.constant 48 : index
        %get3A_133 = tpu.vector_load %arg10[%get3A_131, %get3A_132] {strides = array<i32>} : memref<128x128xf32, #tpu.memory_space<vmem>>, vector<1x16xf32>,
        %get3A_134 = vector.shape_cast %get3A_133 : vector<1x16xf32> to vector<16xf32>
        %mul3A_135 = vector.broadcast %squeeze3A : f32 to vector<16xf32>
        %mul3A_136 = arith.mulf %get3A_134, %mul3A_135 : vector<16xf32>
        %swap3A_137 = arith.index_cast %add3A_98 : i32 to index
        %swap3A_138 = arith.constant 48 : index
        %swap3A_139 = tpu.vector_load %arg10[%swap3A_137, %swap3A_138] {strides = array<i32>} : memref<128x128xf32, #tpu.memory_space<vmem>>, vector<1x16xf32>,
        %swap3A_140 = vector.shape_cast %swap3A_139 : vector<1x16xf32> to vector<16xf32>
        %swap3A_141 = vector.shape_cast %mul3A_136 : vector<16xf32> to vector<1x16xf32>
        tpu.vector_store %arg10[%swap3A_137, %swap3A_138], %swap3A_141 {strides = array<i32>} : memref<128x128xf32, #tpu.memory_space<vmem>>, vector<1x16xf32>,
        %get3A_142 = arith.index_cast %add3A_98 : i32 to index
        %get3A_143 = arith.constant 64 : index
        %get3A_144 = tpu.vector_load %arg10[%get3A_142, %get3A_143] {strides = array<i32>} : memref<128x128xf32, #tpu.memory_space<vmem>>, vector<1x16xf32>,
        %get3A_145 = vector.shape_cast %get3A_144 : vector<1x16xf32> to vector<16xf32>
        %mul3A_146 = vector.broadcast %squeeze3A : f32 to vector<16xf32>
        %mul3A_147 = arith.mulf %get3A_145, %mul3A_146 : vector<16xf32>
        %swap3A_148 = arith.index_cast %add3A_98 : i32 to index
        %swap3A_149 = arith.constant 64 : index
        %swap3A_150 = tpu.vector_load %arg10[%swap3A_148, %swap3A_149] {strides = array<i32>} : memref<128x128xf32, #tpu.memory_space<vmem>>, vector<1x16xf32>,
        %swap3A_151 = vector.shape_cast %swap3A_150 : vector<1x16xf32> to vector<16xf32>
        %swap3A_152 = vector.shape_cast %mul3A_147 : vector<16xf32> to vector<1x16xf32>
        tpu.vector_store %arg10[%swap3A_148, %swap3A_149], %swap3A_152 {strides = array<i32>} : memref<128x128xf32, #tpu.memory_space<vmem>>, vector<1x16xf32>,
        %get3A_153 = arith.index_cast %add3A_98 : i32 to index
        %get3A_154 = arith.constant 80 : index
        %get3A_155 = tpu.vector_load %arg10[%get3A_153, %get3A_154] {strides = array<i32>} : memref<128x128xf32, #tpu.memory_space<vmem>>, vector<1x16xf32>,
        %get3A_156 = vector.shape_cast %get3A_155 : vector<1x16xf32> to vector<16xf32>
        %mul3A_157 = vector.broadcast %squeeze3A : f32 to vector<16xf32>
        %mul3A_158 = arith.mulf %get3A_156, %mul3A_157 : vector<16xf32>
        %swap3A_159 = arith.index_cast %add3A_98 : i32 to index
        %swap3A_160 = arith.constant 80 : index
        %swap3A_161 = tpu.vector_load %arg10[%swap3A_159, %swap3A_160] {strides = array<i32>} : memref<128x128xf32, #tpu.memory_space<vmem>>, vector<1x16xf32>,
        %swap3A_162 = vector.shape_cast %swap3A_161 : vector<1x16xf32> to vector<16xf32>
        %swap3A_163 = vector.shape_cast %mul3A_158 : vector<16xf32> to vector<1x16xf32>
        tpu.vector_store %arg10[%swap3A_159, %swap3A_160], %swap3A_163 {strides = array<i32>} : memref<128x128xf32, #tpu.memory_space<vmem>>, vector<1x16xf32>,
        %get3A_164 = arith.index_cast %add3A_98 : i32 to index
        %get3A_165 = arith.constant 96 : index
        %get3A_166 = tpu.vector_load %arg10[%get3A_164, %get3A_165] {strides = array<i32>} : memref<128x128xf32, #tpu.memory_space<vmem>>, vector<1x16xf32>,
        %get3A_167 = vector.shape_cast %get3A_166 : vector<1x16xf32> to vector<16xf32>
        %mul3A_168 = vector.broadcast %squeeze3A : f32 to vector<16xf32>
        %mul3A_169 = arith.mulf %get3A_167, %mul3A_168 : vector<16xf32>
        %swap3A_170 = arith.index_cast %add3A_98 : i32 to index
        %swap3A_171 = arith.constant 96 : index
        %swap3A_172 = tpu.vector_load %arg10[%swap3A_170, %swap3A_171] {strides = array<i32>} : memref<128x128xf32, #tpu.memory_space<vmem>>, vector<1x16xf32>,
        %swap3A_173 = vector.shape_cast %swap3A_172 : vector<1x16xf32> to vector<16xf32>
        %swap3A_174 = vector.shape_cast %mul3A_169 : vector<16xf32> to vector<1x16xf32>
        tpu.vector_store %arg10[%swap3A_170, %swap3A_171], %swap3A_174 {strides = array<i32>} : memref<128x128xf32, #tpu.memory_space<vmem>>, vector<1x16xf32>,
        %get3A_175 = arith.index_cast %add3A_98 : i32 to index
        %get3A_176 = arith.constant 112 : index
        %get3A_177 = tpu.vector_load %arg10[%get3A_175, %get3A_176] {strides = array<i32>} : memref<128x128xf32, #tpu.memory_space<vmem>>, vector<1x16xf32>,
        %get3A_178 = vector.shape_cast %get3A_177 : vector<1x16xf32> to vector<16xf32>
        %mul3A_179 = vector.broadcast %squeeze3A : f32 to vector<16xf32>
        %mul3A_180 = arith.mulf %get3A_178, %mul3A_179 : vector<16xf32>
        %swap3A_181 = arith.index_cast %add3A_98 : i32 to index
        %swap3A_182 = arith.constant 112 : index
        %swap3A_183 = tpu.vector_load %arg10[%swap3A_181, %swap3A_182] {strides = array<i32>} : memref<128x128xf32, #tpu.memory_space<vmem>>, vector<1x16xf32>,
        %swap3A_184 = vector.shape_cast %swap3A_183 : vector<1x16xf32> to vector<16xf32>
        %swap3A_185 = vector.shape_cast %mul3A_180 : vector<16xf32> to vector<1x16xf32>
        tpu.vector_store %arg10[%swap3A_181, %swap3A_182], %swap3A_185 {strides = array<i32>} : memref<128x128xf32, #tpu.memory_space<vmem>>, vector<1x16xf32>,
        %slice3A_186 = vector.extract_strided_slice %get3A_94 {offsets = [1], sizes = [1], strides = [1]} : vector<16xf32> to vector<1xf32>
        %squeeze3A_187 = vector.extract %slice3A_186[0] : f32 from vector<1xf32>
        %mul3A_188 = arith.constant 16 : i32
        %mul3A_189 = arith.muli %scan3A_88, %mul3A_188 : i32
        %add3A_190 = arith.constant 1 : i32
        %add3A_191 = arith.addi %mul3A_189, %add3A_190 : i32
        %get3A_192 = arith.index_cast %add3A_191 : i32 to index
        %get3A_193 = arith.constant 0 : index
        %get3A_194 = tpu.vector_load %arg10[%get3A_192, %get3A_193] {strides = array<i32>} : memref<128x128xf32, #tpu.memory_space<vmem>>, vector<1x16xf32>,
        %get3A_195 = vector.shape_cast %get3A_194 : vector<1x16xf32> to vector<16xf32>
        %mul3A_196 = vector.broadcast %squeeze3A_187 : f32 to vector<16xf32>
        %mul3A_197 = arith.mulf %get3A_195, %mul3A_196 : vector<16xf32>
        %swap3A_198 = arith.index_cast %add3A_191 : i32 to index
        %swap3A_199 = arith.constant 0 : index
        %swap3A_200 = tpu.vector_load %arg10[%swap3A_198, %swap3A_199] {strides = array<i32>} : memref<128x128xf32, #tpu.memory_space<vmem>>, vector<1x16xf32>,
        %swap3A_201 = vector.shape_cast %swap3A_200 : vector<1x16xf32> to vector<16xf32>
        %swap3A_202 = vector.shape_cast %mul3A_197 : vector<16xf32> to vector<1x16xf32>
        tpu.vector_store %arg10[%swap3A_198, %swap3A_199], %swap3A_202 {strides = array<i32>} : memref<128x128xf32, #tpu.memory_space<vmem>>, vector<1x16xf32>,
        %get3A_203 = arith.index_cast %add3A_191 : i32 to index
        %get3A_204 = arith.constant 16 : index
        %get3A_205 = tpu.vector_load %arg10[%get3A_203, %get3A_204] {strides = array<i32>} : memref<128x128xf32, #tpu.memory_space<vmem>>, vector<1x16xf32>,
        %get3A_206 = vector.shape_cast %get3A_205 : vector<1x16xf32> to vector<16xf32>
        %mul3A_207 = vector.broadcast %squeeze3A_187 : f32 to vector<16xf32>
        %mul3A_208 = arith.mulf %get3A_206, %mul3A_207 : vector<16xf32>
        %swap3A_209 = arith.index_cast %add3A_191 : i32 to index
        %swap3A_210 = arith.constant 16 : index
        %swap3A_211 = tpu.vector_load %arg10[%swap3A_209, %swap3A_210] {strides = array<i32>} : memref<128x128xf32, #tpu.memory_space<vmem>>, vector<1x16xf32>,
        %swap3A_212 = vector.shape_cast %swap3A_211 : vector<1x16xf32> to vector<16xf32>
        %swap3A_213 = vector.shape_cast %mul3A_208 : vector<16xf32> to vector<1x16xf32>
        tpu.vector_store %arg10[%swap3A_209, %swap3A_210], %swap3A_213 {strides = array<i32>} : memref<128x128xf32, #tpu.memory_space<vmem>>, vector<1x16xf32>,
        %get3A_214 = arith.index_cast %add3A_191 : i32 to index
        %get3A_215 = arith.constant 32 : index
        %get3A_216 = tpu.vector_load %arg10[%get3A_214, %get3A_215] {strides = array<i32>} : memref<128x128xf32, #tpu.memory_space<vmem>>, vector<1x16xf32>,
        %get3A_217 = vector.shape_cast %get3A_216 : vector<1x16xf32> to vector<16xf32>
        %mul3A_218 = vector.broadcast %squeeze3A_187 : f32 to vector<16xf32>
        %mul3A_219 = arith.mulf %get3A_217, %mul3A_218 : vector<16xf32>
        %swap3A_220 = arith.index_cast %add3A_191 : i32 to index
        %swap3A_221 = arith.constant 32 : index
        %swap3A_222 = tpu.vector_load %arg10[%swap3A_220, %swap3A_221] {strides = array<i32>} : memref<128x128xf32, #tpu.memory_space<vmem>>, vector<1x16xf32>,
        %swap3A_223 = vector.shape_cast %swap3A_222 : vector<1x16xf32> to vector<16xf32>
        %swap3A_224 = vector.shape_cast %mul3A_219 : vector<16xf32> to vector<1x16xf32>
        tpu.vector_store %arg10[%swap3A_220, %swap3A_221], %swap3A_224 {strides = array<i32>} : memref<128x128xf32, #tpu.memory_space<vmem>>, vector<1x16xf32>,
        %get3A_225 = arith.index_cast %add3A_191 : i32 to index
        %get3A_226 = arith.constant 48 : index
        %get3A_227 = tpu.vector_load %arg10[%get3A_225, %get3A_226] {strides = array<i32>} : memref<128x128xf32, #tpu.memory_space<vmem>>, vector<1x16xf32>,
        %get3A_228 = vector.shape_cast %get3A_227 : vector<1x16xf32> to vector<16xf32>
        %mul3A_229 = vector.broadcast %squeeze3A_187 : f32 to vector<16xf32>
        %mul3A_230 = arith.mulf %get3A_228, %mul3A_229 : vector<16xf32>
        %swap3A_231 = arith.index_cast %add3A_191 : i32 to index
        %swap3A_232 = arith.constant 48 : index
        %swap3A_233 = tpu.vector_load %arg10[%swap3A_231, %swap3A_232] {strides = array<i32>} : memref<128x128xf32, #tpu.memory_space<vmem>>, vector<1x16xf32>,
        %swap3A_234 = vector.shape_cast %swap3A_233 : vector<1x16xf32> to vector<16xf32>
        %swap3A_235 = vector.shape_cast %mul3A_230 : vector<16xf32> to vector<1x16xf32>
        tpu.vector_store %arg10[%swap3A_231, %swap3A_232], %swap3A_235 {strides = array<i32>} : memref<128x128xf32, #tpu.memory_space<vmem>>, vector<1x16xf32>,
        %get3A_236 = arith.index_cast %add3A_191 : i32 to index
        %get3A_237 = arith.constant 64 : index
        %get3A_238 = tpu.vector_load %arg10[%get3A_236, %get3A_237] {strides = array<i32>} : memref<128x128xf32, #tpu.memory_space<vmem>>, vector<1x16xf32>,
        %get3A_239 = vector.shape_cast %get3A_238 : vector<1x16xf32> to vector<16xf32>
        %mul3A_240 = vector.broadcast %squeeze3A_187 : f32 to vector<16xf32>
        %mul3A_241 = arith.mulf %get3A_239, %mul3A_240 : vector<16xf32>
        %swap3A_242 = arith.index_cast %add3A_191 : i32 to index
        %swap3A_243 = arith.constant 64 : index
        %swap3A_244 = tpu.vector_load %arg10[%swap3A_242, %swap3A_243] {strides = array<i32>} : memref<128x128xf32, #tpu.memory_space<vmem>>, vector<1x16xf32>,
        %swap3A_245 = vector.shape_cast %swap3A_244 : vector<1x16xf32> to vector<16xf32>
        %swap3A_246 = vector.shape_cast %mul3A_241 : vector<16xf32> to vector<1x16xf32>
        tpu.vector_store %arg10[%swap3A_242, %swap3A_243], %swap3A_246 {strides = array<i32>} : memref<128x128xf32, #tpu.memory_space<vmem>>, vector<1x16xf32>,
        %get3A_247 = arith.index_cast %add3A_191 : i32 to index
        %get3A_248 = arith.constant 80 : index
        %get3A_249 = tpu.vector_load %arg10[%get3A_247, %get3A_248] {strides = array<i32>} : memref<128x128xf32, #tpu.memory_space<vmem>>, vector<1x16xf32>,
        %get3A_250 = vector.shape_cast %get3A_249 : vector<1x16xf32> to vector<16xf32>
        %mul3A_251 = vector.broadcast %squeeze3A_187 : f32 to vector<16xf32>
        %mul3A_252 = arith.mulf %get3A_250, %mul3A_251 : vector<16xf32>
        %swap3A_253 = arith.index_cast %add3A_191 : i32 to index
        %swap3A_254 = arith.constant 80 : index
        %swap3A_255 = tpu.vector_load %arg10[%swap3A_253, %swap3A_254] {strides = array<i32>} : memref<128x128xf32, #tpu.memory_space<vmem>>, vector<1x16xf32>,
        %swap3A_256 = vector.shape_cast %swap3A_255 : vector<1x16xf32> to vector<16xf32>
        %swap3A_257 = vector.shape_cast %mul3A_252 : vector<16xf32> to vector<1x16xf32>
        tpu.vector_store %arg10[%swap3A_253, %swap3A_254], %swap3A_257 {strides = array<i32>} : memref<128x128xf32, #tpu.memory_space<vmem>>, vector<1x16xf32>,
        %get3A_258 = arith.index_cast %add3A_191 : i32 to index
        %get3A_259 = arith.constant 96 : index
        %get3A_260 = tpu.vector_load %arg10[%get3A_258, %get3A_259] {strides = array<i32>} : memref<128x128xf32, #tpu.memory_space<vmem>>, vector<1x16xf32>,
        %get3A_261 = vector.shape_cast %get3A_260 : vector<1x16xf32> to vector<16xf32>
        %mul3A_262 = vector.broadcast %squeeze3A_187 : f32 to vector<16xf32>
        %mul3A_263 = arith.mulf %get3A_261, %mul3A_262 : vector<16xf32>
        %swap3A_264 = arith.index_cast %add3A_191 : i32 to index
        %swap3A_265 = arith.constant 96 : index
        %swap3A_266 = tpu.vector_load %arg10[%swap3A_264, %swap3A_265] {strides = array<i32>} : memref<128x128xf32, #tpu.memory_space<vmem>>, vector<1x16xf32>,
        %swap3A_267 = vector.shape_cast %swap3A_266 : vector<1x16xf32> to vector<16xf32>
        %swap3A_268 = vector.shape_cast %mul3A_263 : vector<16xf32> to vector<1x16xf32>
        tpu.vector_store %arg10[%swap3A_264, %swap3A_265], %swap3A_268 {strides = array<i32>} : memref<128x128xf32, #tpu.memory_space<vmem>>, vector<1x16xf32>,
        %get3A_269 = arith.index_cast %add3A_191 : i32 to index
        %get3A_270 = arith.constant 112 : index
        %get3A_271 = tpu.vector_load %arg10[%get3A_269, %get3A_270] {strides = array<i32>} : memref<128x128xf32, #tpu.memory_space<vmem>>, vector<1x16xf32>,
        %get3A_272 = vector.shape_cast %get3A_271 : vector<1x16xf32> to vector<16xf32>
        %mul3A_273 = vector.broadcast %squeeze3A_187 : f32 to vector<16xf32>
        %mul3A_274 = arith.mulf %get3A_272, %mul3A_273 : vector<16xf32>
        %swap3A_275 = arith.index_cast %add3A_191 : i32 to index
        %swap3A_276 = arith.constant 112 : index
        %swap3A_277 = tpu.vector_load %arg10[%swap3A_275, %swap3A_276] {strides = array<i32>} : memref<128x128xf32, #tpu.memory_space<vmem>>, vector<1x16xf32>,
        %swap3A_278 = vector.shape_cast %swap3A_277 : vector<1x16xf32> to vector<16xf32>
        %swap3A_279 = vector.shape_cast %mul3A_274 : vector<16xf32> to vector<1x16xf32>
        tpu.vector_store %arg10[%swap3A_275, %swap3A_276], %swap3A_279 {strides = array<i32>} : memref<128x128xf32, #tpu.memory_space<vmem>>, vector<1x16xf32>,
        %slice3A_280 = vector.extract_strided_slice %get3A_94 {offsets = [2], sizes = [1], strides = [1]} : vector<16xf32> to vector<1xf32>
        %squeeze3A_281 = vector.extract %slice3A_280[0] : f32 from vector<1xf32>
        %mul3A_282 = arith.constant 16 : i32
        %mul3A_283 = arith.muli %scan3A_88, %mul3A_282 : i32
        %add3A_284 = arith.constant 2 : i32
        %add3A_285 = arith.addi %mul3A_283, %add3A_284 : i32
        %get3A_286 = arith.index_cast %add3A_285 : i32 to index
        %get3A_287 = arith.constant 0 : index
        %get3A_288 = tpu.vector_load %arg10[%get3A_286, %get3A_287] {strides = array<i32>} : memref<128x128xf32, #tpu.memory_space<vmem>>, vector<1x16xf32>,
        %get3A_289 = vector.shape_cast %get3A_288 : vector<1x16xf32> to vector<16xf32>
        %mul3A_290 = vector.broadcast %squeeze3A_281 : f32 to vector<16xf32>
        %mul3A_291 = arith.mulf %get3A_289, %mul3A_290 : vector<16xf32>
        %swap3A_292 = arith.index_cast %add3A_285 : i32 to index
        %swap3A_293 = arith.constant 0 : index
        %swap3A_294 = tpu.vector_load %arg10[%swap3A_292, %swap3A_293] {strides = array<i32>} : memref<128x128xf32, #tpu.memory_space<vmem>>, vector<1x16xf32>,
        %swap3A_295 = vector.shape_cast %swap3A_294 : vector<1x16xf32> to vector<16xf32>
        %swap3A_296 = vector.shape_cast %mul3A_291 : vector<16xf32> to vector<1x16xf32>
        tpu.vector_store %arg10[%swap3A_292, %swap3A_293], %swap3A_296 {strides = array<i32>} : memref<128x128xf32, #tpu.memory_space<vmem>>, vector<1x16xf32>,
        %get3A_297 = arith.index_cast %add3A_285 : i32 to index
        %get3A_298 = arith.constant 16 : index
        %get3A_299 = tpu.vector_load %arg10[%get3A_297, %get3A_298] {strides = array<i32>} : memref<128x128xf32, #tpu.memory_space<vmem>>, vector<1x16xf32>,
        %get3A_300 = vector.shape_cast %get3A_299 : vector<1x16xf32> to vector<16xf32>
        %mul3A_301 = vector.broadcast %squeeze3A_281 : f32 to vector<16xf32>
        %mul3A_302 = arith.mulf %get3A_300, %mul3A_301 : vector<16xf32>
        %swap3A_303 = arith.index_cast %add3A_285 : i32 to index
        %swap3A_304 = arith.constant 16 : index
        %swap3A_305 = tpu.vector_load %arg10[%swap3A_303, %swap3A_304] {strides = array<i32>} : memref<128x128xf32, #tpu.memory_space<vmem>>, vector<1x16xf32>,
        %swap3A_306 = vector.shape_cast %swap3A_305 : vector<1x16xf32> to vector<16xf32>
        %swap3A_307 = vector.shape_cast %mul3A_302 : vector<16xf32> to vector<1x16xf32>
        tpu.vector_store %arg10[%swap3A_303, %swap3A_304], %swap3A_307 {strides = array<i32>} : memref<128x128xf32, #tpu.memory_space<vmem>>, vector<1x16xf32>,
        %get3A_308 = arith.index_cast %add3A_285 : i32 to index
        %get3A_309 = arith.constant 32 : index
        %get3A_310 = tpu.vector_load %arg10[%get3A_308, %get3A_309] {strides = array<i32>} : memref<128x128xf32, #tpu.memory_space<vmem>>, vector<1x16xf32>,
        %get3A_311 = vector.shape_cast %get3A_310 : vector<1x16xf32> to vector<16xf32>
        %mul3A_312 = vector.broadcast %squeeze3A_281 : f32 to vector<16xf32>
        %mul3A_313 = arith.mulf %get3A_311, %mul3A_312 : vector<16xf32>
        %swap3A_314 = arith.index_cast %add3A_285 : i32 to index
        %swap3A_315 = arith.constant 32 : index
        %swap3A_316 = tpu.vector_load %arg10[%swap3A_314, %swap3A_315] {strides = array<i32>} : memref<128x128xf32, #tpu.memory_space<vmem>>, vector<1x16xf32>,
        %swap3A_317 = vector.shape_cast %swap3A_316 : vector<1x16xf32> to vector<16xf32>
        %swap3A_318 = vector.shape_cast %mul3A_313 : vector<16xf32> to vector<1x16xf32>
        tpu.vector_store %arg10[%swap3A_314, %swap3A_315], %swap3A_318 {strides = array<i32>} : memref<128x128xf32, #tpu.memory_space<vmem>>, vector<1x16xf32>,
        %get3A_319 = arith.index_cast %add3A_285 : i32 to index
        %get3A_320 = arith.constant 48 : index
        %get3A_321 = tpu.vector_load %arg10[%get3A_319, %get3A_320] {strides = array<i32>} : memref<128x128xf32, #tpu.memory_space<vmem>>, vector<1x16xf32>,
        %get3A_322 = vector.shape_cast %get3A_321 : vector<1x16xf32> to vector<16xf32>
        %mul3A_323 = vector.broadcast %squeeze3A_281 : f32 to vector<16xf32>
        %mul3A_324 = arith.mulf %get3A_322, %mul3A_323 : vector<16xf32>
        %swap3A_325 = arith.index_cast %add3A_285 : i32 to index
        %swap3A_326 = arith.constant 48 : index
        %swap3A_327 = tpu.vector_load %arg10[%swap3A_325, %swap3A_326] {strides = array<i32>} : memref<128x128xf32, #tpu.memory_space<vmem>>, vector<1x16xf32>,
        %swap3A_328 = vector.shape_cast %swap3A_327 : vector<1x16xf32> to vector<16xf32>
        %swap3A_329 = vector.shape_cast %mul3A_324 : vector<16xf32> to vector<1x16xf32>
        tpu.vector_store %arg10[%swap3A_325, %swap3A_326], %swap3A_329 {strides = array<i32>} : memref<128x128xf32, #tpu.memory_space<vmem>>, vector<1x16xf32>,
        %get3A_330 = arith.index_cast %add3A_285 : i32 to index
        %get3A_331 = arith.constant 64 : index
        %get3A_332 = tpu.vector_load %arg10[%get3A_330, %get3A_331] {strides = array<i32>} : memref<128x128xf32, #tpu.memory_space<vmem>>, vector<1x16xf32>,
        %get3A_333 = vector.shape_cast %get3A_332 : vector<1x16xf32> to vector<16xf32>
        %mul3A_334 = vector.broadcast %squeeze3A_281 : f32 to vector<16xf32>
        %mul3A_335 = arith.mulf %get3A_333, %mul3A_334 : vector<16xf32>
        %swap3A_336 = arith.index_cast %add3A_285 : i32 to index
        %swap3A_337 = arith.constant 64 : index
        %swap3A_338 = tpu.vector_load %arg10[%swap3A_336, %swap3A_337] {strides = array<i32>} : memref<128x128xf32, #tpu.memory_space<vmem>>, vector<1x16xf32>,
        %swap3A_339 = vector.shape_cast %swap3A_338 : vector<1x16xf32> to vector<16xf32>
        %swap3A_340 = vector.shape_cast %mul3A_335 : vector<16xf32> to vector<1x16xf32>
        tpu.vector_store %arg10[%swap3A_336, %swap3A_337], %swap3A_340 {strides = array<i32>} : memref<128x128xf32, #tpu.memory_space<vmem>>, vector<1x16xf32>,
        %get3A_341 = arith.index_cast %add3A_285 : i32 to index
        %get3A_342 = arith.constant 80 : index
        %get3A_343 = tpu.vector_load %arg10[%get3A_341, %get3A_342] {strides = array<i32>} : memref<128x128xf32, #tpu.memory_space<vmem>>, vector<1x16xf32>,
        %get3A_344 = vector.shape_cast %get3A_343 : vector<1x16xf32> to vector<16xf32>
        %mul3A_345 = vector.broadcast %squeeze3A_281 : f32 to vector<16xf32>
        %mul3A_346 = arith.mulf %get3A_344, %mul3A_345 : vector<16xf32>
        %swap3A_347 = arith.index_cast %add3A_285 : i32 to index
        %swap3A_348 = arith.constant 80 : index
        %swap3A_349 = tpu.vector_load %arg10[%swap3A_347, %swap3A_348] {strides = array<i32>} : memref<128x128xf32, #tpu.memory_space<vmem>>, vector<1x16xf32>,
        %swap3A_350 = vector.shape_cast %swap3A_349 : vector<1x16xf32> to vector<16xf32>
        %swap3A_351 = vector.shape_cast %mul3A_346 : vector<16xf32> to vector<1x16xf32>
        tpu.vector_store %arg10[%swap3A_347, %swap3A_348], %swap3A_351 {strides = array<i32>} : memref<128x128xf32, #tpu.memory_space<vmem>>, vector<1x16xf32>,
        %get3A_352 = arith.index_cast %add3A_285 : i32 to index
        %get3A_353 = arith.constant 96 : index
        %get3A_354 = tpu.vector_load %arg10[%get3A_352, %get3A_353] {strides = array<i32>} : memref<128x128xf32, #tpu.memory_space<vmem>>, vector<1x16xf32>,
        %get3A_355 = vector.shape_cast %get3A_354 : vector<1x16xf32> to vector<16xf32>
        %mul3A_356 = vector.broadcast %squeeze3A_281 : f32 to vector<16xf32>
        %mul3A_357 = arith.mulf %get3A_355, %mul3A_356 : vector<16xf32>
        %swap3A_358 = arith.index_cast %add3A_285 : i32 to index
        %swap3A_359 = arith.constant 96 : index
        %swap3A_360 = tpu.vector_load %arg10[%swap3A_358, %swap3A_359] {strides = array<i32>} : memref<128x128xf32, #tpu.memory_space<vmem>>, vector<1x16xf32>,
        %swap3A_361 = vector.shape_cast %swap3A_360 : vector<1x16xf32> to vector<16xf32>
        %swap3A_362 = vector.shape_cast %mul3A_357 : vector<16xf32> to vector<1x16xf32>
        tpu.vector_store %arg10[%swap3A_358, %swap3A_359], %swap3A_362 {strides = array<i32>} : memref<128x128xf32, #tpu.memory_space<vmem>>, vector<1x16xf32>,
        %get3A_363 = arith.index_cast %add3A_285 : i32 to index
        %get3A_364 = arith.constant 112 : index
        %get3A_365 = tpu.vector_load %arg10[%get3A_363, %get3A_364] {strides = array<i32>} : memref<128x128xf32, #tpu.memory_space<vmem>>, vector<1x16xf32>,
        %get3A_366 = vector.shape_cast %get3A_365 : vector<1x16xf32> to vector<16xf32>
        %mul3A_367 = vector.broadcast %squeeze3A_281 : f32 to vector<16xf32>
        %mul3A_368 = arith.mulf %get3A_366, %mul3A_367 : vector<16xf32>
        %swap3A_369 = arith.index_cast %add3A_285 : i32 to index
        %swap3A_370 = arith.constant 112 : index
        %swap3A_371 = tpu.vector_load %arg10[%swap3A_369, %swap3A_370] {strides = array<i32>} : memref<128x128xf32, #tpu.memory_space<vmem>>, vector<1x16xf32>,
        %swap3A_372 = vector.shape_cast %swap3A_371 : vector<1x16xf32> to vector<16xf32>
        %swap3A_373 = vector.shape_cast %mul3A_368 : vector<16xf32> to vector<1x16xf32>
        tpu.vector_store %arg10[%swap3A_369, %swap3A_370], %swap3A_373 {strides = array<i32>} : memref<128x128xf32, #tpu.memory_space<vmem>>, vector<1x16xf32>,
        %slice3A_374 = vector.extract_strided_slice %get3A_94 {offsets = [3], sizes = [1], strides = [1]} : vector<16xf32> to vector<1xf32>
        %squeeze3A_375 = vector.extract %slice3A_374[0] : f32 from vector<1xf32>
        %mul3A_376 = arith.constant 16 : i32
        %mul3A_377 = arith.muli %scan3A_88, %mul3A_376 : i32
        %add3A_378 = arith.constant 3 : i32
        %add3A_379 = arith.addi %mul3A_377, %add3A_378 : i32
        %get3A_380 = arith.index_cast %add3A_379 : i32 to index
        %get3A_381 = arith.constant 0 : index
        %get3A_382 = tpu.vector_load %arg10[%get3A_380, %get3A_381] {strides = array<i32>} : memref<128x128xf32, #tpu.memory_space<vmem>>, vector<1x16xf32>,
        %get3A_383 = vector.shape_cast %get3A_382 : vector<1x16xf32> to vector<16xf32>
        %mul3A_384 = vector.broadcast %squeeze3A_375 : f32 to vector<16xf32>
        %mul3A_385 = arith.mulf %get3A_383, %mul3A_384 : vector<16xf32>
        %swap3A_386 = arith.index_cast %add3A_379 : i32 to index
        %swap3A_387 = arith.constant 0 : index
        %swap3A_388 = tpu.vector_load %arg10[%swap3A_386, %swap3A_387] {strides = array<i32>} : memref<128x128xf32, #tpu.memory_space<vmem>>, vector<1x16xf32>,
        %swap3A_389 = vector.shape_cast %swap3A_388 : vector<1x16xf32> to vector<16xf32>
        %swap3A_390 = vector.shape_cast %mul3A_385 : vector<16xf32> to vector<1x16xf32>
        tpu.vector_store %arg10[%swap3A_386, %swap3A_387], %swap3A_390 {strides = array<i32>} : memref<128x128xf32, #tpu.memory_space<vmem>>, vector<1x16xf32>,
        %get3A_391 = arith.index_cast %add3A_379 : i32 to index
        %get3A_392 = arith.constant 16 : index
        %get3A_393 = tpu.vector_load %arg10[%get3A_391, %get3A_392] {strides = array<i32>} : memref<128x128xf32, #tpu.memory_space<vmem>>, vector<1x16xf32>,
        %get3A_394 = vector.shape_cast %get3A_393 : vector<1x16xf32> to vector<16xf32>
        %mul3A_395 = vector.broadcast %squeeze3A_375 : f32 to vector<16xf32>
        %mul3A_396 = arith.mulf %get3A_394, %mul3A_395 : vector<16xf32>
        %swap3A_397 = arith.index_cast %add3A_379 : i32 to index
        %swap3A_398 = arith.constant 16 : index
        %swap3A_399 = tpu.vector_load %arg10[%swap3A_397, %swap3A_398] {strides = array<i32>} : memref<128x128xf32, #tpu.memory_space<vmem>>, vector<1x16xf32>,
        %swap3A_400 = vector.shape_cast %swap3A_399 : vector<1x16xf32> to vector<16xf32>
        %swap3A_401 = vector.shape_cast %mul3A_396 : vector<16xf32> to vector<1x16xf32>
        tpu.vector_store %arg10[%swap3A_397, %swap3A_398], %swap3A_401 {strides = array<i32>} : memref<128x128xf32, #tpu.memory_space<vmem>>, vector<1x16xf32>,
        %get3A_402 = arith.index_cast %add3A_379 : i32 to index
        %get3A_403 = arith.constant 32 : index
        %get3A_404 = tpu.vector_load %arg10[%get3A_402, %get3A_403] {strides = array<i32>} : memref<128x128xf32, #tpu.memory_space<vmem>>, vector<1x16xf32>,
        %get3A_405 = vector.shape_cast %get3A_404 : vector<1x16xf32> to vector<16xf32>
        %mul3A_406 = vector.broadcast %squeeze3A_375 : f32 to vector<16xf32>
        %mul3A_407 = arith.mulf %get3A_405, %mul3A_406 : vector<16xf32>
        %swap3A_408 = arith.index_cast %add3A_379 : i32 to index
        %swap3A_409 = arith.constant 32 : index
        %swap3A_410 = tpu.vector_load %arg10[%swap3A_408, %swap3A_409] {strides = array<i32>} : memref<128x128xf32, #tpu.memory_space<vmem>>, vector<1x16xf32>,
        %swap3A_411 = vector.shape_cast %swap3A_410 : vector<1x16xf32> to vector<16xf32>
        %swap3A_412 = vector.shape_cast %mul3A_407 : vector<16xf32> to vector<1x16xf32>
        tpu.vector_store %arg10[%swap3A_408, %swap3A_409], %swap3A_412 {strides = array<i32>} : memref<128x128xf32, #tpu.memory_space<vmem>>, vector<1x16xf32>,
        %get3A_413 = arith.index_cast %add3A_379 : i32 to index
        %get3A_414 = arith.constant 48 : index
        %get3A_415 = tpu.vector_load %arg10[%get3A_413, %get3A_414] {strides = array<i32>} : memref<128x128xf32, #tpu.memory_space<vmem>>, vector<1x16xf32>,
        %get3A_416 = vector.shape_cast %get3A_415 : vector<1x16xf32> to vector<16xf32>
        %mul3A_417 = vector.broadcast %squeeze3A_375 : f32 to vector<16xf32>
        %mul3A_418 = arith.mulf %get3A_416, %mul3A_417 : vector<16xf32>
        %swap3A_419 = arith.index_cast %add3A_379 : i32 to index
        %swap3A_420 = arith.constant 48 : index
        %swap3A_421 = tpu.vector_load %arg10[%swap3A_419, %swap3A_420] {strides = array<i32>} : memref<128x128xf32, #tpu.memory_space<vmem>>, vector<1x16xf32>,
        %swap3A_422 = vector.shape_cast %swap3A_421 : vector<1x16xf32> to vector<16xf32>
        %swap3A_423 = vector.shape_cast %mul3A_418 : vector<16xf32> to vector<1x16xf32>
        tpu.vector_store %arg10[%swap3A_419, %swap3A_420], %swap3A_423 {strides = array<i32>} : memref<128x128xf32, #tpu.memory_space<vmem>>, vector<1x16xf32>,
        %get3A_424 = arith.index_cast %add3A_379 : i32 to index
        %get3A_425 = arith.constant 64 : index
        %get3A_426 = tpu.vector_load %arg10[%get3A_424, %get3A_425] {strides = array<i32>} : memref<128x128xf32, #tpu.memory_space<vmem>>, vector<1x16xf32>,
        %get3A_427 = vector.shape_cast %get3A_426 : vector<1x16xf32> to vector<16xf32>
        %mul3A_428 = vector.broadcast %squeeze3A_375 : f32 to vector<16xf32>
        %mul3A_429 = arith.mulf %get3A_427, %mul3A_428 : vector<16xf32>
        %swap3A_430 = arith.index_cast %add3A_379 : i32 to index
        %swap3A_431 = arith.constant 64 : index
        %swap3A_432 = tpu.vector_load %arg10[%swap3A_430, %swap3A_431] {strides = array<i32>} : memref<128x128xf32, #tpu.memory_space<vmem>>, vector<1x16xf32>,
        %swap3A_433 = vector.shape_cast %swap3A_432 : vector<1x16xf32> to vector<16xf32>
        %swap3A_434 = vector.shape_cast %mul3A_429 : vector<16xf32> to vector<1x16xf32>
        tpu.vector_store %arg10[%swap3A_430, %swap3A_431], %swap3A_434 {strides = array<i32>} : memref<128x128xf32, #tpu.memory_space<vmem>>, vector<1x16xf32>,
        %get3A_435 = arith.index_cast %add3A_379 : i32 to index
        %get3A_436 = arith.constant 80 : index
        %get3A_437 = tpu.vector_load %arg10[%get3A_435, %get3A_436] {strides = array<i32>} : memref<128x128xf32, #tpu.memory_space<vmem>>, vector<1x16xf32>,
        %get3A_438 = vector.shape_cast %get3A_437 : vector<1x16xf32> to vector<16xf32>
        %mul3A_439 = vector.broadcast %squeeze3A_375 : f32 to vector<16xf32>
        %mul3A_440 = arith.mulf %get3A_438, %mul3A_439 : vector<16xf32>
        %swap3A_441 = arith.index_cast %add3A_379 : i32 to index
        %swap3A_442 = arith.constant 80 : index
        %swap3A_443 = tpu.vector_load %arg10[%swap3A_441, %swap3A_442] {strides = array<i32>} : memref<128x128xf32, #tpu.memory_space<vmem>>, vector<1x16xf32>,
        %swap3A_444 = vector.shape_cast %swap3A_443 : vector<1x16xf32> to vector<16xf32>
        %swap3A_445 = vector.shape_cast %mul3A_440 : vector<16xf32> to vector<1x16xf32>
        tpu.vector_store %arg10[%swap3A_441, %swap3A_442], %swap3A_445 {strides = array<i32>} : memref<128x128xf32, #tpu.memory_space<vmem>>, vector<1x16xf32>,
        %get3A_446 = arith.index_cast %add3A_379 : i32 to index
        %get3A_447 = arith.constant 96 : index
        %get3A_448 = tpu.vector_load %arg10[%get3A_446, %get3A_447] {strides = array<i32>} : memref<128x128xf32, #tpu.memory_space<vmem>>, vector<1x16xf32>,
        %get3A_449 = vector.shape_cast %get3A_448 : vector<1x16xf32> to vector<16xf32>
        %mul3A_450 = vector.broadcast %squeeze3A_375 : f32 to vector<16xf32>
        %mul3A_451 = arith.mulf %get3A_449, %mul3A_450 : vector<16xf32>
        %swap3A_452 = arith.index_cast %add3A_379 : i32 to index
        %swap3A_453 = arith.constant 96 : index
        %swap3A_454 = tpu.vector_load %arg10[%swap3A_452, %swap3A_453] {strides = array<i32>} : memref<128x128xf32, #tpu.memory_space<vmem>>, vector<1x16xf32>,
        %swap3A_455 = vector.shape_cast %swap3A_454 : vector<1x16xf32> to vector<16xf32>
        %swap3A_456 = vector.shape_cast %mul3A_451 : vector<16xf32> to vector<1x16xf32>
        tpu.vector_store %arg10[%swap3A_452, %swap3A_453], %swap3A_456 {strides = array<i32>} : memref<128x128xf32, #tpu.memory_space<vmem>>, vector<1x16xf32>,
        %get3A_457 = arith.index_cast %add3A_379 : i32 to index
        %get3A_458 = arith.constant 112 : index
        %get3A_459 = tpu.vector_load %arg10[%get3A_457, %get3A_458] {strides = array<i32>} : memref<128x128xf32, #tpu.memory_space<vmem>>, vector<1x16xf32>,
        %get3A_460 = vector.shape_cast %get3A_459 : vector<1x16xf32> to vector<16xf32>
        %mul3A_461 = vector.broadcast %squeeze3A_375 : f32 to vector<16xf32>
        %mul3A_462 = arith.mulf %get3A_460, %mul3A_461 : vector<16xf32>
        %swap3A_463 = arith.index_cast %add3A_379 : i32 to index
        %swap3A_464 = arith.constant 112 : index
        %swap3A_465 = tpu.vector_load %arg10[%swap3A_463, %swap3A_464] {strides = array<i32>} : memref<128x128xf32, #tpu.memory_space<vmem>>, vector<1x16xf32>,
        %swap3A_466 = vector.shape_cast %swap3A_465 : vector<1x16xf32> to vector<16xf32>
        %swap3A_467 = vector.shape_cast %mul3A_462 : vector<16xf32> to vector<1x16xf32>
        tpu.vector_store %arg10[%swap3A_463, %swap3A_464], %swap3A_467 {strides = array<i32>} : memref<128x128xf32, #tpu.memory_space<vmem>>, vector<1x16xf32>,
        %slice3A_468 = vector.extract_strided_slice %get3A_94 {offsets = [4], sizes = [1], strides = [1]} : vector<16xf32> to vector<1xf32>
        %squeeze3A_469 = vector.extract %slice3A_468[0] : f32 from vector<1xf32>
        %mul3A_470 = arith.constant 16 : i32
        %mul3A_471 = arith.muli %scan3A_88, %mul3A_470 : i32
        %add3A_472 = arith.constant 4 : i32
        %add3A_473 = arith.addi %mul3A_471, %add3A_472 : i32
        %get3A_474 = arith.index_cast %add3A_473 : i32 to index
        %get3A_475 = arith.constant 0 : index
        %get3A_476 = tpu.vector_load %arg10[%get3A_474, %get3A_475] {strides = array<i32>} : memref<128x128xf32, #tpu.memory_space<vmem>>, vector<1x16xf32>,
        %get3A_477 = vector.shape_cast %get3A_476 : vector<1x16xf32> to vector<16xf32>
        %mul3A_478 = vector.broadcast %squeeze3A_469 : f32 to vector<16xf32>
        %mul3A_479 = arith.mulf %get3A_477, %mul3A_478 : vector<16xf32>
        %swap3A_480 = arith.index_cast %add3A_473 : i32 to index
        %swap3A_481 = arith.constant 0 : index
        %swap3A_482 = tpu.vector_load %arg10[%swap3A_480, %swap3A_481] {strides = array<i32>} : memref<128x128xf32, #tpu.memory_space<vmem>>, vector<1x16xf32>,
        %swap3A_483 = vector.shape_cast %swap3A_482 : vector<1x16xf32> to vector<16xf32>
        %swap3A_484 = vector.shape_cast %mul3A_479 : vector<16xf32> to vector<1x16xf32>
        tpu.vector_store %arg10[%swap3A_480, %swap3A_481], %swap3A_484 {strides = array<i32>} : memref<128x128xf32, #tpu.memory_space<vmem>>, vector<1x16xf32>,
        %get3A_485 = arith.index_cast %add3A_473 : i32 to index
        %get3A_486 = arith.constant 16 : index
        %get3A_487 = tpu.vector_load %arg10[%get3A_485, %get3A_486] {strides = array<i32>} : memref<128x128xf32, #tpu.memory_space<vmem>>, vector<1x16xf32>,
        %get3A_488 = vector.shape_cast %get3A_487 : vector<1x16xf32> to vector<16xf32>
        %mul3A_489 = vector.broadcast %squeeze3A_469 : f32 to vector<16xf32>
        %mul3A_490 = arith.mulf %get3A_488, %mul3A_489 : vector<16xf32>
        %swap3A_491 = arith.index_cast %add3A_473 : i32 to index
        %swap3A_492 = arith.constant 16 : index
        %swap3A_493 = tpu.vector_load %arg10[%swap3A_491, %swap3A_492] {strides = array<i32>} : memref<128x128xf32, #tpu.memory_space<vmem>>, vector<1x16xf32>,
        %swap3A_494 = vector.shape_cast %swap3A_493 : vector<1x16xf32> to vector<16xf32>
        %swap3A_495 = vector.shape_cast %mul3A_490 : vector<16xf32> to vector<1x16xf32>
        tpu.vector_store %arg10[%swap3A_491, %swap3A_492], %swap3A_495 {strides = array<i32>} : memref<128x128xf32, #tpu.memory_space<vmem>>, vector<1x16xf32>,
        %get3A_496 = arith.index_cast %add3A_473 : i32 to index
        %get3A_497 = arith.constant 32 : index
        %get3A_498 = tpu.vector_load %arg10[%get3A_496, %get3A_497] {strides = array<i32>} : memref<128x128xf32, #tpu.memory_space<vmem>>, vector<1x16xf32>,
        %get3A_499 = vector.shape_cast %get3A_498 : vector<1x16xf32> to vector<16xf32>
        %mul3A_500 = vector.broadcast %squeeze3A_469 : f32 to vector<16xf32>
        %mul3A_501 = arith.mulf %get3A_499, %mul3A_500 : vector<16xf32>
        %swap3A_502 = arith.index_cast %add3A_473 : i32 to index
        %swap3A_503 = arith.constant 32 : index
        %swap3A_504 = tpu.vector_load %arg10[%swap3A_502, %swap3A_503] {strides = array<i32>} : memref<128x128xf32, #tpu.memory_space<vmem>>, vector<1x16xf32>,
        %swap3A_505 = vector.shape_cast %swap3A_504 : vector<1x16xf32> to vector<16xf32>
        %swap3A_506 = vector.shape_cast %mul3A_501 : vector<16xf32> to vector<1x16xf32>
        tpu.vector_store %arg10[%swap3A_502, %swap3A_503], %swap3A_506 {strides = array<i32>} : memref<128x128xf32, #tpu.memory_space<vmem>>, vector<1x16xf32>,
        %get3A_507 = arith.index_cast %add3A_473 : i32 to index
        %get3A_508 = arith.constant 48 : index
        %get3A_509 = tpu.vector_load %arg10[%get3A_507, %get3A_508] {strides = array<i32>} : memref<128x128xf32, #tpu.memory_space<vmem>>, vector<1x16xf32>,
        %get3A_510 = vector.shape_cast %get3A_509 : vector<1x16xf32> to vector<16xf32>
        %mul3A_511 = vector.broadcast %squeeze3A_469 : f32 to vector<16xf32>
        %mul3A_512 = arith.mulf %get3A_510, %mul3A_511 : vector<16xf32>
        %swap3A_513 = arith.index_cast %add3A_473 : i32 to index
        %swap3A_514 = arith.constant 48 : index
        %swap3A_515 = tpu.vector_load %arg10[%swap3A_513, %swap3A_514] {strides = array<i32>} : memref<128x128xf32, #tpu.memory_space<vmem>>, vector<1x16xf32>,
        %swap3A_516 = vector.shape_cast %swap3A_515 : vector<1x16xf32> to vector<16xf32>
        %swap3A_517 = vector.shape_cast %mul3A_512 : vector<16xf32> to vector<1x16xf32>
        tpu.vector_store %arg10[%swap3A_513, %swap3A_514], %swap3A_517 {strides = array<i32>} : memref<128x128xf32, #tpu.memory_space<vmem>>, vector<1x16xf32>,
        %get3A_518 = arith.index_cast %add3A_473 : i32 to index
        %get3A_519 = arith.constant 64 : index
        %get3A_520 = tpu.vector_load %arg10[%get3A_518, %get3A_519] {strides = array<i32>} : memref<128x128xf32, #tpu.memory_space<vmem>>, vector<1x16xf32>,
        %get3A_521 = vector.shape_cast %get3A_520 : vector<1x16xf32> to vector<16xf32>
        %mul3A_522 = vector.broadcast %squeeze3A_469 : f32 to vector<16xf32>
        %mul3A_523 = arith.mulf %get3A_521, %mul3A_522 : vector<16xf32>
        %swap3A_524 = arith.index_cast %add3A_473 : i32 to index
        %swap3A_525 = arith.constant 64 : index
        %swap3A_526 = tpu.vector_load %arg10[%swap3A_524, %swap3A_525] {strides = array<i32>} : memref<128x128xf32, #tpu.memory_space<vmem>>, vector<1x16xf32>,
        %swap3A_527 = vector.shape_cast %swap3A_526 : vector<1x16xf32> to vector<16xf32>
        %swap3A_528 = vector.shape_cast %mul3A_523 : vector<16xf32> to vector<1x16xf32>
        tpu.vector_store %arg10[%swap3A_524, %swap3A_525], %swap3A_528 {strides = array<i32>} : memref<128x128xf32, #tpu.memory_space<vmem>>, vector<1x16xf32>,
        %get3A_529 = arith.index_cast %add3A_473 : i32 to index
        %get3A_530 = arith.constant 80 : index
        %get3A_531 = tpu.vector_load %arg10[%get3A_529, %get3A_530] {strides = array<i32>} : memref<128x128xf32, #tpu.memory_space<vmem>>, vector<1x16xf32>,
        %get3A_532 = vector.shape_cast %get3A_531 : vector<1x16xf32> to vector<16xf32>
        %mul3A_533 = vector.broadcast %squeeze3A_469 : f32 to vector<16xf32>
        %mul3A_534 = arith.mulf %get3A_532, %mul3A_533 : vector<16xf32>
        %swap3A_535 = arith.index_cast %add3A_473 : i32 to index
        %swap3A_536 = arith.constant 80 : index
        %swap3A_537 = tpu.vector_load %arg10[%swap3A_535, %swap3A_536] {strides = array<i32>} : memref<128x128xf32, #tpu.memory_space<vmem>>, vector<1x16xf32>,
        %swap3A_538 = vector.shape_cast %swap3A_537 : vector<1x16xf32> to vector<16xf32>
        %swap3A_539 = vector.shape_cast %mul3A_534 : vector<16xf32> to vector<1x16xf32>
        tpu.vector_store %arg10[%swap3A_535, %swap3A_536], %swap3A_539 {strides = array<i32>} : memref<128x128xf32, #tpu.memory_space<vmem>>, vector<1x16xf32>,
        %get3A_540 = arith.index_cast %add3A_473 : i32 to index
        %get3A_541 = arith.constant 96 : index
        %get3A_542 = tpu.vector_load %arg10[%get3A_540, %get3A_541] {strides = array<i32>} : memref<128x128xf32, #tpu.memory_space<vmem>>, vector<1x16xf32>,
        %get3A_543 = vector.shape_cast %get3A_542 : vector<1x16xf32> to vector<16xf32>
        %mul3A_544 = vector.broadcast %squeeze3A_469 : f32 to vector<16xf32>
        %mul3A_545 = arith.mulf %get3A_543, %mul3A_544 : vector<16xf32>
        %swap3A_546 = arith.index_cast %add3A_473 : i32 to index
        %swap3A_547 = arith.constant 96 : index
        %swap3A_548 = tpu.vector_load %arg10[%swap3A_546, %swap3A_547] {strides = array<i32>} : memref<128x128xf32, #tpu.memory_space<vmem>>, vector<1x16xf32>,
        %swap3A_549 = vector.shape_cast %swap3A_548 : vector<1x16xf32> to vector<16xf32>
        %swap3A_550 = vector.shape_cast %mul3A_545 : vector<16xf32> to vector<1x16xf32>
        tpu.vector_store %arg10[%swap3A_546, %swap3A_547], %swap3A_550 {strides = array<i32>} : memref<128x128xf32, #tpu.memory_space<vmem>>, vector<1x16xf32>,
        %get3A_551 = arith.index_cast %add3A_473 : i32 to index
        %get3A_552 = arith.constant 112 : index
        %get3A_553 = tpu.vector_load %arg10[%get3A_551, %get3A_552] {strides = array<i32>} : memref<128x128xf32, #tpu.memory_space<vmem>>, vector<1x16xf32>,
        %get3A_554 = vector.shape_cast %get3A_553 : vector<1x16xf32> to vector<16xf32>
        %mul3A_555 = vector.broadcast %squeeze3A_469 : f32 to vector<16xf32>
        %mul3A_556 = arith.mulf %get3A_554, %mul3A_555 : vector<16xf32>
        %swap3A_557 = arith.index_cast %add3A_473 : i32 to index
        %swap3A_558 = arith.constant 112 : index
        %swap3A_559 = tpu.vector_load %arg10[%swap3A_557, %swap3A_558] {strides = array<i32>} : memref<128x128xf32, #tpu.memory_space<vmem>>, vector<1x16xf32>,
        %swap3A_560 = vector.shape_cast %swap3A_559 : vector<1x16xf32> to vector<16xf32>
        %swap3A_561 = vector.shape_cast %mul3A_556 : vector<16xf32> to vector<1x16xf32>
        tpu.vector_store %arg10[%swap3A_557, %swap3A_558], %swap3A_561 {strides = array<i32>} : memref<128x128xf32, #tpu.memory_space<vmem>>, vector<1x16xf32>,
        %slice3A_562 = vector.extract_strided_slice %get3A_94 {offsets = [5], sizes = [1], strides = [1]} : vector<16xf32> to vector<1xf32>
        %squeeze3A_563 = vector.extract %slice3A_562[0] : f32 from vector<1xf32>
        %mul3A_564 = arith.constant 16 : i32
        %mul3A_565 = arith.muli %scan3A_88, %mul3A_564 : i32
        %add3A_566 = arith.constant 5 : i32
        %add3A_567 = arith.addi %mul3A_565, %add3A_566 : i32
        %get3A_568 = arith.index_cast %add3A_567 : i32 to index
        %get3A_569 = arith.constant 0 : index
        %get3A_570 = tpu.vector_load %arg10[%get3A_568, %get3A_569] {strides = array<i32>} : memref<128x128xf32, #tpu.memory_space<vmem>>, vector<1x16xf32>,
        %get3A_571 = vector.shape_cast %get3A_570 : vector<1x16xf32> to vector<16xf32>
        %mul3A_572 = vector.broadcast %squeeze3A_563 : f32 to vector<16xf32>
        %mul3A_573 = arith.mulf %get3A_571, %mul3A_572 : vector<16xf32>
        %swap3A_574 = arith.index_cast %add3A_567 : i32 to index
        %swap3A_575 = arith.constant 0 : index
        %swap3A_576 = tpu.vector_load %arg10[%swap3A_574, %swap3A_575] {strides = array<i32>} : memref<128x128xf32, #tpu.memory_space<vmem>>, vector<1x16xf32>,
        %swap3A_577 = vector.shape_cast %swap3A_576 : vector<1x16xf32> to vector<16xf32>
        %swap3A_578 = vector.shape_cast %mul3A_573 : vector<16xf32> to vector<1x16xf32>
        tpu.vector_store %arg10[%swap3A_574, %swap3A_575], %swap3A_578 {strides = array<i32>} : memref<128x128xf32, #tpu.memory_space<vmem>>, vector<1x16xf32>,
        %get3A_579 = arith.index_cast %add3A_567 : i32 to index
        %get3A_580 = arith.constant 16 : index
        %get3A_581 = tpu.vector_load %arg10[%get3A_579, %get3A_580] {strides = array<i32>} : memref<128x128xf32, #tpu.memory_space<vmem>>, vector<1x16xf32>,
        %get3A_582 = vector.shape_cast %get3A_581 : vector<1x16xf32> to vector<16xf32>
        %mul3A_583 = vector.broadcast %squeeze3A_563 : f32 to vector<16xf32>
        %mul3A_584 = arith.mulf %get3A_582, %mul3A_583 : vector<16xf32>
        %swap3A_585 = arith.index_cast %add3A_567 : i32 to index
        %swap3A_586 = arith.constant 16 : index
        %swap3A_587 = tpu.vector_load %arg10[%swap3A_585, %swap3A_586] {strides = array<i32>} : memref<128x128xf32, #tpu.memory_space<vmem>>, vector<1x16xf32>,
        %swap3A_588 = vector.shape_cast %swap3A_587 : vector<1x16xf32> to vector<16xf32>
        %swap3A_589 = vector.shape_cast %mul3A_584 : vector<16xf32> to vector<1x16xf32>
        tpu.vector_store %arg10[%swap3A_585, %swap3A_586], %swap3A_589 {strides = array<i32>} : memref<128x128xf32, #tpu.memory_space<vmem>>, vector<1x16xf32>,
        %get3A_590 = arith.index_cast %add3A_567 : i32 to index
        %get3A_591 = arith.constant 32 : index
        %get3A_592 = tpu.vector_load %arg10[%get3A_590, %get3A_591] {strides = array<i32>} : memref<128x128xf32, #tpu.memory_space<vmem>>, vector<1x16xf32>,
        %get3A_593 = vector.shape_cast %get3A_592 : vector<1x16xf32> to vector<16xf32>
        %mul3A_594 = vector.broadcast %squeeze3A_563 : f32 to vector<16xf32>
        %mul3A_595 = arith.mulf %get3A_593, %mul3A_594 : vector<16xf32>
        %swap3A_596 = arith.index_cast %add3A_567 : i32 to index
        %swap3A_597 = arith.constant 32 : index
        %swap3A_598 = tpu.vector_load %arg10[%swap3A_596, %swap3A_597] {strides = array<i32>} : memref<128x128xf32, #tpu.memory_space<vmem>>, vector<1x16xf32>,
        %swap3A_599 = vector.shape_cast %swap3A_598 : vector<1x16xf32> to vector<16xf32>
        %swap3A_600 = vector.shape_cast %mul3A_595 : vector<16xf32> to vector<1x16xf32>
        tpu.vector_store %arg10[%swap3A_596, %swap3A_597], %swap3A_600 {strides = array<i32>} : memref<128x128xf32, #tpu.memory_space<vmem>>, vector<1x16xf32>,
        %get3A_601 = arith.index_cast %add3A_567 : i32 to index
        %get3A_602 = arith.constant 48 : index
        %get3A_603 = tpu.vector_load %arg10[%get3A_601, %get3A_602] {strides = array<i32>} : memref<128x128xf32, #tpu.memory_space<vmem>>, vector<1x16xf32>,
        %get3A_604 = vector.shape_cast %get3A_603 : vector<1x16xf32> to vector<16xf32>
        %mul3A_605 = vector.broadcast %squeeze3A_563 : f32 to vector<16xf32>
        %mul3A_606 = arith.mulf %get3A_604, %mul3A_605 : vector<16xf32>
        %swap3A_607 = arith.index_cast %add3A_567 : i32 to index
        %swap3A_608 = arith.constant 48 : index
        %swap3A_609 = tpu.vector_load %arg10[%swap3A_607, %swap3A_608] {strides = array<i32>} : memref<128x128xf32, #tpu.memory_space<vmem>>, vector<1x16xf32>,
        %swap3A_610 = vector.shape_cast %swap3A_609 : vector<1x16xf32> to vector<16xf32>
        %swap3A_611 = vector.shape_cast %mul3A_606 : vector<16xf32> to vector<1x16xf32>
        tpu.vector_store %arg10[%swap3A_607, %swap3A_608], %swap3A_611 {strides = array<i32>} : memref<128x128xf32, #tpu.memory_space<vmem>>, vector<1x16xf32>,
        %get3A_612 = arith.index_cast %add3A_567 : i32 to index
        %get3A_613 = arith.constant 64 : index
        %get3A_614 = tpu.vector_load %arg10[%get3A_612, %get3A_613] {strides = array<i32>} : memref<128x128xf32, #tpu.memory_space<vmem>>, vector<1x16xf32>,
        %get3A_615 = vector.shape_cast %get3A_614 : vector<1x16xf32> to vector<16xf32>
        %mul3A_616 = vector.broadcast %squeeze3A_563 : f32 to vector<16xf32>
        %mul3A_617 = arith.mulf %get3A_615, %mul3A_616 : vector<16xf32>
        %swap3A_618 = arith.index_cast %add3A_567 : i32 to index
        %swap3A_619 = arith.constant 64 : index
        %swap3A_620 = tpu.vector_load %arg10[%swap3A_618, %swap3A_619] {strides = array<i32>} : memref<128x128xf32, #tpu.memory_space<vmem>>, vector<1x16xf32>,
        %swap3A_621 = vector.shape_cast %swap3A_620 : vector<1x16xf32> to vector<16xf32>
        %swap3A_622 = vector.shape_cast %mul3A_617 : vector<16xf32> to vector<1x16xf32>
        tpu.vector_store %arg10[%swap3A_618, %swap3A_619], %swap3A_622 {strides = array<i32>} : memref<128x128xf32, #tpu.memory_space<vmem>>, vector<1x16xf32>,
        %get3A_623 = arith.index_cast %add3A_567 : i32 to index
        %get3A_624 = arith.constant 80 : index
        %get3A_625 = tpu.vector_load %arg10[%get3A_623, %get3A_624] {strides = array<i32>} : memref<128x128xf32, #tpu.memory_space<vmem>>, vector<1x16xf32>,
        %get3A_626 = vector.shape_cast %get3A_625 : vector<1x16xf32> to vector<16xf32>
        %mul3A_627 = vector.broadcast %squeeze3A_563 : f32 to vector<16xf32>
        %mul3A_628 = arith.mulf %get3A_626, %mul3A_627 : vector<16xf32>
        %swap3A_629 = arith.index_cast %add3A_567 : i32 to index
        %swap3A_630 = arith.constant 80 : index
        %swap3A_631 = tpu.vector_load %arg10[%swap3A_629, %swap3A_630] {strides = array<i32>} : memref<128x128xf32, #tpu.memory_space<vmem>>, vector<1x16xf32>,
        %swap3A_632 = vector.shape_cast %swap3A_631 : vector<1x16xf32> to vector<16xf32>
        %swap3A_633 = vector.shape_cast %mul3A_628 : vector<16xf32> to vector<1x16xf32>
        tpu.vector_store %arg10[%swap3A_629, %swap3A_630], %swap3A_633 {strides = array<i32>} : memref<128x128xf32, #tpu.memory_space<vmem>>, vector<1x16xf32>,
        %get3A_634 = arith.index_cast %add3A_567 : i32 to index
        %get3A_635 = arith.constant 96 : index
        %get3A_636 = tpu.vector_load %arg10[%get3A_634, %get3A_635] {strides = array<i32>} : memref<128x128xf32, #tpu.memory_space<vmem>>, vector<1x16xf32>,
        %get3A_637 = vector.shape_cast %get3A_636 : vector<1x16xf32> to vector<16xf32>
        %mul3A_638 = vector.broadcast %squeeze3A_563 : f32 to vector<16xf32>
        %mul3A_639 = arith.mulf %get3A_637, %mul3A_638 : vector<16xf32>
        %swap3A_640 = arith.index_cast %add3A_567 : i32 to index
        %swap3A_641 = arith.constant 96 : index
        %swap3A_642 = tpu.vector_load %arg10[%swap3A_640, %swap3A_641] {strides = array<i32>} : memref<128x128xf32, #tpu.memory_space<vmem>>, vector<1x16xf32>,
        %swap3A_643 = vector.shape_cast %swap3A_642 : vector<1x16xf32> to vector<16xf32>
        %swap3A_644 = vector.shape_cast %mul3A_639 : vector<16xf32> to vector<1x16xf32>
        tpu.vector_store %arg10[%swap3A_640, %swap3A_641], %swap3A_644 {strides = array<i32>} : memref<128x128xf32, #tpu.memory_space<vmem>>, vector<1x16xf32>,
        %get3A_645 = arith.index_cast %add3A_567 : i32 to index
        %get3A_646 = arith.constant 112 : index
        %get3A_647 = tpu.vector_load %arg10[%get3A_645, %get3A_646] {strides = array<i32>} : memref<128x128xf32, #tpu.memory_space<vmem>>, vector<1x16xf32>,
        %get3A_648 = vector.shape_cast %get3A_647 : vector<1x16xf32> to vector<16xf32>
        %mul3A_649 = vector.broadcast %squeeze3A_563 : f32 to vector<16xf32>
        %mul3A_650 = arith.mulf %get3A_648, %mul3A_649 : vector<16xf32>
        %swap3A_651 = arith.index_cast %add3A_567 : i32 to index
        %swap3A_652 = arith.constant 112 : index
        %swap3A_653 = tpu.vector_load %arg10[%swap3A_651, %swap3A_652] {strides = array<i32>} : memref<128x128xf32, #tpu.memory_space<vmem>>, vector<1x16xf32>,
        %swap3A_654 = vector.shape_cast %swap3A_653 : vector<1x16xf32> to vector<16xf32>
        %swap3A_655 = vector.shape_cast %mul3A_650 : vector<16xf32> to vector<1x16xf32>
        tpu.vector_store %arg10[%swap3A_651, %swap3A_652], %swap3A_655 {strides = array<i32>} : memref<128x128xf32, #tpu.memory_space<vmem>>, vector<1x16xf32>,
        %slice3A_656 = vector.extract_strided_slice %get3A_94 {offsets = [6], sizes = [1], strides = [1]} : vector<16xf32> to vector<1xf32>
        %squeeze3A_657 = vector.extract %slice3A_656[0] : f32 from vector<1xf32>
        %mul3A_658 = arith.constant 16 : i32
        %mul3A_659 = arith.muli %scan3A_88, %mul3A_658 : i32
        %add3A_660 = arith.constant 6 : i32
        %add3A_661 = arith.addi %mul3A_659, %add3A_660 : i32
        %get3A_662 = arith.index_cast %add3A_661 : i32 to index
        %get3A_663 = arith.constant 0 : index
        %get3A_664 = tpu.vector_load %arg10[%get3A_662, %get3A_663] {strides = array<i32>} : memref<128x128xf32, #tpu.memory_space<vmem>>, vector<1x16xf32>,
        %get3A_665 = vector.shape_cast %get3A_664 : vector<1x16xf32> to vector<16xf32>
        %mul3A_666 = vector.broadcast %squeeze3A_657 : f32 to vector<16xf32>
        %mul3A_667 = arith.mulf %get3A_665, %mul3A_666 : vector<16xf32>
        %swap3A_668 = arith.index_cast %add3A_661 : i32 to index
        %swap3A_669 = arith.constant 0 : index
        %swap3A_670 = tpu.vector_load %arg10[%swap3A_668, %swap3A_669] {strides = array<i32>} : memref<128x128xf32, #tpu.memory_space<vmem>>, vector<1x16xf32>,
        %swap3A_671 = vector.shape_cast %swap3A_670 : vector<1x16xf32> to vector<16xf32>
        %swap3A_672 = vector.shape_cast %mul3A_667 : vector<16xf32> to vector<1x16xf32>
        tpu.vector_store %arg10[%swap3A_668, %swap3A_669], %swap3A_672 {strides = array<i32>} : memref<128x128xf32, #tpu.memory_space<vmem>>, vector<1x16xf32>,
        %get3A_673 = arith.index_cast %add3A_661 : i32 to index
        %get3A_674 = arith.constant 16 : index
        %get3A_675 = tpu.vector_load %arg10[%get3A_673, %get3A_674] {strides = array<i32>} : memref<128x128xf32, #tpu.memory_space<vmem>>, vector<1x16xf32>,
        %get3A_676 = vector.shape_cast %get3A_675 : vector<1x16xf32> to vector<16xf32>
        %mul3A_677 = vector.broadcast %squeeze3A_657 : f32 to vector<16xf32>
        %mul3A_678 = arith.mulf %get3A_676, %mul3A_677 : vector<16xf32>
        %swap3A_679 = arith.index_cast %add3A_661 : i32 to index
        %swap3A_680 = arith.constant 16 : index
        %swap3A_681 = tpu.vector_load %arg10[%swap3A_679, %swap3A_680] {strides = array<i32>} : memref<128x128xf32, #tpu.memory_space<vmem>>, vector<1x16xf32>,
        %swap3A_682 = vector.shape_cast %swap3A_681 : vector<1x16xf32> to vector<16xf32>
        %swap3A_683 = vector.shape_cast %mul3A_678 : vector<16xf32> to vector<1x16xf32>
        tpu.vector_store %arg10[%swap3A_679, %swap3A_680], %swap3A_683 {strides = array<i32>} : memref<128x128xf32, #tpu.memory_space<vmem>>, vector<1x16xf32>,
        %get3A_684 = arith.index_cast %add3A_661 : i32 to index
        %get3A_685 = arith.constant 32 : index
        %get3A_686 = tpu.vector_load %arg10[%get3A_684, %get3A_685] {strides = array<i32>} : memref<128x128xf32, #tpu.memory_space<vmem>>, vector<1x16xf32>,
        %get3A_687 = vector.shape_cast %get3A_686 : vector<1x16xf32> to vector<16xf32>
        %mul3A_688 = vector.broadcast %squeeze3A_657 : f32 to vector<16xf32>
        %mul3A_689 = arith.mulf %get3A_687, %mul3A_688 : vector<16xf32>
        %swap3A_690 = arith.index_cast %add3A_661 : i32 to index
        %swap3A_691 = arith.constant 32 : index
        %swap3A_692 = tpu.vector_load %arg10[%swap3A_690, %swap3A_691] {strides = array<i32>} : memref<128x128xf32, #tpu.memory_space<vmem>>, vector<1x16xf32>,
        %swap3A_693 = vector.shape_cast %swap3A_692 : vector<1x16xf32> to vector<16xf32>
        %swap3A_694 = vector.shape_cast %mul3A_689 : vector<16xf32> to vector<1x16xf32>
        tpu.vector_store %arg10[%swap3A_690, %swap3A_691], %swap3A_694 {strides = array<i32>} : memref<128x128xf32, #tpu.memory_space<vmem>>, vector<1x16xf32>,
        %get3A_695 = arith.index_cast %add3A_661 : i32 to index
        %get3A_696 = arith.constant 48 : index
        %get3A_697 = tpu.vector_load %arg10[%get3A_695, %get3A_696] {strides = array<i32>} : memref<128x128xf32, #tpu.memory_space<vmem>>, vector<1x16xf32>,
        %get3A_698 = vector.shape_cast %get3A_697 : vector<1x16xf32> to vector<16xf32>
        %mul3A_699 = vector.broadcast %squeeze3A_657 : f32 to vector<16xf32>
        %mul3A_700 = arith.mulf %get3A_698, %mul3A_699 : vector<16xf32>
        %swap3A_701 = arith.index_cast %add3A_661 : i32 to index
        %swap3A_702 = arith.constant 48 : index
        %swap3A_703 = tpu.vector_load %arg10[%swap3A_701, %swap3A_702] {strides = array<i32>} : memref<128x128xf32, #tpu.memory_space<vmem>>, vector<1x16xf32>,
        %swap3A_704 = vector.shape_cast %swap3A_703 : vector<1x16xf32> to vector<16xf32>
        %swap3A_705 = vector.shape_cast %mul3A_700 : vector<16xf32> to vector<1x16xf32>
        tpu.vector_store %arg10[%swap3A_701, %swap3A_702], %swap3A_705 {strides = array<i32>} : memref<128x128xf32, #tpu.memory_space<vmem>>, vector<1x16xf32>,
        %get3A_706 = arith.index_cast %add3A_661 : i32 to index
        %get3A_707 = arith.constant 64 : index
        %get3A_708 = tpu.vector_load %arg10[%get3A_706, %get3A_707] {strides = array<i32>} : memref<128x128xf32, #tpu.memory_space<vmem>>, vector<1x16xf32>,
        %get3A_709 = vector.shape_cast %get3A_708 : vector<1x16xf32> to vector<16xf32>
        %mul3A_710 = vector.broadcast %squeeze3A_657 : f32 to vector<16xf32>
        %mul3A_711 = arith.mulf %get3A_709, %mul3A_710 : vector<16xf32>
        %swap3A_712 = arith.index_cast %add3A_661 : i32 to index
        %swap3A_713 = arith.constant 64 : index
        %swap3A_714 = tpu.vector_load %arg10[%swap3A_712, %swap3A_713] {strides = array<i32>} : memref<128x128xf32, #tpu.memory_space<vmem>>, vector<1x16xf32>,
        %swap3A_715 = vector.shape_cast %swap3A_714 : vector<1x16xf32> to vector<16xf32>
        %swap3A_716 = vector.shape_cast %mul3A_711 : vector<16xf32> to vector<1x16xf32>
        tpu.vector_store %arg10[%swap3A_712, %swap3A_713], %swap3A_716 {strides = array<i32>} : memref<128x128xf32, #tpu.memory_space<vmem>>, vector<1x16xf32>,
        %get3A_717 = arith.index_cast %add3A_661 : i32 to index
        %get3A_718 = arith.constant 80 : index
        %get3A_719 = tpu.vector_load %arg10[%get3A_717, %get3A_718] {strides = array<i32>} : memref<128x128xf32, #tpu.memory_space<vmem>>, vector<1x16xf32>,
        %get3A_720 = vector.shape_cast %get3A_719 : vector<1x16xf32> to vector<16xf32>
        %mul3A_721 = vector.broadcast %squeeze3A_657 : f32 to vector<16xf32>
        %mul3A_722 = arith.mulf %get3A_720, %mul3A_721 : vector<16xf32>
        %swap3A_723 = arith.index_cast %add3A_661 : i32 to index
        %swap3A_724 = arith.constant 80 : index
        %swap3A_725 = tpu.vector_load %arg10[%swap3A_723, %swap3A_724] {strides = array<i32>} : memref<128x128xf32, #tpu.memory_space<vmem>>, vector<1x16xf32>,
        %swap3A_726 = vector.shape_cast %swap3A_725 : vector<1x16xf32> to vector<16xf32>
        %swap3A_727 = vector.shape_cast %mul3A_722 : vector<16xf32> to vector<1x16xf32>
        tpu.vector_store %arg10[%swap3A_723, %swap3A_724], %swap3A_727 {strides = array<i32>} : memref<128x128xf32, #tpu.memory_space<vmem>>, vector<1x16xf32>,
        %get3A_728 = arith.index_cast %add3A_661 : i32 to index
        %get3A_729 = arith.constant 96 : index
        %get3A_730 = tpu.vector_load %arg10[%get3A_728, %get3A_729] {strides = array<i32>} : memref<128x128xf32, #tpu.memory_space<vmem>>, vector<1x16xf32>,
        %get3A_731 = vector.shape_cast %get3A_730 : vector<1x16xf32> to vector<16xf32>
        %mul3A_732 = vector.broadcast %squeeze3A_657 : f32 to vector<16xf32>
        %mul3A_733 = arith.mulf %get3A_731, %mul3A_732 : vector<16xf32>
        %swap3A_734 = arith.index_cast %add3A_661 : i32 to index
        %swap3A_735 = arith.constant 96 : index
        %swap3A_736 = tpu.vector_load %arg10[%swap3A_734, %swap3A_735] {strides = array<i32>} : memref<128x128xf32, #tpu.memory_space<vmem>>, vector<1x16xf32>,
        %swap3A_737 = vector.shape_cast %swap3A_736 : vector<1x16xf32> to vector<16xf32>
        %swap3A_738 = vector.shape_cast %mul3A_733 : vector<16xf32> to vector<1x16xf32>
        tpu.vector_store %arg10[%swap3A_734, %swap3A_735], %swap3A_738 {strides = array<i32>} : memref<128x128xf32, #tpu.memory_space<vmem>>, vector<1x16xf32>,
        %get3A_739 = arith.index_cast %add3A_661 : i32 to index
        %get3A_740 = arith.constant 112 : index
        %get3A_741 = tpu.vector_load %arg10[%get3A_739, %get3A_740] {strides = array<i32>} : memref<128x128xf32, #tpu.memory_space<vmem>>, vector<1x16xf32>,
        %get3A_742 = vector.shape_cast %get3A_741 : vector<1x16xf32> to vector<16xf32>
        %mul3A_743 = vector.broadcast %squeeze3A_657 : f32 to vector<16xf32>
        %mul3A_744 = arith.mulf %get3A_742, %mul3A_743 : vector<16xf32>
        %swap3A_745 = arith.index_cast %add3A_661 : i32 to index
        %swap3A_746 = arith.constant 112 : index
        %swap3A_747 = tpu.vector_load %arg10[%swap3A_745, %swap3A_746] {strides = array<i32>} : memref<128x128xf32, #tpu.memory_space<vmem>>, vector<1x16xf32>,
        %swap3A_748 = vector.shape_cast %swap3A_747 : vector<1x16xf32> to vector<16xf32>
        %swap3A_749 = vector.shape_cast %mul3A_744 : vector<16xf32> to vector<1x16xf32>
        tpu.vector_store %arg10[%swap3A_745, %swap3A_746], %swap3A_749 {strides = array<i32>} : memref<128x128xf32, #tpu.memory_space<vmem>>, vector<1x16xf32>,
        %slice3A_750 = vector.extract_strided_slice %get3A_94 {offsets = [7], sizes = [1], strides = [1]} : vector<16xf32> to vector<1xf32>
        %squeeze3A_751 = vector.extract %slice3A_750[0] : f32 from vector<1xf32>
        %mul3A_752 = arith.constant 16 : i32
        %mul3A_753 = arith.muli %scan3A_88, %mul3A_752 : i32
        %add3A_754 = arith.constant 7 : i32
        %add3A_755 = arith.addi %mul3A_753, %add3A_754 : i32
        %get3A_756 = arith.index_cast %add3A_755 : i32 to index
        %get3A_757 = arith.constant 0 : index
        %get3A_758 = tpu.vector_load %arg10[%get3A_756, %get3A_757] {strides = array<i32>} : memref<128x128xf32, #tpu.memory_space<vmem>>, vector<1x16xf32>,
        %get3A_759 = vector.shape_cast %get3A_758 : vector<1x16xf32> to vector<16xf32>
        %mul3A_760 = vector.broadcast %squeeze3A_751 : f32 to vector<16xf32>
        %mul3A_761 = arith.mulf %get3A_759, %mul3A_760 : vector<16xf32>
        %swap3A_762 = arith.index_cast %add3A_755 : i32 to index
        %swap3A_763 = arith.constant 0 : index
        %swap3A_764 = tpu.vector_load %arg10[%swap3A_762, %swap3A_763] {strides = array<i32>} : memref<128x128xf32, #tpu.memory_space<vmem>>, vector<1x16xf32>,
        %swap3A_765 = vector.shape_cast %swap3A_764 : vector<1x16xf32> to vector<16xf32>
        %swap3A_766 = vector.shape_cast %mul3A_761 : vector<16xf32> to vector<1x16xf32>
        tpu.vector_store %arg10[%swap3A_762, %swap3A_763], %swap3A_766 {strides = array<i32>} : memref<128x128xf32, #tpu.memory_space<vmem>>, vector<1x16xf32>,
        %get3A_767 = arith.index_cast %add3A_755 : i32 to index
        %get3A_768 = arith.constant 16 : index
        %get3A_769 = tpu.vector_load %arg10[%get3A_767, %get3A_768] {strides = array<i32>} : memref<128x128xf32, #tpu.memory_space<vmem>>, vector<1x16xf32>,
        %get3A_770 = vector.shape_cast %get3A_769 : vector<1x16xf32> to vector<16xf32>
        %mul3A_771 = vector.broadcast %squeeze3A_751 : f32 to vector<16xf32>
        %mul3A_772 = arith.mulf %get3A_770, %mul3A_771 : vector<16xf32>
        %swap3A_773 = arith.index_cast %add3A_755 : i32 to index
        %swap3A_774 = arith.constant 16 : index
        %swap3A_775 = tpu.vector_load %arg10[%swap3A_773, %swap3A_774] {strides = array<i32>} : memref<128x128xf32, #tpu.memory_space<vmem>>, vector<1x16xf32>,
        %swap3A_776 = vector.shape_cast %swap3A_775 : vector<1x16xf32> to vector<16xf32>
        %swap3A_777 = vector.shape_cast %mul3A_772 : vector<16xf32> to vector<1x16xf32>
        tpu.vector_store %arg10[%swap3A_773, %swap3A_774], %swap3A_777 {strides = array<i32>} : memref<128x128xf32, #tpu.memory_space<vmem>>, vector<1x16xf32>,
        %get3A_778 = arith.index_cast %add3A_755 : i32 to index
        %get3A_779 = arith.constant 32 : index
        %get3A_780 = tpu.vector_load %arg10[%get3A_778, %get3A_779] {strides = array<i32>} : memref<128x128xf32, #tpu.memory_space<vmem>>, vector<1x16xf32>,
        %get3A_781 = vector.shape_cast %get3A_780 : vector<1x16xf32> to vector<16xf32>
        %mul3A_782 = vector.broadcast %squeeze3A_751 : f32 to vector<16xf32>
        %mul3A_783 = arith.mulf %get3A_781, %mul3A_782 : vector<16xf32>
        %swap3A_784 = arith.index_cast %add3A_755 : i32 to index
        %swap3A_785 = arith.constant 32 : index
        %swap3A_786 = tpu.vector_load %arg10[%swap3A_784, %swap3A_785] {strides = array<i32>} : memref<128x128xf32, #tpu.memory_space<vmem>>, vector<1x16xf32>,
        %swap3A_787 = vector.shape_cast %swap3A_786 : vector<1x16xf32> to vector<16xf32>
        %swap3A_788 = vector.shape_cast %mul3A_783 : vector<16xf32> to vector<1x16xf32>
        tpu.vector_store %arg10[%swap3A_784, %swap3A_785], %swap3A_788 {strides = array<i32>} : memref<128x128xf32, #tpu.memory_space<vmem>>, vector<1x16xf32>,
        %get3A_789 = arith.index_cast %add3A_755 : i32 to index
        %get3A_790 = arith.constant 48 : index
        %get3A_791 = tpu.vector_load %arg10[%get3A_789, %get3A_790] {strides = array<i32>} : memref<128x128xf32, #tpu.memory_space<vmem>>, vector<1x16xf32>,
        %get3A_792 = vector.shape_cast %get3A_791 : vector<1x16xf32> to vector<16xf32>
        %mul3A_793 = vector.broadcast %squeeze3A_751 : f32 to vector<16xf32>
        %mul3A_794 = arith.mulf %get3A_792, %mul3A_793 : vector<16xf32>
        %swap3A_795 = arith.index_cast %add3A_755 : i32 to index
        %swap3A_796 = arith.constant 48 : index
        %swap3A_797 = tpu.vector_load %arg10[%swap3A_795, %swap3A_796] {strides = array<i32>} : memref<128x128xf32, #tpu.memory_space<vmem>>, vector<1x16xf32>,
        %swap3A_798 = vector.shape_cast %swap3A_797 : vector<1x16xf32> to vector<16xf32>
        %swap3A_799 = vector.shape_cast %mul3A_794 : vector<16xf32> to vector<1x16xf32>
        tpu.vector_store %arg10[%swap3A_795, %swap3A_796], %swap3A_799 {strides = array<i32>} : memref<128x128xf32, #tpu.memory_space<vmem>>, vector<1x16xf32>,
        %get3A_800 = arith.index_cast %add3A_755 : i32 to index
        %get3A_801 = arith.constant 64 : index
        %get3A_802 = tpu.vector_load %arg10[%get3A_800, %get3A_801] {strides = array<i32>} : memref<128x128xf32, #tpu.memory_space<vmem>>, vector<1x16xf32>,
        %get3A_803 = vector.shape_cast %get3A_802 : vector<1x16xf32> to vector<16xf32>
        %mul3A_804 = vector.broadcast %squeeze3A_751 : f32 to vector<16xf32>
        %mul3A_805 = arith.mulf %get3A_803, %mul3A_804 : vector<16xf32>
        %swap3A_806 = arith.index_cast %add3A_755 : i32 to index
        %swap3A_807 = arith.constant 64 : index
        %swap3A_808 = tpu.vector_load %arg10[%swap3A_806, %swap3A_807] {strides = array<i32>} : memref<128x128xf32, #tpu.memory_space<vmem>>, vector<1x16xf32>,
        %swap3A_809 = vector.shape_cast %swap3A_808 : vector<1x16xf32> to vector<16xf32>
        %swap3A_810 = vector.shape_cast %mul3A_805 : vector<16xf32> to vector<1x16xf32>
        tpu.vector_store %arg10[%swap3A_806, %swap3A_807], %swap3A_810 {strides = array<i32>} : memref<128x128xf32, #tpu.memory_space<vmem>>, vector<1x16xf32>,
        %get3A_811 = arith.index_cast %add3A_755 : i32 to index
        %get3A_812 = arith.constant 80 : index
        %get3A_813 = tpu.vector_load %arg10[%get3A_811, %get3A_812] {strides = array<i32>} : memref<128x128xf32, #tpu.memory_space<vmem>>, vector<1x16xf32>,
        %get3A_814 = vector.shape_cast %get3A_813 : vector<1x16xf32> to vector<16xf32>
        %mul3A_815 = vector.broadcast %squeeze3A_751 : f32 to vector<16xf32>
        %mul3A_816 = arith.mulf %get3A_814, %mul3A_815 : vector<16xf32>
        %swap3A_817 = arith.index_cast %add3A_755 : i32 to index
        %swap3A_818 = arith.constant 80 : index
        %swap3A_819 = tpu.vector_load %arg10[%swap3A_817, %swap3A_818] {strides = array<i32>} : memref<128x128xf32, #tpu.memory_space<vmem>>, vector<1x16xf32>,
        %swap3A_820 = vector.shape_cast %swap3A_819 : vector<1x16xf32> to vector<16xf32>
        %swap3A_821 = vector.shape_cast %mul3A_816 : vector<16xf32> to vector<1x16xf32>
        tpu.vector_store %arg10[%swap3A_817, %swap3A_818], %swap3A_821 {strides = array<i32>} : memref<128x128xf32, #tpu.memory_space<vmem>>, vector<1x16xf32>,
        %get3A_822 = arith.index_cast %add3A_755 : i32 to index
        %get3A_823 = arith.constant 96 : index
        %get3A_824 = tpu.vector_load %arg10[%get3A_822, %get3A_823] {strides = array<i32>} : memref<128x128xf32, #tpu.memory_space<vmem>>, vector<1x16xf32>,
        %get3A_825 = vector.shape_cast %get3A_824 : vector<1x16xf32> to vector<16xf32>
        %mul3A_826 = vector.broadcast %squeeze3A_751 : f32 to vector<16xf32>
        %mul3A_827 = arith.mulf %get3A_825, %mul3A_826 : vector<16xf32>
        %swap3A_828 = arith.index_cast %add3A_755 : i32 to index
        %swap3A_829 = arith.constant 96 : index
        %swap3A_830 = tpu.vector_load %arg10[%swap3A_828, %swap3A_829] {strides = array<i32>} : memref<128x128xf32, #tpu.memory_space<vmem>>, vector<1x16xf32>,
        %swap3A_831 = vector.shape_cast %swap3A_830 : vector<1x16xf32> to vector<16xf32>
        %swap3A_832 = vector.shape_cast %mul3A_827 : vector<16xf32> to vector<1x16xf32>
        tpu.vector_store %arg10[%swap3A_828, %swap3A_829], %swap3A_832 {strides = array<i32>} : memref<128x128xf32, #tpu.memory_space<vmem>>, vector<1x16xf32>,
        %get3A_833 = arith.index_cast %add3A_755 : i32 to index
        %get3A_834 = arith.constant 112 : index
        %get3A_835 = tpu.vector_load %arg10[%get3A_833, %get3A_834] {strides = array<i32>} : memref<128x128xf32, #tpu.memory_space<vmem>>, vector<1x16xf32>,
        %get3A_836 = vector.shape_cast %get3A_835 : vector<1x16xf32> to vector<16xf32>
        %mul3A_837 = vector.broadcast %squeeze3A_751 : f32 to vector<16xf32>
        %mul3A_838 = arith.mulf %get3A_836, %mul3A_837 : vector<16xf32>
        %swap3A_839 = arith.index_cast %add3A_755 : i32 to index
        %swap3A_840 = arith.constant 112 : index
        %swap3A_841 = tpu.vector_load %arg10[%swap3A_839, %swap3A_840] {strides = array<i32>} : memref<128x128xf32, #tpu.memory_space<vmem>>, vector<1x16xf32>,
        %swap3A_842 = vector.shape_cast %swap3A_841 : vector<1x16xf32> to vector<16xf32>
        %swap3A_843 = vector.shape_cast %mul3A_838 : vector<16xf32> to vector<1x16xf32>
        tpu.vector_store %arg10[%swap3A_839, %swap3A_840], %swap3A_843 {strides = array<i32>} : memref<128x128xf32, #tpu.memory_space<vmem>>, vector<1x16xf32>,
        %slice3A_844 = vector.extract_strided_slice %get3A_94 {offsets = [8], sizes = [1], strides = [1]} : vector<16xf32> to vector<1xf32>
        %squeeze3A_845 = vector.extract %slice3A_844[0] : f32 from vector<1xf32>
        %mul3A_846 = arith.constant 16 : i32
        %mul3A_847 = arith.muli %scan3A_88, %mul3A_846 : i32
        %add3A_848 = arith.constant 8 : i32
        %add3A_849 = arith.addi %mul3A_847, %add3A_848 : i32
        %get3A_850 = arith.index_cast %add3A_849 : i32 to index
        %get3A_851 = arith.constant 0 : index
        %get3A_852 = tpu.vector_load %arg10[%get3A_850, %get3A_851] {strides = array<i32>} : memref<128x128xf32, #tpu.memory_space<vmem>>, vector<1x16xf32>,
        %get3A_853 = vector.shape_cast %get3A_852 : vector<1x16xf32> to vector<16xf32>
        %mul3A_854 = vector.broadcast %squeeze3A_845 : f32 to vector<16xf32>
        %mul3A_855 = arith.mulf %get3A_853, %mul3A_854 : vector<16xf32>
        %swap3A_856 = arith.index_cast %add3A_849 : i32 to index
        %swap3A_857 = arith.constant 0 : index
        %swap3A_858 = tpu.vector_load %arg10[%swap3A_856, %swap3A_857] {strides = array<i32>} : memref<128x128xf32, #tpu.memory_space<vmem>>, vector<1x16xf32>,
        %swap3A_859 = vector.shape_cast %swap3A_858 : vector<1x16xf32> to vector<16xf32>
        %swap3A_860 = vector.shape_cast %mul3A_855 : vector<16xf32> to vector<1x16xf32>
        tpu.vector_store %arg10[%swap3A_856, %swap3A_857], %swap3A_860 {strides = array<i32>} : memref<128x128xf32, #tpu.memory_space<vmem>>, vector<1x16xf32>,
        %get3A_861 = arith.index_cast %add3A_849 : i32 to index
        %get3A_862 = arith.constant 16 : index
        %get3A_863 = tpu.vector_load %arg10[%get3A_861, %get3A_862] {strides = array<i32>} : memref<128x128xf32, #tpu.memory_space<vmem>>, vector<1x16xf32>,
        %get3A_864 = vector.shape_cast %get3A_863 : vector<1x16xf32> to vector<16xf32>
        %mul3A_865 = vector.broadcast %squeeze3A_845 : f32 to vector<16xf32>
        %mul3A_866 = arith.mulf %get3A_864, %mul3A_865 : vector<16xf32>
        %swap3A_867 = arith.index_cast %add3A_849 : i32 to index
        %swap3A_868 = arith.constant 16 : index
        %swap3A_869 = tpu.vector_load %arg10[%swap3A_867, %swap3A_868] {strides = array<i32>} : memref<128x128xf32, #tpu.memory_space<vmem>>, vector<1x16xf32>,
        %swap3A_870 = vector.shape_cast %swap3A_869 : vector<1x16xf32> to vector<16xf32>
        %swap3A_871 = vector.shape_cast %mul3A_866 : vector<16xf32> to vector<1x16xf32>
        tpu.vector_store %arg10[%swap3A_867, %swap3A_868], %swap3A_871 {strides = array<i32>} : memref<128x128xf32, #tpu.memory_space<vmem>>, vector<1x16xf32>,
        %get3A_872 = arith.index_cast %add3A_849 : i32 to index
        %get3A_873 = arith.constant 32 : index
        %get3A_874 = tpu.vector_load %arg10[%get3A_872, %get3A_873] {strides = array<i32>} : memref<128x128xf32, #tpu.memory_space<vmem>>, vector<1x16xf32>,
        %get3A_875 = vector.shape_cast %get3A_874 : vector<1x16xf32> to vector<16xf32>
        %mul3A_876 = vector.broadcast %squeeze3A_845 : f32 to vector<16xf32>
        %mul3A_877 = arith.mulf %get3A_875, %mul3A_876 : vector<16xf32>
        %swap3A_878 = arith.index_cast %add3A_849 : i32 to index
        %swap3A_879 = arith.constant 32 : index
        %swap3A_880 = tpu.vector_load %arg10[%swap3A_878, %swap3A_879] {strides = array<i32>} : memref<128x128xf32, #tpu.memory_space<vmem>>, vector<1x16xf32>,
        %swap3A_881 = vector.shape_cast %swap3A_880 : vector<1x16xf32> to vector<16xf32>
        %swap3A_882 = vector.shape_cast %mul3A_877 : vector<16xf32> to vector<1x16xf32>
        tpu.vector_store %arg10[%swap3A_878, %swap3A_879], %swap3A_882 {strides = array<i32>} : memref<128x128xf32, #tpu.memory_space<vmem>>, vector<1x16xf32>,
        %get3A_883 = arith.index_cast %add3A_849 : i32 to index
        %get3A_884 = arith.constant 48 : index
        %get3A_885 = tpu.vector_load %arg10[%get3A_883, %get3A_884] {strides = array<i32>} : memref<128x128xf32, #tpu.memory_space<vmem>>, vector<1x16xf32>,
        %get3A_886 = vector.shape_cast %get3A_885 : vector<1x16xf32> to vector<16xf32>
        %mul3A_887 = vector.broadcast %squeeze3A_845 : f32 to vector<16xf32>
        %mul3A_888 = arith.mulf %get3A_886, %mul3A_887 : vector<16xf32>
        %swap3A_889 = arith.index_cast %add3A_849 : i32 to index
        %swap3A_890 = arith.constant 48 : index
        %swap3A_891 = tpu.vector_load %arg10[%swap3A_889, %swap3A_890] {strides = array<i32>} : memref<128x128xf32, #tpu.memory_space<vmem>>, vector<1x16xf32>,
        %swap3A_892 = vector.shape_cast %swap3A_891 : vector<1x16xf32> to vector<16xf32>
        %swap3A_893 = vector.shape_cast %mul3A_888 : vector<16xf32> to vector<1x16xf32>
        tpu.vector_store %arg10[%swap3A_889, %swap3A_890], %swap3A_893 {strides = array<i32>} : memref<128x128xf32, #tpu.memory_space<vmem>>, vector<1x16xf32>,
        %get3A_894 = arith.index_cast %add3A_849 : i32 to index
        %get3A_895 = arith.constant 64 : index
        %get3A_896 = tpu.vector_load %arg10[%get3A_894, %get3A_895] {strides = array<i32>} : memref<128x128xf32, #tpu.memory_space<vmem>>, vector<1x16xf32>,
        %get3A_897 = vector.shape_cast %get3A_896 : vector<1x16xf32> to vector<16xf32>
        %mul3A_898 = vector.broadcast %squeeze3A_845 : f32 to vector<16xf32>
        %mul3A_899 = arith.mulf %get3A_897, %mul3A_898 : vector<16xf32>
        %swap3A_900 = arith.index_cast %add3A_849 : i32 to index
        %swap3A_901 = arith.constant 64 : index
        %swap3A_902 = tpu.vector_load %arg10[%swap3A_900, %swap3A_901] {strides = array<i32>} : memref<128x128xf32, #tpu.memory_space<vmem>>, vector<1x16xf32>,
        %swap3A_903 = vector.shape_cast %swap3A_902 : vector<1x16xf32> to vector<16xf32>
        %swap3A_904 = vector.shape_cast %mul3A_899 : vector<16xf32> to vector<1x16xf32>
        tpu.vector_store %arg10[%swap3A_900, %swap3A_901], %swap3A_904 {strides = array<i32>} : memref<128x128xf32, #tpu.memory_space<vmem>>, vector<1x16xf32>,
        %get3A_905 = arith.index_cast %add3A_849 : i32 to index
        %get3A_906 = arith.constant 80 : index
        %get3A_907 = tpu.vector_load %arg10[%get3A_905, %get3A_906] {strides = array<i32>} : memref<128x128xf32, #tpu.memory_space<vmem>>, vector<1x16xf32>,
        %get3A_908 = vector.shape_cast %get3A_907 : vector<1x16xf32> to vector<16xf32>
        %mul3A_909 = vector.broadcast %squeeze3A_845 : f32 to vector<16xf32>
        %mul3A_910 = arith.mulf %get3A_908, %mul3A_909 : vector<16xf32>
        %swap3A_911 = arith.index_cast %add3A_849 : i32 to index
        %swap3A_912 = arith.constant 80 : index
        %swap3A_913 = tpu.vector_load %arg10[%swap3A_911, %swap3A_912] {strides = array<i32>} : memref<128x128xf32, #tpu.memory_space<vmem>>, vector<1x16xf32>,
        %swap3A_914 = vector.shape_cast %swap3A_913 : vector<1x16xf32> to vector<16xf32>
        %swap3A_915 = vector.shape_cast %mul3A_910 : vector<16xf32> to vector<1x16xf32>
        tpu.vector_store %arg10[%swap3A_911, %swap3A_912], %swap3A_915 {strides = array<i32>} : memref<128x128xf32, #tpu.memory_space<vmem>>, vector<1x16xf32>,
        %get3A_916 = arith.index_cast %add3A_849 : i32 to index
        %get3A_917 = arith.constant 96 : index
        %get3A_918 = tpu.vector_load %arg10[%get3A_916, %get3A_917] {strides = array<i32>} : memref<128x128xf32, #tpu.memory_space<vmem>>, vector<1x16xf32>,
        %get3A_919 = vector.shape_cast %get3A_918 : vector<1x16xf32> to vector<16xf32>
        %mul3A_920 = vector.broadcast %squeeze3A_845 : f32 to vector<16xf32>
        %mul3A_921 = arith.mulf %get3A_919, %mul3A_920 : vector<16xf32>
        %swap3A_922 = arith.index_cast %add3A_849 : i32 to index
        %swap3A_923 = arith.constant 96 : index
        %swap3A_924 = tpu.vector_load %arg10[%swap3A_922, %swap3A_923] {strides = array<i32>} : memref<128x128xf32, #tpu.memory_space<vmem>>, vector<1x16xf32>,
        %swap3A_925 = vector.shape_cast %swap3A_924 : vector<1x16xf32> to vector<16xf32>
        %swap3A_926 = vector.shape_cast %mul3A_921 : vector<16xf32> to vector<1x16xf32>
        tpu.vector_store %arg10[%swap3A_922, %swap3A_923], %swap3A_926 {strides = array<i32>} : memref<128x128xf32, #tpu.memory_space<vmem>>, vector<1x16xf32>,
        %get3A_927 = arith.index_cast %add3A_849 : i32 to index
        %get3A_928 = arith.constant 112 : index
        %get3A_929 = tpu.vector_load %arg10[%get3A_927, %get3A_928] {strides = array<i32>} : memref<128x128xf32, #tpu.memory_space<vmem>>, vector<1x16xf32>,
        %get3A_930 = vector.shape_cast %get3A_929 : vector<1x16xf32> to vector<16xf32>
        %mul3A_931 = vector.broadcast %squeeze3A_845 : f32 to vector<16xf32>
        %mul3A_932 = arith.mulf %get3A_930, %mul3A_931 : vector<16xf32>
        %swap3A_933 = arith.index_cast %add3A_849 : i32 to index
        %swap3A_934 = arith.constant 112 : index
        %swap3A_935 = tpu.vector_load %arg10[%swap3A_933, %swap3A_934] {strides = array<i32>} : memref<128x128xf32, #tpu.memory_space<vmem>>, vector<1x16xf32>,
        %swap3A_936 = vector.shape_cast %swap3A_935 : vector<1x16xf32> to vector<16xf32>
        %swap3A_937 = vector.shape_cast %mul3A_932 : vector<16xf32> to vector<1x16xf32>
        tpu.vector_store %arg10[%swap3A_933, %swap3A_934], %swap3A_937 {strides = array<i32>} : memref<128x128xf32, #tpu.memory_space<vmem>>, vector<1x16xf32>,
        %slice3A_938 = vector.extract_strided_slice %get3A_94 {offsets = [9], sizes = [1], strides = [1]} : vector<16xf32> to vector<1xf32>
        %squeeze3A_939 = vector.extract %slice3A_938[0] : f32 from vector<1xf32>
        %mul3A_940 = arith.constant 16 : i32
        %mul3A_941 = arith.muli %scan3A_88, %mul3A_940 : i32
        %add3A_942 = arith.constant 9 : i32
        %add3A_943 = arith.addi %mul3A_941, %add3A_942 : i32
        %get3A_944 = arith.index_cast %add3A_943 : i32 to index
        %get3A_945 = arith.constant 0 : index
        %get3A_946 = tpu.vector_load %arg10[%get3A_944, %get3A_945] {strides = array<i32>} : memref<128x128xf32, #tpu.memory_space<vmem>>, vector<1x16xf32>,
        %get3A_947 = vector.shape_cast %get3A_946 : vector<1x16xf32> to vector<16xf32>
        %mul3A_948 = vector.broadcast %squeeze3A_939 : f32 to vector<16xf32>
        %mul3A_949 = arith.mulf %get3A_947, %mul3A_948 : vector<16xf32>
        %swap3A_950 = arith.index_cast %add3A_943 : i32 to index
        %swap3A_951 = arith.constant 0 : index
        %swap3A_952 = tpu.vector_load %arg10[%swap3A_950, %swap3A_951] {strides = array<i32>} : memref<128x128xf32, #tpu.memory_space<vmem>>, vector<1x16xf32>,
        %swap3A_953 = vector.shape_cast %swap3A_952 : vector<1x16xf32> to vector<16xf32>
        %swap3A_954 = vector.shape_cast %mul3A_949 : vector<16xf32> to vector<1x16xf32>
        tpu.vector_store %arg10[%swap3A_950, %swap3A_951], %swap3A_954 {strides = array<i32>} : memref<128x128xf32, #tpu.memory_space<vmem>>, vector<1x16xf32>,
        %get3A_955 = arith.index_cast %add3A_943 : i32 to index
        %get3A_956 = arith.constant 16 : index
        %get3A_957 = tpu.vector_load %arg10[%get3A_955, %get3A_956] {strides = array<i32>} : memref<128x128xf32, #tpu.memory_space<vmem>>, vector<1x16xf32>,
        %get3A_958 = vector.shape_cast %get3A_957 : vector<1x16xf32> to vector<16xf32>
        %mul3A_959 = vector.broadcast %squeeze3A_939 : f32 to vector<16xf32>
        %mul3A_960 = arith.mulf %get3A_958, %mul3A_959 : vector<16xf32>
        %swap3A_961 = arith.index_cast %add3A_943 : i32 to index
        %swap3A_962 = arith.constant 16 : index
        %swap3A_963 = tpu.vector_load %arg10[%swap3A_961, %swap3A_962] {strides = array<i32>} : memref<128x128xf32, #tpu.memory_space<vmem>>, vector<1x16xf32>,
        %swap3A_964 = vector.shape_cast %swap3A_963 : vector<1x16xf32> to vector<16xf32>
        %swap3A_965 = vector.shape_cast %mul3A_960 : vector<16xf32> to vector<1x16xf32>
        tpu.vector_store %arg10[%swap3A_961, %swap3A_962], %swap3A_965 {strides = array<i32>} : memref<128x128xf32, #tpu.memory_space<vmem>>, vector<1x16xf32>,
        %get3A_966 = arith.index_cast %add3A_943 : i32 to index
        %get3A_967 = arith.constant 32 : index
        %get3A_968 = tpu.vector_load %arg10[%get3A_966, %get3A_967] {strides = array<i32>} : memref<128x128xf32, #tpu.memory_space<vmem>>, vector<1x16xf32>,
        %get3A_969 = vector.shape_cast %get3A_968 : vector<1x16xf32> to vector<16xf32>
        %mul3A_970 = vector.broadcast %squeeze3A_939 : f32 to vector<16xf32>
        %mul3A_971 = arith.mulf %get3A_969, %mul3A_970 : vector<16xf32>
        %swap3A_972 = arith.index_cast %add3A_943 : i32 to index
        %swap3A_973 = arith.constant 32 : index
        %swap3A_974 = tpu.vector_load %arg10[%swap3A_972, %swap3A_973] {strides = array<i32>} : memref<128x128xf32, #tpu.memory_space<vmem>>, vector<1x16xf32>,
        %swap3A_975 = vector.shape_cast %swap3A_974 : vector<1x16xf32> to vector<16xf32>
        %swap3A_976 = vector.shape_cast %mul3A_971 : vector<16xf32> to vector<1x16xf32>
        tpu.vector_store %arg10[%swap3A_972, %swap3A_973], %swap3A_976 {strides = array<i32>} : memref<128x128xf32, #tpu.memory_space<vmem>>, vector<1x16xf32>,
        %get3A_977 = arith.index_cast %add3A_943 : i32 to index
        %get3A_978 = arith.constant 48 : index
        %get3A_979 = tpu.vector_load %arg10[%get3A_977, %get3A_978] {strides = array<i32>} : memref<128x128xf32, #tpu.memory_space<vmem>>, vector<1x16xf32>,
        %get3A_980 = vector.shape_cast %get3A_979 : vector<1x16xf32> to vector<16xf32>
        %mul3A_981 = vector.broadcast %squeeze3A_939 : f32 to vector<16xf32>
        %mul3A_982 = arith.mulf %get3A_980, %mul3A_981 : vector<16xf32>
        %swap3A_983 = arith.index_cast %add3A_943 : i32 to index
        %swap3A_984 = arith.constant 48 : index
        %swap3A_985 = tpu.vector_load %arg10[%swap3A_983, %swap3A_984] {strides = array<i32>} : memref<128x128xf32, #tpu.memory_space<vmem>>, vector<1x16xf32>,
        %swap3A_986 = vector.shape_cast %swap3A_985 : vector<1x16xf32> to vector<16xf32>
        %swap3A_987 = vector.shape_cast %mul3A_982 : vector<16xf32> to vector<1x16xf32>
        tpu.vector_store %arg10[%swap3A_983, %swap3A_984], %swap3A_987 {strides = array<i32>} : memref<128x128xf32, #tpu.memory_space<vmem>>, vector<1x16xf32>,
        %get3A_988 = arith.index_cast %add3A_943 : i32 to index
        %get3A_989 = arith.constant 64 : index
        %get3A_990 = tpu.vector_load %arg10[%get3A_988, %get3A_989] {strides = array<i32>} : memref<128x128xf32, #tpu.memory_space<vmem>>, vector<1x16xf32>,
        %get3A_991 = vector.shape_cast %get3A_990 : vector<1x16xf32> to vector<16xf32>
        %mul3A_992 = vector.broadcast %squeeze3A_939 : f32 to vector<16xf32>
        %mul3A_993 = arith.mulf %get3A_991, %mul3A_992 : vector<16xf32>
        %swap3A_994 = arith.index_cast %add3A_943 : i32 to index
        %swap3A_995 = arith.constant 64 : index
        %swap3A_996 = tpu.vector_load %arg10[%swap3A_994, %swap3A_995] {strides = array<i32>} : memref<128x128xf32, #tpu.memory_space<vmem>>, vector<1x16xf32>,
        %swap3A_997 = vector.shape_cast %swap3A_996 : vector<1x16xf32> to vector<16xf32>
        %swap3A_998 = vector.shape_cast %mul3A_993 : vector<16xf32> to vector<1x16xf32>
        tpu.vector_store %arg10[%swap3A_994, %swap3A_995], %swap3A_998 {strides = array<i32>} : memref<128x128xf32, #tpu.memory_space<vmem>>, vector<1x16xf32>,
        %get3A_999 = arith.index_cast %add3A_943 : i32 to index
        %get3A_1000 = arith.constant 80 : index
        %get3A_1001 = tpu.vector_load %arg10[%get3A_999, %get3A_1000] {strides = array<i32>} : memref<128x128xf32, #tpu.memory_space<vmem>>, vector<1x16xf32>,
        %get3A_1002 = vector.shape_cast %get3A_1001 : vector<1x16xf32> to vector<16xf32>
        %mul3A_1003 = vector.broadcast %squeeze3A_939 : f32 to vector<16xf32>
        %mul3A_1004 = arith.mulf %get3A_1002, %mul3A_1003 : vector<16xf32>
        %swap3A_1005 = arith.index_cast %add3A_943 : i32 to index
        %swap3A_1006 = arith.constant 80 : index
        %swap3A_1007 = tpu.vector_load %arg10[%swap3A_1005, %swap3A_1006] {strides = array<i32>} : memref<128x128xf32, #tpu.memory_space<vmem>>, vector<1x16xf32>,
        %swap3A_1008 = vector.shape_cast %swap3A_1007 : vector<1x16xf32> to vector<16xf32>
        %swap3A_1009 = vector.shape_cast %mul3A_1004 : vector<16xf32> to vector<1x16xf32>
        tpu.vector_store %arg10[%swap3A_1005, %swap3A_1006], %swap3A_1009 {strides = array<i32>} : memref<128x128xf32, #tpu.memory_space<vmem>>, vector<1x16xf32>,
        %get3A_1010 = arith.index_cast %add3A_943 : i32 to index
        %get3A_1011 = arith.constant 96 : index
        %get3A_1012 = tpu.vector_load %arg10[%get3A_1010, %get3A_1011] {strides = array<i32>} : memref<128x128xf32, #tpu.memory_space<vmem>>, vector<1x16xf32>,
        %get3A_1013 = vector.shape_cast %get3A_1012 : vector<1x16xf32> to vector<16xf32>
        %mul3A_1014 = vector.broadcast %squeeze3A_939 : f32 to vector<16xf32>
        %mul3A_1015 = arith.mulf %get3A_1013, %mul3A_1014 : vector<16xf32>
        %swap3A_1016 = arith.index_cast %add3A_943 : i32 to index
        %swap3A_1017 = arith.constant 96 : index
        %swap3A_1018 = tpu.vector_load %arg10[%swap3A_1016, %swap3A_1017] {strides = array<i32>} : memref<128x128xf32, #tpu.memory_space<vmem>>, vector<1x16xf32>,
        %swap3A_1019 = vector.shape_cast %swap3A_1018 : vector<1x16xf32> to vector<16xf32>
        %swap3A_1020 = vector.shape_cast %mul3A_1015 : vector<16xf32> to vector<1x16xf32>
        tpu.vector_store %arg10[%swap3A_1016, %swap3A_1017], %swap3A_1020 {strides = array<i32>} : memref<128x128xf32, #tpu.memory_space<vmem>>, vector<1x16xf32>,
        %get3A_1021 = arith.index_cast %add3A_943 : i32 to index
        %get3A_1022 = arith.constant 112 : index
        %get3A_1023 = tpu.vector_load %arg10[%get3A_1021, %get3A_1022] {strides = array<i32>} : memref<128x128xf32, #tpu.memory_space<vmem>>, vector<1x16xf32>,
        %get3A_1024 = vector.shape_cast %get3A_1023 : vector<1x16xf32> to vector<16xf32>
        %mul3A_1025 = vector.broadcast %squeeze3A_939 : f32 to vector<16xf32>
        %mul3A_1026 = arith.mulf %get3A_1024, %mul3A_1025 : vector<16xf32>
        %swap3A_1027 = arith.index_cast %add3A_943 : i32 to index
        %swap3A_1028 = arith.constant 112 : index
        %swap3A_1029 = tpu.vector_load %arg10[%swap3A_1027, %swap3A_1028] {strides = array<i32>} : memref<128x128xf32, #tpu.memory_space<vmem>>, vector<1x16xf32>,
        %swap3A_1030 = vector.shape_cast %swap3A_1029 : vector<1x16xf32> to vector<16xf32>
        %swap3A_1031 = vector.shape_cast %mul3A_1026 : vector<16xf32> to vector<1x16xf32>
        tpu.vector_store %arg10[%swap3A_1027, %swap3A_1028], %swap3A_1031 {strides = array<i32>} : memref<128x128xf32, #tpu.memory_space<vmem>>, vector<1x16xf32>,
        %slice3A_1032 = vector.extract_strided_slice %get3A_94 {offsets = [10], sizes = [1], strides = [1]} : vector<16xf32> to vector<1xf32>
        %squeeze3A_1033 = vector.extract %slice3A_1032[0] : f32 from vector<1xf32>
        %mul3A_1034 = arith.constant 16 : i32
        %mul3A_1035 = arith.muli %scan3A_88, %mul3A_1034 : i32
        %add3A_1036 = arith.constant 10 : i32
        %add3A_1037 = arith.addi %mul3A_1035, %add3A_1036 : i32
        %get3A_1038 = arith.index_cast %add3A_1037 : i32 to index
        %get3A_1039 = arith.constant 0 : index
        %get3A_1040 = tpu.vector_load %arg10[%get3A_1038, %get3A_1039] {strides = array<i32>} : memref<128x128xf32, #tpu.memory_space<vmem>>, vector<1x16xf32>,
        %get3A_1041 = vector.shape_cast %get3A_1040 : vector<1x16xf32> to vector<16xf32>
        %mul3A_1042 = vector.broadcast %squeeze3A_1033 : f32 to vector<16xf32>
        %mul3A_1043 = arith.mulf %get3A_1041, %mul3A_1042 : vector<16xf32>
        %swap3A_1044 = arith.index_cast %add3A_1037 : i32 to index
        %swap3A_1045 = arith.constant 0 : index
        %swap3A_1046 = tpu.vector_load %arg10[%swap3A_1044, %swap3A_1045] {strides = array<i32>} : memref<128x128xf32, #tpu.memory_space<vmem>>, vector<1x16xf32>,
        %swap3A_1047 = vector.shape_cast %swap3A_1046 : vector<1x16xf32> to vector<16xf32>
        %swap3A_1048 = vector.shape_cast %mul3A_1043 : vector<16xf32> to vector<1x16xf32>
        tpu.vector_store %arg10[%swap3A_1044, %swap3A_1045], %swap3A_1048 {strides = array<i32>} : memref<128x128xf32, #tpu.memory_space<vmem>>, vector<1x16xf32>,
        %get3A_1049 = arith.index_cast %add3A_1037 : i32 to index
        %get3A_1050 = arith.constant 16 : index
        %get3A_1051 = tpu.vector_load %arg10[%get3A_1049, %get3A_1050] {strides = array<i32>} : memref<128x128xf32, #tpu.memory_space<vmem>>, vector<1x16xf32>,
        %get3A_1052 = vector.shape_cast %get3A_1051 : vector<1x16xf32> to vector<16xf32>
        %mul3A_1053 = vector.broadcast %squeeze3A_1033 : f32 to vector<16xf32>
        %mul3A_1054 = arith.mulf %get3A_1052, %mul3A_1053 : vector<16xf32>
        %swap3A_1055 = arith.index_cast %add3A_1037 : i32 to index
        %swap3A_1056 = arith.constant 16 : index
        %swap3A_1057 = tpu.vector_load %arg10[%swap3A_1055, %swap3A_1056] {strides = array<i32>} : memref<128x128xf32, #tpu.memory_space<vmem>>, vector<1x16xf32>,
        %swap3A_1058 = vector.shape_cast %swap3A_1057 : vector<1x16xf32> to vector<16xf32>
        %swap3A_1059 = vector.shape_cast %mul3A_1054 : vector<16xf32> to vector<1x16xf32>
        tpu.vector_store %arg10[%swap3A_1055, %swap3A_1056], %swap3A_1059 {strides = array<i32>} : memref<128x128xf32, #tpu.memory_space<vmem>>, vector<1x16xf32>,
        %get3A_1060 = arith.index_cast %add3A_1037 : i32 to index
        %get3A_1061 = arith.constant 32 : index
        %get3A_1062 = tpu.vector_load %arg10[%get3A_1060, %get3A_1061] {strides = array<i32>} : memref<128x128xf32, #tpu.memory_space<vmem>>, vector<1x16xf32>,
        %get3A_1063 = vector.shape_cast %get3A_1062 : vector<1x16xf32> to vector<16xf32>
        %mul3A_1064 = vector.broadcast %squeeze3A_1033 : f32 to vector<16xf32>
        %mul3A_1065 = arith.mulf %get3A_1063, %mul3A_1064 : vector<16xf32>
        %swap3A_1066 = arith.index_cast %add3A_1037 : i32 to index
        %swap3A_1067 = arith.constant 32 : index
        %swap3A_1068 = tpu.vector_load %arg10[%swap3A_1066, %swap3A_1067] {strides = array<i32>} : memref<128x128xf32, #tpu.memory_space<vmem>>, vector<1x16xf32>,
        %swap3A_1069 = vector.shape_cast %swap3A_1068 : vector<1x16xf32> to vector<16xf32>
        %swap3A_1070 = vector.shape_cast %mul3A_1065 : vector<16xf32> to vector<1x16xf32>
        tpu.vector_store %arg10[%swap3A_1066, %swap3A_1067], %swap3A_1070 {strides = array<i32>} : memref<128x128xf32, #tpu.memory_space<vmem>>, vector<1x16xf32>,
        %get3A_1071 = arith.index_cast %add3A_1037 : i32 to index
        %get3A_1072 = arith.constant 48 : index
        %get3A_1073 = tpu.vector_load %arg10[%get3A_1071, %get3A_1072] {strides = array<i32>} : memref<128x128xf32, #tpu.memory_space<vmem>>, vector<1x16xf32>,
        %get3A_1074 = vector.shape_cast %get3A_1073 : vector<1x16xf32> to vector<16xf32>
        %mul3A_1075 = vector.broadcast %squeeze3A_1033 : f32 to vector<16xf32>
        %mul3A_1076 = arith.mulf %get3A_1074, %mul3A_1075 : vector<16xf32>
        %swap3A_1077 = arith.index_cast %add3A_1037 : i32 to index
        %swap3A_1078 = arith.constant 48 : index
        %swap3A_1079 = tpu.vector_load %arg10[%swap3A_1077, %swap3A_1078] {strides = array<i32>} : memref<128x128xf32, #tpu.memory_space<vmem>>, vector<1x16xf32>,
        %swap3A_1080 = vector.shape_cast %swap3A_1079 : vector<1x16xf32> to vector<16xf32>
        %swap3A_1081 = vector.shape_cast %mul3A_1076 : vector<16xf32> to vector<1x16xf32>
        tpu.vector_store %arg10[%swap3A_1077, %swap3A_1078], %swap3A_1081 {strides = array<i32>} : memref<128x128xf32, #tpu.memory_space<vmem>>, vector<1x16xf32>,
        %get3A_1082 = arith.index_cast %add3A_1037 : i32 to index
        %get3A_1083 = arith.constant 64 : index
        %get3A_1084 = tpu.vector_load %arg10[%get3A_1082, %get3A_1083] {strides = array<i32>} : memref<128x128xf32, #tpu.memory_space<vmem>>, vector<1x16xf32>,
        %get3A_1085 = vector.shape_cast %get3A_1084 : vector<1x16xf32> to vector<16xf32>
        %mul3A_1086 = vector.broadcast %squeeze3A_1033 : f32 to vector<16xf32>
        %mul3A_1087 = arith.mulf %get3A_1085, %mul3A_1086 : vector<16xf32>
        %swap3A_1088 = arith.index_cast %add3A_1037 : i32 to index
        %swap3A_1089 = arith.constant 64 : index
        %swap3A_1090 = tpu.vector_load %arg10[%swap3A_1088, %swap3A_1089] {strides = array<i32>} : memref<128x128xf32, #tpu.memory_space<vmem>>, vector<1x16xf32>,
        %swap3A_1091 = vector.shape_cast %swap3A_1090 : vector<1x16xf32> to vector<16xf32>
        %swap3A_1092 = vector.shape_cast %mul3A_1087 : vector<16xf32> to vector<1x16xf32>
        tpu.vector_store %arg10[%swap3A_1088, %swap3A_1089], %swap3A_1092 {strides = array<i32>} : memref<128x128xf32, #tpu.memory_space<vmem>>, vector<1x16xf32>,
        %get3A_1093 = arith.index_cast %add3A_1037 : i32 to index
        %get3A_1094 = arith.constant 80 : index
        %get3A_1095 = tpu.vector_load %arg10[%get3A_1093, %get3A_1094] {strides = array<i32>} : memref<128x128xf32, #tpu.memory_space<vmem>>, vector<1x16xf32>,
        %get3A_1096 = vector.shape_cast %get3A_1095 : vector<1x16xf32> to vector<16xf32>
        %mul3A_1097 = vector.broadcast %squeeze3A_1033 : f32 to vector<16xf32>
        %mul3A_1098 = arith.mulf %get3A_1096, %mul3A_1097 : vector<16xf32>
        %swap3A_1099 = arith.index_cast %add3A_1037 : i32 to index
        %swap3A_1100 = arith.constant 80 : index
        %swap3A_1101 = tpu.vector_load %arg10[%swap3A_1099, %swap3A_1100] {strides = array<i32>} : memref<128x128xf32, #tpu.memory_space<vmem>>, vector<1x16xf32>,
        %swap3A_1102 = vector.shape_cast %swap3A_1101 : vector<1x16xf32> to vector<16xf32>
        %swap3A_1103 = vector.shape_cast %mul3A_1098 : vector<16xf32> to vector<1x16xf32>
        tpu.vector_store %arg10[%swap3A_1099, %swap3A_1100], %swap3A_1103 {strides = array<i32>} : memref<128x128xf32, #tpu.memory_space<vmem>>, vector<1x16xf32>,
        %get3A_1104 = arith.index_cast %add3A_1037 : i32 to index
        %get3A_1105 = arith.constant 96 : index
        %get3A_1106 = tpu.vector_load %arg10[%get3A_1104, %get3A_1105] {strides = array<i32>} : memref<128x128xf32, #tpu.memory_space<vmem>>, vector<1x16xf32>,
        %get3A_1107 = vector.shape_cast %get3A_1106 : vector<1x16xf32> to vector<16xf32>
        %mul3A_1108 = vector.broadcast %squeeze3A_1033 : f32 to vector<16xf32>
        %mul3A_1109 = arith.mulf %get3A_1107, %mul3A_1108 : vector<16xf32>
        %swap3A_1110 = arith.index_cast %add3A_1037 : i32 to index
        %swap3A_1111 = arith.constant 96 : index
        %swap3A_1112 = tpu.vector_load %arg10[%swap3A_1110, %swap3A_1111] {strides = array<i32>} : memref<128x128xf32, #tpu.memory_space<vmem>>, vector<1x16xf32>,
        %swap3A_1113 = vector.shape_cast %swap3A_1112 : vector<1x16xf32> to vector<16xf32>
        %swap3A_1114 = vector.shape_cast %mul3A_1109 : vector<16xf32> to vector<1x16xf32>
        tpu.vector_store %arg10[%swap3A_1110, %swap3A_1111], %swap3A_1114 {strides = array<i32>} : memref<128x128xf32, #tpu.memory_space<vmem>>, vector<1x16xf32>,
        %get3A_1115 = arith.index_cast %add3A_1037 : i32 to index
        %get3A_1116 = arith.constant 112 : index
        %get3A_1117 = tpu.vector_load %arg10[%get3A_1115, %get3A_1116] {strides = array<i32>} : memref<128x128xf32, #tpu.memory_space<vmem>>, vector<1x16xf32>,
        %get3A_1118 = vector.shape_cast %get3A_1117 : vector<1x16xf32> to vector<16xf32>
        %mul3A_1119 = vector.broadcast %squeeze3A_1033 : f32 to vector<16xf32>
        %mul3A_1120 = arith.mulf %get3A_1118, %mul3A_1119 : vector<16xf32>
        %swap3A_1121 = arith.index_cast %add3A_1037 : i32 to index
        %swap3A_1122 = arith.constant 112 : index
        %swap3A_1123 = tpu.vector_load %arg10[%swap3A_1121, %swap3A_1122] {strides = array<i32>} : memref<128x128xf32, #tpu.memory_space<vmem>>, vector<1x16xf32>,
        %swap3A_1124 = vector.shape_cast %swap3A_1123 : vector<1x16xf32> to vector<16xf32>
        %swap3A_1125 = vector.shape_cast %mul3A_1120 : vector<16xf32> to vector<1x16xf32>
        tpu.vector_store %arg10[%swap3A_1121, %swap3A_1122], %swap3A_1125 {strides = array<i32>} : memref<128x128xf32, #tpu.memory_space<vmem>>, vector<1x16xf32>,
        %slice3A_1126 = vector.extract_strided_slice %get3A_94 {offsets = [11], sizes = [1], strides = [1]} : vector<16xf32> to vector<1xf32>
        %squeeze3A_1127 = vector.extract %slice3A_1126[0] : f32 from vector<1xf32>
        %mul3A_1128 = arith.constant 16 : i32
        %mul3A_1129 = arith.muli %scan3A_88, %mul3A_1128 : i32
        %add3A_1130 = arith.constant 11 : i32
        %add3A_1131 = arith.addi %mul3A_1129, %add3A_1130 : i32
        %get3A_1132 = arith.index_cast %add3A_1131 : i32 to index
        %get3A_1133 = arith.constant 0 : index
        %get3A_1134 = tpu.vector_load %arg10[%get3A_1132, %get3A_1133] {strides = array<i32>} : memref<128x128xf32, #tpu.memory_space<vmem>>, vector<1x16xf32>,
        %get3A_1135 = vector.shape_cast %get3A_1134 : vector<1x16xf32> to vector<16xf32>
        %mul3A_1136 = vector.broadcast %squeeze3A_1127 : f32 to vector<16xf32>
        %mul3A_1137 = arith.mulf %get3A_1135, %mul3A_1136 : vector<16xf32>
        %swap3A_1138 = arith.index_cast %add3A_1131 : i32 to index
        %swap3A_1139 = arith.constant 0 : index
        %swap3A_1140 = tpu.vector_load %arg10[%swap3A_1138, %swap3A_1139] {strides = array<i32>} : memref<128x128xf32, #tpu.memory_space<vmem>>, vector<1x16xf32>,
        %swap3A_1141 = vector.shape_cast %swap3A_1140 : vector<1x16xf32> to vector<16xf32>
        %swap3A_1142 = vector.shape_cast %mul3A_1137 : vector<16xf32> to vector<1x16xf32>
        tpu.vector_store %arg10[%swap3A_1138, %swap3A_1139], %swap3A_1142 {strides = array<i32>} : memref<128x128xf32, #tpu.memory_space<vmem>>, vector<1x16xf32>,
        %get3A_1143 = arith.index_cast %add3A_1131 : i32 to index
        %get3A_1144 = arith.constant 16 : index
        %get3A_1145 = tpu.vector_load %arg10[%get3A_1143, %get3A_1144] {strides = array<i32>} : memref<128x128xf32, #tpu.memory_space<vmem>>, vector<1x16xf32>,
        %get3A_1146 = vector.shape_cast %get3A_1145 : vector<1x16xf32> to vector<16xf32>
        %mul3A_1147 = vector.broadcast %squeeze3A_1127 : f32 to vector<16xf32>
        %mul3A_1148 = arith.mulf %get3A_1146, %mul3A_1147 : vector<16xf32>
        %swap3A_1149 = arith.index_cast %add3A_1131 : i32 to index
        %swap3A_1150 = arith.constant 16 : index
        %swap3A_1151 = tpu.vector_load %arg10[%swap3A_1149, %swap3A_1150] {strides = array<i32>} : memref<128x128xf32, #tpu.memory_space<vmem>>, vector<1x16xf32>,
        %swap3A_1152 = vector.shape_cast %swap3A_1151 : vector<1x16xf32> to vector<16xf32>
        %swap3A_1153 = vector.shape_cast %mul3A_1148 : vector<16xf32> to vector<1x16xf32>
        tpu.vector_store %arg10[%swap3A_1149, %swap3A_1150], %swap3A_1153 {strides = array<i32>} : memref<128x128xf32, #tpu.memory_space<vmem>>, vector<1x16xf32>,
        %get3A_1154 = arith.index_cast %add3A_1131 : i32 to index
        %get3A_1155 = arith.constant 32 : index
        %get3A_1156 = tpu.vector_load %arg10[%get3A_1154, %get3A_1155] {strides = array<i32>} : memref<128x128xf32, #tpu.memory_space<vmem>>, vector<1x16xf32>,
        %get3A_1157 = vector.shape_cast %get3A_1156 : vector<1x16xf32> to vector<16xf32>
        %mul3A_1158 = vector.broadcast %squeeze3A_1127 : f32 to vector<16xf32>
        %mul3A_1159 = arith.mulf %get3A_1157, %mul3A_1158 : vector<16xf32>
        %swap3A_1160 = arith.index_cast %add3A_1131 : i32 to index
        %swap3A_1161 = arith.constant 32 : index
        %swap3A_1162 = tpu.vector_load %arg10[%swap3A_1160, %swap3A_1161] {strides = array<i32>} : memref<128x128xf32, #tpu.memory_space<vmem>>, vector<1x16xf32>,
        %swap3A_1163 = vector.shape_cast %swap3A_1162 : vector<1x16xf32> to vector<16xf32>
        %swap3A_1164 = vector.shape_cast %mul3A_1159 : vector<16xf32> to vector<1x16xf32>
        tpu.vector_store %arg10[%swap3A_1160, %swap3A_1161], %swap3A_1164 {strides = array<i32>} : memref<128x128xf32, #tpu.memory_space<vmem>>, vector<1x16xf32>,
        %get3A_1165 = arith.index_cast %add3A_1131 : i32 to index
        %get3A_1166 = arith.constant 48 : index
        %get3A_1167 = tpu.vector_load %arg10[%get3A_1165, %get3A_1166] {strides = array<i32>} : memref<128x128xf32, #tpu.memory_space<vmem>>, vector<1x16xf32>,
        %get3A_1168 = vector.shape_cast %get3A_1167 : vector<1x16xf32> to vector<16xf32>
        %mul3A_1169 = vector.broadcast %squeeze3A_1127 : f32 to vector<16xf32>
        %mul3A_1170 = arith.mulf %get3A_1168, %mul3A_1169 : vector<16xf32>
        %swap3A_1171 = arith.index_cast %add3A_1131 : i32 to index
        %swap3A_1172 = arith.constant 48 : index
        %swap3A_1173 = tpu.vector_load %arg10[%swap3A_1171, %swap3A_1172] {strides = array<i32>} : memref<128x128xf32, #tpu.memory_space<vmem>>, vector<1x16xf32>,
        %swap3A_1174 = vector.shape_cast %swap3A_1173 : vector<1x16xf32> to vector<16xf32>
        %swap3A_1175 = vector.shape_cast %mul3A_1170 : vector<16xf32> to vector<1x16xf32>
        tpu.vector_store %arg10[%swap3A_1171, %swap3A_1172], %swap3A_1175 {strides = array<i32>} : memref<128x128xf32, #tpu.memory_space<vmem>>, vector<1x16xf32>,
        %get3A_1176 = arith.index_cast %add3A_1131 : i32 to index
        %get3A_1177 = arith.constant 64 : index
        %get3A_1178 = tpu.vector_load %arg10[%get3A_1176, %get3A_1177] {strides = array<i32>} : memref<128x128xf32, #tpu.memory_space<vmem>>, vector<1x16xf32>,
        %get3A_1179 = vector.shape_cast %get3A_1178 : vector<1x16xf32> to vector<16xf32>
        %mul3A_1180 = vector.broadcast %squeeze3A_1127 : f32 to vector<16xf32>
        %mul3A_1181 = arith.mulf %get3A_1179, %mul3A_1180 : vector<16xf32>
        %swap3A_1182 = arith.index_cast %add3A_1131 : i32 to index
        %swap3A_1183 = arith.constant 64 : index
        %swap3A_1184 = tpu.vector_load %arg10[%swap3A_1182, %swap3A_1183] {strides = array<i32>} : memref<128x128xf32, #tpu.memory_space<vmem>>, vector<1x16xf32>,
        %swap3A_1185 = vector.shape_cast %swap3A_1184 : vector<1x16xf32> to vector<16xf32>
        %swap3A_1186 = vector.shape_cast %mul3A_1181 : vector<16xf32> to vector<1x16xf32>
        tpu.vector_store %arg10[%swap3A_1182, %swap3A_1183], %swap3A_1186 {strides = array<i32>} : memref<128x128xf32, #tpu.memory_space<vmem>>, vector<1x16xf32>,
        %get3A_1187 = arith.index_cast %add3A_1131 : i32 to index
        %get3A_1188 = arith.constant 80 : index
        %get3A_1189 = tpu.vector_load %arg10[%get3A_1187, %get3A_1188] {strides = array<i32>} : memref<128x128xf32, #tpu.memory_space<vmem>>, vector<1x16xf32>,
        %get3A_1190 = vector.shape_cast %get3A_1189 : vector<1x16xf32> to vector<16xf32>
        %mul3A_1191 = vector.broadcast %squeeze3A_1127 : f32 to vector<16xf32>
        %mul3A_1192 = arith.mulf %get3A_1190, %mul3A_1191 : vector<16xf32>
        %swap3A_1193 = arith.index_cast %add3A_1131 : i32 to index
        %swap3A_1194 = arith.constant 80 : index
        %swap3A_1195 = tpu.vector_load %arg10[%swap3A_1193, %swap3A_1194] {strides = array<i32>} : memref<128x128xf32, #tpu.memory_space<vmem>>, vector<1x16xf32>,
        %swap3A_1196 = vector.shape_cast %swap3A_1195 : vector<1x16xf32> to vector<16xf32>
        %swap3A_1197 = vector.shape_cast %mul3A_1192 : vector<16xf32> to vector<1x16xf32>
        tpu.vector_store %arg10[%swap3A_1193, %swap3A_1194], %swap3A_1197 {strides = array<i32>} : memref<128x128xf32, #tpu.memory_space<vmem>>, vector<1x16xf32>,
        %get3A_1198 = arith.index_cast %add3A_1131 : i32 to index
        %get3A_1199 = arith.constant 96 : index
        %get3A_1200 = tpu.vector_load %arg10[%get3A_1198, %get3A_1199] {strides = array<i32>} : memref<128x128xf32, #tpu.memory_space<vmem>>, vector<1x16xf32>,
        %get3A_1201 = vector.shape_cast %get3A_1200 : vector<1x16xf32> to vector<16xf32>
        %mul3A_1202 = vector.broadcast %squeeze3A_1127 : f32 to vector<16xf32>
        %mul3A_1203 = arith.mulf %get3A_1201, %mul3A_1202 : vector<16xf32>
        %swap3A_1204 = arith.index_cast %add3A_1131 : i32 to index
        %swap3A_1205 = arith.constant 96 : index
        %swap3A_1206 = tpu.vector_load %arg10[%swap3A_1204, %swap3A_1205] {strides = array<i32>} : memref<128x128xf32, #tpu.memory_space<vmem>>, vector<1x16xf32>,
        %swap3A_1207 = vector.shape_cast %swap3A_1206 : vector<1x16xf32> to vector<16xf32>
        %swap3A_1208 = vector.shape_cast %mul3A_1203 : vector<16xf32> to vector<1x16xf32>
        tpu.vector_store %arg10[%swap3A_1204, %swap3A_1205], %swap3A_1208 {strides = array<i32>} : memref<128x128xf32, #tpu.memory_space<vmem>>, vector<1x16xf32>,
        %get3A_1209 = arith.index_cast %add3A_1131 : i32 to index
        %get3A_1210 = arith.constant 112 : index
        %get3A_1211 = tpu.vector_load %arg10[%get3A_1209, %get3A_1210] {strides = array<i32>} : memref<128x128xf32, #tpu.memory_space<vmem>>, vector<1x16xf32>,
        %get3A_1212 = vector.shape_cast %get3A_1211 : vector<1x16xf32> to vector<16xf32>
        %mul3A_1213 = vector.broadcast %squeeze3A_1127 : f32 to vector<16xf32>
        %mul3A_1214 = arith.mulf %get3A_1212, %mul3A_1213 : vector<16xf32>
        %swap3A_1215 = arith.index_cast %add3A_1131 : i32 to index
        %swap3A_1216 = arith.constant 112 : index
        %swap3A_1217 = tpu.vector_load %arg10[%swap3A_1215, %swap3A_1216] {strides = array<i32>} : memref<128x128xf32, #tpu.memory_space<vmem>>, vector<1x16xf32>,
        %swap3A_1218 = vector.shape_cast %swap3A_1217 : vector<1x16xf32> to vector<16xf32>
        %swap3A_1219 = vector.shape_cast %mul3A_1214 : vector<16xf32> to vector<1x16xf32>
        tpu.vector_store %arg10[%swap3A_1215, %swap3A_1216], %swap3A_1219 {strides = array<i32>} : memref<128x128xf32, #tpu.memory_space<vmem>>, vector<1x16xf32>,
        %slice3A_1220 = vector.extract_strided_slice %get3A_94 {offsets = [12], sizes = [1], strides = [1]} : vector<16xf32> to vector<1xf32>
        %squeeze3A_1221 = vector.extract %slice3A_1220[0] : f32 from vector<1xf32>
        %mul3A_1222 = arith.constant 16 : i32
        %mul3A_1223 = arith.muli %scan3A_88, %mul3A_1222 : i32
        %add3A_1224 = arith.constant 12 : i32
        %add3A_1225 = arith.addi %mul3A_1223, %add3A_1224 : i32
        %get3A_1226 = arith.index_cast %add3A_1225 : i32 to index
        %get3A_1227 = arith.constant 0 : index
        %get3A_1228 = tpu.vector_load %arg10[%get3A_1226, %get3A_1227] {strides = array<i32>} : memref<128x128xf32, #tpu.memory_space<vmem>>, vector<1x16xf32>,
        %get3A_1229 = vector.shape_cast %get3A_1228 : vector<1x16xf32> to vector<16xf32>
        %mul3A_1230 = vector.broadcast %squeeze3A_1221 : f32 to vector<16xf32>
        %mul3A_1231 = arith.mulf %get3A_1229, %mul3A_1230 : vector<16xf32>
        %swap3A_1232 = arith.index_cast %add3A_1225 : i32 to index
        %swap3A_1233 = arith.constant 0 : index
        %swap3A_1234 = tpu.vector_load %arg10[%swap3A_1232, %swap3A_1233] {strides = array<i32>} : memref<128x128xf32, #tpu.memory_space<vmem>>, vector<1x16xf32>,
        %swap3A_1235 = vector.shape_cast %swap3A_1234 : vector<1x16xf32> to vector<16xf32>
        %swap3A_1236 = vector.shape_cast %mul3A_1231 : vector<16xf32> to vector<1x16xf32>
        tpu.vector_store %arg10[%swap3A_1232, %swap3A_1233], %swap3A_1236 {strides = array<i32>} : memref<128x128xf32, #tpu.memory_space<vmem>>, vector<1x16xf32>,
        %get3A_1237 = arith.index_cast %add3A_1225 : i32 to index
        %get3A_1238 = arith.constant 16 : index
        %get3A_1239 = tpu.vector_load %arg10[%get3A_1237, %get3A_1238] {strides = array<i32>} : memref<128x128xf32, #tpu.memory_space<vmem>>, vector<1x16xf32>,
        %get3A_1240 = vector.shape_cast %get3A_1239 : vector<1x16xf32> to vector<16xf32>
        %mul3A_1241 = vector.broadcast %squeeze3A_1221 : f32 to vector<16xf32>
        %mul3A_1242 = arith.mulf %get3A_1240, %mul3A_1241 : vector<16xf32>
        %swap3A_1243 = arith.index_cast %add3A_1225 : i32 to index
        %swap3A_1244 = arith.constant 16 : index
        %swap3A_1245 = tpu.vector_load %arg10[%swap3A_1243, %swap3A_1244] {strides = array<i32>} : memref<128x128xf32, #tpu.memory_space<vmem>>, vector<1x16xf32>,
        %swap3A_1246 = vector.shape_cast %swap3A_1245 : vector<1x16xf32> to vector<16xf32>
        %swap3A_1247 = vector.shape_cast %mul3A_1242 : vector<16xf32> to vector<1x16xf32>
        tpu.vector_store %arg10[%swap3A_1243, %swap3A_1244], %swap3A_1247 {strides = array<i32>} : memref<128x128xf32, #tpu.memory_space<vmem>>, vector<1x16xf32>,
        %get3A_1248 = arith.index_cast %add3A_1225 : i32 to index
        %get3A_1249 = arith.constant 32 : index
        %get3A_1250 = tpu.vector_load %arg10[%get3A_1248, %get3A_1249] {strides = array<i32>} : memref<128x128xf32, #tpu.memory_space<vmem>>, vector<1x16xf32>,
        %get3A_1251 = vector.shape_cast %get3A_1250 : vector<1x16xf32> to vector<16xf32>
        %mul3A_1252 = vector.broadcast %squeeze3A_1221 : f32 to vector<16xf32>
        %mul3A_1253 = arith.mulf %get3A_1251, %mul3A_1252 : vector<16xf32>
        %swap3A_1254 = arith.index_cast %add3A_1225 : i32 to index
        %swap3A_1255 = arith.constant 32 : index
        %swap3A_1256 = tpu.vector_load %arg10[%swap3A_1254, %swap3A_1255] {strides = array<i32>} : memref<128x128xf32, #tpu.memory_space<vmem>>, vector<1x16xf32>,
        %swap3A_1257 = vector.shape_cast %swap3A_1256 : vector<1x16xf32> to vector<16xf32>
        %swap3A_1258 = vector.shape_cast %mul3A_1253 : vector<16xf32> to vector<1x16xf32>
        tpu.vector_store %arg10[%swap3A_1254, %swap3A_1255], %swap3A_1258 {strides = array<i32>} : memref<128x128xf32, #tpu.memory_space<vmem>>, vector<1x16xf32>,
        %get3A_1259 = arith.index_cast %add3A_1225 : i32 to index
        %get3A_1260 = arith.constant 48 : index
        %get3A_1261 = tpu.vector_load %arg10[%get3A_1259, %get3A_1260] {strides = array<i32>} : memref<128x128xf32, #tpu.memory_space<vmem>>, vector<1x16xf32>,
        %get3A_1262 = vector.shape_cast %get3A_1261 : vector<1x16xf32> to vector<16xf32>
        %mul3A_1263 = vector.broadcast %squeeze3A_1221 : f32 to vector<16xf32>
        %mul3A_1264 = arith.mulf %get3A_1262, %mul3A_1263 : vector<16xf32>
        %swap3A_1265 = arith.index_cast %add3A_1225 : i32 to index
        %swap3A_1266 = arith.constant 48 : index
        %swap3A_1267 = tpu.vector_load %arg10[%swap3A_1265, %swap3A_1266] {strides = array<i32>} : memref<128x128xf32, #tpu.memory_space<vmem>>, vector<1x16xf32>,
        %swap3A_1268 = vector.shape_cast %swap3A_1267 : vector<1x16xf32> to vector<16xf32>
        %swap3A_1269 = vector.shape_cast %mul3A_1264 : vector<16xf32> to vector<1x16xf32>
        tpu.vector_store %arg10[%swap3A_1265, %swap3A_1266], %swap3A_1269 {strides = array<i32>} : memref<128x128xf32, #tpu.memory_space<vmem>>, vector<1x16xf32>,
        %get3A_1270 = arith.index_cast %add3A_1225 : i32 to index
        %get3A_1271 = arith.constant 64 : index
        %get3A_1272 = tpu.vector_load %arg10[%get3A_1270, %get3A_1271] {strides = array<i32>} : memref<128x128xf32, #tpu.memory_space<vmem>>, vector<1x16xf32>,
        %get3A_1273 = vector.shape_cast %get3A_1272 : vector<1x16xf32> to vector<16xf32>
        %mul3A_1274 = vector.broadcast %squeeze3A_1221 : f32 to vector<16xf32>
        %mul3A_1275 = arith.mulf %get3A_1273, %mul3A_1274 : vector<16xf32>
        %swap3A_1276 = arith.index_cast %add3A_1225 : i32 to index
        %swap3A_1277 = arith.constant 64 : index
        %swap3A_1278 = tpu.vector_load %arg10[%swap3A_1276, %swap3A_1277] {strides = array<i32>} : memref<128x128xf32, #tpu.memory_space<vmem>>, vector<1x16xf32>,
        %swap3A_1279 = vector.shape_cast %swap3A_1278 : vector<1x16xf32> to vector<16xf32>
        %swap3A_1280 = vector.shape_cast %mul3A_1275 : vector<16xf32> to vector<1x16xf32>
        tpu.vector_store %arg10[%swap3A_1276, %swap3A_1277], %swap3A_1280 {strides = array<i32>} : memref<128x128xf32, #tpu.memory_space<vmem>>, vector<1x16xf32>,
        %get3A_1281 = arith.index_cast %add3A_1225 : i32 to index
        %get3A_1282 = arith.constant 80 : index
        %get3A_1283 = tpu.vector_load %arg10[%get3A_1281, %get3A_1282] {strides = array<i32>} : memref<128x128xf32, #tpu.memory_space<vmem>>, vector<1x16xf32>,
        %get3A_1284 = vector.shape_cast %get3A_1283 : vector<1x16xf32> to vector<16xf32>
        %mul3A_1285 = vector.broadcast %squeeze3A_1221 : f32 to vector<16xf32>
        %mul3A_1286 = arith.mulf %get3A_1284, %mul3A_1285 : vector<16xf32>
        %swap3A_1287 = arith.index_cast %add3A_1225 : i32 to index
        %swap3A_1288 = arith.constant 80 : index
        %swap3A_1289 = tpu.vector_load %arg10[%swap3A_1287, %swap3A_1288] {strides = array<i32>} : memref<128x128xf32, #tpu.memory_space<vmem>>, vector<1x16xf32>,
        %swap3A_1290 = vector.shape_cast %swap3A_1289 : vector<1x16xf32> to vector<16xf32>
        %swap3A_1291 = vector.shape_cast %mul3A_1286 : vector<16xf32> to vector<1x16xf32>
        tpu.vector_store %arg10[%swap3A_1287, %swap3A_1288], %swap3A_1291 {strides = array<i32>} : memref<128x128xf32, #tpu.memory_space<vmem>>, vector<1x16xf32>,
        %get3A_1292 = arith.index_cast %add3A_1225 : i32 to index
        %get3A_1293 = arith.constant 96 : index
        %get3A_1294 = tpu.vector_load %arg10[%get3A_1292, %get3A_1293] {strides = array<i32>} : memref<128x128xf32, #tpu.memory_space<vmem>>, vector<1x16xf32>,
        %get3A_1295 = vector.shape_cast %get3A_1294 : vector<1x16xf32> to vector<16xf32>
        %mul3A_1296 = vector.broadcast %squeeze3A_1221 : f32 to vector<16xf32>
        %mul3A_1297 = arith.mulf %get3A_1295, %mul3A_1296 : vector<16xf32>
        %swap3A_1298 = arith.index_cast %add3A_1225 : i32 to index
        %swap3A_1299 = arith.constant 96 : index
        %swap3A_1300 = tpu.vector_load %arg10[%swap3A_1298, %swap3A_1299] {strides = array<i32>} : memref<128x128xf32, #tpu.memory_space<vmem>>, vector<1x16xf32>,
        %swap3A_1301 = vector.shape_cast %swap3A_1300 : vector<1x16xf32> to vector<16xf32>
        %swap3A_1302 = vector.shape_cast %mul3A_1297 : vector<16xf32> to vector<1x16xf32>
        tpu.vector_store %arg10[%swap3A_1298, %swap3A_1299], %swap3A_1302 {strides = array<i32>} : memref<128x128xf32, #tpu.memory_space<vmem>>, vector<1x16xf32>,
        %get3A_1303 = arith.index_cast %add3A_1225 : i32 to index
        %get3A_1304 = arith.constant 112 : index
        %get3A_1305 = tpu.vector_load %arg10[%get3A_1303, %get3A_1304] {strides = array<i32>} : memref<128x128xf32, #tpu.memory_space<vmem>>, vector<1x16xf32>,
        %get3A_1306 = vector.shape_cast %get3A_1305 : vector<1x16xf32> to vector<16xf32>
        %mul3A_1307 = vector.broadcast %squeeze3A_1221 : f32 to vector<16xf32>
        %mul3A_1308 = arith.mulf %get3A_1306, %mul3A_1307 : vector<16xf32>
        %swap3A_1309 = arith.index_cast %add3A_1225 : i32 to index
        %swap3A_1310 = arith.constant 112 : index
        %swap3A_1311 = tpu.vector_load %arg10[%swap3A_1309, %swap3A_1310] {strides = array<i32>} : memref<128x128xf32, #tpu.memory_space<vmem>>, vector<1x16xf32>,
        %swap3A_1312 = vector.shape_cast %swap3A_1311 : vector<1x16xf32> to vector<16xf32>
        %swap3A_1313 = vector.shape_cast %mul3A_1308 : vector<16xf32> to vector<1x16xf32>
        tpu.vector_store %arg10[%swap3A_1309, %swap3A_1310], %swap3A_1313 {strides = array<i32>} : memref<128x128xf32, #tpu.memory_space<vmem>>, vector<1x16xf32>,
        %slice3A_1314 = vector.extract_strided_slice %get3A_94 {offsets = [13], sizes = [1], strides = [1]} : vector<16xf32> to vector<1xf32>
        %squeeze3A_1315 = vector.extract %slice3A_1314[0] : f32 from vector<1xf32>
        %mul3A_1316 = arith.constant 16 : i32
        %mul3A_1317 = arith.muli %scan3A_88, %mul3A_1316 : i32
        %add3A_1318 = arith.constant 13 : i32
        %add3A_1319 = arith.addi %mul3A_1317, %add3A_1318 : i32
        %get3A_1320 = arith.index_cast %add3A_1319 : i32 to index
        %get3A_1321 = arith.constant 0 : index
        %get3A_1322 = tpu.vector_load %arg10[%get3A_1320, %get3A_1321] {strides = array<i32>} : memref<128x128xf32, #tpu.memory_space<vmem>>, vector<1x16xf32>,
        %get3A_1323 = vector.shape_cast %get3A_1322 : vector<1x16xf32> to vector<16xf32>
        %mul3A_1324 = vector.broadcast %squeeze3A_1315 : f32 to vector<16xf32>
        %mul3A_1325 = arith.mulf %get3A_1323, %mul3A_1324 : vector<16xf32>
        %swap3A_1326 = arith.index_cast %add3A_1319 : i32 to index
        %swap3A_1327 = arith.constant 0 : index
        %swap3A_1328 = tpu.vector_load %arg10[%swap3A_1326, %swap3A_1327] {strides = array<i32>} : memref<128x128xf32, #tpu.memory_space<vmem>>, vector<1x16xf32>,
        %swap3A_1329 = vector.shape_cast %swap3A_1328 : vector<1x16xf32> to vector<16xf32>
        %swap3A_1330 = vector.shape_cast %mul3A_1325 : vector<16xf32> to vector<1x16xf32>
        tpu.vector_store %arg10[%swap3A_1326, %swap3A_1327], %swap3A_1330 {strides = array<i32>} : memref<128x128xf32, #tpu.memory_space<vmem>>, vector<1x16xf32>,
        %get3A_1331 = arith.index_cast %add3A_1319 : i32 to index
        %get3A_1332 = arith.constant 16 : index
        %get3A_1333 = tpu.vector_load %arg10[%get3A_1331, %get3A_1332] {strides = array<i32>} : memref<128x128xf32, #tpu.memory_space<vmem>>, vector<1x16xf32>,
        %get3A_1334 = vector.shape_cast %get3A_1333 : vector<1x16xf32> to vector<16xf32>
        %mul3A_1335 = vector.broadcast %squeeze3A_1315 : f32 to vector<16xf32>
        %mul3A_1336 = arith.mulf %get3A_1334, %mul3A_1335 : vector<16xf32>
        %swap3A_1337 = arith.index_cast %add3A_1319 : i32 to index
        %swap3A_1338 = arith.constant 16 : index
        %swap3A_1339 = tpu.vector_load %arg10[%swap3A_1337, %swap3A_1338] {strides = array<i32>} : memref<128x128xf32, #tpu.memory_space<vmem>>, vector<1x16xf32>,
        %swap3A_1340 = vector.shape_cast %swap3A_1339 : vector<1x16xf32> to vector<16xf32>
        %swap3A_1341 = vector.shape_cast %mul3A_1336 : vector<16xf32> to vector<1x16xf32>
        tpu.vector_store %arg10[%swap3A_1337, %swap3A_1338], %swap3A_1341 {strides = array<i32>} : memref<128x128xf32, #tpu.memory_space<vmem>>, vector<1x16xf32>,
        %get3A_1342 = arith.index_cast %add3A_1319 : i32 to index
        %get3A_1343 = arith.constant 32 : index
        %get3A_1344 = tpu.vector_load %arg10[%get3A_1342, %get3A_1343] {strides = array<i32>} : memref<128x128xf32, #tpu.memory_space<vmem>>, vector<1x16xf32>,
        %get3A_1345 = vector.shape_cast %get3A_1344 : vector<1x16xf32> to vector<16xf32>
        %mul3A_1346 = vector.broadcast %squeeze3A_1315 : f32 to vector<16xf32>
        %mul3A_1347 = arith.mulf %get3A_1345, %mul3A_1346 : vector<16xf32>
        %swap3A_1348 = arith.index_cast %add3A_1319 : i32 to index
        %swap3A_1349 = arith.constant 32 : index
        %swap3A_1350 = tpu.vector_load %arg10[%swap3A_1348, %swap3A_1349] {strides = array<i32>} : memref<128x128xf32, #tpu.memory_space<vmem>>, vector<1x16xf32>,
        %swap3A_1351 = vector.shape_cast %swap3A_1350 : vector<1x16xf32> to vector<16xf32>
        %swap3A_1352 = vector.shape_cast %mul3A_1347 : vector<16xf32> to vector<1x16xf32>
        tpu.vector_store %arg10[%swap3A_1348, %swap3A_1349], %swap3A_1352 {strides = array<i32>} : memref<128x128xf32, #tpu.memory_space<vmem>>, vector<1x16xf32>,
        %get3A_1353 = arith.index_cast %add3A_1319 : i32 to index
        %get3A_1354 = arith.constant 48 : index
        %get3A_1355 = tpu.vector_load %arg10[%get3A_1353, %get3A_1354] {strides = array<i32>} : memref<128x128xf32, #tpu.memory_space<vmem>>, vector<1x16xf32>,
        %get3A_1356 = vector.shape_cast %get3A_1355 : vector<1x16xf32> to vector<16xf32>
        %mul3A_1357 = vector.broadcast %squeeze3A_1315 : f32 to vector<16xf32>
        %mul3A_1358 = arith.mulf %get3A_1356, %mul3A_1357 : vector<16xf32>
        %swap3A_1359 = arith.index_cast %add3A_1319 : i32 to index
        %swap3A_1360 = arith.constant 48 : index
        %swap3A_1361 = tpu.vector_load %arg10[%swap3A_1359, %swap3A_1360] {strides = array<i32>} : memref<128x128xf32, #tpu.memory_space<vmem>>, vector<1x16xf32>,
        %swap3A_1362 = vector.shape_cast %swap3A_1361 : vector<1x16xf32> to vector<16xf32>
        %swap3A_1363 = vector.shape_cast %mul3A_1358 : vector<16xf32> to vector<1x16xf32>
        tpu.vector_store %arg10[%swap3A_1359, %swap3A_1360], %swap3A_1363 {strides = array<i32>} : memref<128x128xf32, #tpu.memory_space<vmem>>, vector<1x16xf32>,
        %get3A_1364 = arith.index_cast %add3A_1319 : i32 to index
        %get3A_1365 = arith.constant 64 : index
        %get3A_1366 = tpu.vector_load %arg10[%get3A_1364, %get3A_1365] {strides = array<i32>} : memref<128x128xf32, #tpu.memory_space<vmem>>, vector<1x16xf32>,
        %get3A_1367 = vector.shape_cast %get3A_1366 : vector<1x16xf32> to vector<16xf32>
        %mul3A_1368 = vector.broadcast %squeeze3A_1315 : f32 to vector<16xf32>
        %mul3A_1369 = arith.mulf %get3A_1367, %mul3A_1368 : vector<16xf32>
        %swap3A_1370 = arith.index_cast %add3A_1319 : i32 to index
        %swap3A_1371 = arith.constant 64 : index
        %swap3A_1372 = tpu.vector_load %arg10[%swap3A_1370, %swap3A_1371] {strides = array<i32>} : memref<128x128xf32, #tpu.memory_space<vmem>>, vector<1x16xf32>,
        %swap3A_1373 = vector.shape_cast %swap3A_1372 : vector<1x16xf32> to vector<16xf32>
        %swap3A_1374 = vector.shape_cast %mul3A_1369 : vector<16xf32> to vector<1x16xf32>
        tpu.vector_store %arg10[%swap3A_1370, %swap3A_1371], %swap3A_1374 {strides = array<i32>} : memref<128x128xf32, #tpu.memory_space<vmem>>, vector<1x16xf32>,
        %get3A_1375 = arith.index_cast %add3A_1319 : i32 to index
        %get3A_1376 = arith.constant 80 : index
        %get3A_1377 = tpu.vector_load %arg10[%get3A_1375, %get3A_1376] {strides = array<i32>} : memref<128x128xf32, #tpu.memory_space<vmem>>, vector<1x16xf32>,
        %get3A_1378 = vector.shape_cast %get3A_1377 : vector<1x16xf32> to vector<16xf32>
        %mul3A_1379 = vector.broadcast %squeeze3A_1315 : f32 to vector<16xf32>
        %mul3A_1380 = arith.mulf %get3A_1378, %mul3A_1379 : vector<16xf32>
        %swap3A_1381 = arith.index_cast %add3A_1319 : i32 to index
        %swap3A_1382 = arith.constant 80 : index
        %swap3A_1383 = tpu.vector_load %arg10[%swap3A_1381, %swap3A_1382] {strides = array<i32>} : memref<128x128xf32, #tpu.memory_space<vmem>>, vector<1x16xf32>,
        %swap3A_1384 = vector.shape_cast %swap3A_1383 : vector<1x16xf32> to vector<16xf32>
        %swap3A_1385 = vector.shape_cast %mul3A_1380 : vector<16xf32> to vector<1x16xf32>
        tpu.vector_store %arg10[%swap3A_1381, %swap3A_1382], %swap3A_1385 {strides = array<i32>} : memref<128x128xf32, #tpu.memory_space<vmem>>, vector<1x16xf32>,
        %get3A_1386 = arith.index_cast %add3A_1319 : i32 to index
        %get3A_1387 = arith.constant 96 : index
        %get3A_1388 = tpu.vector_load %arg10[%get3A_1386, %get3A_1387] {strides = array<i32>} : memref<128x128xf32, #tpu.memory_space<vmem>>, vector<1x16xf32>,
        %get3A_1389 = vector.shape_cast %get3A_1388 : vector<1x16xf32> to vector<16xf32>
        %mul3A_1390 = vector.broadcast %squeeze3A_1315 : f32 to vector<16xf32>
        %mul3A_1391 = arith.mulf %get3A_1389, %mul3A_1390 : vector<16xf32>
        %swap3A_1392 = arith.index_cast %add3A_1319 : i32 to index
        %swap3A_1393 = arith.constant 96 : index
        %swap3A_1394 = tpu.vector_load %arg10[%swap3A_1392, %swap3A_1393] {strides = array<i32>} : memref<128x128xf32, #tpu.memory_space<vmem>>, vector<1x16xf32>,
        %swap3A_1395 = vector.shape_cast %swap3A_1394 : vector<1x16xf32> to vector<16xf32>
        %swap3A_1396 = vector.shape_cast %mul3A_1391 : vector<16xf32> to vector<1x16xf32>
        tpu.vector_store %arg10[%swap3A_1392, %swap3A_1393], %swap3A_1396 {strides = array<i32>} : memref<128x128xf32, #tpu.memory_space<vmem>>, vector<1x16xf32>,
        %get3A_1397 = arith.index_cast %add3A_1319 : i32 to index
        %get3A_1398 = arith.constant 112 : index
        %get3A_1399 = tpu.vector_load %arg10[%get3A_1397, %get3A_1398] {strides = array<i32>} : memref<128x128xf32, #tpu.memory_space<vmem>>, vector<1x16xf32>,
        %get3A_1400 = vector.shape_cast %get3A_1399 : vector<1x16xf32> to vector<16xf32>
        %mul3A_1401 = vector.broadcast %squeeze3A_1315 : f32 to vector<16xf32>
        %mul3A_1402 = arith.mulf %get3A_1400, %mul3A_1401 : vector<16xf32>
        %swap3A_1403 = arith.index_cast %add3A_1319 : i32 to index
        %swap3A_1404 = arith.constant 112 : index
        %swap3A_1405 = tpu.vector_load %arg10[%swap3A_1403, %swap3A_1404] {strides = array<i32>} : memref<128x128xf32, #tpu.memory_space<vmem>>, vector<1x16xf32>,
        %swap3A_1406 = vector.shape_cast %swap3A_1405 : vector<1x16xf32> to vector<16xf32>
        %swap3A_1407 = vector.shape_cast %mul3A_1402 : vector<16xf32> to vector<1x16xf32>
        tpu.vector_store %arg10[%swap3A_1403, %swap3A_1404], %swap3A_1407 {strides = array<i32>} : memref<128x128xf32, #tpu.memory_space<vmem>>, vector<1x16xf32>,
        %slice3A_1408 = vector.extract_strided_slice %get3A_94 {offsets = [14], sizes = [1], strides = [1]} : vector<16xf32> to vector<1xf32>
        %squeeze3A_1409 = vector.extract %slice3A_1408[0] : f32 from vector<1xf32>
        %mul3A_1410 = arith.constant 16 : i32
        %mul3A_1411 = arith.muli %scan3A_88, %mul3A_1410 : i32
        %add3A_1412 = arith.constant 14 : i32
        %add3A_1413 = arith.addi %mul3A_1411, %add3A_1412 : i32
        %get3A_1414 = arith.index_cast %add3A_1413 : i32 to index
        %get3A_1415 = arith.constant 0 : index
        %get3A_1416 = tpu.vector_load %arg10[%get3A_1414, %get3A_1415] {strides = array<i32>} : memref<128x128xf32, #tpu.memory_space<vmem>>, vector<1x16xf32>,
        %get3A_1417 = vector.shape_cast %get3A_1416 : vector<1x16xf32> to vector<16xf32>
        %mul3A_1418 = vector.broadcast %squeeze3A_1409 : f32 to vector<16xf32>
        %mul3A_1419 = arith.mulf %get3A_1417, %mul3A_1418 : vector<16xf32>
        %swap3A_1420 = arith.index_cast %add3A_1413 : i32 to index
        %swap3A_1421 = arith.constant 0 : index
        %swap3A_1422 = tpu.vector_load %arg10[%swap3A_1420, %swap3A_1421] {strides = array<i32>} : memref<128x128xf32, #tpu.memory_space<vmem>>, vector<1x16xf32>,
        %swap3A_1423 = vector.shape_cast %swap3A_1422 : vector<1x16xf32> to vector<16xf32>
        %swap3A_1424 = vector.shape_cast %mul3A_1419 : vector<16xf32> to vector<1x16xf32>
        tpu.vector_store %arg10[%swap3A_1420, %swap3A_1421], %swap3A_1424 {strides = array<i32>} : memref<128x128xf32, #tpu.memory_space<vmem>>, vector<1x16xf32>,
        %get3A_1425 = arith.index_cast %add3A_1413 : i32 to index
        %get3A_1426 = arith.constant 16 : index
        %get3A_1427 = tpu.vector_load %arg10[%get3A_1425, %get3A_1426] {strides = array<i32>} : memref<128x128xf32, #tpu.memory_space<vmem>>, vector<1x16xf32>,
        %get3A_1428 = vector.shape_cast %get3A_1427 : vector<1x16xf32> to vector<16xf32>
        %mul3A_1429 = vector.broadcast %squeeze3A_1409 : f32 to vector<16xf32>
        %mul3A_1430 = arith.mulf %get3A_1428, %mul3A_1429 : vector<16xf32>
        %swap3A_1431 = arith.index_cast %add3A_1413 : i32 to index
        %swap3A_1432 = arith.constant 16 : index
        %swap3A_1433 = tpu.vector_load %arg10[%swap3A_1431, %swap3A_1432] {strides = array<i32>} : memref<128x128xf32, #tpu.memory_space<vmem>>, vector<1x16xf32>,
        %swap3A_1434 = vector.shape_cast %swap3A_1433 : vector<1x16xf32> to vector<16xf32>
        %swap3A_1435 = vector.shape_cast %mul3A_1430 : vector<16xf32> to vector<1x16xf32>
        tpu.vector_store %arg10[%swap3A_1431, %swap3A_1432], %swap3A_1435 {strides = array<i32>} : memref<128x128xf32, #tpu.memory_space<vmem>>, vector<1x16xf32>,
        %get3A_1436 = arith.index_cast %add3A_1413 : i32 to index
        %get3A_1437 = arith.constant 32 : index
        %get3A_1438 = tpu.vector_load %arg10[%get3A_1436, %get3A_1437] {strides = array<i32>} : memref<128x128xf32, #tpu.memory_space<vmem>>, vector<1x16xf32>,
        %get3A_1439 = vector.shape_cast %get3A_1438 : vector<1x16xf32> to vector<16xf32>
        %mul3A_1440 = vector.broadcast %squeeze3A_1409 : f32 to vector<16xf32>
        %mul3A_1441 = arith.mulf %get3A_1439, %mul3A_1440 : vector<16xf32>
        %swap3A_1442 = arith.index_cast %add3A_1413 : i32 to index
        %swap3A_1443 = arith.constant 32 : index
        %swap3A_1444 = tpu.vector_load %arg10[%swap3A_1442, %swap3A_1443] {strides = array<i32>} : memref<128x128xf32, #tpu.memory_space<vmem>>, vector<1x16xf32>,
        %swap3A_1445 = vector.shape_cast %swap3A_1444 : vector<1x16xf32> to vector<16xf32>
        %swap3A_1446 = vector.shape_cast %mul3A_1441 : vector<16xf32> to vector<1x16xf32>
        tpu.vector_store %arg10[%swap3A_1442, %swap3A_1443], %swap3A_1446 {strides = array<i32>} : memref<128x128xf32, #tpu.memory_space<vmem>>, vector<1x16xf32>,
        %get3A_1447 = arith.index_cast %add3A_1413 : i32 to index
        %get3A_1448 = arith.constant 48 : index
        %get3A_1449 = tpu.vector_load %arg10[%get3A_1447, %get3A_1448] {strides = array<i32>} : memref<128x128xf32, #tpu.memory_space<vmem>>, vector<1x16xf32>,
        %get3A_1450 = vector.shape_cast %get3A_1449 : vector<1x16xf32> to vector<16xf32>
        %mul3A_1451 = vector.broadcast %squeeze3A_1409 : f32 to vector<16xf32>
        %mul3A_1452 = arith.mulf %get3A_1450, %mul3A_1451 : vector<16xf32>
        %swap3A_1453 = arith.index_cast %add3A_1413 : i32 to index
        %swap3A_1454 = arith.constant 48 : index
        %swap3A_1455 = tpu.vector_load %arg10[%swap3A_1453, %swap3A_1454] {strides = array<i32>} : memref<128x128xf32, #tpu.memory_space<vmem>>, vector<1x16xf32>,
        %swap3A_1456 = vector.shape_cast %swap3A_1455 : vector<1x16xf32> to vector<16xf32>
        %swap3A_1457 = vector.shape_cast %mul3A_1452 : vector<16xf32> to vector<1x16xf32>
        tpu.vector_store %arg10[%swap3A_1453, %swap3A_1454], %swap3A_1457 {strides = array<i32>} : memref<128x128xf32, #tpu.memory_space<vmem>>, vector<1x16xf32>,
        %get3A_1458 = arith.index_cast %add3A_1413 : i32 to index
        %get3A_1459 = arith.constant 64 : index
        %get3A_1460 = tpu.vector_load %arg10[%get3A_1458, %get3A_1459] {strides = array<i32>} : memref<128x128xf32, #tpu.memory_space<vmem>>, vector<1x16xf32>,
        %get3A_1461 = vector.shape_cast %get3A_1460 : vector<1x16xf32> to vector<16xf32>
        %mul3A_1462 = vector.broadcast %squeeze3A_1409 : f32 to vector<16xf32>
        %mul3A_1463 = arith.mulf %get3A_1461, %mul3A_1462 : vector<16xf32>
        %swap3A_1464 = arith.index_cast %add3A_1413 : i32 to index
        %swap3A_1465 = arith.constant 64 : index
        %swap3A_1466 = tpu.vector_load %arg10[%swap3A_1464, %swap3A_1465] {strides = array<i32>} : memref<128x128xf32, #tpu.memory_space<vmem>>, vector<1x16xf32>,
        %swap3A_1467 = vector.shape_cast %swap3A_1466 : vector<1x16xf32> to vector<16xf32>
        %swap3A_1468 = vector.shape_cast %mul3A_1463 : vector<16xf32> to vector<1x16xf32>
        tpu.vector_store %arg10[%swap3A_1464, %swap3A_1465], %swap3A_1468 {strides = array<i32>} : memref<128x128xf32, #tpu.memory_space<vmem>>, vector<1x16xf32>,
        %get3A_1469 = arith.index_cast %add3A_1413 : i32 to index
        %get3A_1470 = arith.constant 80 : index
        %get3A_1471 = tpu.vector_load %arg10[%get3A_1469, %get3A_1470] {strides = array<i32>} : memref<128x128xf32, #tpu.memory_space<vmem>>, vector<1x16xf32>,
        %get3A_1472 = vector.shape_cast %get3A_1471 : vector<1x16xf32> to vector<16xf32>
        %mul3A_1473 = vector.broadcast %squeeze3A_1409 : f32 to vector<16xf32>
        %mul3A_1474 = arith.mulf %get3A_1472, %mul3A_1473 : vector<16xf32>
        %swap3A_1475 = arith.index_cast %add3A_1413 : i32 to index
        %swap3A_1476 = arith.constant 80 : index
        %swap3A_1477 = tpu.vector_load %arg10[%swap3A_1475, %swap3A_1476] {strides = array<i32>} : memref<128x128xf32, #tpu.memory_space<vmem>>, vector<1x16xf32>,
        %swap3A_1478 = vector.shape_cast %swap3A_1477 : vector<1x16xf32> to vector<16xf32>
        %swap3A_1479 = vector.shape_cast %mul3A_1474 : vector<16xf32> to vector<1x16xf32>
        tpu.vector_store %arg10[%swap3A_1475, %swap3A_1476], %swap3A_1479 {strides = array<i32>} : memref<128x128xf32, #tpu.memory_space<vmem>>, vector<1x16xf32>,
        %get3A_1480 = arith.index_cast %add3A_1413 : i32 to index
        %get3A_1481 = arith.constant 96 : index
        %get3A_1482 = tpu.vector_load %arg10[%get3A_1480, %get3A_1481] {strides = array<i32>} : memref<128x128xf32, #tpu.memory_space<vmem>>, vector<1x16xf32>,
        %get3A_1483 = vector.shape_cast %get3A_1482 : vector<1x16xf32> to vector<16xf32>
        %mul3A_1484 = vector.broadcast %squeeze3A_1409 : f32 to vector<16xf32>
        %mul3A_1485 = arith.mulf %get3A_1483, %mul3A_1484 : vector<16xf32>
        %swap3A_1486 = arith.index_cast %add3A_1413 : i32 to index
        %swap3A_1487 = arith.constant 96 : index
        %swap3A_1488 = tpu.vector_load %arg10[%swap3A_1486, %swap3A_1487] {strides = array<i32>} : memref<128x128xf32, #tpu.memory_space<vmem>>, vector<1x16xf32>,
        %swap3A_1489 = vector.shape_cast %swap3A_1488 : vector<1x16xf32> to vector<16xf32>
        %swap3A_1490 = vector.shape_cast %mul3A_1485 : vector<16xf32> to vector<1x16xf32>
        tpu.vector_store %arg10[%swap3A_1486, %swap3A_1487], %swap3A_1490 {strides = array<i32>} : memref<128x128xf32, #tpu.memory_space<vmem>>, vector<1x16xf32>,
        %get3A_1491 = arith.index_cast %add3A_1413 : i32 to index
        %get3A_1492 = arith.constant 112 : index
        %get3A_1493 = tpu.vector_load %arg10[%get3A_1491, %get3A_1492] {strides = array<i32>} : memref<128x128xf32, #tpu.memory_space<vmem>>, vector<1x16xf32>,
        %get3A_1494 = vector.shape_cast %get3A_1493 : vector<1x16xf32> to vector<16xf32>
        %mul3A_1495 = vector.broadcast %squeeze3A_1409 : f32 to vector<16xf32>
        %mul3A_1496 = arith.mulf %get3A_1494, %mul3A_1495 : vector<16xf32>
        %swap3A_1497 = arith.index_cast %add3A_1413 : i32 to index
        %swap3A_1498 = arith.constant 112 : index
        %swap3A_1499 = tpu.vector_load %arg10[%swap3A_1497, %swap3A_1498] {strides = array<i32>} : memref<128x128xf32, #tpu.memory_space<vmem>>, vector<1x16xf32>,
        %swap3A_1500 = vector.shape_cast %swap3A_1499 : vector<1x16xf32> to vector<16xf32>
        %swap3A_1501 = vector.shape_cast %mul3A_1496 : vector<16xf32> to vector<1x16xf32>
        tpu.vector_store %arg10[%swap3A_1497, %swap3A_1498], %swap3A_1501 {strides = array<i32>} : memref<128x128xf32, #tpu.memory_space<vmem>>, vector<1x16xf32>,
        %slice3A_1502 = vector.extract_strided_slice %get3A_94 {offsets = [15], sizes = [1], strides = [1]} : vector<16xf32> to vector<1xf32>
        %squeeze3A_1503 = vector.extract %slice3A_1502[0] : f32 from vector<1xf32>
        %mul3A_1504 = arith.constant 16 : i32
        %mul3A_1505 = arith.muli %scan3A_88, %mul3A_1504 : i32
        %add3A_1506 = arith.constant 15 : i32
        %add3A_1507 = arith.addi %mul3A_1505, %add3A_1506 : i32
        %get3A_1508 = arith.index_cast %add3A_1507 : i32 to index
        %get3A_1509 = arith.constant 0 : index
        %get3A_1510 = tpu.vector_load %arg10[%get3A_1508, %get3A_1509] {strides = array<i32>} : memref<128x128xf32, #tpu.memory_space<vmem>>, vector<1x16xf32>,
        %get3A_1511 = vector.shape_cast %get3A_1510 : vector<1x16xf32> to vector<16xf32>
        %mul3A_1512 = vector.broadcast %squeeze3A_1503 : f32 to vector<16xf32>
        %mul3A_1513 = arith.mulf %get3A_1511, %mul3A_1512 : vector<16xf32>
        %swap3A_1514 = arith.index_cast %add3A_1507 : i32 to index
        %swap3A_1515 = arith.constant 0 : index
        %swap3A_1516 = tpu.vector_load %arg10[%swap3A_1514, %swap3A_1515] {strides = array<i32>} : memref<128x128xf32, #tpu.memory_space<vmem>>, vector<1x16xf32>,
        %swap3A_1517 = vector.shape_cast %swap3A_1516 : vector<1x16xf32> to vector<16xf32>
        %swap3A_1518 = vector.shape_cast %mul3A_1513 : vector<16xf32> to vector<1x16xf32>
        tpu.vector_store %arg10[%swap3A_1514, %swap3A_1515], %swap3A_1518 {strides = array<i32>} : memref<128x128xf32, #tpu.memory_space<vmem>>, vector<1x16xf32>,
        %get3A_1519 = arith.index_cast %add3A_1507 : i32 to index
        %get3A_1520 = arith.constant 16 : index
        %get3A_1521 = tpu.vector_load %arg10[%get3A_1519, %get3A_1520] {strides = array<i32>} : memref<128x128xf32, #tpu.memory_space<vmem>>, vector<1x16xf32>,
        %get3A_1522 = vector.shape_cast %get3A_1521 : vector<1x16xf32> to vector<16xf32>
        %mul3A_1523 = vector.broadcast %squeeze3A_1503 : f32 to vector<16xf32>
        %mul3A_1524 = arith.mulf %get3A_1522, %mul3A_1523 : vector<16xf32>
        %swap3A_1525 = arith.index_cast %add3A_1507 : i32 to index
        %swap3A_1526 = arith.constant 16 : index
        %swap3A_1527 = tpu.vector_load %arg10[%swap3A_1525, %swap3A_1526] {strides = array<i32>} : memref<128x128xf32, #tpu.memory_space<vmem>>, vector<1x16xf32>,
        %swap3A_1528 = vector.shape_cast %swap3A_1527 : vector<1x16xf32> to vector<16xf32>
        %swap3A_1529 = vector.shape_cast %mul3A_1524 : vector<16xf32> to vector<1x16xf32>
        tpu.vector_store %arg10[%swap3A_1525, %swap3A_1526], %swap3A_1529 {strides = array<i32>} : memref<128x128xf32, #tpu.memory_space<vmem>>, vector<1x16xf32>,
        %get3A_1530 = arith.index_cast %add3A_1507 : i32 to index
        %get3A_1531 = arith.constant 32 : index
        %get3A_1532 = tpu.vector_load %arg10[%get3A_1530, %get3A_1531] {strides = array<i32>} : memref<128x128xf32, #tpu.memory_space<vmem>>, vector<1x16xf32>,
        %get3A_1533 = vector.shape_cast %get3A_1532 : vector<1x16xf32> to vector<16xf32>
        %mul3A_1534 = vector.broadcast %squeeze3A_1503 : f32 to vector<16xf32>
        %mul3A_1535 = arith.mulf %get3A_1533, %mul3A_1534 : vector<16xf32>
        %swap3A_1536 = arith.index_cast %add3A_1507 : i32 to index
        %swap3A_1537 = arith.constant 32 : index
        %swap3A_1538 = tpu.vector_load %arg10[%swap3A_1536, %swap3A_1537] {strides = array<i32>} : memref<128x128xf32, #tpu.memory_space<vmem>>, vector<1x16xf32>,
        %swap3A_1539 = vector.shape_cast %swap3A_1538 : vector<1x16xf32> to vector<16xf32>
        %swap3A_1540 = vector.shape_cast %mul3A_1535 : vector<16xf32> to vector<1x16xf32>
        tpu.vector_store %arg10[%swap3A_1536, %swap3A_1537], %swap3A_1540 {strides = array<i32>} : memref<128x128xf32, #tpu.memory_space<vmem>>, vector<1x16xf32>,
        %get3A_1541 = arith.index_cast %add3A_1507 : i32 to index
        %get3A_1542 = arith.constant 48 : index
        %get3A_1543 = tpu.vector_load %arg10[%get3A_1541, %get3A_1542] {strides = array<i32>} : memref<128x128xf32, #tpu.memory_space<vmem>>, vector<1x16xf32>,
        %get3A_1544 = vector.shape_cast %get3A_1543 : vector<1x16xf32> to vector<16xf32>
        %mul3A_1545 = vector.broadcast %squeeze3A_1503 : f32 to vector<16xf32>
        %mul3A_1546 = arith.mulf %get3A_1544, %mul3A_1545 : vector<16xf32>
        %swap3A_1547 = arith.index_cast %add3A_1507 : i32 to index
        %swap3A_1548 = arith.constant 48 : index
        %swap3A_1549 = tpu.vector_load %arg10[%swap3A_1547, %swap3A_1548] {strides = array<i32>} : memref<128x128xf32, #tpu.memory_space<vmem>>, vector<1x16xf32>,
        %swap3A_1550 = vector.shape_cast %swap3A_1549 : vector<1x16xf32> to vector<16xf32>
        %swap3A_1551 = vector.shape_cast %mul3A_1546 : vector<16xf32> to vector<1x16xf32>
        tpu.vector_store %arg10[%swap3A_1547, %swap3A_1548], %swap3A_1551 {strides = array<i32>} : memref<128x128xf32, #tpu.memory_space<vmem>>, vector<1x16xf32>,
        %get3A_1552 = arith.index_cast %add3A_1507 : i32 to index
        %get3A_1553 = arith.constant 64 : index
        %get3A_1554 = tpu.vector_load %arg10[%get3A_1552, %get3A_1553] {strides = array<i32>} : memref<128x128xf32, #tpu.memory_space<vmem>>, vector<1x16xf32>,
        %get3A_1555 = vector.shape_cast %get3A_1554 : vector<1x16xf32> to vector<16xf32>
        %mul3A_1556 = vector.broadcast %squeeze3A_1503 : f32 to vector<16xf32>
        %mul3A_1557 = arith.mulf %get3A_1555, %mul3A_1556 : vector<16xf32>
        %swap3A_1558 = arith.index_cast %add3A_1507 : i32 to index
        %swap3A_1559 = arith.constant 64 : index
        %swap3A_1560 = tpu.vector_load %arg10[%swap3A_1558, %swap3A_1559] {strides = array<i32>} : memref<128x128xf32, #tpu.memory_space<vmem>>, vector<1x16xf32>,
        %swap3A_1561 = vector.shape_cast %swap3A_1560 : vector<1x16xf32> to vector<16xf32>
        %swap3A_1562 = vector.shape_cast %mul3A_1557 : vector<16xf32> to vector<1x16xf32>
        tpu.vector_store %arg10[%swap3A_1558, %swap3A_1559], %swap3A_1562 {strides = array<i32>} : memref<128x128xf32, #tpu.memory_space<vmem>>, vector<1x16xf32>,
        %get3A_1563 = arith.index_cast %add3A_1507 : i32 to index
        %get3A_1564 = arith.constant 80 : index
        %get3A_1565 = tpu.vector_load %arg10[%get3A_1563, %get3A_1564] {strides = array<i32>} : memref<128x128xf32, #tpu.memory_space<vmem>>, vector<1x16xf32>,
        %get3A_1566 = vector.shape_cast %get3A_1565 : vector<1x16xf32> to vector<16xf32>
        %mul3A_1567 = vector.broadcast %squeeze3A_1503 : f32 to vector<16xf32>
        %mul3A_1568 = arith.mulf %get3A_1566, %mul3A_1567 : vector<16xf32>
        %swap3A_1569 = arith.index_cast %add3A_1507 : i32 to index
        %swap3A_1570 = arith.constant 80 : index
        %swap3A_1571 = tpu.vector_load %arg10[%swap3A_1569, %swap3A_1570] {strides = array<i32>} : memref<128x128xf32, #tpu.memory_space<vmem>>, vector<1x16xf32>,
        %swap3A_1572 = vector.shape_cast %swap3A_1571 : vector<1x16xf32> to vector<16xf32>
        %swap3A_1573 = vector.shape_cast %mul3A_1568 : vector<16xf32> to vector<1x16xf32>
        tpu.vector_store %arg10[%swap3A_1569, %swap3A_1570], %swap3A_1573 {strides = array<i32>} : memref<128x128xf32, #tpu.memory_space<vmem>>, vector<1x16xf32>,
        %get3A_1574 = arith.index_cast %add3A_1507 : i32 to index
        %get3A_1575 = arith.constant 96 : index
        %get3A_1576 = tpu.vector_load %arg10[%get3A_1574, %get3A_1575] {strides = array<i32>} : memref<128x128xf32, #tpu.memory_space<vmem>>, vector<1x16xf32>,
        %get3A_1577 = vector.shape_cast %get3A_1576 : vector<1x16xf32> to vector<16xf32>
        %mul3A_1578 = vector.broadcast %squeeze3A_1503 : f32 to vector<16xf32>
        %mul3A_1579 = arith.mulf %get3A_1577, %mul3A_1578 : vector<16xf32>
        %swap3A_1580 = arith.index_cast %add3A_1507 : i32 to index
        %swap3A_1581 = arith.constant 96 : index
        %swap3A_1582 = tpu.vector_load %arg10[%swap3A_1580, %swap3A_1581] {strides = array<i32>} : memref<128x128xf32, #tpu.memory_space<vmem>>, vector<1x16xf32>,
        %swap3A_1583 = vector.shape_cast %swap3A_1582 : vector<1x16xf32> to vector<16xf32>
        %swap3A_1584 = vector.shape_cast %mul3A_1579 : vector<16xf32> to vector<1x16xf32>
        tpu.vector_store %arg10[%swap3A_1580, %swap3A_1581], %swap3A_1584 {strides = array<i32>} : memref<128x128xf32, #tpu.memory_space<vmem>>, vector<1x16xf32>,
        %get3A_1585 = arith.index_cast %add3A_1507 : i32 to index
        %get3A_1586 = arith.constant 112 : index
        %get3A_1587 = tpu.vector_load %arg10[%get3A_1585, %get3A_1586] {strides = array<i32>} : memref<128x128xf32, #tpu.memory_space<vmem>>, vector<1x16xf32>,
        %get3A_1588 = vector.shape_cast %get3A_1587 : vector<1x16xf32> to vector<16xf32>
        %mul3A_1589 = vector.broadcast %squeeze3A_1503 : f32 to vector<16xf32>
        %mul3A_1590 = arith.mulf %get3A_1588, %mul3A_1589 : vector<16xf32>
        %swap3A_1591 = arith.index_cast %add3A_1507 : i32 to index
        %swap3A_1592 = arith.constant 112 : index
        %swap3A_1593 = tpu.vector_load %arg10[%swap3A_1591, %swap3A_1592] {strides = array<i32>} : memref<128x128xf32, #tpu.memory_space<vmem>>, vector<1x16xf32>,
        %swap3A_1594 = vector.shape_cast %swap3A_1593 : vector<1x16xf32> to vector<16xf32>
        %swap3A_1595 = vector.shape_cast %mul3A_1590 : vector<16xf32> to vector<1x16xf32>
        tpu.vector_store %arg10[%swap3A_1591, %swap3A_1592], %swap3A_1595 {strides = array<i32>} : memref<128x128xf32, #tpu.memory_space<vmem>>, vector<1x16xf32>,
        %scan3A_1596 = arith.constant 0 : i32
        scf.yield %scan3A_1596 : i32
      }
      %scan3A_86 = arith.constant 8 : i32
      "tpu.region"() ({
        %run_scoped3A = tpu.sem_alloc : memref<!tpu.dma_semaphore, #tpu.memory_space<semaphore_mem>>
        %dma_start3A_88 = arith.constant 0 : i32
        %dma_start3A_89 = tpu.memref_slice %arg8[%scan3A_68, %dma_start3A_88] : memref<79x128xi32, #tpu.memory_space<vmem>> -> memref<1x128xi32, #tpu.memory_space<vmem>>
        %dma_start3A_90 = tpu.memref_squeeze %dma_start3A_89 : memref<1x128xi32, #tpu.memory_space<vmem>> -> memref<128xi32, #tpu.memory_space<vmem>>
        %dma_start3A_91 = arith.constant 0 : i32
        %dma_start3A_92 = arith.constant 0 : i32
        %dma_start3A_93 = tpu.memref_slice %arg11[%dma_start3A_91, %dma_start3A_92] : memref<10240x128xf32, #tpu.memory_space<vmem_shared>> -> memref<10240x128xf32, #tpu.memory_space<vmem_shared>>
        tpu.enqueue_indirect_dma source(%arg10 : memref<128x128xf32, #tpu.memory_space<vmem>>) target(%dma_start3A_93 : memref<10240x128xf32, #tpu.memory_space<vmem_shared>>) offsets(%dma_start3A_90 : memref<128xi32, #tpu.memory_space<vmem>>) semaphore(%run_scoped3A : memref<!tpu.dma_semaphore, #tpu.memory_space<semaphore_mem>>) {add = true}
        %dma_wait3A_94 = arith.constant 0 : i32
        %dma_wait3A_95 = tpu.memref_slice %arg8[%scan3A_68, %dma_wait3A_94] : memref<79x128xi32, #tpu.memory_space<vmem>> -> memref<1x128xi32, #tpu.memory_space<vmem>>
        %dma_wait3A_96 = tpu.memref_squeeze %dma_wait3A_95 : memref<1x128xi32, #tpu.memory_space<vmem>> -> memref<128xi32, #tpu.memory_space<vmem>>
        %dma_wait3A_97 = arith.constant 0 : i32
        %dma_wait3A_98 = arith.constant 0 : i32
        %dma_wait3A_99 = tpu.memref_slice %arg11[%dma_wait3A_97, %dma_wait3A_98] : memref<10240x128xf32, #tpu.memory_space<vmem_shared>> -> memref<10240x128xf32, #tpu.memory_space<vmem_shared>>
        tpu.wait_indirect_dma semaphore(%run_scoped3A : memref<!tpu.dma_semaphore, #tpu.memory_space<semaphore_mem>>) src(%arg10 : memref<128x128xf32, #tpu.memory_space<vmem>>) dst(%dma_wait3A_99 : memref<10240x128xf32, #tpu.memory_space<vmem_shared>>)
        tpu.yield
      }) : () -> ()
      %scan3A_87 = arith.constant 0 : i32
      scf.yield %scan3A_87 : i32
    }
    %scan3A_31 = arith.constant 79 : i32
    %barrier3A_32 = arith.constant 0 : index
    tpu.barrier barrier_id(%barrier3A_32)
    %add3A_33 = arith.constant 0 : i32
    %add3A_34 = arith.addi %mul3A_15, %add3A_33 : i32
    %mul3A_35 = arith.constant 10240 : i32
    %mul3A_36 = arith.muli %arg0, %mul3A_35 : i32
    %add3A_37 = arith.addi %mul3A_36, %mul3A_15 : i32
    %add3A_38 = arith.constant 0 : i32
    %add3A_39 = arith.addi %add3A_37, %add3A_38 : i32
    "tpu.region"() ({
      %run_scoped3A = tpu.sem_alloc : memref<!tpu.dma_semaphore, #tpu.memory_space<semaphore_mem>>
      %dma_start3A = arith.constant 0 : i32
      %dma_start3A_68 = tpu.memref_slice %arg6[%add3A_39, %dma_start3A] : memref<20480x128xf32, #tpu.memory_space<hbm>> -> memref<128x128xf32, #tpu.memory_space<hbm>>
      %dma_start3A_69 = arith.constant 0 : i32
      %dma_start3A_70 = tpu.memref_slice %arg11[%add3A_34, %dma_start3A_69] : memref<10240x128xf32, #tpu.memory_space<vmem_shared>> -> memref<128x128xf32, #tpu.memory_space<vmem_shared>>
      tpu.enqueue_dma source(%dma_start3A_70 : memref<128x128xf32, #tpu.memory_space<vmem_shared>>) target(%dma_start3A_68 : memref<128x128xf32, #tpu.memory_space<hbm>>) target_semaphore(%run_scoped3A : memref<!tpu.dma_semaphore, #tpu.memory_space<semaphore_mem>>)
      %dma_wait3A = arith.constant 0 : i32
      %dma_wait3A_71 = tpu.memref_slice %arg6[%add3A_39, %dma_wait3A] : memref<20480x128xf32, #tpu.memory_space<hbm>> -> memref<128x128xf32, #tpu.memory_space<hbm>>
      %dma_wait3A_72 = arith.constant 0 : i32
      %dma_wait3A_73 = tpu.memref_slice %arg11[%add3A_34, %dma_wait3A_72] : memref<10240x128xf32, #tpu.memory_space<vmem_shared>> -> memref<128x128xf32, #tpu.memory_space<vmem_shared>>
      tpu.wait_dma2 semaphore(%run_scoped3A : memref<!tpu.dma_semaphore, #tpu.memory_space<semaphore_mem>>) src(%dma_wait3A_73 : memref<128x128xf32, #tpu.memory_space<vmem_shared>>) dst(%dma_wait3A_71 : memref<128x128xf32, #tpu.memory_space<hbm>>)
      tpu.yield
    }) : () -> ()
    %add3A_40 = arith.constant 128 : i32
    %add3A_41 = arith.addi %mul3A_15, %add3A_40 : i32
    %mul3A_42 = arith.constant 10240 : i32
    %mul3A_43 = arith.muli %arg0, %mul3A_42 : i32
    %add3A_44 = arith.addi %mul3A_43, %mul3A_15 : i32
    %add3A_45 = arith.constant 128 : i32
    %add3A_46 = arith.addi %add3A_44, %add3A_45 : i32
    "tpu.region"() ({
      %run_scoped3A = tpu.sem_alloc : memref<!tpu.dma_semaphore, #tpu.memory_space<semaphore_mem>>
      %dma_start3A = arith.constant 0 : i32
      %dma_start3A_68 = tpu.memref_slice %arg6[%add3A_46, %dma_start3A] : memref<20480x128xf32, #tpu.memory_space<hbm>> -> memref<128x128xf32, #tpu.memory_space<hbm>>
      %dma_start3A_69 = arith.constant 0 : i32
      %dma_start3A_70 = tpu.memref_slice %arg11[%add3A_41, %dma_start3A_69] : memref<10240x128xf32, #tpu.memory_space<vmem_shared>> -> memref<128x128xf32, #tpu.memory_space<vmem_shared>>
      tpu.enqueue_dma source(%dma_start3A_70 : memref<128x128xf32, #tpu.memory_space<vmem_shared>>) target(%dma_start3A_68 : memref<128x128xf32, #tpu.memory_space<hbm>>) target_semaphore(%run_scoped3A : memref<!tpu.dma_semaphore, #tpu.memory_space<semaphore_mem>>)
      %dma_wait3A = arith.constant 0 : i32
      %dma_wait3A_71 = tpu.memref_slice %arg6[%add3A_46, %dma_wait3A] : memref<20480x128xf32, #tpu.memory_space<hbm>> -> memref<128x128xf32, #tpu.memory_space<hbm>>
      %dma_wait3A_72 = arith.constant 0 : i32
      %dma_wait3A_73 = tpu.memref_slice %arg11[%add3A_41, %dma_wait3A_72] : memref<10240x128xf32, #tpu.memory_space<vmem_shared>> -> memref<128x128xf32, #tpu.memory_space<vmem_shared>>
      tpu.wait_dma2 semaphore(%run_scoped3A : memref<!tpu.dma_semaphore, #tpu.memory_space<semaphore_mem>>) src(%dma_wait3A_73 : memref<128x128xf32, #tpu.memory_space<vmem_shared>>) dst(%dma_wait3A_71 : memref<128x128xf32, #tpu.memory_space<hbm>>)
      tpu.yield
    }) : () -> ()
    %add3A_47 = arith.constant 256 : i32
    %add3A_48 = arith.addi %mul3A_15, %add3A_47 : i32
    %mul3A_49 = arith.constant 10240 : i32
    %mul3A_50 = arith.muli %arg0, %mul3A_49 : i32
    %add3A_51 = arith.addi %mul3A_50, %mul3A_15 : i32
    %add3A_52 = arith.constant 256 : i32
    %add3A_53 = arith.addi %add3A_51, %add3A_52 : i32
    "tpu.region"() ({
      %run_scoped3A = tpu.sem_alloc : memref<!tpu.dma_semaphore, #tpu.memory_space<semaphore_mem>>
      %dma_start3A = arith.constant 0 : i32
      %dma_start3A_68 = tpu.memref_slice %arg6[%add3A_53, %dma_start3A] : memref<20480x128xf32, #tpu.memory_space<hbm>> -> memref<128x128xf32, #tpu.memory_space<hbm>>
      %dma_start3A_69 = arith.constant 0 : i32
      %dma_start3A_70 = tpu.memref_slice %arg11[%add3A_48, %dma_start3A_69] : memref<10240x128xf32, #tpu.memory_space<vmem_shared>> -> memref<128x128xf32, #tpu.memory_space<vmem_shared>>
      tpu.enqueue_dma source(%dma_start3A_70 : memref<128x128xf32, #tpu.memory_space<vmem_shared>>) target(%dma_start3A_68 : memref<128x128xf32, #tpu.memory_space<hbm>>) target_semaphore(%run_scoped3A : memref<!tpu.dma_semaphore, #tpu.memory_space<semaphore_mem>>)
      %dma_wait3A = arith.constant 0 : i32
      %dma_wait3A_71 = tpu.memref_slice %arg6[%add3A_53, %dma_wait3A] : memref<20480x128xf32, #tpu.memory_space<hbm>> -> memref<128x128xf32, #tpu.memory_space<hbm>>
      %dma_wait3A_72 = arith.constant 0 : i32
      %dma_wait3A_73 = tpu.memref_slice %arg11[%add3A_48, %dma_wait3A_72] : memref<10240x128xf32, #tpu.memory_space<vmem_shared>> -> memref<128x128xf32, #tpu.memory_space<vmem_shared>>
      tpu.wait_dma2 semaphore(%run_scoped3A : memref<!tpu.dma_semaphore, #tpu.memory_space<semaphore_mem>>) src(%dma_wait3A_73 : memref<128x128xf32, #tpu.memory_space<vmem_shared>>) dst(%dma_wait3A_71 : memref<128x128xf32, #tpu.memory_space<hbm>>)
      tpu.yield
    }) : () -> ()
    %add3A_54 = arith.constant 384 : i32
    %add3A_55 = arith.addi %mul3A_15, %add3A_54 : i32
    %mul3A_56 = arith.constant 10240 : i32
    %mul3A_57 = arith.muli %arg0, %mul3A_56 : i32
    %add3A_58 = arith.addi %mul3A_57, %mul3A_15 : i32
    %add3A_59 = arith.constant 384 : i32
    %add3A_60 = arith.addi %add3A_58, %add3A_59 : i32
    "tpu.region"() ({
      %run_scoped3A = tpu.sem_alloc : memref<!tpu.dma_semaphore, #tpu.memory_space<semaphore_mem>>
      %dma_start3A = arith.constant 0 : i32
      %dma_start3A_68 = tpu.memref_slice %arg6[%add3A_60, %dma_start3A] : memref<20480x128xf32, #tpu.memory_space<hbm>> -> memref<128x128xf32, #tpu.memory_space<hbm>>
      %dma_start3A_69 = arith.constant 0 : i32
      %dma_start3A_70 = tpu.memref_slice %arg11[%add3A_55, %dma_start3A_69] : memref<10240x128xf32, #tpu.memory_space<vmem_shared>> -> memref<128x128xf32, #tpu.memory_space<vmem_shared>>
      tpu.enqueue_dma source(%dma_start3A_70 : memref<128x128xf32, #tpu.memory_space<vmem_shared>>) target(%dma_start3A_68 : memref<128x128xf32, #tpu.memory_space<hbm>>) target_semaphore(%run_scoped3A : memref<!tpu.dma_semaphore, #tpu.memory_space<semaphore_mem>>)
      %dma_wait3A = arith.constant 0 : i32
      %dma_wait3A_71 = tpu.memref_slice %arg6[%add3A_60, %dma_wait3A] : memref<20480x128xf32, #tpu.memory_space<hbm>> -> memref<128x128xf32, #tpu.memory_space<hbm>>
      %dma_wait3A_72 = arith.constant 0 : i32
      %dma_wait3A_73 = tpu.memref_slice %arg11[%add3A_55, %dma_wait3A_72] : memref<10240x128xf32, #tpu.memory_space<vmem_shared>> -> memref<128x128xf32, #tpu.memory_space<vmem_shared>>
      tpu.wait_dma2 semaphore(%run_scoped3A : memref<!tpu.dma_semaphore, #tpu.memory_space<semaphore_mem>>) src(%dma_wait3A_73 : memref<128x128xf32, #tpu.memory_space<vmem_shared>>) dst(%dma_wait3A_71 : memref<128x128xf32, #tpu.memory_space<hbm>>)
      tpu.yield
    }) : () -> ()
    %add3A_61 = arith.constant 512 : i32
    %add3A_62 = arith.addi %mul3A_15, %add3A_61 : i32
    %mul3A_63 = arith.constant 10240 : i32
    %mul3A_64 = arith.muli %arg0, %mul3A_63 : i32
    %add3A_65 = arith.addi %mul3A_64, %mul3A_15 : i32
    %add3A_66 = arith.constant 512 : i32
    %add3A_67 = arith.addi %add3A_65, %add3A_66 : i32
    "tpu.region"() ({
      %run_scoped3A = tpu.sem_alloc : memref<!tpu.dma_semaphore, #tpu.memory_space<semaphore_mem>>
      %dma_start3A = arith.constant 0 : i32
      %dma_start3A_68 = tpu.memref_slice %arg6[%add3A_67, %dma_start3A] : memref<20480x128xf32, #tpu.memory_space<hbm>> -> memref<128x128xf32, #tpu.memory_space<hbm>>
      %dma_start3A_69 = arith.constant 0 : i32
      %dma_start3A_70 = tpu.memref_slice %arg11[%add3A_62, %dma_start3A_69] : memref<10240x128xf32, #tpu.memory_space<vmem_shared>> -> memref<128x128xf32, #tpu.memory_space<vmem_shared>>
      tpu.enqueue_dma source(%dma_start3A_70 : memref<128x128xf32, #tpu.memory_space<vmem_shared>>) target(%dma_start3A_68 : memref<128x128xf32, #tpu.memory_space<hbm>>) target_semaphore(%run_scoped3A : memref<!tpu.dma_semaphore, #tpu.memory_space<semaphore_mem>>)
      %dma_wait3A = arith.constant 0 : i32
      %dma_wait3A_71 = tpu.memref_slice %arg6[%add3A_67, %dma_wait3A] : memref<20480x128xf32, #tpu.memory_space<hbm>> -> memref<128x128xf32, #tpu.memory_space<hbm>>
      %dma_wait3A_72 = arith.constant 0 : i32
      %dma_wait3A_73 = tpu.memref_slice %arg11[%add3A_62, %dma_wait3A_72] : memref<10240x128xf32, #tpu.memory_space<vmem_shared>> -> memref<128x128xf32, #tpu.memory_space<vmem_shared>>
      tpu.wait_dma2 semaphore(%run_scoped3A : memref<!tpu.dma_semaphore, #tpu.memory_space<semaphore_mem>>) src(%dma_wait3A_73 : memref<128x128xf32, #tpu.memory_space<vmem_shared>>) dst(%dma_wait3A_71 : memref<128x128xf32, #tpu.memory_space<hbm>>)
      tpu.yield
    }) : () -> ()
    return
  }
}

module attributes {stable_mosaic.version = 14 : i64} {
  func.func @_pool_body(%arg0: i32, %arg1: memref<400x256xf32, #tpu.memory_space<vmem>>, %arg2: memref<256x256xf32, #tpu.memory_space<vmem>>, %arg3: memref<1x256xf32, #tpu.memory_space<vmem>>, %arg4: memref<400x256xf32, #tpu.memory_space<vmem>>, %arg5: memref<2x400x128xf32, #tpu.memory_space<vmem>>) attributes {dimension_semantics = [#tpu.dimension_semantics<arbitrary>], iteration_bounds = array<i64: 25>, scalar_prefetch = 0 : i64, scratch_operands = 0 : i64, tpu.core_type = #tpu.core_type<tc>, window_params = [{transform_indices = @transform_0, window_bounds = array<i64: 400, 256>}, {pipeline_mode = #tpu.pipeline_mode<synchronous>, transform_indices = @transform_1, window_bounds = array<i64: 256, 256>}, {pipeline_mode = #tpu.pipeline_mode<synchronous>, transform_indices = @transform_2, window_bounds = array<i64: 1, 256>}, {transform_indices = @transform_3, window_bounds = array<i64: 400, 256>}, {transform_indices = @transform_4, window_bounds = array<i64: 2, 400, 128>}]} {
    %get3A = arith.constant 0 : index
    %get3A_0 = arith.constant 0 : index
    %get3A_1 = vector.load %arg1[%get3A, %get3A_0] : memref<400x256xf32, #tpu.memory_space<vmem>>, vector<400x256xf32>
    %mul3A = arith.mulf %get3A_1, %get3A_1 : vector<400x256xf32>
    %reduce_sum3A = arith.constant dense<0.000000e+00> : vector<400xf32>
    %reduce_sum3A_2 = vector.multi_reduction <add>, %mul3A, %reduce_sum3A [1] : vector<400x256xf32> to vector<400xf32>
    %broadcast_in_dim3A = vector.shape_cast %reduce_sum3A_2 : vector<400xf32> to vector<400x1xf32>
    %sqrt3A = math.sqrt %broadcast_in_dim3A : vector<400x1xf32>
    %max3A = arith.constant 9.99999996E-13 : f32
    %max3A_3 = vector.broadcast %max3A : f32 to vector<400x1xf32>
    %max3A_4 = arith.maximumf %sqrt3A, %max3A_3 : vector<400x1xf32>
    %div3A = vector.broadcast %max3A_4 : vector<400x1xf32> to vector<400x256xf32>
    %div3A_5 = arith.divf %get3A_1, %div3A : vector<400x256xf32>
    %get3A_6 = arith.constant 0 : index
    %get3A_7 = arith.constant 0 : index
    %get3A_8 = vector.load %arg2[%get3A_6, %get3A_7] : memref<256x256xf32, #tpu.memory_space<vmem>>, vector<256x256xf32>
    %dot_general3A = arith.constant dense<0.000000e+00> : vector<400x256xf32>
    %dot_general3A_9 = tpu.matmul %div3A_5, %get3A_8, %dot_general3A {dimension_numbers = #tpu.dot_dimension_numbers<[1], [0], [0], [1], [0, 0, 1, 1], [], []>, transpose_lhs_hint = false} : vector<400x256xf32>, vector<256x256xf32>, vector<400x256xf32> -> vector<400x256xf32>
    %get3A_10 = arith.constant 0 : index
    %get3A_11 = arith.constant 0 : index
    %get3A_12 = vector.load %arg3[%get3A_10, %get3A_11] : memref<1x256xf32, #tpu.memory_space<vmem>>, vector<1x256xf32>
    %add3A = vector.broadcast %get3A_12 : vector<1x256xf32> to vector<400x256xf32>
    %add3A_13 = arith.addf %dot_general3A_9, %add3A : vector<400x256xf32>
    %max3A_14 = arith.constant 0.000000e+00 : f32
    %max3A_15 = vector.broadcast %max3A_14 : f32 to vector<400x256xf32>
    %max3A_16 = arith.maximumf %add3A_13, %max3A_15 : vector<400x256xf32>
    %swap3A = arith.constant 0 : index
    %swap3A_17 = arith.constant 0 : index
    %swap3A_18 = vector.load %arg4[%swap3A, %swap3A_17] : memref<400x256xf32, #tpu.memory_space<vmem>>, vector<400x256xf32>
    tpu.vector_store %arg4[%swap3A, %swap3A_17], %max3A_16 {strides = array<i32>} : memref<400x256xf32, #tpu.memory_space<vmem>>, vector<400x256xf32>,
    %mul3A_19 = arith.mulf %max3A_16, %max3A_16 : vector<400x256xf32>
    %slice3A = vector.extract_strided_slice %mul3A_19 {offsets = [0, 0], sizes = [400, 128], strides = [1, 1]} : vector<400x256xf32> to vector<400x128xf32>
    %swap3A_20 = arith.constant 0 : index
    %swap3A_21 = arith.constant 0 : index
    %swap3A_22 = arith.constant 0 : index
    %swap3A_23 = vector.load %arg5[%swap3A_20, %swap3A_21, %swap3A_22] : memref<2x400x128xf32, #tpu.memory_space<vmem>>, vector<1x400x128xf32>
    %swap3A_24 = vector.shape_cast %swap3A_23 : vector<1x400x128xf32> to vector<400x128xf32>
    %swap3A_25 = vector.shape_cast %slice3A : vector<400x128xf32> to vector<1x400x128xf32>
    tpu.vector_store %arg5[%swap3A_20, %swap3A_21, %swap3A_22], %swap3A_25 {strides = array<i32>} : memref<2x400x128xf32, #tpu.memory_space<vmem>>, vector<1x400x128xf32>,
    %slice3A_26 = vector.extract_strided_slice %mul3A_19 {offsets = [0, 128], sizes = [400, 128], strides = [1, 1]} : vector<400x256xf32> to vector<400x128xf32>
    %swap3A_27 = arith.constant 1 : index
    %swap3A_28 = arith.constant 0 : index
    %swap3A_29 = arith.constant 0 : index
    %swap3A_30 = vector.load %arg5[%swap3A_27, %swap3A_28, %swap3A_29] : memref<2x400x128xf32, #tpu.memory_space<vmem>>, vector<1x400x128xf32>
    %swap3A_31 = vector.shape_cast %swap3A_30 : vector<1x400x128xf32> to vector<400x128xf32>
    %swap3A_32 = vector.shape_cast %slice3A_26 : vector<400x128xf32> to vector<1x400x128xf32>
    tpu.vector_store %arg5[%swap3A_27, %swap3A_28, %swap3A_29], %swap3A_32 {strides = array<i32>} : memref<2x400x128xf32, #tpu.memory_space<vmem>>, vector<1x400x128xf32>,
    return
  }
  func.func @transform_0(%arg0: i32) -> (i32, i32) {
    %c0_i32 = arith.constant 0 : i32
    %c0_i32_0 = arith.constant 0 : i32
    return %arg0, %c0_i32 : i32, i32
  }
  func.func @transform_1(%arg0: i32) -> (i32, i32) {
    %c0_i32 = arith.constant 0 : i32
    %c0_i32_0 = arith.constant 0 : i32
    %c0_i32_1 = arith.constant 0 : i32
    return %c0_i32, %c0_i32_0 : i32, i32
  }
  func.func @transform_2(%arg0: i32) -> (i32, i32) {
    %c0_i32 = arith.constant 0 : i32
    %c0_i32_0 = arith.constant 0 : i32
    %c0_i32_1 = arith.constant 0 : i32
    return %c0_i32, %c0_i32_0 : i32, i32
  }
  func.func @transform_3(%arg0: i32) -> (i32, i32) {
    %c0_i32 = arith.constant 0 : i32
    %c0_i32_0 = arith.constant 0 : i32
    return %arg0, %c0_i32 : i32, i32
  }
  func.func @transform_4(%arg0: i32) -> (i32, i32, i32) {
    %c0_i32 = arith.constant 0 : i32
    %c0_i32_0 = arith.constant 0 : i32
    %c0_i32_1 = arith.constant 0 : i32
    return %c0_i32, %arg0, %c0_i32_0 : i32, i32, i32
  }
}

module attributes {stable_mosaic.version = 14 : i64} {
  func.func @_mid_body(%arg0: i32, %arg1: memref<400x256xf32, #tpu.memory_space<vmem>>, %arg2: memref<400x128xf32, #tpu.memory_space<vmem>>, %arg3: memref<400x128xf32, #tpu.memory_space<vmem>>, %arg4: memref<256x256xf32, #tpu.memory_space<vmem>>, %arg5: memref<128x256xf32, #tpu.memory_space<vmem>>, %arg6: memref<128x256xf32, #tpu.memory_space<vmem>>, %arg7: memref<1x256xf32, #tpu.memory_space<vmem>>, %arg8: memref<256x256xf32, #tpu.memory_space<vmem>>, %arg9: memref<1x256xf32, #tpu.memory_space<vmem>>, %arg10: memref<400x256xf32, #tpu.memory_space<vmem>>, %arg11: memref<2x400x128xf32, #tpu.memory_space<vmem>>) attributes {dimension_semantics = [#tpu.dimension_semantics<arbitrary>], iteration_bounds = array<i64: 25>, scalar_prefetch = 0 : i64, scratch_operands = 0 : i64, tpu.core_type = #tpu.core_type<tc>, window_params = [{transform_indices = @transform_0, window_bounds = array<i64: 400, 256>}, {transform_indices = @transform_1, window_bounds = array<i64: 400, 128>}, {transform_indices = @transform_2, window_bounds = array<i64: 400, 128>}, {pipeline_mode = #tpu.pipeline_mode<synchronous>, transform_indices = @transform_3, window_bounds = array<i64: 256, 256>}, {pipeline_mode = #tpu.pipeline_mode<synchronous>, transform_indices = @transform_4, window_bounds = array<i64: 128, 256>}, {pipeline_mode = #tpu.pipeline_mode<synchronous>, transform_indices = @transform_5, window_bounds = array<i64: 128, 256>}, {pipeline_mode = #tpu.pipeline_mode<synchronous>, transform_indices = @transform_6, window_bounds = array<i64: 1, 256>}, {pipeline_mode = #tpu.pipeline_mode<synchronous>, transform_indices = @transform_7, window_bounds = array<i64: 256, 256>}, {pipeline_mode = #tpu.pipeline_mode<synchronous>, transform_indices = @transform_8, window_bounds = array<i64: 1, 256>}, {transform_indices = @transform_9, window_bounds = array<i64: 400, 256>}, {transform_indices = @transform_10, window_bounds = array<i64: 2, 400, 128>}]} {
    %get3A = arith.constant 0 : index
    %get3A_0 = arith.constant 0 : index
    %get3A_1 = vector.load %arg1[%get3A, %get3A_0] : memref<400x256xf32, #tpu.memory_space<vmem>>, vector<400x256xf32>
    %get3A_2 = arith.constant 0 : index
    %get3A_3 = arith.constant 0 : index
    %get3A_4 = vector.load %arg4[%get3A_2, %get3A_3] : memref<256x256xf32, #tpu.memory_space<vmem>>, vector<256x256xf32>
    %dot_general3A = arith.constant dense<0.000000e+00> : vector<400x256xf32>
    %dot_general3A_5 = tpu.matmul %get3A_1, %get3A_4, %dot_general3A {dimension_numbers = #tpu.dot_dimension_numbers<[1], [0], [0], [1], [0, 0, 1, 1], [], []>, transpose_lhs_hint = false} : vector<400x256xf32>, vector<256x256xf32>, vector<400x256xf32> -> vector<400x256xf32>
    %get3A_6 = arith.constant 0 : index
    %get3A_7 = arith.constant 0 : index
    %get3A_8 = vector.load %arg2[%get3A_6, %get3A_7] : memref<400x128xf32, #tpu.memory_space<vmem>>, vector<400x128xf32>
    %sqrt3A = math.sqrt %get3A_8 : vector<400x128xf32>
    %get3A_9 = arith.constant 0 : index
    %get3A_10 = arith.constant 0 : index
    %get3A_11 = vector.load %arg5[%get3A_9, %get3A_10] : memref<128x256xf32, #tpu.memory_space<vmem>>, vector<128x256xf32>
    %dot_general3A_12 = arith.constant dense<0.000000e+00> : vector<400x256xf32>
    %dot_general3A_13 = tpu.matmul %sqrt3A, %get3A_11, %dot_general3A_12 {dimension_numbers = #tpu.dot_dimension_numbers<[1], [0], [0], [1], [0, 0, 1, 1], [], []>, transpose_lhs_hint = false} : vector<400x128xf32>, vector<128x256xf32>, vector<400x256xf32> -> vector<400x256xf32>
    %add3A = arith.addf %dot_general3A_5, %dot_general3A_13 : vector<400x256xf32>
    %get3A_14 = arith.constant 0 : index
    %get3A_15 = arith.constant 0 : index
    %get3A_16 = vector.load %arg3[%get3A_14, %get3A_15] : memref<400x128xf32, #tpu.memory_space<vmem>>, vector<400x128xf32>
    %sqrt3A_17 = math.sqrt %get3A_16 : vector<400x128xf32>
    %get3A_18 = arith.constant 0 : index
    %get3A_19 = arith.constant 0 : index
    %get3A_20 = vector.load %arg6[%get3A_18, %get3A_19] : memref<128x256xf32, #tpu.memory_space<vmem>>, vector<128x256xf32>
    %dot_general3A_21 = arith.constant dense<0.000000e+00> : vector<400x256xf32>
    %dot_general3A_22 = tpu.matmul %sqrt3A_17, %get3A_20, %dot_general3A_21 {dimension_numbers = #tpu.dot_dimension_numbers<[1], [0], [0], [1], [0, 0, 1, 1], [], []>, transpose_lhs_hint = false} : vector<400x128xf32>, vector<128x256xf32>, vector<400x256xf32> -> vector<400x256xf32>
    %add3A_23 = arith.addf %add3A, %dot_general3A_22 : vector<400x256xf32>
    %get3A_24 = arith.constant 0 : index
    %get3A_25 = arith.constant 0 : index
    %get3A_26 = vector.load %arg7[%get3A_24, %get3A_25] : memref<1x256xf32, #tpu.memory_space<vmem>>, vector<1x256xf32>
    %add3A_27 = vector.broadcast %get3A_26 : vector<1x256xf32> to vector<400x256xf32>
    %add3A_28 = arith.addf %add3A_23, %add3A_27 : vector<400x256xf32>
    %max3A = arith.constant 0.000000e+00 : f32
    %max3A_29 = vector.broadcast %max3A : f32 to vector<400x256xf32>
    %max3A_30 = arith.maximumf %add3A_28, %max3A_29 : vector<400x256xf32>
    %mul3A = arith.mulf %max3A_30, %max3A_30 : vector<400x256xf32>
    %reduce_sum3A = arith.constant dense<0.000000e+00> : vector<400xf32>
    %reduce_sum3A_31 = vector.multi_reduction <add>, %mul3A, %reduce_sum3A [1] : vector<400x256xf32> to vector<400xf32>
    %broadcast_in_dim3A = vector.shape_cast %reduce_sum3A_31 : vector<400xf32> to vector<400x1xf32>
    %sqrt3A_32 = math.sqrt %broadcast_in_dim3A : vector<400x1xf32>
    %max3A_33 = arith.constant 9.99999996E-13 : f32
    %max3A_34 = vector.broadcast %max3A_33 : f32 to vector<400x1xf32>
    %max3A_35 = arith.maximumf %sqrt3A_32, %max3A_34 : vector<400x1xf32>
    %div3A = vector.broadcast %max3A_35 : vector<400x1xf32> to vector<400x256xf32>
    %div3A_36 = arith.divf %max3A_30, %div3A : vector<400x256xf32>
    %get3A_37 = arith.constant 0 : index
    %get3A_38 = arith.constant 0 : index
    %get3A_39 = vector.load %arg8[%get3A_37, %get3A_38] : memref<256x256xf32, #tpu.memory_space<vmem>>, vector<256x256xf32>
    %dot_general3A_40 = arith.constant dense<0.000000e+00> : vector<400x256xf32>
    %dot_general3A_41 = tpu.matmul %div3A_36, %get3A_39, %dot_general3A_40 {dimension_numbers = #tpu.dot_dimension_numbers<[1], [0], [0], [1], [0, 0, 1, 1], [], []>, transpose_lhs_hint = false} : vector<400x256xf32>, vector<256x256xf32>, vector<400x256xf32> -> vector<400x256xf32>
    %get3A_42 = arith.constant 0 : index
    %get3A_43 = arith.constant 0 : index
    %get3A_44 = vector.load %arg9[%get3A_42, %get3A_43] : memref<1x256xf32, #tpu.memory_space<vmem>>, vector<1x256xf32>
    %add3A_45 = vector.broadcast %get3A_44 : vector<1x256xf32> to vector<400x256xf32>
    %add3A_46 = arith.addf %dot_general3A_41, %add3A_45 : vector<400x256xf32>
    %max3A_47 = arith.constant 0.000000e+00 : f32
    %max3A_48 = vector.broadcast %max3A_47 : f32 to vector<400x256xf32>
    %max3A_49 = arith.maximumf %add3A_46, %max3A_48 : vector<400x256xf32>
    %swap3A = arith.constant 0 : index
    %swap3A_50 = arith.constant 0 : index
    %swap3A_51 = vector.load %arg10[%swap3A, %swap3A_50] : memref<400x256xf32, #tpu.memory_space<vmem>>, vector<400x256xf32>
    tpu.vector_store %arg10[%swap3A, %swap3A_50], %max3A_49 {strides = array<i32>} : memref<400x256xf32, #tpu.memory_space<vmem>>, vector<400x256xf32>,
    %mul3A_52 = arith.mulf %max3A_49, %max3A_49 : vector<400x256xf32>
    %slice3A = vector.extract_strided_slice %mul3A_52 {offsets = [0, 0], sizes = [400, 128], strides = [1, 1]} : vector<400x256xf32> to vector<400x128xf32>
    %swap3A_53 = arith.constant 0 : index
    %swap3A_54 = arith.constant 0 : index
    %swap3A_55 = arith.constant 0 : index
    %swap3A_56 = vector.load %arg11[%swap3A_53, %swap3A_54, %swap3A_55] : memref<2x400x128xf32, #tpu.memory_space<vmem>>, vector<1x400x128xf32>
    %swap3A_57 = vector.shape_cast %swap3A_56 : vector<1x400x128xf32> to vector<400x128xf32>
    %swap3A_58 = vector.shape_cast %slice3A : vector<400x128xf32> to vector<1x400x128xf32>
    tpu.vector_store %arg11[%swap3A_53, %swap3A_54, %swap3A_55], %swap3A_58 {strides = array<i32>} : memref<2x400x128xf32, #tpu.memory_space<vmem>>, vector<1x400x128xf32>,
    %slice3A_59 = vector.extract_strided_slice %mul3A_52 {offsets = [0, 128], sizes = [400, 128], strides = [1, 1]} : vector<400x256xf32> to vector<400x128xf32>
    %swap3A_60 = arith.constant 1 : index
    %swap3A_61 = arith.constant 0 : index
    %swap3A_62 = arith.constant 0 : index
    %swap3A_63 = vector.load %arg11[%swap3A_60, %swap3A_61, %swap3A_62] : memref<2x400x128xf32, #tpu.memory_space<vmem>>, vector<1x400x128xf32>
    %swap3A_64 = vector.shape_cast %swap3A_63 : vector<1x400x128xf32> to vector<400x128xf32>
    %swap3A_65 = vector.shape_cast %slice3A_59 : vector<400x128xf32> to vector<1x400x128xf32>
    tpu.vector_store %arg11[%swap3A_60, %swap3A_61, %swap3A_62], %swap3A_65 {strides = array<i32>} : memref<2x400x128xf32, #tpu.memory_space<vmem>>, vector<1x400x128xf32>,
    return
  }
  func.func @transform_0(%arg0: i32) -> (i32, i32) {
    %c0_i32 = arith.constant 0 : i32
    %c0_i32_0 = arith.constant 0 : i32
    return %arg0, %c0_i32 : i32, i32
  }
  func.func @transform_1(%arg0: i32) -> (i32, i32) {
    %c0_i32 = arith.constant 0 : i32
    %c0_i32_0 = arith.constant 0 : i32
    return %arg0, %c0_i32 : i32, i32
  }
  func.func @transform_2(%arg0: i32) -> (i32, i32) {
    %c0_i32 = arith.constant 0 : i32
    %c0_i32_0 = arith.constant 0 : i32
    return %arg0, %c0_i32 : i32, i32
  }
  func.func @transform_3(%arg0: i32) -> (i32, i32) {
    %c0_i32 = arith.constant 0 : i32
    %c0_i32_0 = arith.constant 0 : i32
    %c0_i32_1 = arith.constant 0 : i32
    return %c0_i32, %c0_i32_0 : i32, i32
  }
  func.func @transform_4(%arg0: i32) -> (i32, i32) {
    %c0_i32 = arith.constant 0 : i32
    %c0_i32_0 = arith.constant 0 : i32
    %c0_i32_1 = arith.constant 0 : i32
    return %c0_i32, %c0_i32_0 : i32, i32
  }
  func.func @transform_5(%arg0: i32) -> (i32, i32) {
    %c0_i32 = arith.constant 0 : i32
    %c0_i32_0 = arith.constant 0 : i32
    %c0_i32_1 = arith.constant 0 : i32
    return %c0_i32, %c0_i32_0 : i32, i32
  }
  func.func @transform_6(%arg0: i32) -> (i32, i32) {
    %c0_i32 = arith.constant 0 : i32
    %c0_i32_0 = arith.constant 0 : i32
    %c0_i32_1 = arith.constant 0 : i32
    return %c0_i32, %c0_i32_0 : i32, i32
  }
  func.func @transform_7(%arg0: i32) -> (i32, i32) {
    %c0_i32 = arith.constant 0 : i32
    %c0_i32_0 = arith.constant 0 : i32
    %c0_i32_1 = arith.constant 0 : i32
    return %c0_i32, %c0_i32_0 : i32, i32
  }
  func.func @transform_8(%arg0: i32) -> (i32, i32) {
    %c0_i32 = arith.constant 0 : i32
    %c0_i32_0 = arith.constant 0 : i32
    %c0_i32_1 = arith.constant 0 : i32
    return %c0_i32, %c0_i32_0 : i32, i32
  }
  func.func @transform_9(%arg0: i32) -> (i32, i32) {
    %c0_i32 = arith.constant 0 : i32
    %c0_i32_0 = arith.constant 0 : i32
    return %arg0, %c0_i32 : i32, i32
  }
  func.func @transform_10(%arg0: i32) -> (i32, i32, i32) {
    %c0_i32 = arith.constant 0 : i32
    %c0_i32_0 = arith.constant 0 : i32
    %c0_i32_1 = arith.constant 0 : i32
    return %c0_i32, %arg0, %c0_i32_0 : i32, i32, i32
  }
}

module attributes {stable_mosaic.version = 14 : i64} {
  func.func @_final_body(%arg0: i32, %arg1: memref<400x256xf32, #tpu.memory_space<vmem>>, %arg2: memref<400x128xf32, #tpu.memory_space<vmem>>, %arg3: memref<400x128xf32, #tpu.memory_space<vmem>>, %arg4: memref<256x256xf32, #tpu.memory_space<vmem>>, %arg5: memref<128x256xf32, #tpu.memory_space<vmem>>, %arg6: memref<128x256xf32, #tpu.memory_space<vmem>>, %arg7: memref<1x256xf32, #tpu.memory_space<vmem>>, %arg8: memref<400x256xf32, #tpu.memory_space<vmem>>) attributes {dimension_semantics = [#tpu.dimension_semantics<arbitrary>], iteration_bounds = array<i64: 25>, scalar_prefetch = 0 : i64, scratch_operands = 0 : i64, tpu.core_type = #tpu.core_type<tc>, window_params = [{transform_indices = @transform_0, window_bounds = array<i64: 400, 256>}, {transform_indices = @transform_1, window_bounds = array<i64: 400, 128>}, {transform_indices = @transform_2, window_bounds = array<i64: 400, 128>}, {pipeline_mode = #tpu.pipeline_mode<synchronous>, transform_indices = @transform_3, window_bounds = array<i64: 256, 256>}, {pipeline_mode = #tpu.pipeline_mode<synchronous>, transform_indices = @transform_4, window_bounds = array<i64: 128, 256>}, {pipeline_mode = #tpu.pipeline_mode<synchronous>, transform_indices = @transform_5, window_bounds = array<i64: 128, 256>}, {pipeline_mode = #tpu.pipeline_mode<synchronous>, transform_indices = @transform_6, window_bounds = array<i64: 1, 256>}, {transform_indices = @transform_7, window_bounds = array<i64: 400, 256>}]} {
    %get3A = arith.constant 0 : index
    %get3A_0 = arith.constant 0 : index
    %get3A_1 = vector.load %arg1[%get3A, %get3A_0] : memref<400x256xf32, #tpu.memory_space<vmem>>, vector<400x256xf32>
    %get3A_2 = arith.constant 0 : index
    %get3A_3 = arith.constant 0 : index
    %get3A_4 = vector.load %arg4[%get3A_2, %get3A_3] : memref<256x256xf32, #tpu.memory_space<vmem>>, vector<256x256xf32>
    %dot_general3A = arith.constant dense<0.000000e+00> : vector<400x256xf32>
    %dot_general3A_5 = tpu.matmul %get3A_1, %get3A_4, %dot_general3A {dimension_numbers = #tpu.dot_dimension_numbers<[1], [0], [0], [1], [0, 0, 1, 1], [], []>, transpose_lhs_hint = false} : vector<400x256xf32>, vector<256x256xf32>, vector<400x256xf32> -> vector<400x256xf32>
    %get3A_6 = arith.constant 0 : index
    %get3A_7 = arith.constant 0 : index
    %get3A_8 = vector.load %arg2[%get3A_6, %get3A_7] : memref<400x128xf32, #tpu.memory_space<vmem>>, vector<400x128xf32>
    %sqrt3A = math.sqrt %get3A_8 : vector<400x128xf32>
    %get3A_9 = arith.constant 0 : index
    %get3A_10 = arith.constant 0 : index
    %get3A_11 = vector.load %arg5[%get3A_9, %get3A_10] : memref<128x256xf32, #tpu.memory_space<vmem>>, vector<128x256xf32>
    %dot_general3A_12 = arith.constant dense<0.000000e+00> : vector<400x256xf32>
    %dot_general3A_13 = tpu.matmul %sqrt3A, %get3A_11, %dot_general3A_12 {dimension_numbers = #tpu.dot_dimension_numbers<[1], [0], [0], [1], [0, 0, 1, 1], [], []>, transpose_lhs_hint = false} : vector<400x128xf32>, vector<128x256xf32>, vector<400x256xf32> -> vector<400x256xf32>
    %add3A = arith.addf %dot_general3A_5, %dot_general3A_13 : vector<400x256xf32>
    %get3A_14 = arith.constant 0 : index
    %get3A_15 = arith.constant 0 : index
    %get3A_16 = vector.load %arg3[%get3A_14, %get3A_15] : memref<400x128xf32, #tpu.memory_space<vmem>>, vector<400x128xf32>
    %sqrt3A_17 = math.sqrt %get3A_16 : vector<400x128xf32>
    %get3A_18 = arith.constant 0 : index
    %get3A_19 = arith.constant 0 : index
    %get3A_20 = vector.load %arg6[%get3A_18, %get3A_19] : memref<128x256xf32, #tpu.memory_space<vmem>>, vector<128x256xf32>
    %dot_general3A_21 = arith.constant dense<0.000000e+00> : vector<400x256xf32>
    %dot_general3A_22 = tpu.matmul %sqrt3A_17, %get3A_20, %dot_general3A_21 {dimension_numbers = #tpu.dot_dimension_numbers<[1], [0], [0], [1], [0, 0, 1, 1], [], []>, transpose_lhs_hint = false} : vector<400x128xf32>, vector<128x256xf32>, vector<400x256xf32> -> vector<400x256xf32>
    %add3A_23 = arith.addf %add3A, %dot_general3A_22 : vector<400x256xf32>
    %get3A_24 = arith.constant 0 : index
    %get3A_25 = arith.constant 0 : index
    %get3A_26 = vector.load %arg7[%get3A_24, %get3A_25] : memref<1x256xf32, #tpu.memory_space<vmem>>, vector<1x256xf32>
    %add3A_27 = vector.broadcast %get3A_26 : vector<1x256xf32> to vector<400x256xf32>
    %add3A_28 = arith.addf %add3A_23, %add3A_27 : vector<400x256xf32>
    %swap3A = arith.constant 0 : index
    %swap3A_29 = arith.constant 0 : index
    %swap3A_30 = vector.load %arg8[%swap3A, %swap3A_29] : memref<400x256xf32, #tpu.memory_space<vmem>>, vector<400x256xf32>
    tpu.vector_store %arg8[%swap3A, %swap3A_29], %add3A_28 {strides = array<i32>} : memref<400x256xf32, #tpu.memory_space<vmem>>, vector<400x256xf32>,
    return
  }
  func.func @transform_0(%arg0: i32) -> (i32, i32) {
    %c0_i32 = arith.constant 0 : i32
    %c0_i32_0 = arith.constant 0 : i32
    return %arg0, %c0_i32 : i32, i32
  }
  func.func @transform_1(%arg0: i32) -> (i32, i32) {
    %c0_i32 = arith.constant 0 : i32
    %c0_i32_0 = arith.constant 0 : i32
    return %arg0, %c0_i32 : i32, i32
  }
  func.func @transform_2(%arg0: i32) -> (i32, i32) {
    %c0_i32 = arith.constant 0 : i32
    %c0_i32_0 = arith.constant 0 : i32
    return %arg0, %c0_i32 : i32, i32
  }
  func.func @transform_3(%arg0: i32) -> (i32, i32) {
    %c0_i32 = arith.constant 0 : i32
    %c0_i32_0 = arith.constant 0 : i32
    %c0_i32_1 = arith.constant 0 : i32
    return %c0_i32, %c0_i32_0 : i32, i32
  }
  func.func @transform_4(%arg0: i32) -> (i32, i32) {
    %c0_i32 = arith.constant 0 : i32
    %c0_i32_0 = arith.constant 0 : i32
    %c0_i32_1 = arith.constant 0 : i32
    return %c0_i32, %c0_i32_0 : i32, i32
  }
  func.func @transform_5(%arg0: i32) -> (i32, i32) {
    %c0_i32 = arith.constant 0 : i32
    %c0_i32_0 = arith.constant 0 : i32
    %c0_i32_1 = arith.constant 0 : i32
    return %c0_i32, %c0_i32_0 : i32, i32
  }
  func.func @transform_6(%arg0: i32) -> (i32, i32) {
    %c0_i32 = arith.constant 0 : i32
    %c0_i32_0 = arith.constant 0 : i32
    %c0_i32_1 = arith.constant 0 : i32
    return %c0_i32, %c0_i32_0 : i32, i32
  }
  func.func @transform_7(%arg0: i32) -> (i32, i32) {
    %c0_i32 = arith.constant 0 : i32
    %c0_i32_0 = arith.constant 0 : i32
    return %arg0, %c0_i32 : i32, i32
  }
}

</mosaic_0001>

<sc_bundles>
// kernel: kernel.10.cloned.1.call-start
scs
__scs_entry_jumppad:
0x0: {  	(pc) =	sbr.rel $0x88, $3  }
0x1: {  	(tag) =	ssettag $0x0;
	lr =	simm.s32 $0x1  }
0x2: {  	[smem:$0x3F92] =	sst lr;
	_ =	strace $0xD0000000  }
0x3: {  	_ = 	snop  }
0x4: {  	_ = 	snop  }
0x5: {  	_ = 	snop  }
0x6: {  	_ = 	snop  }
0x7: {  	_ = 	snop  }
__scs_overlays_trampoline_lowered:
0x8: {  	[smem:$0x3FA1] =	sst s0  }
0x9: {  	[smem:$0x3FA2] =	sst s1  }
0xa: {  	[smem:$0x3FA3] =	sst s2  }
0xb: {  	[smem:$0x3FA4] =	sst s3  }
0xc: {  	[smem:$0x3FA5] =	sst s4  }
0xd: {  	[smem:$0x3FA6] =	sst s5  }
0xe: {  	[smem:$0x3FA7] =	sst s6  }
0xf: {  	[smem:$0x3FA8] =	sst s7  }
0x10: {  	[smem:$0x3FA9] =	sst s8  }
0x11: {  	[smem:$0x3FAA] =	sst s9;
	s0 =	simm.s32 @!p0 $0x0  }
0x12: {  	s1 =	sld [smem:$0x3F90];
	s0 =	simm.s32 @p0 $0x1  }
0x13: {  	[smem:$0x3FAB] =	sst s0;
	s0 =	simm.s32 @!p1 $0x0  }
0x14: {  	s2 =	sld [smem:$0x3F8F];
	s0 =	simm.s32 @p1 $0x1  }
0x15: {  	[smem:$0x3FAC] =	sst s0;
	s0 =	simm.s32 @!p2 $0x0  }
0x16: {  	s3 =	sld [smem:$0x3FDB];
	s0 =	simm.s32 @p2 $0x1  }
0x17: {  	s4 =	simm.s32 $0x1BF5;
	[smem:$0x3FAE] =	sst s0  }
0x18: {  	s0 =	sld [smem:$0x3F91];
	_ =	swait.ge [sflag:s4], $0x0  }
0x19: {  	s7 =	sld [smem:$0x3F92]  }
0x1a: {  	s8 =	sadd.s32 $0xFFFFE003, lr  }
0x1b: {  	s9 =	sadd.s32 $0xFFFFFEF7, lr;
	s5 =	simm.s32 $0xFFFFFFFF;
	p2 =	slt.u32 s8, $0xFFFFF086  }
0x1c: {  	p1 =	slt.u32 s9, $0xF7A;
	s5 =	simm.s32 @!p2 $0x0  }
0x1d: {  	s5 =	simm.s32 @p1 $0x1;
	p0 =	seq.s32 s7, s2  }
0x1e: {  	s7 =	smul.u32 @!p0 $0xF7A, s2;
	p2 =	seq.s32 @!p0 s5, $0x0  }
0x1f: {  	s9 =	smul.u32 $0xF7A, s1;
	s8 =	simm.s32 @!p0 $0x1BF5;
	p2 =	por !p2, p0  }
0x20: {  	[sflag:s8] =	ssyncset.s32 @!p0 $0xFFFFF086;
	s6 =	sadd.s32 @!p0 s3, s7;
	s7 =	simm.s32 @!p0 $0x108  }
0x21: {  	s3 =	sadd.s32 s3, s9;
	s6 =	sadd.s32 @!p0 $0x88, s6;
	s7 =	simm.s32 @p2 $0x1082  }
0x22: {  	[simem:s7], [sflag:s8] =	dma.local @!p0 [hbm:s6], $0xF7A  }
0x23: {  	s9 =	sor.u32 $0xD0000000, s2;
	s6 =	simm.s32 $0x108;
	_ =	swait.ge @!p0 [sflag:s8], $0x0  }
0x24: {  	s3 =	sadd.s32 $0x88, s3;
	s6 =	simm.s32 @!p1 $0x1082;
	[sflag:s4] =	ssyncset.s32 $0xFFFFF086  }
0x25: {  	[simem:s6], [sflag:s4] =	dma.local [hbm:s3], $0xF7A  }
0x26: {  	[smem:$0x3F92] =	sst s1;
	(tag) =	ssettag s2;
	_ =	strace s9  }
0x27: {  	s1 =	sld [smem:$0x3FA2]  }
0x28: {  	s2 =	sld [smem:$0x3FA3]  }
0x29: {  	s4 =	sld [smem:$0x3FA5]  }
0x2a: {  	p0 =	seq.s32 s5, $0x0;
	s5 =	sld [smem:$0x3FA6]  }
0x2b: {  	s6 =	sld [smem:$0x3FA7]  }
0x2c: {  	s7 =	sld [smem:$0x3FA8]  }
0x2d: {  	s3 =	simm.s32 $0x108;
	s8 =	sld [smem:$0x3FA9]  }
0x2e: {  	s3 =	simm.s32 @!p0 $0x1082;
	s9 =	sld [smem:$0x3FAA]  }
0x2f: {  	lr =	sadd.s32 s0, s3;
	s0 =	sld [smem:$0x3FA1]  }
0x30: {  	s3 =	sld [smem:$0x3FA4]  }
0x31: {  	[smem:$0x3FAD] =	sst s10  }
0x32: {  	s10 =	sld [smem:$0x3FAB];
	_ =	sdelay $0x3  }
0x33: {  	p0 =	seq.s32 s10, $0x1;
	s10 =	sld [smem:$0x3FAD];
	_ =	sdelay $0x3  }
0x34: {  	[smem:$0x3FAD] =	sst s10  }
0x35: {  	s10 =	sld [smem:$0x3FAC];
	_ =	sdelay $0x3  }
0x36: {  	p1 =	seq.s32 s10, $0x1;
	s10 =	sld [smem:$0x3FAD];
	_ =	sdelay $0x3  }
0x37: {  	[smem:$0x3FAD] =	sst s10  }
0x38: {  	s10 =	sld [smem:$0x3FAE]  }
0x39: {  	_ = 	snop;
	(pc) =	sbr.ind lr, $3  }
0x3a: {  	_ = 	snop  }
0x3b: {  	_ = 	snop  }
0x3c: {  	p2 =	seq.s32 s10, $0x1;
	s10 =	sld [smem:$0x3FAD]  }
0x3d: {  	_ =	shalt  }
0x3e: {  	_ =	shalt  }
0x3f: {  	_ =	shalt  }
0x40: {  	_ =	shalt  }
0x41: {  	_ =	shalt  }
0x42: {  	_ =	shalt  }
0x43: {  	_ =	shalt  }
0x44: {  	_ =	shalt  }
0x45: {  	_ =	shalt  }
0x46: {  	_ =	shalt  }
0x47: {  	_ =	shalt  }
0x48: {  	_ =	shalt  }
0x49: {  	_ =	shalt  }
0x4a: {  	_ =	shalt  }
0x4b: {  	_ =	shalt  }
0x4c: {  	_ =	shalt  }
0x4d: {  	_ =	shalt  }
0x4e: {  	_ =	shalt  }
0x4f: {  	_ =	shalt  }
0x50: {  	_ =	shalt  }
0x51: {  	_ =	shalt  }
0x52: {  	_ =	shalt  }
0x53: {  	_ =	shalt  }
0x54: {  	_ =	shalt  }
0x55: {  	_ =	shalt  }
0x56: {  	_ =	shalt  }
0x57: {  	_ =	shalt  }
0x58: {  	_ =	shalt  }
0x59: {  	_ =	shalt  }
0x5a: {  	_ =	shalt  }
0x5b: {  	_ =	shalt  }
0x5c: {  	_ =	shalt  }
0x5d: {  	_ =	shalt  }
0x5e: {  	_ =	shalt  }
0x5f: {  	_ =	shalt  }
0x60: {  	_ =	shalt  }
0x61: {  	_ =	shalt  }
0x62: {  	_ =	shalt  }
0x63: {  	_ =	shalt  }
0x64: {  	_ =	shalt  }
0x65: {  	_ =	shalt  }
0x66: {  	_ =	shalt  }
0x67: {  	_ =	shalt  }
0x68: {  	_ =	shalt  }
0x69: {  	_ =	shalt  }
0x6a: {  	_ =	shalt  }
0x6b: {  	_ =	shalt  }
0x6c: {  	_ =	shalt  }
0x6d: {  	_ =	shalt  }
0x6e: {  	_ =	shalt  }
0x6f: {  	_ =	shalt  }
0x70: {  	_ =	shalt  }
0x71: {  	_ =	shalt  }
0x72: {  	_ =	shalt  }
0x73: {  	_ =	shalt  }
0x74: {  	_ =	shalt  }
0x75: {  	_ =	shalt  }
0x76: {  	_ =	shalt  }
0x77: {  	_ =	shalt  }
0x78: {  	_ =	shalt  }
0x79: {  	_ =	shalt  }
0x7a: {  	_ =	shalt  }
0x7b: {  	_ =	shalt  }
0x7c: {  	_ =	shalt  }
0x7d: {  	_ =	shalt  }
0x7e: {  	_ =	shalt  }
0x7f: {  	_ =	shalt  }
0x80: {  	_ =	shalt  }
0x81: {  	_ =	shalt  }
0x82: {  	_ =	shalt  }
0x83: {  	_ =	shalt  }
0x84: {  	_ =	shalt  }
0x85: {  	_ =	shalt  }
0x86: {  	_ =	shalt  }
0x87: {  	_ =	shalt  }
.Lfunc_end0:
.L_simem_size_0:
called_computation.1_lowered:
.L_overlay_start_0:
0x88: {  	s2 =	sld [smem:$0x3FD9]  }
0x89: {  	s3 =	sld [smem:$0x3FFE];
	_ =	sdelay $0x1  }
0x8a: {  	s1 =	srdreg.scid  }
0x8b: {  	s0 =	sand.u32 $0x1, s1  }
0x8c: {  	s16 =	sshll.u32 s0, $0xA;
	s2 =	sadd.s32 s3, s2  }
0x8d: {  	s2 =	sadd.s32 s2, s16  }
0x8e: {  	[smem:$0x3FB9] =	sst s2  }
0x8f: {  	_ = 	snop  }
0x90: {  	(tm) =	ssettm $0x1  }
0x91: {  	s17 =	sld [smem:$0x3FFB];
	_ =	sdelay $0x3  }
0x92: {  	_ =	strace s17  }
0x93: {  	s2 =	sld [smem:$0x3FFC];
	_ =	sdelay $0x3  }
0x94: {  	_ =	strace s2  }
0x95: {  	s2 =	sld [smem:$0x3FFD];
	_ =	sdelay $0x3  }
0x96: {  	_ =	strace s2  }
0x97: {  	_ =	strace $0x8FFFFFFF  }
0x98: {  	s18 =	sld [smem:$0x3FDB];
	_ =	sdelay $0x1  }
0x99: {  	s19 =	simm.s32 $_scs_section_size  }
0x9a: {  	s4 =	simm.s32 $_size__tile_overlayer_lowered;
	s5 =	simm.s32 $_tile_overlayer_lowered  }
0x9b: {  	s22 =	simm.s32 $0x1BFF;
	s21 =	sshll.u32 s5, $0x1;
	s2 =	sadd.s32 s19, s18  }
0x9c: {  	s6 =	simm.s32 $0x0;
	s20 =	sshll.u32 s4, $0x1;
	s4 =	sadd.s32 s21, s2  }
0x9d: {  	[timem:s6], [sflag:s22] =	dma.local [hbm:s4], s20  }
0x9e: {  	_ =	swait.ge [sflag:s22], s20  }
0x9f: {  	s3 =	ssub.s32 $0x0, s20;
	[sflag:s22] =	ssyncset.done $0x0  }
0xa0: {  	[sflag:s22] =	ssyncadd.s32 s3;
	_ =	sdelay $0x1  }
0xa1: {  	s23 =	simm.s32 $0x1B8B  }
0xa2: {  	_ =	swait.ge [sflag:s23], $0x1  }
0xa3: {  	[sflag:s23] =	ssyncset.done $0x0  }
0xa4: {  	s25 =	simm.s32 $0x1B8E;
	s24 =	sld [smem:$0x3FFE];
	[sflag:s23] =	ssyncadd.s32 $0xFFFFFFFF  }
0xa5: {  	s26 =	simm.s32 $execute0_lowered;
	[smem:$0x3FD2] =	sst s25  }
0xa6: {  	s4 =	sshll.u32 s26, $0x1;
	_ =	strace $0x80000049;
	[dreg:$0x1] =	wrdreg $0xFFFFFFFF  }
0xa7: {  	s28 =	simm.s32 $_size_execute0_lowered;
	s2 =	sadd.s32 s2, s4;
	[dreg:$0x0] =	wrdreg $0x0  }
0xa8: {  	s4 =	sshll.u32 s28, $0x1;
	[dreg:$0x2] =	wrdreg s2  }
0xa9: {  	[dreg:$0x3] =	wrdreg s4  }
0xaa: {  	[dreg:$0x4] =	wrdreg $0xC0  }
0xab: {  	_ =	task [dreg:s6], $0x5FFFF  }
0xac: {  	[dreg:$0x1] =	wrdreg $0xFFFFFFFF  }
0xad: {  	[dreg:$0x0] =	wrdreg $0x60  }
0xae: {  	[dreg:$0x2] =	wrdreg s24  }
0xaf: {  	[dreg:$0x3] =	wrdreg $0xB8000  }
0xb0: {  	[dreg:$0x4] =	wrdreg $0x9  }
0xb1: {  	_ =	task.clear_ibuf [dreg:s6], $0x5FFFF;
	_ =	strace $0x90000049  }
0xb2: {  	s29 =	simm.s32 $0x9;
	_ =	strace $0x8000004B  }
0xb3: {  	_ =	swait.ge [sflag:s29], $0x1  }
0xb4: {  	[sflag:s29] =	ssyncadd.s32 $0xFFFFFFFF  }
0xb5: {  	_ =	strace $0x9000004B  }
0xb6: {  	_ =	sfence  }
0xb7: {  	s30 =	sld [smem:$0x0];
	_ =	sdelay $0x2  }
0xb8: {  	s31 =	sshll.u32 s1, $0xD;
	s1 =	sshrl.u32 s1, $0x2  }
0xb9: {  	s3 =	sand.u32 $0x4000, s31;
	s1 =	sadd.s32 s1, s30  }
0xba: {  	s0 =	sor.u32 s3, s0;
	s1 =	sshll.u32 s1, $0x11  }
0xbb: {  	s0 =	sor.u32 s1, s0  }
0xbc: {  	s0 =	sadd.s32 $0x8F2B, s0  }
0xbd: {  	[sflag:s0] =	ssyncadd.remote.s32 $0x1  }
0xbe: {  	_ =	sfence.sel $0xFFFF  }
0xbf: {  	[dreg:$0x0] =	wrdreg $0xFFFFFFFF;
	(pc) =	sbr.abs _section_cstart, $3  }
0xc0: {  	[dreg:$0x1] =	wrdreg $0xFFFFFFFF  }
0xc1: {  	_ =	task.clear_ibuf [dreg:s6], $0x2FFFF;
	_ =	strace $0x9FFFFFFF  }
0xc2: {  	(tm) =	ssettm $0x7FFFFFFF  }
0xc3: {  	_ =	shalt  }
tec
execute0_lowered:
.L_overlay_start_1:
0x0: {  	(tag) =	ssettag $0x1  }
0x1: {  	s5 =	rddreg [dreg:$0x0];
	s0 =	stileid.u32  }
0x2: {  	s1 =	srdreg.scid;
	s2 =	rddreg [dreg:$0x1];
	s3 =	simm.s32 $0x0  }
0x3: {  	s19 =	simm.s32 $0x2;
	s20 =	simm.s32 $0x2800;
	s21 =	simm.s32 $0x5000  }
0x4: {  	s22 =	simm.s32 $0x7800;
	s24 =	simm.s32 $0x1;
	s4 =	smul.u32 $0x500, s0  }
0x5: {  	s9 =	sand.u32 $0x1, s1;
	s6 =	smul.u32 $0x280, s0;
	s1 =	rddreg [dreg:$0x2]  }
0x6: {  	s25 =	simm.s32 $0x0;
	[smem:$0x7FF] =	sst s3;
	s10 =	smul.u32 $0x50000, s0  }
0x7: {  	s7 =	smul.u32 $0x2800, s9;
	_ =	strace $0x8000004A;
	s30 =	ssub.s32 $0x2, s9  }
0x8: {  	s23 =	smul.u32 $0x2710, s9;
	s8 =	sadd.s32 s4, s5;
	s4 =	sadd.s32 $0x11600, s5  }
0x9: {  	s31 =	sshrl.u32 s30, $0x1;
	s10 =	sshrl.u32 s10, $0x2;
	s29 =	sadd.s32 s6, s7  }
0xa: {  	s18 =	ssub.s32 s30, s31;
	s7 =	sadd.s32 $0xC600, s8;
	s6 =	sshll.u32 s29, $0x4  }
0xb: {  	v0 =	vmov s23;
	s23 =	simm.s32 $0x80;
	s18 =	smax.u32 s18, $0x1;
	s17 =	sadd.s32 s6, s5  }
0xc: {  	s5 =	sadd.s32 $0x2600, s8;
	s6 =	sadd.s32 $0x7600, s8;
	s8 =	sadd.s32 s10, s2  }
0xd: {  	s9 =	sadd.s32 $0x4000, s8;
	s10 =	sadd.s32 $0x8000, s8;
	s11 =	sadd.s32 $0xC000, s8  }
0xe: {  	s12 =	sadd.s32 $0x10000, s8;
	s13 =	sadd.s32 $0x5F800, s17;
	s14 =	sadd.s32 $0x60000, s17  }
0xf: {  	v1 =	vimm.f32 $0.0e+00;
	s15 =	sadd.s32 $0x60800, s17;
	s16 =	sadd.s32 $0x61000, s17;
	s17 =	sadd.s32 $0x61800, s17  }
.LBB2_1:
0x10: {  	[tilespmem:s3], [sflag:$0x2] =	stream.linear.gather [hbm4b:s5+s3], $0x2780, $0x38;
	[tilespmem:$0x1F800] =	vst v63  }
0x11: {  	_ =	swait.ge [sflag:s19], $0x2780  }
0x12: {  	[sflag:s19] =	ssyncset.done $0x0  }
0x13: {  	[sflag:s19] =	ssyncadd.s32 $0xFFFFD880  }
0x14: {  	[tilespmem:s20], [sflag:$0x2] =	stream.linear.gather [hbm4b:s6+s3], $0x2780, $0x38;
	[tilespmem:$0x1F800] =	vst v63  }
0x15: {  	_ =	swait.ge [sflag:s19], $0x2780  }
0x16: {  	[sflag:s19] =	ssyncset.done $0x0  }
0x17: {  	[sflag:s19] =	ssyncadd.s32 $0xFFFFD880  }
0x18: {  	[tilespmem:s21], [sflag:$0x2] =	stream.linear.gather [hbm4b:s7+s3], $0x2780, $0x38;
	[tilespmem:$0x1F800] =	vst v63  }
0x19: {  	_ =	swait.ge [sflag:s19], $0x2780  }
0x1a: {  	[sflag:s19] =	ssyncset.done $0x0  }
0x1b: {  	s26 =	simm.s32 $0x0;
	[sflag:s19] =	ssyncadd.s32 $0xFFFFD880  }
0x1c: {  	v4 =	vld [tilespmem:s26+$0x0]  }
0x1d: {  	v6 =	vld [tilespmem:s26+$0x10]  }
0x1e: {  	v5 =	vld [tilespmem:s26+$0x20]  }
0x1f: {  	v3 =	vld [tilespmem:s26+$0x30]  }
0x20: {  	v2 =	vld [tilespmem:s26+$0x40]  }
0x21: {  	v7 =	vadd.s32 v0, v4;
	v4 =	vld [tilespmem:s26+$0x50]  }
0x22: {  	s28 =	simm.s32 $0x200;
	[tilespmem:s26+$0x0] =	vst v7;
	v7 =	vadd.s32 v0, v6;
	v6 =	vld [tilespmem:s26+$0x60]  }
.LBB2_2:
0x23: {  	s29 =	sshra.s32 s28, $0x2;
	p0 =	sne.s32 s28, $0x9C00;
	[tilespmem:s26+$0x10] =	vst v7;
	v5 =	vadd.s32 v0, v5;
	v7 =	vld [tilespmem:s26+$0x70]  }
0x24: {  	v8 =	vld [tilespmem:s29+$0x0];
	[tilespmem:s26+$0x20] =	vst v5;
	v3 =	vadd.s32 v0, v3  }
0x25: {  	v9 =	vld [tilespmem:s29+$0x10];
	[tilespmem:s26+$0x30] =	vst v3;
	v2 =	vadd.s32 v0, v2  }
.Ltmp0:
0x26: {  	v5 =	vld [tilespmem:s29+$0x20];
	[tilespmem:s26+$0x40] =	vst v2;
	v2 =	vadd.s32 v0, v4;
	(pc) =	sbr.rel @p0 .LBB2_2-.Ltmp0, $4  }
0x27: {  	v3 =	vld [tilespmem:s29+$0x30];
	[tilespmem:s26+$0x50] =	vst v2;
	v4 =	vadd.s32 v0, v6  }
0x28: {  	v2 =	vld [tilespmem:s29+$0x40];
	[tilespmem:s26+$0x60] =	vst v4;
	v6 =	vadd.s32 v0, v7  }
0x29: {  	v7 =	vadd.s32 v0, v8;
	v4 =	vld [tilespmem:s29+$0x50];
	[tilespmem:s26+$0x70] =	vst v6;
	s26 =	smov.u32 s29  }
0x2a: {  	s28 =	sadd.s32 $0x200, s28;
	[tilespmem:s26+$0x0] =	vst v7;
	v7 =	vadd.s32 v0, v9;
	v6 =	vld [tilespmem:s26+$0x60]  }
0x2b: {  	[tilespmem:s26+$0x10] =	vst v7;
	v5 =	vadd.s32 v0, v5;
	v63 =	vld [tilespmem:s26+$0x70]  }
0x2c: {  	[tilespmem:s26+$0x20] =	vst v5;
	v3 =	vadd.s32 v0, v3  }
0x2d: {  	[tilespmem:s26+$0x30] =	vst v3;
	v2 =	vadd.s32 v0, v2  }
0x2e: {  	[tilespmem:s26+$0x40] =	vst v2;
	v2 =	vadd.s32 v0, v4  }
0x2f: {  	[tilespmem:s26+$0x50] =	vst v2;
	v2 =	vadd.s32 v0, v6  }
0x30: {  	[tilespmem:s26+$0x60] =	vst v2;
	v2 =	vadd.s32 v0, v63  }
0x31: {  	s28 =	simm.s32 $0x200;
	[tilespmem:s26+$0x70] =	vst v2;
	s26 =	simm.s32 $0x0  }
.LBB2_4:
0x32: {  	p0 =	sne.s32 s28, $0xFE00;
	[tilespmem:s26+$0x7870] =	vst v1  }
0x33: {  	[tilespmem:s26+$0x7800] =	vst v1  }
0x34: {  	[tilespmem:s26+$0x7810] =	vst v1  }
.Ltmp1:
0x35: {  	[tilespmem:s26+$0x7820] =	vst v1;
	(pc) =	sbr.rel @p0 .LBB2_4-.Ltmp1, $4  }
0x36: {  	[tilespmem:s26+$0x7830] =	vst v1  }
0x37: {  	[tilespmem:s26+$0x7840] =	vst v1  }
0x38: {  	[tilespmem:s26+$0x7850] =	vst v1  }
0x39: {  	[tilespmem:s26+$0x7860] =	vst v1;
	s26 =	sshra.s32 s28, $0x2;
	s28 =	sadd.s32 $0x200, s28  }
0x3a: {  	[tilespmem:s26+$0x7870] =	vst v1  }
0x3b: {  	[tilespmem:s26+$0x7800] =	vst v1  }
0x3c: {  	[tilespmem:s26+$0x7810] =	vst v1  }
0x3d: {  	[tilespmem:s26+$0x7820] =	vst v1  }
0x3e: {  	[tilespmem:s26+$0x7830] =	vst v1  }
0x3f: {  	[tilespmem:s26+$0x7840] =	vst v1  }
0x40: {  	[tilespmem:s26+$0x7850] =	vst v1  }
0x41: {  	[tilespmem:s26+$0x7860] =	vst v1  }
0x42: {  	[spmem:s8] =	stream.linear.scatter [tilespmem:s22], [sflag:$0x2], $0x4000, $0x38;
	[tilespmem:$0x1F800] =	vst v63  }
0x43: {  	_ =	swait.ge [sflag:s19], $0x4000  }
0x44: {  	[sflag:s19] =	ssyncset.done $0x0  }
0x45: {  	[sflag:s19] =	ssyncadd.s32 $0xFFFFC000  }
0x46: {  	[spmem:s9] =	stream.linear.scatter [tilespmem:s22], [sflag:$0x2], $0x4000, $0x38;
	[tilespmem:$0x1F800] =	vst v63  }
0x47: {  	_ =	swait.ge [sflag:s19], $0x4000  }
0x48: {  	[sflag:s19] =	ssyncset.done $0x0  }
0x49: {  	[sflag:s19] =	ssyncadd.s32 $0xFFFFC000  }
0x4a: {  	[spmem:s10] =	stream.linear.scatter [tilespmem:s22], [sflag:$0x2], $0x4000, $0x38;
	[tilespmem:$0x1F800] =	vst v63  }
0x4b: {  	_ =	swait.ge [sflag:s19], $0x4000  }
0x4c: {  	[sflag:s19] =	ssyncset.done $0x0  }
0x4d: {  	[sflag:s19] =	ssyncadd.s32 $0xFFFFC000  }
0x4e: {  	[spmem:s11] =	stream.linear.scatter [tilespmem:s22], [sflag:$0x2], $0x4000, $0x38;
	[tilespmem:$0x1F800] =	vst v63  }
0x4f: {  	_ =	swait.ge [sflag:s19], $0x4000  }
0x50: {  	[sflag:s19] =	ssyncset.done $0x0  }
0x51: {  	[sflag:s19] =	ssyncadd.s32 $0xFFFFC000  }
0x52: {  	[spmem:s12] =	stream.linear.scatter [tilespmem:s22], [sflag:$0x2], $0x4000, $0x38;
	[tilespmem:$0x1F800] =	vst v63  }
0x53: {  	_ =	swait.ge [sflag:s19], $0x4000  }
0x54: {  	[sflag:s19] =	ssyncset.done $0x0  }
0x55: {  	[sflag:s19] =	ssyncadd.s32 $0xFFFFC000  }
0x56: {  	s26 =	simm.s32 $0x0;
	[bflag:$0x0] =	sbarrier.arrive $0xFFFF  }
.LBB2_6:
0x57: {  	s28 =	sshll.u32 s26, $0x7  }
0x58: {  	s29 =	sadd.s32 $0x5000, s28  }
0x59: {  	v2 =	vmov s29  }
0x5a: {  	[tilespmem:s22], [sflag:$0x1] =	stream.indirect.gather [hbm4b:s4+s23], $0x80, s28, s23, $0xb8;
	[tilespmem:$0x1F800] =	vst v63  }
0x5b: {  	_ =	swait.ge [sflag:s24], $0x4000  }
0x5c: {  	s29 =	simm.s32 $0x0;
	[sflag:s24] =	ssyncset.done $0x0  }
0x5d: {  	s30 =	simm.s32 $0x0;
	s29 =	sand.u32 $0x3FFFFFF0, s29;
	[sflag:s24] =	ssyncadd.s32 $0xFFFFC000  }
0x5e: {  	v3 =	vld.idx.msk [tilespmem:v2+s29+$0x0 ss:$0x1], $0xffff;
	s29 =	sand.u32 $0x3FFFF800, s30  }
0x5f: {  	v9 =	vld [tilespmem:s29+$0x78C0]  }
0x60: {  	v10 =	vld [tilespmem:s29+$0x78D0]  }
0x61: {  	v11 =	vld [tilespmem:s29+$0x78B0]  }
0x62: {  	v5 =	vld [tilespmem:s29+$0x7820]  }
0x63: {  	v6 =	vld [tilespmem:s29+$0x7830]  }
0x64: {  	v12 =	vld [tilespmem:s29+$0x7860]  }
0x65: {  	v13 =	vld [tilespmem:s29+$0x7870];
	v4 =	vbroadcast v3, $0x0  }
0x66: {  	v14 =	vld [tilespmem:s29+$0x7880]  }
0x67: {  	v15 =	vld [tilespmem:s29+$0x7890];
	v5 =	vmul.f32 v5, v4  }
0x68: {  	v16 =	vld [tilespmem:s29+$0x78A0];
	v6 =	vmul.f32 v6, v4  }
0x69: {  	v8 =	vld [tilespmem:s29+$0x7D70];
	v27 =	vbroadcast v3, $0x1;
	v26 =	vmul.f32 v12, v4;
	[tilespmem:s29+$0x7820] =	vst v5  }
0x6a: {  	v28 =	vld [tilespmem:s29+$0x78E0];
	v13 =	vmul.f32 v13, v4;
	[tilespmem:s29+$0x7830] =	vst v6  }
0x6b: {  	v29 =	vld [tilespmem:s29+$0x78F0];
	v14 =	vmul.f32 v14, v27;
	[tilespmem:s29+$0x7860] =	vst v26  }
0x6c: {  	v30 =	vld [tilespmem:s29+$0x7900];
	v15 =	vmul.f32 v15, v27;
	[tilespmem:s29+$0x7870] =	vst v13  }
0x6d: {  	v31 =	vld [tilespmem:s29+$0x7910];
	v16 =	vmul.f32 v16, v27;
	[tilespmem:s29+$0x7880] =	vst v14  }
0x6e: {  	v32 =	vld [tilespmem:s29+$0x7920];
	v11 =	vmul.f32 v11, v27;
	[tilespmem:s29+$0x7890] =	vst v15  }
0x6f: {  	v33 =	vld [tilespmem:s29+$0x7930];
	v9 =	vmul.f32 v9, v27;
	[tilespmem:s29+$0x78A0] =	vst v16  }
0x70: {  	v34 =	vld [tilespmem:s29+$0x7940];
	v17 =	vbroadcast v3, $0x2;
	v10 =	vmul.f32 v10, v27;
	[tilespmem:s29+$0x78B0] =	vst v11  }
0x71: {  	v35 =	vld [tilespmem:s29+$0x7950];
	v12 =	vmul.f32 v29, v27;
	[tilespmem:s29+$0x78C0] =	vst v9  }
0x72: {  	v37 =	vld [tilespmem:s29+$0x7960];
	v7 =	vbroadcast v3, $0xA;
	v36 =	vmul.f32 v30, v17;
	[tilespmem:s29+$0x78D0] =	vst v10  }
0x73: {  	v39 =	vld [tilespmem:s29+$0x7970];
	v38 =	vmul.f32 v31, v17;
	[tilespmem:s29+$0x78F0] =	vst v12  }
0x74: {  	v40 =	vld [tilespmem:s29+$0x7980];
	v5 =	vmul.f32 v8, v7;
	[tilespmem:s29+$0x7900] =	vst v36  }
0x75: {  	v41 =	vld [tilespmem:s29+$0x7990];
	v13 =	vmul.f32 v28, v27;
	[tilespmem:s29+$0x7910] =	vst v38  }
0x76: {  	v42 =	vld [tilespmem:s29+$0x79A0];
	v11 =	vmul.f32 v32, v17;
	[tilespmem:s29+$0x7D70] =	vst v5  }
0x77: {  	v43 =	vld [tilespmem:s29+$0x79B0];
	v9 =	vmul.f32 v33, v17;
	[tilespmem:s29+$0x78E0] =	vst v13  }
0x78: {  	v44 =	vld [tilespmem:s29+$0x79C0];
	v10 =	vmul.f32 v34, v17;
	[tilespmem:s29+$0x7920] =	vst v11  }
0x79: {  	v46 =	vld [tilespmem:s29+$0x79D0];
	v45 =	vbroadcast v3, $0x3;
	v12 =	vmul.f32 v37, v17;
	[tilespmem:s29+$0x7930] =	vst v9  }
0x7a: {  	v47 =	vld [tilespmem:s29+$0x79E0];
	v14 =	vmul.f32 v39, v17;
	[tilespmem:s29+$0x7940] =	vst v10  }
0x7b: {  	v48 =	vld [tilespmem:s29+$0x79F0];
	v15 =	vmul.f32 v40, v45;
	[tilespmem:s29+$0x7960] =	vst v12  }
0x7c: {  	v49 =	vld [tilespmem:s29+$0x7A00];
	v13 =	vmul.f32 v35, v17;
	[tilespmem:s29+$0x7970] =	vst v14  }
0x7d: {  	v50 =	vld [tilespmem:s29+$0x7A10];
	v11 =	vmul.f32 v41, v45;
	[tilespmem:s29+$0x7980] =	vst v15  }
0x7e: {  	v51 =	vld [tilespmem:s29+$0x7A20];
	v9 =	vmul.f32 v42, v45;
	[tilespmem:s29+$0x7950] =	vst v13  }
0x7f: {  	v52 =	vld [tilespmem:s29+$0x7A30];
	v10 =	vmul.f32 v43, v45;
	[tilespmem:s29+$0x7990] =	vst v11  }
0x80: {  	v53 =	vld [tilespmem:s29+$0x7A40];
	v12 =	vmul.f32 v46, v45;
	[tilespmem:s29+$0x79A0] =	vst v9  }
0x81: {  	v55 =	vld [tilespmem:s29+$0x7A50];
	v14 =	vmul.f32 v47, v45;
	[tilespmem:s29+$0x79B0] =	vst v10  }
0x82: {  	v56 =	vld [tilespmem:s29+$0x7A60];
	v54 =	vbroadcast v3, $0x4;
	v15 =	vmul.f32 v48, v45;
	[tilespmem:s29+$0x79D0] =	vst v12  }
0x83: {  	v57 =	vld [tilespmem:s29+$0x7A70];
	v13 =	vmul.f32 v44, v45;
	[tilespmem:s29+$0x79E0] =	vst v14  }
0x84: {  	v58 =	vld [tilespmem:s29+$0x7A80];
	v11 =	vmul.f32 v49, v54;
	[tilespmem:s29+$0x79F0] =	vst v15  }
0x85: {  	v59 =	vld [tilespmem:s29+$0x7A90];
	v9 =	vmul.f32 v50, v54;
	[tilespmem:s29+$0x79C0] =	vst v13  }
0x86: {  	v60 =	vld [tilespmem:s29+$0x7AA0];
	v10 =	vmul.f32 v51, v54;
	[tilespmem:s29+$0x7A00] =	vst v11  }
0x87: {  	v61 =	vld [tilespmem:s29+$0x7AB0];
	v12 =	vmul.f32 v53, v54;
	[tilespmem:s29+$0x7A10] =	vst v9  }
0x88: {  	v62 =	vld [tilespmem:s29+$0x7AC0];
	v14 =	vmul.f32 v55, v54;
	[tilespmem:s29+$0x7A20] =	vst v10  }
0x89: {  	v20 =	vld [tilespmem:s29+$0x7AD0];
	v15 =	vmul.f32 v56, v54;
	[tilespmem:s29+$0x7A40] =	vst v12  }
0x8a: {  	v21 =	vld [tilespmem:s29+$0x7AE0];
	v63 =	vbroadcast v3, $0x5;
	v13 =	vmul.f32 v52, v54;
	[tilespmem:s29+$0x7A50] =	vst v14  }
0x8b: {  	v22 =	vld [tilespmem:s29+$0x7AF0];
	v11 =	vmul.f32 v57, v54;
	[tilespmem:s29+$0x7A60] =	vst v15  }
0x8c: {  	v23 =	vld [tilespmem:s29+$0x7B00];
	v9 =	vmul.f32 v58, v63;
	[tilespmem:s29+$0x7A30] =	vst v13  }
0x8d: {  	v24 =	vld [tilespmem:s29+$0x7B10];
	v10 =	vmul.f32 v59, v63;
	[tilespmem:s29+$0x7A70] =	vst v11  }
0x8e: {  	v25 =	vld [tilespmem:s29+$0x7B20];
	v12 =	vmul.f32 v61, v63;
	[tilespmem:s29+$0x7A80] =	vst v9  }
0x8f: {  	v29 =	vld [tilespmem:s29+$0x7B50];
	v14 =	vmul.f32 v62, v63;
	[tilespmem:s29+$0x7A90] =	vst v10  }
0x90: {  	v30 =	vld [tilespmem:s29+$0x7B60];
	v15 =	vmul.f32 v20, v63;
	[tilespmem:s29+$0x7AB0] =	vst v12  }
0x91: {  	v26 =	vld [tilespmem:s29+$0x7B30];
	v13 =	vmul.f32 v60, v63;
	[tilespmem:s29+$0x7AC0] =	vst v14  }
0x92: {  	v27 =	vld [tilespmem:s29+$0x7B40];
	v28 =	vbroadcast v3, $0x6;
	v11 =	vmul.f32 v21, v63;
	[tilespmem:s29+$0x7AD0] =	vst v15  }
0x93: {  	v31 =	vld [tilespmem:s29+$0x7B70];
	v9 =	vmul.f32 v22, v63;
	[tilespmem:s29+$0x7AA0] =	vst v13  }
0x94: {  	v6 =	vld [tilespmem:s29+$0x7D80];
	v10 =	vmul.f32 v23, v28;
	[tilespmem:s29+$0x7AE0] =	vst v11  }
0x95: {  	v8 =	vld [tilespmem:s29+$0x7D90];
	v12 =	vmul.f32 v25, v28;
	[tilespmem:s29+$0x7AF0] =	vst v9  }
0x96: {  	v32 =	vld [tilespmem:s29+$0x7B80];
	v14 =	vmul.f32 v26, v28;
	[tilespmem:s29+$0x7B00] =	vst v10  }
0x97: {  	v33 =	vld [tilespmem:s29+$0x7B90];
	v15 =	vmul.f32 v27, v28;
	[tilespmem:s29+$0x7B20] =	vst v12  }
0x98: {  	v34 =	vld [tilespmem:s29+$0x7BA0];
	v13 =	vmul.f32 v24, v28;
	[tilespmem:s29+$0x7B30] =	vst v14  }
0x99: {  	v35 =	vld [tilespmem:s29+$0x7BB0];
	v11 =	vmul.f32 v29, v28;
	[tilespmem:s29+$0x7B40] =	vst v15  }
0x9a: {  	v37 =	vbroadcast v3, $0x7;
	v59 =	vld [tilespmem:s29+$0x7D00];
	v9 =	vmul.f32 v30, v28;
	[tilespmem:s29+$0x7B10] =	vst v13  }
0x9b: {  	v20 =	vld [tilespmem:s29+$0x7D50];
	v10 =	vmul.f32 v31, v28;
	[tilespmem:s29+$0x7B50] =	vst v11  }
0x9c: {  	v36 =	vld [tilespmem:s29+$0x7BC0];
	v12 =	vmul.f32 v33, v37;
	[tilespmem:s29+$0x7B60] =	vst v9  }
0x9d: {  	v38 =	vld [tilespmem:s29+$0x7BD0];
	v14 =	vmul.f32 v34, v37;
	[tilespmem:s29+$0x7B70] =	vst v10  }
0x9e: {  	v39 =	vld [tilespmem:s29+$0x7BE0];
	v15 =	vmul.f32 v35, v37;
	[tilespmem:s29+$0x7B90] =	vst v12  }
0x9f: {  	v40 =	vld [tilespmem:s29+$0x7BF0];
	v21 =	vmul.f32 v59, v7;
	[tilespmem:s29+$0x7BA0] =	vst v14  }
0xa0: {  	v41 =	vld [tilespmem:s29+$0x7C00];
	v28 =	vmul.f32 v20, v7;
	[tilespmem:s29+$0x7BB0] =	vst v15  }
0xa1: {  	v42 =	vld [tilespmem:s29+$0x7C10];
	v13 =	vmul.f32 v32, v37;
	[tilespmem:s29+$0x7D00] =	vst v21  }
0xa2: {  	v43 =	vld [tilespmem:s29+$0x7C20];
	v11 =	vmul.f32 v36, v37;
	[tilespmem:s29+$0x7D50] =	vst v28  }
0xa3: {  	v5 =	vld [tilespmem:s29+$0x7FD0];
	v46 =	vbroadcast v3, $0x8;
	v9 =	vmul.f32 v38, v37;
	[tilespmem:s29+$0x7B80] =	vst v13  }
0xa4: {  	v47 =	vld [tilespmem:s29+$0x7C50];
	v10 =	vmul.f32 v39, v37;
	[tilespmem:s29+$0x7BC0] =	vst v11  }
0xa5: {  	v63 =	vld [tilespmem:s29+$0x7D40];
	v12 =	vmul.f32 v41, v46;
	[tilespmem:s29+$0x7BD0] =	vst v9  }
0xa6: {  	v23 =	vld [tilespmem:s29+$0x7800];
	v31 =	vbroadcast v3, $0xB;
	v14 =	vmul.f32 v42, v46;
	[tilespmem:s29+$0x7BE0] =	vst v10  }
0xa7: {  	v48 =	vld [tilespmem:s29+$0x7C60];
	v15 =	vmul.f32 v43, v46;
	[tilespmem:s29+$0x7C00] =	vst v12  }
0xa8: {  	v44 =	vld [tilespmem:s29+$0x7C30];
	v6 =	vmul.f32 v6, v31;
	[tilespmem:s29+$0x7C10] =	vst v14  }
0xa9: {  	v45 =	vld [tilespmem:s29+$0x7C40];
	v8 =	vmul.f32 v8, v31;
	[tilespmem:s29+$0x7C20] =	vst v15  }
0xaa: {  	v49 =	vld [tilespmem:s29+$0x7C70];
	v26 =	vmul.f32 v63, v7;
	[tilespmem:s29+$0x7D80] =	vst v6  }
0xab: {  	v50 =	vld [tilespmem:s29+$0x7C80];
	v32 =	vmul.f32 v4, v23;
	[tilespmem:s29+$0x7D90] =	vst v8  }
0xac: {  	v51 =	vld [tilespmem:s29+$0x7C90];
	v13 =	vmul.f32 v40, v37;
	[tilespmem:s29+$0x7D40] =	vst v26  }
0xad: {  	v53 =	vld [tilespmem:s29+$0x7CB0];
	v11 =	vmul.f32 v44, v46;
	[tilespmem:s29+$0x7800] =	vst v32  }
0xae: {  	v33 =	vld [tilespmem:s29+$0x7DD0];
	v9 =	vmul.f32 v45, v46;
	[tilespmem:s29+$0x7BF0] =	vst v13  }
0xaf: {  	v55 =	vbroadcast v3, $0x9;
	v34 =	vld [tilespmem:s29+$0x7DE0];
	v10 =	vmul.f32 v47, v46;
	[tilespmem:s29+$0x7C30] =	vst v11  }
0xb0: {  	v35 =	vld [tilespmem:s29+$0x7DF0];
	v12 =	vmul.f32 v49, v46;
	[tilespmem:s29+$0x7C40] =	vst v9  }
0xb1: {  	v52 =	vld [tilespmem:s29+$0x7CA0];
	v14 =	vmul.f32 v50, v55;
	[tilespmem:s29+$0x7C50] =	vst v10  }
0xb2: {  	v54 =	vld [tilespmem:s29+$0x7CC0];
	v15 =	vmul.f32 v51, v55;
	[tilespmem:s29+$0x7C70] =	vst v12  }
0xb3: {  	v57 =	vld [tilespmem:s29+$0x7CE0];
	v38 =	vmul.f32 v33, v31;
	[tilespmem:s29+$0x7C80] =	vst v14  }
0xb4: {  	v58 =	vld [tilespmem:s29+$0x7CF0];
	v45 =	vmul.f32 v34, v31;
	[tilespmem:s29+$0x7C90] =	vst v15  }
0xb5: {  	v61 =	vld [tilespmem:s29+$0x7D20];
	v8 =	vmul.f32 v35, v31;
	[tilespmem:s29+$0x7DD0] =	vst v38  }
0xb6: {  	v62 =	vld [tilespmem:s29+$0x7D30];
	v13 =	vmul.f32 v48, v46;
	[tilespmem:s29+$0x7DE0] =	vst v45  }
0xb7: {  	v36 =	vld [tilespmem:s29+$0x7E00];
	v11 =	vmul.f32 v52, v55;
	[tilespmem:s29+$0x7DF0] =	vst v8  }
0xb8: {  	v60 =	vld [tilespmem:s29+$0x7D10];
	v9 =	vmul.f32 v53, v55;
	[tilespmem:s29+$0x7C60] =	vst v13  }
0xb9: {  	v22 =	vld [tilespmem:s29+$0x7D60];
	v41 =	vbroadcast v3, $0xC;
	v10 =	vmul.f32 v54, v55;
	[tilespmem:s29+$0x7CA0] =	vst v11  }
0xba: {  	v56 =	vld [tilespmem:s29+$0x7CD0];
	v6 =	vbroadcast v3, $0xF;
	v12 =	vmul.f32 v57, v55;
	[tilespmem:s29+$0x7CB0] =	vst v9  }
0xbb: {  	v14 =	vmul.f32 v58, v55;
	[tilespmem:s29+$0x7CC0] =	vst v10  }
0xbc: {  	v5 =	vmul.f32 v5, v6;
	v17 =	vmul.f32 v36, v41;
	[tilespmem:s29+$0x7CE0] =	vst v12  }
0xbd: {  	[tilespmem:s29+$0x7CF0] =	vst v14;
	v11 =	vmul.f32 v60, v7;
	v9 =	vmul.f32 v61, v7  }
0xbe: {  	v24 =	vld [tilespmem:s29+$0x7810];
	v10 =	vmul.f32 v62, v7;
	v7 =	vmul.f32 v22, v7;
	[tilespmem:s29+$0x7FD0] =	vst v5  }
0xbf: {  	v25 =	vld [tilespmem:s29+$0x7840];
	v13 =	vmul.f32 v56, v55;
	[tilespmem:s29+$0x7E00] =	vst v17  }
0xc0: {  	[tilespmem:s29+$0x7D60] =	vst v7;
	v7 =	vld [tilespmem:s29+$0x7DC0]  }
0xc1: {  	v27 =	vld [tilespmem:s29+$0x7850];
	[tilespmem:s29+$0x7CD0] =	vst v13  }
0xc2: {  	v43 =	vld [tilespmem:s29+$0x7E70];
	[tilespmem:s29+$0x7D10] =	vst v11  }
0xc3: {  	v50 =	vld [tilespmem:s29+$0x7EE0];
	v14 =	vmul.f32 v24, v4;
	[tilespmem:s29+$0x7D20] =	vst v9  }
0xc4: {  	v29 =	vld [tilespmem:s29+$0x7DA0];
	v5 =	vmul.f32 v25, v4;
	[tilespmem:s29+$0x7D30] =	vst v10  }
0xc5: {  	v30 =	vld [tilespmem:s29+$0x7DB0];
	[tilespmem:s29+$0x7810] =	vst v14;
	v7 =	vmul.f32 v7, v31  }
0xc6: {  	v37 =	vld [tilespmem:s29+$0x7E10];
	v49 =	vbroadcast v3, $0xD;
	v4 =	vmul.f32 v27, v4;
	[tilespmem:s29+$0x7840] =	vst v5  }
0xc7: {  	v17 =	vmul.f32 v43, v41;
	[tilespmem:s29+$0x7DC0] =	vst v7;
	v7 =	vld [tilespmem:s29+$0x7E60]  }
0xc8: {  	v40 =	vld [tilespmem:s29+$0x7E40];
	v55 =	vmul.f32 v50, v49;
	[tilespmem:s29+$0x7850] =	vst v4  }
0xc9: {  	v46 =	vld [tilespmem:s29+$0x7EA0];
	v9 =	vmul.f32 v29, v31;
	[tilespmem:s29+$0x7E70] =	vst v17  }
0xca: {  	v10 =	vmul.f32 v30, v31;
	v4 =	vld [tilespmem:s29+$0x7E90];
	[tilespmem:s29+$0x7EE0] =	vst v55  }
0xcb: {  	v53 =	vld [tilespmem:s29+$0x7F20];
	v11 =	vmul.f32 v37, v41;
	[tilespmem:s29+$0x7DA0] =	vst v9  }
0xcc: {  	v54 =	vld [tilespmem:s29+$0x7F30];
	[tilespmem:s29+$0x7DB0] =	vst v10;
	v7 =	vmul.f32 v7, v41  }
0xcd: {  	v42 =	vld [tilespmem:s29+$0x7E50];
	v14 =	vmul.f32 v40, v41;
	[tilespmem:s29+$0x7E10] =	vst v11  }
0xce: {  	v3 =	vbroadcast v3, $0xE;
	v13 =	vmul.f32 v46, v49;
	[tilespmem:s29+$0x7E60] =	vst v7;
	v7 =	vld [tilespmem:s29+$0x7ED0]  }
0xcf: {  	v44 =	vld [tilespmem:s29+$0x7E80];
	[tilespmem:s29+$0x7E40] =	vst v14;
	v4 =	vmul.f32 v4, v49  }
0xd0: {  	v47 =	vld [tilespmem:s29+$0x7EB0];
	v12 =	vmul.f32 v53, v3;
	[tilespmem:s29+$0x7EA0] =	vst v13  }
0xd1: {  	v8 =	vmul.f32 v54, v3;
	[tilespmem:s29+$0x7E90] =	vst v4;
	v4 =	vld [tilespmem:s29+$0x7F00]  }
0xd2: {  	v52 =	vld [tilespmem:s29+$0x7F10];
	v10 =	vmul.f32 v42, v41;
	[tilespmem:s29+$0x7F20] =	vst v12  }
0xd3: {  	v60 =	vld [tilespmem:s29+$0x7FA0];
	[tilespmem:s29+$0x7F30] =	vst v8;
	v7 =	vmul.f32 v7, v49  }
0xd4: {  	v51 =	vld [tilespmem:s29+$0x7EF0];
	v11 =	vmul.f32 v44, v49;
	[tilespmem:s29+$0x7E50] =	vst v10  }
0xd5: {  	v14 =	vmul.f32 v47, v49;
	[tilespmem:s29+$0x7ED0] =	vst v7;
	v7 =	vld [tilespmem:s29+$0x7F40]  }
0xd6: {  	v48 =	vld [tilespmem:s29+$0x7EC0];
	[tilespmem:s29+$0x7E80] =	vst v11;
	v4 =	vmul.f32 v4, v3  }
0xd7: {  	v58 =	vld [tilespmem:s29+$0x7F80];
	v13 =	vmul.f32 v52, v3;
	[tilespmem:s29+$0x7EB0] =	vst v14  }
0xd8: {  	v8 =	vmul.f32 v60, v6;
	[tilespmem:s29+$0x7F00] =	vst v4;
	v4 =	vld [tilespmem:s29+$0x7F70]  }
0xd9: {  	v57 =	vld [tilespmem:s29+$0x7F60];
	v11 =	vmul.f32 v51, v49;
	[tilespmem:s29+$0x7F10] =	vst v13  }
0xda: {  	v59 =	vld [tilespmem:s29+$0x7F90];
	[tilespmem:s29+$0x7FA0] =	vst v8;
	v7 =	vmul.f32 v7, v3  }
0xdb: {  	v56 =	vld [tilespmem:s29+$0x7F50];
	v10 =	vmul.f32 v48, v49;
	[tilespmem:s29+$0x7EF0] =	vst v11  }
0xdc: {  	v13 =	vmul.f32 v58, v6;
	[tilespmem:s29+$0x7F40] =	vst v7;
	v7 =	vld [tilespmem:s29+$0x7FB0]  }
0xdd: {  	v39 =	vld [tilespmem:s29+$0x7E30];
	[tilespmem:s29+$0x7EC0] =	vst v10;
	v4 =	vmul.f32 v4, v3  }
0xde: {  	v61 =	vld [tilespmem:s29+$0x7FC0];
	v11 =	vmul.f32 v57, v3;
	[tilespmem:s29+$0x7F80] =	vst v13  }
0xdf: {  	v63 =	vld [tilespmem:s29+$0x7FF0];
	[tilespmem:s29+$0x7F70] =	vst v4;
	v4 =	vmul.f32 v59, v6  }
0xe0: {  	v62 =	vld [tilespmem:s29+$0x7FE0];
	[tilespmem:s29+$0x7F60] =	vst v11;
	v3 =	vmul.f32 v56, v3  }
0xe1: {  	[tilespmem:s29+$0x7F90] =	vst v4;
	v4 =	vmul.f32 v7, v6  }
0xe2: {  	v5 =	vld [tilespmem:s29+$0x7E20];
	[tilespmem:s29+$0x7F50] =	vst v3;
	v7 =	vmul.f32 v39, v41  }
0xe3: {  	[tilespmem:s29+$0x7FB0] =	vst v4;
	v4 =	vmul.f32 v61, v6  }
0xe4: {  	[tilespmem:s29+$0x7E30] =	vst v7;
	v7 =	vmul.f32 v63, v6  }
0xe5: {  	v6 =	vmul.f32 v62, v6;
	[tilespmem:s29+$0x7FC0] =	vst v4  }
0xe6: {  	[tilespmem:s29+$0x7FF0] =	vst v7  }
0xe7: {  	s30 =	simm.s32 $0x1;
	v4 =	vmul.f32 v5, v41;
	[tilespmem:s29+$0x7FE0] =	vst v6  }
.LBB2_7:
0xe8: {  	s31 =	sshll.u32 s30, $0x4  }
0xe9: {  	p0 =	sne.s32 s30, $0x7;
	[tilespmem:s29+$0x7E20] =	vst v4;
	s29 =	smov.u32 s30;
	s30 =	sadd.s32 $0x1, s30  }
0xea: {  	s31 =	sand.u32 $0x3FFFFFF0, s31  }
0xeb: {  	v3 =	vld.idx.msk [tilespmem:v2+s31+$0x0 ss:$0x1], $0xffff  }
0xec: {  	s29 =	sshll.u32 s29, $0xB  }
0xed: {  	s29 =	sand.u32 $0x3FFFF800, s29  }
0xee: {  	v10 =	vld [tilespmem:s29+$0x78C0]  }
0xef: {  	v11 =	vld [tilespmem:s29+$0x78D0]  }
0xf0: {  	v12 =	vld [tilespmem:s29+$0x78B0]  }
0xf1: {  	v4 =	vbroadcast v3, $0x0;
	v9 =	vbroadcast v3, $0x4;
	v5 =	vld [tilespmem:s29+$0x7820]  }
0xf2: {  	v7 =	vld [tilespmem:s29+$0x7830]  }
0xf3: {  	v8 =	vld [tilespmem:s29+$0x7D70]  }
0xf4: {  	v13 =	vld [tilespmem:s29+$0x7860]  }
0xf5: {  	v14 =	vld [tilespmem:s29+$0x7870]  }
0xf6: {  	v6 =	vbroadcast v3, $0xA;
	v5 =	vmul.f32 v5, v4;
	v15 =	vld [tilespmem:s29+$0x7880]  }
0xf7: {  	v7 =	vmul.f32 v7, v4;
	v16 =	vld [tilespmem:s29+$0x7890]  }
0xf8: {  	[tilespmem:s29+$0x7820] =	vst v5;
	v17 =	vld [tilespmem:s29+$0x78A0];
	v5 =	vmul.f32 v8, v6  }
0xf9: {  	[tilespmem:s29+$0x7830] =	vst v7;
	v8 =	vmul.f32 v13, v4;
	v13 =	vbroadcast v3, $0x1;
	v7 =	vld [tilespmem:s29+$0x7D80]  }
0xfa: {  	v14 =	vmul.f32 v14, v4;
	[tilespmem:s29+$0x7D70] =	vst v5;
	v5 =	vld [tilespmem:s29+$0x7FD0]  }
0xfb: {  	[tilespmem:s29+$0x7860] =	vst v8;
	v15 =	vmul.f32 v15, v13;
	v8 =	vld [tilespmem:s29+$0x7D90]  }
0xfc: {  	[tilespmem:s29+$0x7870] =	vst v14;
	v14 =	vmul.f32 v16, v13;
	v16 =	vld [tilespmem:s29+$0x78E0]  }
0xfd: {  	[tilespmem:s29+$0x7880] =	vst v15;
	v15 =	vmul.f32 v17, v13;
	v17 =	vld [tilespmem:s29+$0x78F0]  }
0xfe: {  	v12 =	vmul.f32 v12, v13;
	[tilespmem:s29+$0x7890] =	vst v14;
	v14 =	vld [tilespmem:s29+$0x7900]  }
0xff: {  	v10 =	vmul.f32 v10, v13;
	[tilespmem:s29+$0x78A0] =	vst v15;
	v15 =	vld [tilespmem:s29+$0x7910]  }
0x100: {  	v11 =	vmul.f32 v11, v13;
	[tilespmem:s29+$0x78B0] =	vst v12;
	v12 =	vld [tilespmem:s29+$0x7920]  }
0x101: {  	[tilespmem:s29+$0x78C0] =	vst v10;
	v10 =	vmul.f32 v16, v13;
	v16 =	vbroadcast v3, $0x2;
	v18 =	vld [tilespmem:s29+$0x7930]  }
0x102: {  	[tilespmem:s29+$0x78D0] =	vst v11;
	v11 =	vmul.f32 v17, v13;
	v13 =	vld [tilespmem:s29+$0x7940]  }
0x103: {  	[tilespmem:s29+$0x78E0] =	vst v10;
	v10 =	vmul.f32 v14, v16;
	v14 =	vld [tilespmem:s29+$0x7950]  }
0x104: {  	[tilespmem:s29+$0x78F0] =	vst v11;
	v11 =	vmul.f32 v15, v16;
	v15 =	vld [tilespmem:s29+$0x7960]  }
0x105: {  	[tilespmem:s29+$0x7900] =	vst v10;
	v10 =	vmul.f32 v12, v16;
	v12 =	vld [tilespmem:s29+$0x7970]  }
0x106: {  	[tilespmem:s29+$0x7910] =	vst v11;
	v11 =	vmul.f32 v18, v16;
	v17 =	vld [tilespmem:s29+$0x7980]  }
0x107: {  	[tilespmem:s29+$0x7920] =	vst v10;
	v10 =	vmul.f32 v13, v16;
	v13 =	vld [tilespmem:s29+$0x7990]  }
0x108: {  	[tilespmem:s29+$0x7930] =	vst v11;
	v11 =	vmul.f32 v14, v16;
	v14 =	vld [tilespmem:s29+$0x79A0]  }
0x109: {  	[tilespmem:s29+$0x7940] =	vst v10;
	v10 =	vmul.f32 v15, v16;
	v15 =	vbroadcast v3, $0x3;
	v18 =	vld [tilespmem:s29+$0x79B0]  }
0x10a: {  	[tilespmem:s29+$0x7950] =	vst v11;
	v11 =	vmul.f32 v12, v16;
	v12 =	vld [tilespmem:s29+$0x79C0]  }
0x10b: {  	[tilespmem:s29+$0x7960] =	vst v10;
	v10 =	vmul.f32 v17, v15;
	v16 =	vld [tilespmem:s29+$0x79D0]  }
0x10c: {  	[tilespmem:s29+$0x7970] =	vst v11;
	v11 =	vmul.f32 v13, v15;
	v13 =	vld [tilespmem:s29+$0x79E0]  }
0x10d: {  	[tilespmem:s29+$0x7980] =	vst v10;
	v10 =	vmul.f32 v14, v15;
	v14 =	vld [tilespmem:s29+$0x79F0]  }
0x10e: {  	[tilespmem:s29+$0x7990] =	vst v11;
	v11 =	vmul.f32 v18, v15;
	v17 =	vld [tilespmem:s29+$0x7A00]  }
0x10f: {  	[tilespmem:s29+$0x79A0] =	vst v10;
	v10 =	vmul.f32 v12, v15;
	v12 =	vld [tilespmem:s29+$0x7A10]  }
0x110: {  	[tilespmem:s29+$0x79B0] =	vst v11;
	v11 =	vmul.f32 v16, v15;
	v16 =	vld [tilespmem:s29+$0x7A20]  }
0x111: {  	[tilespmem:s29+$0x79C0] =	vst v10;
	v10 =	vmul.f32 v13, v15;
	v13 =	vld [tilespmem:s29+$0x7A30]  }
0x112: {  	[tilespmem:s29+$0x79D0] =	vst v11;
	v11 =	vmul.f32 v14, v15;
	v14 =	vld [tilespmem:s29+$0x7A40]  }
0x113: {  	[tilespmem:s29+$0x79E0] =	vst v10;
	v10 =	vmul.f32 v17, v9;
	v15 =	vld [tilespmem:s29+$0x7A50]  }
0x114: {  	[tilespmem:s29+$0x79F0] =	vst v11;
	v11 =	vmul.f32 v12, v9;
	v12 =	vld [tilespmem:s29+$0x7A60]  }
0x115: {  	[tilespmem:s29+$0x7A00] =	vst v10;
	v10 =	vmul.f32 v16, v9;
	v16 =	vld [tilespmem:s29+$0x7A70]  }
0x116: {  	[tilespmem:s29+$0x7A10] =	vst v11;
	v11 =	vmul.f32 v13, v9;
	v13 =	vld [tilespmem:s29+$0x7A80]  }
0x117: {  	[tilespmem:s29+$0x7A20] =	vst v10;
	v10 =	vmul.f32 v14, v9;
	v14 =	vld [tilespmem:s29+$0x7A90]  }
0x118: {  	[tilespmem:s29+$0x7A30] =	vst v11;
	v11 =	vmul.f32 v15, v9;
	v15 =	vld [tilespmem:s29+$0x7AA0]  }
0x119: {  	[tilespmem:s29+$0x7A40] =	vst v10;
	v10 =	vmul.f32 v12, v9;
	v12 =	vbroadcast v3, $0x5;
	v17 =	vld [tilespmem:s29+$0x7AB0]  }
0x11a: {  	[tilespmem:s29+$0x7A50] =	vst v11;
	v9 =	vmul.f32 v16, v9;
	v11 =	vld [tilespmem:s29+$0x7AC0]  }
0x11b: {  	[tilespmem:s29+$0x7A60] =	vst v10;
	v10 =	vmul.f32 v13, v12;
	v13 =	vld [tilespmem:s29+$0x7AD0]  }
0x11c: {  	[tilespmem:s29+$0x7A70] =	vst v9;
	v9 =	vmul.f32 v14, v12;
	v14 =	vld [tilespmem:s29+$0x7AE0]  }
0x11d: {  	[tilespmem:s29+$0x7A80] =	vst v10;
	v10 =	vmul.f32 v15, v12;
	v15 =	vld [tilespmem:s29+$0x7AF0]  }
0x11e: {  	[tilespmem:s29+$0x7A90] =	vst v9;
	v9 =	vmul.f32 v17, v12;
	v16 =	vld [tilespmem:s29+$0x7B00]  }
0x11f: {  	[tilespmem:s29+$0x7AA0] =	vst v10;
	v10 =	vmul.f32 v11, v12;
	v11 =	vld [tilespmem:s29+$0x7B10]  }
0x120: {  	[tilespmem:s29+$0x7AB0] =	vst v9;
	v9 =	vmul.f32 v13, v12;
	v13 =	vld [tilespmem:s29+$0x7B20]  }
0x121: {  	[tilespmem:s29+$0x7AC0] =	vst v10;
	v10 =	vmul.f32 v14, v12;
	v14 =	vbroadcast v3, $0x6;
	v17 =	vld [tilespmem:s29+$0x7B30]  }
0x122: {  	[tilespmem:s29+$0x7AD0] =	vst v9;
	v9 =	vmul.f32 v15, v12;
	v12 =	vld [tilespmem:s29+$0x7B40]  }
0x123: {  	[tilespmem:s29+$0x7AE0] =	vst v10;
	v10 =	vmul.f32 v16, v14;
	v15 =	vld [tilespmem:s29+$0x7B50]  }
0x124: {  	[tilespmem:s29+$0x7AF0] =	vst v9;
	v9 =	vmul.f32 v11, v14;
	v11 =	vld [tilespmem:s29+$0x7B60]  }
0x125: {  	[tilespmem:s29+$0x7B00] =	vst v10;
	v10 =	vmul.f32 v13, v14;
	v13 =	vld [tilespmem:s29+$0x7B70]  }
0x126: {  	[tilespmem:s29+$0x7B10] =	vst v9;
	v9 =	vmul.f32 v17, v14;
	v16 =	vld [tilespmem:s29+$0x7B80]  }
0x127: {  	[tilespmem:s29+$0x7B20] =	vst v10;
	v10 =	vmul.f32 v12, v14;
	v12 =	vld [tilespmem:s29+$0x7B90]  }
0x128: {  	[tilespmem:s29+$0x7B30] =	vst v9;
	v9 =	vmul.f32 v15, v14;
	v15 =	vld [tilespmem:s29+$0x7BA0]  }
0x129: {  	[tilespmem:s29+$0x7B40] =	vst v10;
	v10 =	vmul.f32 v11, v14;
	v11 =	vbroadcast v3, $0x7;
	v17 =	vld [tilespmem:s29+$0x7BB0]  }
0x12a: {  	[tilespmem:s29+$0x7B50] =	vst v9;
	v9 =	vmul.f32 v13, v14;
	v13 =	vld [tilespmem:s29+$0x7BC0]  }
0x12b: {  	[tilespmem:s29+$0x7B60] =	vst v10;
	v10 =	vmul.f32 v16, v11;
	v14 =	vld [tilespmem:s29+$0x7BD0]  }
0x12c: {  	[tilespmem:s29+$0x7B70] =	vst v9;
	v9 =	vmul.f32 v12, v11;
	v12 =	vld [tilespmem:s29+$0x7BE0]  }
0x12d: {  	[tilespmem:s29+$0x7B80] =	vst v10;
	v10 =	vmul.f32 v15, v11;
	v15 =	vld [tilespmem:s29+$0x7BF0]  }
0x12e: {  	[tilespmem:s29+$0x7B90] =	vst v9;
	v9 =	vmul.f32 v17, v11;
	v16 =	vld [tilespmem:s29+$0x7C00]  }
0x12f: {  	[tilespmem:s29+$0x7BA0] =	vst v10;
	v10 =	vmul.f32 v13, v11;
	v13 =	vld [tilespmem:s29+$0x7C10]  }
0x130: {  	[tilespmem:s29+$0x7BB0] =	vst v9;
	v9 =	vmul.f32 v14, v11;
	v14 =	vld [tilespmem:s29+$0x7C20]  }
0x131: {  	[tilespmem:s29+$0x7BC0] =	vst v10;
	v10 =	vmul.f32 v12, v11;
	v12 =	vbroadcast v3, $0x8;
	v17 =	vld [tilespmem:s29+$0x7C30]  }
0x132: {  	[tilespmem:s29+$0x7BD0] =	vst v9;
	v9 =	vmul.f32 v15, v11;
	v11 =	vld [tilespmem:s29+$0x7C40]  }
0x133: {  	[tilespmem:s29+$0x7BE0] =	vst v10;
	v10 =	vmul.f32 v16, v12;
	v15 =	vld [tilespmem:s29+$0x7C50]  }
0x134: {  	[tilespmem:s29+$0x7BF0] =	vst v9;
	v9 =	vmul.f32 v13, v12;
	v13 =	vld [tilespmem:s29+$0x7C60]  }
0x135: {  	[tilespmem:s29+$0x7C00] =	vst v10;
	v10 =	vmul.f32 v14, v12;
	v14 =	vld [tilespmem:s29+$0x7C70]  }
0x136: {  	[tilespmem:s29+$0x7C10] =	vst v9;
	v9 =	vmul.f32 v17, v12;
	v16 =	vld [tilespmem:s29+$0x7C80]  }
0x137: {  	[tilespmem:s29+$0x7C20] =	vst v10;
	v10 =	vmul.f32 v11, v12;
	v11 =	vld [tilespmem:s29+$0x7C90]  }
0x138: {  	[tilespmem:s29+$0x7C30] =	vst v9;
	v9 =	vmul.f32 v15, v12;
	v15 =	vld [tilespmem:s29+$0x7CA0]  }
0x139: {  	[tilespmem:s29+$0x7C40] =	vst v10;
	v10 =	vmul.f32 v13, v12;
	v13 =	vbroadcast v3, $0x9;
	v17 =	vld [tilespmem:s29+$0x7CB0]  }
0x13a: {  	[tilespmem:s29+$0x7C50] =	vst v9;
	v9 =	vmul.f32 v14, v12;
	v12 =	vld [tilespmem:s29+$0x7CC0]  }
0x13b: {  	[tilespmem:s29+$0x7C60] =	vst v10;
	v10 =	vmul.f32 v16, v13;
	v14 =	vld [tilespmem:s29+$0x7CD0]  }
0x13c: {  	[tilespmem:s29+$0x7C70] =	vst v9;
	v9 =	vmul.f32 v11, v13;
	v11 =	vld [tilespmem:s29+$0x7CE0]  }
0x13d: {  	[tilespmem:s29+$0x7C80] =	vst v10;
	v10 =	vmul.f32 v15, v13;
	v15 =	vld [tilespmem:s29+$0x7CF0]  }
0x13e: {  	[tilespmem:s29+$0x7C90] =	vst v9;
	v9 =	vmul.f32 v17, v13;
	v16 =	vld [tilespmem:s29+$0x7D00]  }
0x13f: {  	[tilespmem:s29+$0x7CA0] =	vst v10;
	v10 =	vmul.f32 v12, v13;
	v12 =	vld [tilespmem:s29+$0x7D10]  }
0x140: {  	[tilespmem:s29+$0x7CB0] =	vst v9;
	v9 =	vmul.f32 v14, v13;
	v14 =	vld [tilespmem:s29+$0x7D20]  }
0x141: {  	[tilespmem:s29+$0x7CC0] =	vst v10;
	v10 =	vmul.f32 v11, v13;
	v11 =	vld [tilespmem:s29+$0x7D30]  }
0x142: {  	[tilespmem:s29+$0x7CD0] =	vst v9;
	v9 =	vmul.f32 v15, v13;
	v13 =	vld [tilespmem:s29+$0x7D40]  }
0x143: {  	[tilespmem:s29+$0x7CE0] =	vst v10;
	v10 =	vmul.f32 v16, v6;
	v15 =	vld [tilespmem:s29+$0x7D50]  }
0x144: {  	[tilespmem:s29+$0x7CF0] =	vst v9;
	v9 =	vmul.f32 v12, v6;
	v12 =	vld [tilespmem:s29+$0x7D60]  }
0x145: {  	v16 =	vld [tilespmem:s29+$0x7800];
	[tilespmem:s29+$0x7D00] =	vst v10;
	v10 =	vmul.f32 v14, v6  }
0x146: {  	v14 =	vld [tilespmem:s29+$0x7810];
	[tilespmem:s29+$0x7D10] =	vst v9;
	v9 =	vmul.f32 v11, v6  }
0x147: {  	v11 =	vld [tilespmem:s29+$0x7840];
	[tilespmem:s29+$0x7D20] =	vst v10;
	v10 =	vmul.f32 v13, v6  }
0x148: {  	v13 =	vld [tilespmem:s29+$0x7850];
	[tilespmem:s29+$0x7D30] =	vst v9;
	v9 =	vmul.f32 v15, v6  }
0x149: {  	[tilespmem:s29+$0x7D40] =	vst v10;
	v10 =	vmul.f32 v12, v6;
	v12 =	vbroadcast v3, $0xB;
	v15 =	vld [tilespmem:s29+$0x7DA0]  }
0x14a: {  	v6 =	vbroadcast v3, $0xF;
	v16 =	vmul.f32 v4, v16;
	[tilespmem:s29+$0x7D50] =	vst v9;
	v9 =	vld [tilespmem:s29+$0x7DB0]  }
0x14b: {  	v14 =	vmul.f32 v14, v4;
	[tilespmem:s29+$0x7D60] =	vst v10;
	v7 =	vmul.f32 v7, v12;
	v10 =	vld [tilespmem:s29+$0x7DC0]  }
0x14c: {  	v8 =	vmul.f32 v8, v12;
	[tilespmem:s29+$0x7800] =	vst v16;
	v11 =	vmul.f32 v11, v4;
	v16 =	vld [tilespmem:s29+$0x7DD0]  }
0x14d: {  	v5 =	vmul.f32 v5, v6;
	v13 =	vmul.f32 v13, v4;
	[tilespmem:s29+$0x7D80] =	vst v7;
	v4 =	vld [tilespmem:s29+$0x7DE0]  }
0x14e: {  	[tilespmem:s29+$0x7D90] =	vst v8;
	v7 =	vmul.f32 v15, v12;
	v8 =	vld [tilespmem:s29+$0x7DF0]  }
0x14f: {  	v9 =	vmul.f32 v9, v12;
	v15 =	vld [tilespmem:s29+$0x7E00];
	[tilespmem:s29+$0x7FD0] =	vst v5  }
0x150: {  	[tilespmem:s29+$0x7810] =	vst v14;
	v5 =	vmul.f32 v10, v12;
	v10 =	vld [tilespmem:s29+$0x7E10]  }
0x151: {  	[tilespmem:s29+$0x7840] =	vst v11;
	v11 =	vmul.f32 v16, v12;
	v14 =	vld [tilespmem:s29+$0x7E20]  }
0x152: {  	v16 =	vbroadcast v3, $0xC;
	[tilespmem:s29+$0x7DA0] =	vst v7;
	v7 =	vmul.f32 v4, v12;
	v17 =	vld [tilespmem:s29+$0x7E30]  }
0x153: {  	[tilespmem:s29+$0x7DD0] =	vst v11;
	v8 =	vmul.f32 v8, v12;
	v11 =	vld [tilespmem:s29+$0x7E40]  }
0x154: {  	[tilespmem:s29+$0x7DB0] =	vst v9;
	v4 =	vmul.f32 v15, v16;
	v9 =	vld [tilespmem:s29+$0x7E50]  }
0x155: {  	[tilespmem:s29+$0x7DC0] =	vst v5;
	v5 =	vmul.f32 v10, v16;
	v10 =	vld [tilespmem:s29+$0x7E60]  }
0x156: {  	[tilespmem:s29+$0x7E00] =	vst v4;
	v4 =	vmul.f32 v14, v16;
	v12 =	vld [tilespmem:s29+$0x7E70]  }
0x157: {  	[tilespmem:s29+$0x7E10] =	vst v5;
	v5 =	vld [tilespmem:s29+$0x7E80]  }
0x158: {  	[tilespmem:s29+$0x7850] =	vst v13;
	v11 =	vmul.f32 v11, v16;
	v13 =	vld [tilespmem:s29+$0x7E90]  }
0x159: {  	[tilespmem:s29+$0x7DE0] =	vst v7;
	v7 =	vmul.f32 v9, v16;
	v9 =	vld [tilespmem:s29+$0x7EA0]  }
0x15a: {  	[tilespmem:s29+$0x7E40] =	vst v11;
	v10 =	vmul.f32 v10, v16;
	v11 =	vbroadcast v3, $0xD;
	v14 =	vld [tilespmem:s29+$0x7EB0]  }
0x15b: {  	[tilespmem:s29+$0x7E50] =	vst v7;
	v7 =	vmul.f32 v12, v16;
	v12 =	vld [tilespmem:s29+$0x7EC0]  }
0x15c: {  	[tilespmem:s29+$0x7E60] =	vst v10;
	v5 =	vmul.f32 v5, v11;
	v10 =	vld [tilespmem:s29+$0x7ED0]  }
0x15d: {  	[tilespmem:s29+$0x7E70] =	vst v7;
	v7 =	vmul.f32 v13, v11;
	v13 =	vld [tilespmem:s29+$0x7EE0]  }
0x15e: {  	[tilespmem:s29+$0x7E80] =	vst v5;
	v5 =	vmul.f32 v9, v11;
	v9 =	vld [tilespmem:s29+$0x7EF0]  }
0x15f: {  	[tilespmem:s29+$0x7E90] =	vst v7;
	v7 =	vmul.f32 v14, v11;
	v14 =	vld [tilespmem:s29+$0x7F00]  }
0x160: {  	[tilespmem:s29+$0x7EA0] =	vst v5;
	v5 =	vmul.f32 v12, v11;
	v12 =	vld [tilespmem:s29+$0x7F10]  }
0x161: {  	[tilespmem:s29+$0x7EB0] =	vst v7;
	v7 =	vmul.f32 v10, v11;
	v10 =	vld [tilespmem:s29+$0x7F20]  }
0x162: {  	v3 =	vbroadcast v3, $0xE;
	[tilespmem:s29+$0x7DF0] =	vst v8;
	v8 =	vmul.f32 v13, v11;
	v13 =	vld [tilespmem:s29+$0x7F30]  }
0x163: {  	[tilespmem:s29+$0x7ED0] =	vst v7;
	v7 =	vmul.f32 v9, v11;
	v9 =	vld [tilespmem:s29+$0x7F40]  }
0x164: {  	[tilespmem:s29+$0x7EE0] =	vst v8;
	v8 =	vmul.f32 v14, v3;
	v11 =	vld [tilespmem:s29+$0x7F50]  }
0x165: {  	[tilespmem:s29+$0x7EF0] =	vst v7;
	v7 =	vmul.f32 v12, v3;
	v12 =	vld [tilespmem:s29+$0x7F60]  }
0x166: {  	[tilespmem:s29+$0x7F00] =	vst v8;
	v8 =	vmul.f32 v10, v3;
	v10 =	vld [tilespmem:s29+$0x7F70]  }
0x167: {  	[tilespmem:s29+$0x7F10] =	vst v7;
	v7 =	vmul.f32 v13, v3;
	v13 =	vld [tilespmem:s29+$0x7F80]  }
0x168: {  	[tilespmem:s29+$0x7F20] =	vst v8;
	v8 =	vmul.f32 v9, v3;
	v9 =	vld [tilespmem:s29+$0x7F90]  }
0x169: {  	[tilespmem:s29+$0x7F30] =	vst v7;
	v7 =	vmul.f32 v11, v3;
	v11 =	vld [tilespmem:s29+$0x7FA0]  }
0x16a: {  	[tilespmem:s29+$0x7F40] =	vst v8;
	v8 =	vmul.f32 v12, v3;
	v12 =	vld [tilespmem:s29+$0x7FB0]  }
0x16b: {  	[tilespmem:s29+$0x7EC0] =	vst v5;
	v3 =	vmul.f32 v10, v3;
	v5 =	vld [tilespmem:s29+$0x7FC0]  }
0x16c: {  	[tilespmem:s29+$0x7F60] =	vst v8;
	v8 =	vmul.f32 v13, v6;
	v10 =	vld [tilespmem:s29+$0x7FE0]  }
0x16d: {  	[tilespmem:s29+$0x7F70] =	vst v3;
	v3 =	vmul.f32 v9, v6;
	v9 =	vld [tilespmem:s29+$0x7FF0]  }
0x16e: {  	[tilespmem:s29+$0x7F80] =	vst v8;
	v8 =	vmul.f32 v11, v6  }
0x16f: {  	[tilespmem:s29+$0x7F90] =	vst v3;
	v3 =	vmul.f32 v12, v6  }
0x170: {  	v11 =	vmul.f32 v17, v16;
	[tilespmem:s29+$0x7FA0] =	vst v8  }
0x171: {  	[tilespmem:s29+$0x7FB0] =	vst v3;
	v3 =	vmul.f32 v5, v6  }
.Ltmp2:
0x172: {  	[tilespmem:s29+$0x7E30] =	vst v11;
	v5 =	vmul.f32 v9, v6;
	(pc) =	sbr.rel @p0 .LBB2_7-.Ltmp2, $4  }
0x173: {  	[tilespmem:s29+$0x7FC0] =	vst v3  }
0x174: {  	v3 =	vmul.f32 v10, v6;
	[tilespmem:s29+$0x7FF0] =	vst v5  }
0x175: {  	[tilespmem:s29+$0x7F50] =	vst v7  }
0x176: {  	[tilespmem:s29+$0x7FE0] =	vst v3  }
0x177: {  	s26 =	sadd.s32 $0x1, s26  }
0x178: {  	p0 =	sne.s32 s26, $0x4F  }
.Ltmp3:
0x179: {  	[tilespmem:s29+$0x7E20] =	vst v4;
	s28 =	sadd.s32 $0x2800, s28;
	(pc) =	sbr.rel @p0 .LBB2_6-.Ltmp3, $4  }
0x17a: {  	[spmem:s2] =	stream.indirect.scatter.add.f32 [tilespmem:s22], [sflag:$0x2], $0x80, s28, s23, $0xb8;
	[tilespmem:$0x1F800] =	vst v63  }
0x17b: {  	_ =	swait.ge [sflag:s19], $0x4000  }
0x17c: {  	[sflag:s19] =	ssyncset.done $0x0  }
0x17d: {  	[sflag:s19] =	ssyncadd.s32 $0xFFFFC000  }
0x17e: {  	s26 =	sshll.u32 s0, $0x6  }
0x17f: {  	[bflag:$0x0] =	sbarrier.arrive $0xFFFF;
	s28 =	sshrl.u32 s8, $0x3;
	s26 =	sor.u32 $0x1C02, s26  }
0x180: {  	[hbm:s13], [sflag:s26] =	dma.local [spmem:s28], $0x800  }
0x181: {  	_ =	swait.ge [sflag:s19], $0x800  }
0x182: {  	[sflag:s19] =	ssyncset.done $0x0  }
0x183: {  	s31 =	sshrl.u32 s9, $0x3;
	[sflag:s19] =	ssyncadd.s32 $0xFFFFF800  }
0x184: {  	[hbm:s14], [sflag:s26] =	dma.local [spmem:s31], $0x800  }
0x185: {  	_ =	swait.ge [sflag:s19], $0x800  }
0x186: {  	[sflag:s19] =	ssyncset.done $0x0  }
0x187: {  	s29 =	sshrl.u32 s10, $0x3;
	[sflag:s19] =	ssyncadd.s32 $0xFFFFF800  }
0x188: {  	[hbm:s15], [sflag:s26] =	dma.local [spmem:s29], $0x800  }
0x189: {  	_ =	swait.ge [sflag:s19], $0x800  }
0x18a: {  	[sflag:s19] =	ssyncset.done $0x0  }
0x18b: {  	s30 =	sshrl.u32 s11, $0x3;
	[sflag:s19] =	ssyncadd.s32 $0xFFFFF800  }
0x18c: {  	[hbm:s16], [sflag:s26] =	dma.local [spmem:s30], $0x800  }
0x18d: {  	s25 =	sadd.s32 $0x1, s25;
	_ =	swait.ge [sflag:s19], $0x800  }
0x18e: {  	p0 =	sne.s32 s25, s18;
	[sflag:s19] =	ssyncset.done $0x0  }
.Ltmp4:
0x18f: {  	s31 =	sshrl.u32 s12, $0x3;
	[sflag:s19] =	ssyncadd.s32 $0xFFFFF800;
	(pc) =	sbr.rel @p0 .LBB2_1-.Ltmp4, $4  }
0x190: {  	[hbm:s17], [sflag:s26] =	dma.local [spmem:s31], $0x800  }
0x191: {  	_ =	swait.ge [sflag:s19], $0x800  }
0x192: {  	[sflag:s19] =	ssyncset.done $0x0  }
0x193: {  	[sflag:s19] =	ssyncadd.s32 $0xFFFFF800  }
0x194: {  	_ =	sfence.sel $0x180000  }
0x195: {  	[bflag:$0x0] =	sbarrier.arrive $0xFFFF  }
0x196: {  	p0 =	sne.s32 s0, $0x0;
	_ =	strace $0x9000004A  }
0x197: {  	s0 =	sadd.s32 @!p0 $0x100000, s1;
	[bflag:$0x2] =	sbarrier.arrive $0xFFFF  }
0x198: {  	[sflag:s0] =	ssyncadd.tile.s32 @!p0 $0x1;
	_ =	shalt  }
.Lfunc_end2:
_tile_overlayer_lowered:
.L_overlay_start_2:
0x199: {  	(tag) =	ssettag $0x2  }
0x19a: {  	s0 =	rddreg [dreg:$0x0];
	s2 =	stileid.u32  }
0x19b: {  	s1 =	rddreg [dreg:$0x1];
	p0 =	sne.s32 s2, $0x0  }
0x19c: {  	s3 =	rddreg [dreg:$0x2];
	[bflag:$0x3] =	sbarrier.arrive $0xFFFF;
	s2 =	simm.s32 @!p0 $0x1C02  }
0x19d: {  	[timem:s3], [sflag:s2] =	dma.local @!p0 [hbm:s0], s1  }
0x19e: {  	s0 =	simm.s32 @!p0 $0x2  }
0x19f: {  	_ =	swait.ge @!p0 [sflag:s0], s1  }
0x1a0: {  	s1 =	ssub.s32 @!p0 $0x0, s1;
	[sflag:s0] =	ssyncset.done @!p0 $0x0  }
0x1a1: {  	[sflag:s0] =	ssyncadd.s32 @!p0 s1  }
0x1a2: {  	[bflag:$0x3] =	sbarrier.arrive $0xFFFF  }
0x1a3: {  	_ =	shalt  }

// kernel: kernel.7.cloned.1.call-start
scs
__scs_entry_jumppad:
0x0: {  	(pc) =	sbr.rel $0x88, $3  }
0x1: {  	(tag) =	ssettag $0x0;
	lr =	simm.s32 $0x1  }
0x2: {  	[smem:$0x3F92] =	sst lr;
	_ =	strace $0xD0000000  }
0x3: {  	_ = 	snop  }
0x4: {  	_ = 	snop  }
0x5: {  	_ = 	snop  }
0x6: {  	_ = 	snop  }
0x7: {  	_ = 	snop  }
__scs_overlays_trampoline_lowered:
0x8: {  	[smem:$0x3FA1] =	sst s0  }
0x9: {  	[smem:$0x3FA2] =	sst s1  }
0xa: {  	[smem:$0x3FA3] =	sst s2  }
0xb: {  	[smem:$0x3FA4] =	sst s3  }
0xc: {  	[smem:$0x3FA5] =	sst s4  }
0xd: {  	[smem:$0x3FA6] =	sst s5  }
0xe: {  	[smem:$0x3FA7] =	sst s6  }
0xf: {  	[smem:$0x3FA8] =	sst s7  }
0x10: {  	[smem:$0x3FA9] =	sst s8  }
0x11: {  	[smem:$0x3FAA] =	sst s9;
	s0 =	simm.s32 @!p0 $0x0  }
0x12: {  	s1 =	sld [smem:$0x3F90];
	s0 =	simm.s32 @p0 $0x1  }
0x13: {  	[smem:$0x3FAB] =	sst s0;
	s0 =	simm.s32 @!p1 $0x0  }
0x14: {  	s2 =	sld [smem:$0x3F8F];
	s0 =	simm.s32 @p1 $0x1  }
0x15: {  	[smem:$0x3FAC] =	sst s0;
	s0 =	simm.s32 @!p2 $0x0  }
0x16: {  	s3 =	sld [smem:$0x3FDB];
	s0 =	simm.s32 @p2 $0x1  }
0x17: {  	s4 =	simm.s32 $0x1BF5;
	[smem:$0x3FAE] =	sst s0  }
0x18: {  	s0 =	sld [smem:$0x3F91];
	_ =	swait.ge [sflag:s4], $0x0  }
0x19: {  	s7 =	sld [smem:$0x3F92]  }
0x1a: {  	s8 =	sadd.s32 $0xFFFFE003, lr  }
0x1b: {  	s9 =	sadd.s32 $0xFFFFFEF7, lr;
	s5 =	simm.s32 $0xFFFFFFFF;
	p2 =	slt.u32 s8, $0xFFFFF086  }
0x1c: {  	p1 =	slt.u32 s9, $0xF7A;
	s5 =	simm.s32 @!p2 $0x0  }
0x1d: {  	s5 =	simm.s32 @p1 $0x1;
	p0 =	seq.s32 s7, s2  }
0x1e: {  	s7 =	smul.u32 @!p0 $0xF7A, s2;
	p2 =	seq.s32 @!p0 s5, $0x0  }
0x1f: {  	s9 =	smul.u32 $0xF7A, s1;
	s8 =	simm.s32 @!p0 $0x1BF5;
	p2 =	por !p2, p0  }
0x20: {  	[sflag:s8] =	ssyncset.s32 @!p0 $0xFFFFF086;
	s6 =	sadd.s32 @!p0 s3, s7;
	s7 =	simm.s32 @!p0 $0x108  }
0x21: {  	s3 =	sadd.s32 s3, s9;
	s6 =	sadd.s32 @!p0 $0x88, s6;
	s7 =	simm.s32 @p2 $0x1082  }
0x22: {  	[simem:s7], [sflag:s8] =	dma.local @!p0 [hbm:s6], $0xF7A  }
0x23: {  	s9 =	sor.u32 $0xD0000000, s2;
	s6 =	simm.s32 $0x108;
	_ =	swait.ge @!p0 [sflag:s8], $0x0  }
0x24: {  	s3 =	sadd.s32 $0x88, s3;
	s6 =	simm.s32 @!p1 $0x1082;
	[sflag:s4] =	ssyncset.s32 $0xFFFFF086  }
0x25: {  	[simem:s6], [sflag:s4] =	dma.local [hbm:s3], $0xF7A  }
0x26: {  	[smem:$0x3F92] =	sst s1;
	(tag) =	ssettag s2;
	_ =	strace s9  }
0x27: {  	s1 =	sld [smem:$0x3FA2]  }
0x28: {  	s2 =	sld [smem:$0x3FA3]  }
0x29: {  	s4 =	sld [smem:$0x3FA5]  }
0x2a: {  	p0 =	seq.s32 s5, $0x0;
	s5 =	sld [smem:$0x3FA6]  }
0x2b: {  	s6 =	sld [smem:$0x3FA7]  }
0x2c: {  	s7 =	sld [smem:$0x3FA8]  }
0x2d: {  	s3 =	simm.s32 $0x108;
	s8 =	sld [smem:$0x3FA9]  }
0x2e: {  	s3 =	simm.s32 @!p0 $0x1082;
	s9 =	sld [smem:$0x3FAA]  }
0x2f: {  	lr =	sadd.s32 s0, s3;
	s0 =	sld [smem:$0x3FA1]  }
0x30: {  	s3 =	sld [smem:$0x3FA4]  }
0x31: {  	[smem:$0x3FAD] =	sst s10  }
0x32: {  	s10 =	sld [smem:$0x3FAB];
	_ =	sdelay $0x3  }
0x33: {  	p0 =	seq.s32 s10, $0x1;
	s10 =	sld [smem:$0x3FAD];
	_ =	sdelay $0x3  }
0x34: {  	[smem:$0x3FAD] =	sst s10  }
0x35: {  	s10 =	sld [smem:$0x3FAC];
	_ =	sdelay $0x3  }
0x36: {  	p1 =	seq.s32 s10, $0x1;
	s10 =	sld [smem:$0x3FAD];
	_ =	sdelay $0x3  }
0x37: {  	[smem:$0x3FAD] =	sst s10  }
0x38: {  	s10 =	sld [smem:$0x3FAE]  }
0x39: {  	_ = 	snop;
	(pc) =	sbr.ind lr, $3  }
0x3a: {  	_ = 	snop  }
0x3b: {  	_ = 	snop  }
0x3c: {  	p2 =	seq.s32 s10, $0x1;
	s10 =	sld [smem:$0x3FAD]  }
0x3d: {  	_ =	shalt  }
0x3e: {  	_ =	shalt  }
0x3f: {  	_ =	shalt  }
0x40: {  	_ =	shalt  }
0x41: {  	_ =	shalt  }
0x42: {  	_ =	shalt  }
0x43: {  	_ =	shalt  }
0x44: {  	_ =	shalt  }
0x45: {  	_ =	shalt  }
0x46: {  	_ =	shalt  }
0x47: {  	_ =	shalt  }
0x48: {  	_ =	shalt  }
0x49: {  	_ =	shalt  }
0x4a: {  	_ =	shalt  }
0x4b: {  	_ =	shalt  }
0x4c: {  	_ =	shalt  }
0x4d: {  	_ =	shalt  }
0x4e: {  	_ =	shalt  }
0x4f: {  	_ =	shalt  }
0x50: {  	_ =	shalt  }
0x51: {  	_ =	shalt  }
0x52: {  	_ =	shalt  }
0x53: {  	_ =	shalt  }
0x54: {  	_ =	shalt  }
0x55: {  	_ =	shalt  }
0x56: {  	_ =	shalt  }
0x57: {  	_ =	shalt  }
0x58: {  	_ =	shalt  }
0x59: {  	_ =	shalt  }
0x5a: {  	_ =	shalt  }
0x5b: {  	_ =	shalt  }
0x5c: {  	_ =	shalt  }
0x5d: {  	_ =	shalt  }
0x5e: {  	_ =	shalt  }
0x5f: {  	_ =	shalt  }
0x60: {  	_ =	shalt  }
0x61: {  	_ =	shalt  }
0x62: {  	_ =	shalt  }
0x63: {  	_ =	shalt  }
0x64: {  	_ =	shalt  }
0x65: {  	_ =	shalt  }
0x66: {  	_ =	shalt  }
0x67: {  	_ =	shalt  }
0x68: {  	_ =	shalt  }
0x69: {  	_ =	shalt  }
0x6a: {  	_ =	shalt  }
0x6b: {  	_ =	shalt  }
0x6c: {  	_ =	shalt  }
0x6d: {  	_ =	shalt  }
0x6e: {  	_ =	shalt  }
0x6f: {  	_ =	shalt  }
0x70: {  	_ =	shalt  }
0x71: {  	_ =	shalt  }
0x72: {  	_ =	shalt  }
0x73: {  	_ =	shalt  }
0x74: {  	_ =	shalt  }
0x75: {  	_ =	shalt  }
0x76: {  	_ =	shalt  }
0x77: {  	_ =	shalt  }
0x78: {  	_ =	shalt  }
0x79: {  	_ =	shalt  }
0x7a: {  	_ =	shalt  }
0x7b: {  	_ =	shalt  }
0x7c: {  	_ =	shalt  }
0x7d: {  	_ =	shalt  }
0x7e: {  	_ =	shalt  }
0x7f: {  	_ =	shalt  }
0x80: {  	_ =	shalt  }
0x81: {  	_ =	shalt  }
0x82: {  	_ =	shalt  }
0x83: {  	_ =	shalt  }
0x84: {  	_ =	shalt  }
0x85: {  	_ =	shalt  }
0x86: {  	_ =	shalt  }
0x87: {  	_ =	shalt  }
.Lfunc_end0:
.L_simem_size_0:
called_computation_lowered:
.L_overlay_start_0:
0x88: {  	s2 =	sld [smem:$0x3FD9]  }
0x89: {  	s3 =	sld [smem:$0x3FFE];
	_ =	sdelay $0x1  }
0x8a: {  	s1 =	srdreg.scid  }
0x8b: {  	s0 =	sand.u32 $0x1, s1  }
0x8c: {  	s16 =	sshll.u32 s0, $0xA;
	s2 =	sadd.s32 s3, s2  }
0x8d: {  	s2 =	sadd.s32 s2, s16  }
0x8e: {  	[smem:$0x3FB9] =	sst s2  }
0x8f: {  	_ = 	snop  }
0x90: {  	(tm) =	ssettm $0x1  }
0x91: {  	s17 =	sld [smem:$0x3FFB];
	_ =	sdelay $0x3  }
0x92: {  	_ =	strace s17  }
0x93: {  	s2 =	sld [smem:$0x3FFC];
	_ =	sdelay $0x3  }
0x94: {  	_ =	strace s2  }
0x95: {  	s2 =	sld [smem:$0x3FFD];
	_ =	sdelay $0x3  }
0x96: {  	_ =	strace s2  }
0x97: {  	_ =	strace $0x8FFFFFFF  }
0x98: {  	s18 =	sld [smem:$0x3FDB];
	_ =	sdelay $0x1  }
0x99: {  	s19 =	simm.s32 $_scs_section_size  }
0x9a: {  	s4 =	simm.s32 $_size__tile_overlayer_lowered;
	s5 =	simm.s32 $_tile_overlayer_lowered  }
0x9b: {  	s22 =	simm.s32 $0x1BFF;
	s21 =	sshll.u32 s5, $0x1;
	s2 =	sadd.s32 s19, s18  }
0x9c: {  	s6 =	simm.s32 $0x0;
	s20 =	sshll.u32 s4, $0x1;
	s4 =	sadd.s32 s21, s2  }
0x9d: {  	[timem:s6], [sflag:s22] =	dma.local [hbm:s4], s20  }
0x9e: {  	_ =	swait.ge [sflag:s22], s20  }
0x9f: {  	s3 =	ssub.s32 $0x0, s20;
	[sflag:s22] =	ssyncset.done $0x0  }
0xa0: {  	[sflag:s22] =	ssyncadd.s32 s3;
	_ =	sdelay $0x1  }
0xa1: {  	s23 =	simm.s32 $0x1B8B  }
0xa2: {  	_ =	swait.ge [sflag:s23], $0x1  }
0xa3: {  	[sflag:s23] =	ssyncset.done $0x0  }
0xa4: {  	s25 =	simm.s32 $0x1B8E;
	s24 =	sld [smem:$0x3FFE];
	[sflag:s23] =	ssyncadd.s32 $0xFFFFFFFF  }
0xa5: {  	s26 =	simm.s32 $execute0_lowered;
	[smem:$0x3FD2] =	sst s25  }
0xa6: {  	s4 =	sshll.u32 s26, $0x1;
	_ =	strace $0x80000046;
	[dreg:$0x1] =	wrdreg $0xFFFFFFFF  }
0xa7: {  	s28 =	simm.s32 $_size_execute0_lowered;
	s2 =	sadd.s32 s2, s4;
	[dreg:$0x0] =	wrdreg $0x0  }
0xa8: {  	s4 =	sshll.u32 s28, $0x1;
	[dreg:$0x2] =	wrdreg s2  }
0xa9: {  	[dreg:$0x3] =	wrdreg s4  }
0xaa: {  	[dreg:$0x4] =	wrdreg $0xC0  }
0xab: {  	_ =	task [dreg:s6], $0x5FFFF  }
0xac: {  	[dreg:$0x1] =	wrdreg $0xFFFFFFFF  }
0xad: {  	[dreg:$0x0] =	wrdreg $0x60  }
0xae: {  	[dreg:$0x2] =	wrdreg s24  }
0xaf: {  	[dreg:$0x3] =	wrdreg $0xB8000  }
0xb0: {  	[dreg:$0x4] =	wrdreg $0x9  }
0xb1: {  	_ =	task.clear_ibuf [dreg:s6], $0x5FFFF;
	_ =	strace $0x90000046  }
0xb2: {  	s29 =	simm.s32 $0x9;
	_ =	strace $0x80000048  }
0xb3: {  	_ =	swait.ge [sflag:s29], $0x1  }
0xb4: {  	[sflag:s29] =	ssyncadd.s32 $0xFFFFFFFF  }
0xb5: {  	_ =	strace $0x90000048  }
0xb6: {  	_ =	sfence  }
0xb7: {  	s30 =	sld [smem:$0x0];
	_ =	sdelay $0x2  }
0xb8: {  	s31 =	sshll.u32 s1, $0xD;
	s1 =	sshrl.u32 s1, $0x2  }
0xb9: {  	s3 =	sand.u32 $0x4000, s31;
	s1 =	sadd.s32 s1, s30  }
0xba: {  	s0 =	sor.u32 s3, s0;
	s1 =	sshll.u32 s1, $0x11  }
0xbb: {  	s0 =	sor.u32 s1, s0  }
0xbc: {  	s0 =	sadd.s32 $0x8F2B, s0  }
0xbd: {  	[sflag:s0] =	ssyncadd.remote.s32 $0x1  }
0xbe: {  	_ =	sfence.sel $0xFFFF  }
0xbf: {  	[dreg:$0x0] =	wrdreg $0xFFFFFFFF;
	(pc) =	sbr.abs _section_cstart, $3  }
0xc0: {  	[dreg:$0x1] =	wrdreg $0xFFFFFFFF  }
0xc1: {  	_ =	task.clear_ibuf [dreg:s6], $0x2FFFF;
	_ =	strace $0x9FFFFFFF  }
0xc2: {  	(tm) =	ssettm $0x7FFFFFFF  }
0xc3: {  	_ =	shalt  }
tec
execute0_lowered:
.L_overlay_start_1:
0x0: {  	(tag) =	ssettag $0x1  }
0x1: {  	s5 =	rddreg [dreg:$0x0];
	s0 =	stileid.u32  }
0x2: {  	s1 =	srdreg.scid;
	s2 =	rddreg [dreg:$0x1];
	s3 =	simm.s32 $0x0  }
0x3: {  	s19 =	simm.s32 $0x2;
	s20 =	simm.s32 $0x2800;
	s21 =	simm.s32 $0x5000  }
0x4: {  	s22 =	simm.s32 $0x7800;
	s24 =	simm.s32 $0x1;
	s4 =	smul.u32 $0x500, s0  }
0x5: {  	s9 =	sand.u32 $0x1, s1;
	s6 =	smul.u32 $0x280, s0;
	s1 =	rddreg [dreg:$0x2]  }
0x6: {  	s25 =	simm.s32 $0x0;
	[smem:$0x7FF] =	sst s3;
	s10 =	smul.u32 $0x50000, s0  }
0x7: {  	s7 =	smul.u32 $0x2800, s9;
	_ =	strace $0x80000047;
	s30 =	ssub.s32 $0x2, s9  }
0x8: {  	s23 =	smul.u32 $0x2710, s9;
	s8 =	sadd.s32 s4, s5;
	s4 =	sadd.s32 $0x11600, s5  }
0x9: {  	s31 =	sshrl.u32 s30, $0x1;
	s10 =	sshrl.u32 s10, $0x2;
	s29 =	sadd.s32 s6, s7  }
0xa: {  	s18 =	ssub.s32 s30, s31;
	s7 =	sadd.s32 $0xC600, s8;
	s6 =	sshll.u32 s29, $0x4  }
0xb: {  	v0 =	vmov s23;
	s23 =	simm.s32 $0x80;
	s18 =	smax.u32 s18, $0x1;
	s17 =	sadd.s32 s6, s5  }
0xc: {  	s5 =	sadd.s32 $0x2600, s8;
	s6 =	sadd.s32 $0x7600, s8;
	s8 =	sadd.s32 s10, s2  }
0xd: {  	s9 =	sadd.s32 $0x4000, s8;
	s10 =	sadd.s32 $0x8000, s8;
	s11 =	sadd.s32 $0xC000, s8  }
0xe: {  	s12 =	sadd.s32 $0x10000, s8;
	s13 =	sadd.s32 $0x5F800, s17;
	s14 =	sadd.s32 $0x60000, s17  }
0xf: {  	v1 =	vimm.f32 $0.0e+00;
	s15 =	sadd.s32 $0x60800, s17;
	s16 =	sadd.s32 $0x61000, s17;
	s17 =	sadd.s32 $0x61800, s17  }
.LBB2_1:
0x10: {  	[tilespmem:s3], [sflag:$0x2] =	stream.linear.gather [hbm4b:s5+s3], $0x2780, $0x38;
	[tilespmem:$0x1F800] =	vst v63  }
0x11: {  	_ =	swait.ge [sflag:s19], $0x2780  }
0x12: {  	[sflag:s19] =	ssyncset.done $0x0  }
0x13: {  	[sflag:s19] =	ssyncadd.s32 $0xFFFFD880  }
0x14: {  	[tilespmem:s20], [sflag:$0x2] =	stream.linear.gather [hbm4b:s6+s3], $0x2780, $0x38;
	[tilespmem:$0x1F800] =	vst v63  }
0x15: {  	_ =	swait.ge [sflag:s19], $0x2780  }
0x16: {  	[sflag:s19] =	ssyncset.done $0x0  }
0x17: {  	[sflag:s19] =	ssyncadd.s32 $0xFFFFD880  }
0x18: {  	[tilespmem:s21], [sflag:$0x2] =	stream.linear.gather [hbm4b:s7+s3], $0x2780, $0x38;
	[tilespmem:$0x1F800] =	vst v63  }
0x19: {  	_ =	swait.ge [sflag:s19], $0x2780  }
0x1a: {  	[sflag:s19] =	ssyncset.done $0x0  }
0x1b: {  	s26 =	simm.s32 $0x0;
	[sflag:s19] =	ssyncadd.s32 $0xFFFFD880  }
0x1c: {  	v4 =	vld [tilespmem:s26+$0x0]  }
0x1d: {  	v6 =	vld [tilespmem:s26+$0x10]  }
0x1e: {  	v5 =	vld [tilespmem:s26+$0x20]  }
0x1f: {  	v3 =	vld [tilespmem:s26+$0x30]  }
0x20: {  	v2 =	vld [tilespmem:s26+$0x40]  }
0x21: {  	v7 =	vadd.s32 v0, v4;
	v4 =	vld [tilespmem:s26+$0x50]  }
0x22: {  	s28 =	simm.s32 $0x200;
	[tilespmem:s26+$0x0] =	vst v7;
	v7 =	vadd.s32 v0, v6;
	v6 =	vld [tilespmem:s26+$0x60]  }
.LBB2_2:
0x23: {  	s29 =	sshra.s32 s28, $0x2;
	p0 =	sne.s32 s28, $0x9C00;
	[tilespmem:s26+$0x10] =	vst v7;
	v5 =	vadd.s32 v0, v5;
	v7 =	vld [tilespmem:s26+$0x70]  }
0x24: {  	v8 =	vld [tilespmem:s29+$0x0];
	[tilespmem:s26+$0x20] =	vst v5;
	v3 =	vadd.s32 v0, v3  }
0x25: {  	v9 =	vld [tilespmem:s29+$0x10];
	[tilespmem:s26+$0x30] =	vst v3;
	v2 =	vadd.s32 v0, v2  }
.Ltmp0:
0x26: {  	v5 =	vld [tilespmem:s29+$0x20];
	[tilespmem:s26+$0x40] =	vst v2;
	v2 =	vadd.s32 v0, v4;
	(pc) =	sbr.rel @p0 .LBB2_2-.Ltmp0, $4  }
0x27: {  	v3 =	vld [tilespmem:s29+$0x30];
	[tilespmem:s26+$0x50] =	vst v2;
	v4 =	vadd.s32 v0, v6  }
0x28: {  	v2 =	vld [tilespmem:s29+$0x40];
	[tilespmem:s26+$0x60] =	vst v4;
	v6 =	vadd.s32 v0, v7  }
0x29: {  	v7 =	vadd.s32 v0, v8;
	v4 =	vld [tilespmem:s29+$0x50];
	[tilespmem:s26+$0x70] =	vst v6;
	s26 =	smov.u32 s29  }
0x2a: {  	s28 =	sadd.s32 $0x200, s28;
	[tilespmem:s26+$0x0] =	vst v7;
	v7 =	vadd.s32 v0, v9;
	v6 =	vld [tilespmem:s26+$0x60]  }
0x2b: {  	[tilespmem:s26+$0x10] =	vst v7;
	v5 =	vadd.s32 v0, v5;
	v63 =	vld [tilespmem:s26+$0x70]  }
0x2c: {  	[tilespmem:s26+$0x20] =	vst v5;
	v3 =	vadd.s32 v0, v3  }
0x2d: {  	[tilespmem:s26+$0x30] =	vst v3;
	v2 =	vadd.s32 v0, v2  }
0x2e: {  	[tilespmem:s26+$0x40] =	vst v2;
	v2 =	vadd.s32 v0, v4  }
0x2f: {  	[tilespmem:s26+$0x50] =	vst v2;
	v2 =	vadd.s32 v0, v6  }
0x30: {  	[tilespmem:s26+$0x60] =	vst v2;
	v2 =	vadd.s32 v0, v63  }
0x31: {  	s28 =	simm.s32 $0x200;
	[tilespmem:s26+$0x70] =	vst v2;
	s26 =	simm.s32 $0x0  }
.LBB2_4:
0x32: {  	p0 =	sne.s32 s28, $0xFE00;
	[tilespmem:s26+$0x7870] =	vst v1  }
0x33: {  	[tilespmem:s26+$0x7800] =	vst v1  }
0x34: {  	[tilespmem:s26+$0x7810] =	vst v1  }
.Ltmp1:
0x35: {  	[tilespmem:s26+$0x7820] =	vst v1;
	(pc) =	sbr.rel @p0 .LBB2_4-.Ltmp1, $4  }
0x36: {  	[tilespmem:s26+$0x7830] =	vst v1  }
0x37: {  	[tilespmem:s26+$0x7840] =	vst v1  }
0x38: {  	[tilespmem:s26+$0x7850] =	vst v1  }
0x39: {  	[tilespmem:s26+$0x7860] =	vst v1;
	s26 =	sshra.s32 s28, $0x2;
	s28 =	sadd.s32 $0x200, s28  }
0x3a: {  	[tilespmem:s26+$0x7870] =	vst v1  }
0x3b: {  	[tilespmem:s26+$0x7800] =	vst v1  }
0x3c: {  	[tilespmem:s26+$0x7810] =	vst v1  }
0x3d: {  	[tilespmem:s26+$0x7820] =	vst v1  }
0x3e: {  	[tilespmem:s26+$0x7830] =	vst v1  }
0x3f: {  	[tilespmem:s26+$0x7840] =	vst v1  }
0x40: {  	[tilespmem:s26+$0x7850] =	vst v1  }
0x41: {  	[tilespmem:s26+$0x7860] =	vst v1  }
0x42: {  	[spmem:s8] =	stream.linear.scatter [tilespmem:s22], [sflag:$0x2], $0x4000, $0x38;
	[tilespmem:$0x1F800] =	vst v63  }
0x43: {  	_ =	swait.ge [sflag:s19], $0x4000  }
0x44: {  	[sflag:s19] =	ssyncset.done $0x0  }
0x45: {  	[sflag:s19] =	ssyncadd.s32 $0xFFFFC000  }
0x46: {  	[spmem:s9] =	stream.linear.scatter [tilespmem:s22], [sflag:$0x2], $0x4000, $0x38;
	[tilespmem:$0x1F800] =	vst v63  }
0x47: {  	_ =	swait.ge [sflag:s19], $0x4000  }
0x48: {  	[sflag:s19] =	ssyncset.done $0x0  }
0x49: {  	[sflag:s19] =	ssyncadd.s32 $0xFFFFC000  }
0x4a: {  	[spmem:s10] =	stream.linear.scatter [tilespmem:s22], [sflag:$0x2], $0x4000, $0x38;
	[tilespmem:$0x1F800] =	vst v63  }
0x4b: {  	_ =	swait.ge [sflag:s19], $0x4000  }
0x4c: {  	[sflag:s19] =	ssyncset.done $0x0  }
0x4d: {  	[sflag:s19] =	ssyncadd.s32 $0xFFFFC000  }
0x4e: {  	[spmem:s11] =	stream.linear.scatter [tilespmem:s22], [sflag:$0x2], $0x4000, $0x38;
	[tilespmem:$0x1F800] =	vst v63  }
0x4f: {  	_ =	swait.ge [sflag:s19], $0x4000  }
0x50: {  	[sflag:s19] =	ssyncset.done $0x0  }
0x51: {  	[sflag:s19] =	ssyncadd.s32 $0xFFFFC000  }
0x52: {  	[spmem:s12] =	stream.linear.scatter [tilespmem:s22], [sflag:$0x2], $0x4000, $0x38;
	[tilespmem:$0x1F800] =	vst v63  }
0x53: {  	_ =	swait.ge [sflag:s19], $0x4000  }
0x54: {  	[sflag:s19] =	ssyncset.done $0x0  }
0x55: {  	[sflag:s19] =	ssyncadd.s32 $0xFFFFC000  }
0x56: {  	s26 =	simm.s32 $0x0;
	[bflag:$0x0] =	sbarrier.arrive $0xFFFF  }
.LBB2_6:
0x57: {  	s28 =	sshll.u32 s26, $0x7  }
0x58: {  	s29 =	sadd.s32 $0x5000, s28  }
0x59: {  	v2 =	vmov s29  }
0x5a: {  	[tilespmem:s22], [sflag:$0x1] =	stream.indirect.gather [hbm4b:s4+s23], $0x80, s28, s23, $0xb8;
	[tilespmem:$0x1F800] =	vst v63  }
0x5b: {  	_ =	swait.ge [sflag:s24], $0x4000  }
0x5c: {  	s29 =	simm.s32 $0x0;
	[sflag:s24] =	ssyncset.done $0x0  }
0x5d: {  	s30 =	simm.s32 $0x0;
	s29 =	sand.u32 $0x3FFFFFF0, s29;
	[sflag:s24] =	ssyncadd.s32 $0xFFFFC000  }
0x5e: {  	v3 =	vld.idx.msk [tilespmem:v2+s29+$0x0 ss:$0x1], $0xffff;
	s29 =	sand.u32 $0x3FFFF800, s30  }
0x5f: {  	v9 =	vld [tilespmem:s29+$0x78C0]  }
0x60: {  	v10 =	vld [tilespmem:s29+$0x78D0]  }
0x61: {  	v11 =	vld [tilespmem:s29+$0x78B0]  }
0x62: {  	v5 =	vld [tilespmem:s29+$0x7820]  }
0x63: {  	v6 =	vld [tilespmem:s29+$0x7830]  }
0x64: {  	v12 =	vld [tilespmem:s29+$0x7860]  }
0x65: {  	v13 =	vld [tilespmem:s29+$0x7870];
	v4 =	vbroadcast v3, $0x0  }
0x66: {  	v14 =	vld [tilespmem:s29+$0x7880]  }
0x67: {  	v15 =	vld [tilespmem:s29+$0x7890];
	v5 =	vmul.f32 v5, v4  }
0x68: {  	v16 =	vld [tilespmem:s29+$0x78A0];
	v6 =	vmul.f32 v6, v4  }
0x69: {  	v8 =	vld [tilespmem:s29+$0x7D70];
	v27 =	vbroadcast v3, $0x1;
	v26 =	vmul.f32 v12, v4;
	[tilespmem:s29+$0x7820] =	vst v5  }
0x6a: {  	v28 =	vld [tilespmem:s29+$0x78E0];
	v13 =	vmul.f32 v13, v4;
	[tilespmem:s29+$0x7830] =	vst v6  }
0x6b: {  	v29 =	vld [tilespmem:s29+$0x78F0];
	v14 =	vmul.f32 v14, v27;
	[tilespmem:s29+$0x7860] =	vst v26  }
0x6c: {  	v30 =	vld [tilespmem:s29+$0x7900];
	v15 =	vmul.f32 v15, v27;
	[tilespmem:s29+$0x7870] =	vst v13  }
0x6d: {  	v31 =	vld [tilespmem:s29+$0x7910];
	v16 =	vmul.f32 v16, v27;
	[tilespmem:s29+$0x7880] =	vst v14  }
0x6e: {  	v32 =	vld [tilespmem:s29+$0x7920];
	v11 =	vmul.f32 v11, v27;
	[tilespmem:s29+$0x7890] =	vst v15  }
0x6f: {  	v33 =	vld [tilespmem:s29+$0x7930];
	v9 =	vmul.f32 v9, v27;
	[tilespmem:s29+$0x78A0] =	vst v16  }
0x70: {  	v34 =	vld [tilespmem:s29+$0x7940];
	v17 =	vbroadcast v3, $0x2;
	v10 =	vmul.f32 v10, v27;
	[tilespmem:s29+$0x78B0] =	vst v11  }
0x71: {  	v35 =	vld [tilespmem:s29+$0x7950];
	v12 =	vmul.f32 v29, v27;
	[tilespmem:s29+$0x78C0] =	vst v9  }
0x72: {  	v37 =	vld [tilespmem:s29+$0x7960];
	v7 =	vbroadcast v3, $0xA;
	v36 =	vmul.f32 v30, v17;
	[tilespmem:s29+$0x78D0] =	vst v10  }
0x73: {  	v39 =	vld [tilespmem:s29+$0x7970];
	v38 =	vmul.f32 v31, v17;
	[tilespmem:s29+$0x78F0] =	vst v12  }
0x74: {  	v40 =	vld [tilespmem:s29+$0x7980];
	v5 =	vmul.f32 v8, v7;
	[tilespmem:s29+$0x7900] =	vst v36  }
0x75: {  	v41 =	vld [tilespmem:s29+$0x7990];
	v13 =	vmul.f32 v28, v27;
	[tilespmem:s29+$0x7910] =	vst v38  }
0x76: {  	v42 =	vld [tilespmem:s29+$0x79A0];
	v11 =	vmul.f32 v32, v17;
	[tilespmem:s29+$0x7D70] =	vst v5  }
0x77: {  	v43 =	vld [tilespmem:s29+$0x79B0];
	v9 =	vmul.f32 v33, v17;
	[tilespmem:s29+$0x78E0] =	vst v13  }
0x78: {  	v44 =	vld [tilespmem:s29+$0x79C0];
	v10 =	vmul.f32 v34, v17;
	[tilespmem:s29+$0x7920] =	vst v11  }
0x79: {  	v46 =	vld [tilespmem:s29+$0x79D0];
	v45 =	vbroadcast v3, $0x3;
	v12 =	vmul.f32 v37, v17;
	[tilespmem:s29+$0x7930] =	vst v9  }
0x7a: {  	v47 =	vld [tilespmem:s29+$0x79E0];
	v14 =	vmul.f32 v39, v17;
	[tilespmem:s29+$0x7940] =	vst v10  }
0x7b: {  	v48 =	vld [tilespmem:s29+$0x79F0];
	v15 =	vmul.f32 v40, v45;
	[tilespmem:s29+$0x7960] =	vst v12  }
0x7c: {  	v49 =	vld [tilespmem:s29+$0x7A00];
	v13 =	vmul.f32 v35, v17;
	[tilespmem:s29+$0x7970] =	vst v14  }
0x7d: {  	v50 =	vld [tilespmem:s29+$0x7A10];
	v11 =	vmul.f32 v41, v45;
	[tilespmem:s29+$0x7980] =	vst v15  }
0x7e: {  	v51 =	vld [tilespmem:s29+$0x7A20];
	v9 =	vmul.f32 v42, v45;
	[tilespmem:s29+$0x7950] =	vst v13  }
0x7f: {  	v52 =	vld [tilespmem:s29+$0x7A30];
	v10 =	vmul.f32 v43, v45;
	[tilespmem:s29+$0x7990] =	vst v11  }
0x80: {  	v53 =	vld [tilespmem:s29+$0x7A40];
	v12 =	vmul.f32 v46, v45;
	[tilespmem:s29+$0x79A0] =	vst v9  }
0x81: {  	v55 =	vld [tilespmem:s29+$0x7A50];
	v14 =	vmul.f32 v47, v45;
	[tilespmem:s29+$0x79B0] =	vst v10  }
0x82: {  	v56 =	vld [tilespmem:s29+$0x7A60];
	v54 =	vbroadcast v3, $0x4;
	v15 =	vmul.f32 v48, v45;
	[tilespmem:s29+$0x79D0] =	vst v12  }
0x83: {  	v57 =	vld [tilespmem:s29+$0x7A70];
	v13 =	vmul.f32 v44, v45;
	[tilespmem:s29+$0x79E0] =	vst v14  }
0x84: {  	v58 =	vld [tilespmem:s29+$0x7A80];
	v11 =	vmul.f32 v49, v54;
	[tilespmem:s29+$0x79F0] =	vst v15  }
0x85: {  	v59 =	vld [tilespmem:s29+$0x7A90];
	v9 =	vmul.f32 v50, v54;
	[tilespmem:s29+$0x79C0] =	vst v13  }
0x86: {  	v60 =	vld [tilespmem:s29+$0x7AA0];
	v10 =	vmul.f32 v51, v54;
	[tilespmem:s29+$0x7A00] =	vst v11  }
0x87: {  	v61 =	vld [tilespmem:s29+$0x7AB0];
	v12 =	vmul.f32 v53, v54;
	[tilespmem:s29+$0x7A10] =	vst v9  }
0x88: {  	v62 =	vld [tilespmem:s29+$0x7AC0];
	v14 =	vmul.f32 v55, v54;
	[tilespmem:s29+$0x7A20] =	vst v10  }
0x89: {  	v20 =	vld [tilespmem:s29+$0x7AD0];
	v15 =	vmul.f32 v56, v54;
	[tilespmem:s29+$0x7A40] =	vst v12  }
0x8a: {  	v21 =	vld [tilespmem:s29+$0x7AE0];
	v63 =	vbroadcast v3, $0x5;
	v13 =	vmul.f32 v52, v54;
	[tilespmem:s29+$0x7A50] =	vst v14  }
0x8b: {  	v22 =	vld [tilespmem:s29+$0x7AF0];
	v11 =	vmul.f32 v57, v54;
	[tilespmem:s29+$0x7A60] =	vst v15  }
0x8c: {  	v23 =	vld [tilespmem:s29+$0x7B00];
	v9 =	vmul.f32 v58, v63;
	[tilespmem:s29+$0x7A30] =	vst v13  }
0x8d: {  	v24 =	vld [tilespmem:s29+$0x7B10];
	v10 =	vmul.f32 v59, v63;
	[tilespmem:s29+$0x7A70] =	vst v11  }
0x8e: {  	v25 =	vld [tilespmem:s29+$0x7B20];
	v12 =	vmul.f32 v61, v63;
	[tilespmem:s29+$0x7A80] =	vst v9  }
0x8f: {  	v29 =	vld [tilespmem:s29+$0x7B50];
	v14 =	vmul.f32 v62, v63;
	[tilespmem:s29+$0x7A90] =	vst v10  }
0x90: {  	v30 =	vld [tilespmem:s29+$0x7B60];
	v15 =	vmul.f32 v20, v63;
	[tilespmem:s29+$0x7AB0] =	vst v12  }
0x91: {  	v26 =	vld [tilespmem:s29+$0x7B30];
	v13 =	vmul.f32 v60, v63;
	[tilespmem:s29+$0x7AC0] =	vst v14  }
0x92: {  	v27 =	vld [tilespmem:s29+$0x7B40];
	v28 =	vbroadcast v3, $0x6;
	v11 =	vmul.f32 v21, v63;
	[tilespmem:s29+$0x7AD0] =	vst v15  }
0x93: {  	v31 =	vld [tilespmem:s29+$0x7B70];
	v9 =	vmul.f32 v22, v63;
	[tilespmem:s29+$0x7AA0] =	vst v13  }
0x94: {  	v6 =	vld [tilespmem:s29+$0x7D80];
	v10 =	vmul.f32 v23, v28;
	[tilespmem:s29+$0x7AE0] =	vst v11  }
0x95: {  	v8 =	vld [tilespmem:s29+$0x7D90];
	v12 =	vmul.f32 v25, v28;
	[tilespmem:s29+$0x7AF0] =	vst v9  }
0x96: {  	v32 =	vld [tilespmem:s29+$0x7B80];
	v14 =	vmul.f32 v26, v28;
	[tilespmem:s29+$0x7B00] =	vst v10  }
0x97: {  	v33 =	vld [tilespmem:s29+$0x7B90];
	v15 =	vmul.f32 v27, v28;
	[tilespmem:s29+$0x7B20] =	vst v12  }
0x98: {  	v34 =	vld [tilespmem:s29+$0x7BA0];
	v13 =	vmul.f32 v24, v28;
	[tilespmem:s29+$0x7B30] =	vst v14  }
0x99: {  	v35 =	vld [tilespmem:s29+$0x7BB0];
	v11 =	vmul.f32 v29, v28;
	[tilespmem:s29+$0x7B40] =	vst v15  }
0x9a: {  	v37 =	vbroadcast v3, $0x7;
	v59 =	vld [tilespmem:s29+$0x7D00];
	v9 =	vmul.f32 v30, v28;
	[tilespmem:s29+$0x7B10] =	vst v13  }
0x9b: {  	v20 =	vld [tilespmem:s29+$0x7D50];
	v10 =	vmul.f32 v31, v28;
	[tilespmem:s29+$0x7B50] =	vst v11  }
0x9c: {  	v36 =	vld [tilespmem:s29+$0x7BC0];
	v12 =	vmul.f32 v33, v37;
	[tilespmem:s29+$0x7B60] =	vst v9  }
0x9d: {  	v38 =	vld [tilespmem:s29+$0x7BD0];
	v14 =	vmul.f32 v34, v37;
	[tilespmem:s29+$0x7B70] =	vst v10  }
0x9e: {  	v39 =	vld [tilespmem:s29+$0x7BE0];
	v15 =	vmul.f32 v35, v37;
	[tilespmem:s29+$0x7B90] =	vst v12  }
0x9f: {  	v40 =	vld [tilespmem:s29+$0x7BF0];
	v21 =	vmul.f32 v59, v7;
	[tilespmem:s29+$0x7BA0] =	vst v14  }
0xa0: {  	v41 =	vld [tilespmem:s29+$0x7C00];
	v28 =	vmul.f32 v20, v7;
	[tilespmem:s29+$0x7BB0] =	vst v15  }
0xa1: {  	v42 =	vld [tilespmem:s29+$0x7C10];
	v13 =	vmul.f32 v32, v37;
	[tilespmem:s29+$0x7D00] =	vst v21  }
0xa2: {  	v43 =	vld [tilespmem:s29+$0x7C20];
	v11 =	vmul.f32 v36, v37;
	[tilespmem:s29+$0x7D50] =	vst v28  }
0xa3: {  	v5 =	vld [tilespmem:s29+$0x7FD0];
	v46 =	vbroadcast v3, $0x8;
	v9 =	vmul.f32 v38, v37;
	[tilespmem:s29+$0x7B80] =	vst v13  }
0xa4: {  	v47 =	vld [tilespmem:s29+$0x7C50];
	v10 =	vmul.f32 v39, v37;
	[tilespmem:s29+$0x7BC0] =	vst v11  }
0xa5: {  	v63 =	vld [tilespmem:s29+$0x7D40];
	v12 =	vmul.f32 v41, v46;
	[tilespmem:s29+$0x7BD0] =	vst v9  }
0xa6: {  	v23 =	vld [tilespmem:s29+$0x7800];
	v31 =	vbroadcast v3, $0xB;
	v14 =	vmul.f32 v42, v46;
	[tilespmem:s29+$0x7BE0] =	vst v10  }
0xa7: {  	v48 =	vld [tilespmem:s29+$0x7C60];
	v15 =	vmul.f32 v43, v46;
	[tilespmem:s29+$0x7C00] =	vst v12  }
0xa8: {  	v44 =	vld [tilespmem:s29+$0x7C30];
	v6 =	vmul.f32 v6, v31;
	[tilespmem:s29+$0x7C10] =	vst v14  }
0xa9: {  	v45 =	vld [tilespmem:s29+$0x7C40];
	v8 =	vmul.f32 v8, v31;
	[tilespmem:s29+$0x7C20] =	vst v15  }
0xaa: {  	v49 =	vld [tilespmem:s29+$0x7C70];
	v26 =	vmul.f32 v63, v7;
	[tilespmem:s29+$0x7D80] =	vst v6  }
0xab: {  	v50 =	vld [tilespmem:s29+$0x7C80];
	v32 =	vmul.f32 v4, v23;
	[tilespmem:s29+$0x7D90] =	vst v8  }
0xac: {  	v51 =	vld [tilespmem:s29+$0x7C90];
	v13 =	vmul.f32 v40, v37;
	[tilespmem:s29+$0x7D40] =	vst v26  }
0xad: {  	v53 =	vld [tilespmem:s29+$0x7CB0];
	v11 =	vmul.f32 v44, v46;
	[tilespmem:s29+$0x7800] =	vst v32  }
0xae: {  	v33 =	vld [tilespmem:s29+$0x7DD0];
	v9 =	vmul.f32 v45, v46;
	[tilespmem:s29+$0x7BF0] =	vst v13  }
0xaf: {  	v55 =	vbroadcast v3, $0x9;
	v34 =	vld [tilespmem:s29+$0x7DE0];
	v10 =	vmul.f32 v47, v46;
	[tilespmem:s29+$0x7C30] =	vst v11  }
0xb0: {  	v35 =	vld [tilespmem:s29+$0x7DF0];
	v12 =	vmul.f32 v49, v46;
	[tilespmem:s29+$0x7C40] =	vst v9  }
0xb1: {  	v52 =	vld [tilespmem:s29+$0x7CA0];
	v14 =	vmul.f32 v50, v55;
	[tilespmem:s29+$0x7C50] =	vst v10  }
0xb2: {  	v54 =	vld [tilespmem:s29+$0x7CC0];
	v15 =	vmul.f32 v51, v55;
	[tilespmem:s29+$0x7C70] =	vst v12  }
0xb3: {  	v57 =	vld [tilespmem:s29+$0x7CE0];
	v38 =	vmul.f32 v33, v31;
	[tilespmem:s29+$0x7C80] =	vst v14  }
0xb4: {  	v58 =	vld [tilespmem:s29+$0x7CF0];
	v45 =	vmul.f32 v34, v31;
	[tilespmem:s29+$0x7C90] =	vst v15  }
0xb5: {  	v61 =	vld [tilespmem:s29+$0x7D20];
	v8 =	vmul.f32 v35, v31;
	[tilespmem:s29+$0x7DD0] =	vst v38  }
0xb6: {  	v62 =	vld [tilespmem:s29+$0x7D30];
	v13 =	vmul.f32 v48, v46;
	[tilespmem:s29+$0x7DE0] =	vst v45  }
0xb7: {  	v36 =	vld [tilespmem:s29+$0x7E00];
	v11 =	vmul.f32 v52, v55;
	[tilespmem:s29+$0x7DF0] =	vst v8  }
0xb8: {  	v60 =	vld [tilespmem:s29+$0x7D10];
	v9 =	vmul.f32 v53, v55;
	[tilespmem:s29+$0x7C60] =	vst v13  }
0xb9: {  	v22 =	vld [tilespmem:s29+$0x7D60];
	v41 =	vbroadcast v3, $0xC;
	v10 =	vmul.f32 v54, v55;
	[tilespmem:s29+$0x7CA0] =	vst v11  }
0xba: {  	v56 =	vld [tilespmem:s29+$0x7CD0];
	v6 =	vbroadcast v3, $0xF;
	v12 =	vmul.f32 v57, v55;
	[tilespmem:s29+$0x7CB0] =	vst v9  }
0xbb: {  	v14 =	vmul.f32 v58, v55;
	[tilespmem:s29+$0x7CC0] =	vst v10  }
0xbc: {  	v5 =	vmul.f32 v5, v6;
	v17 =	vmul.f32 v36, v41;
	[tilespmem:s29+$0x7CE0] =	vst v12  }
0xbd: {  	[tilespmem:s29+$0x7CF0] =	vst v14;
	v11 =	vmul.f32 v60, v7;
	v9 =	vmul.f32 v61, v7  }
0xbe: {  	v24 =	vld [tilespmem:s29+$0x7810];
	v10 =	vmul.f32 v62, v7;
	v7 =	vmul.f32 v22, v7;
	[tilespmem:s29+$0x7FD0] =	vst v5  }
0xbf: {  	v25 =	vld [tilespmem:s29+$0x7840];
	v13 =	vmul.f32 v56, v55;
	[tilespmem:s29+$0x7E00] =	vst v17  }
0xc0: {  	[tilespmem:s29+$0x7D60] =	vst v7;
	v7 =	vld [tilespmem:s29+$0x7DC0]  }
0xc1: {  	v27 =	vld [tilespmem:s29+$0x7850];
	[tilespmem:s29+$0x7CD0] =	vst v13  }
0xc2: {  	v43 =	vld [tilespmem:s29+$0x7E70];
	[tilespmem:s29+$0x7D10] =	vst v11  }
0xc3: {  	v50 =	vld [tilespmem:s29+$0x7EE0];
	v14 =	vmul.f32 v24, v4;
	[tilespmem:s29+$0x7D20] =	vst v9  }
0xc4: {  	v29 =	vld [tilespmem:s29+$0x7DA0];
	v5 =	vmul.f32 v25, v4;
	[tilespmem:s29+$0x7D30] =	vst v10  }
0xc5: {  	v30 =	vld [tilespmem:s29+$0x7DB0];
	[tilespmem:s29+$0x7810] =	vst v14;
	v7 =	vmul.f32 v7, v31  }
0xc6: {  	v37 =	vld [tilespmem:s29+$0x7E10];
	v49 =	vbroadcast v3, $0xD;
	v4 =	vmul.f32 v27, v4;
	[tilespmem:s29+$0x7840] =	vst v5  }
0xc7: {  	v17 =	vmul.f32 v43, v41;
	[tilespmem:s29+$0x7DC0] =	vst v7;
	v7 =	vld [tilespmem:s29+$0x7E60]  }
0xc8: {  	v40 =	vld [tilespmem:s29+$0x7E40];
	v55 =	vmul.f32 v50, v49;
	[tilespmem:s29+$0x7850] =	vst v4  }
0xc9: {  	v46 =	vld [tilespmem:s29+$0x7EA0];
	v9 =	vmul.f32 v29, v31;
	[tilespmem:s29+$0x7E70] =	vst v17  }
0xca: {  	v10 =	vmul.f32 v30, v31;
	v4 =	vld [tilespmem:s29+$0x7E90];
	[tilespmem:s29+$0x7EE0] =	vst v55  }
0xcb: {  	v53 =	vld [tilespmem:s29+$0x7F20];
	v11 =	vmul.f32 v37, v41;
	[tilespmem:s29+$0x7DA0] =	vst v9  }
0xcc: {  	v54 =	vld [tilespmem:s29+$0x7F30];
	[tilespmem:s29+$0x7DB0] =	vst v10;
	v7 =	vmul.f32 v7, v41  }
0xcd: {  	v42 =	vld [tilespmem:s29+$0x7E50];
	v14 =	vmul.f32 v40, v41;
	[tilespmem:s29+$0x7E10] =	vst v11  }
0xce: {  	v3 =	vbroadcast v3, $0xE;
	v13 =	vmul.f32 v46, v49;
	[tilespmem:s29+$0x7E60] =	vst v7;
	v7 =	vld [tilespmem:s29+$0x7ED0]  }
0xcf: {  	v44 =	vld [tilespmem:s29+$0x7E80];
	[tilespmem:s29+$0x7E40] =	vst v14;
	v4 =	vmul.f32 v4, v49  }
0xd0: {  	v47 =	vld [tilespmem:s29+$0x7EB0];
	v12 =	vmul.f32 v53, v3;
	[tilespmem:s29+$0x7EA0] =	vst v13  }
0xd1: {  	v8 =	vmul.f32 v54, v3;
	[tilespmem:s29+$0x7E90] =	vst v4;
	v4 =	vld [tilespmem:s29+$0x7F00]  }
0xd2: {  	v52 =	vld [tilespmem:s29+$0x7F10];
	v10 =	vmul.f32 v42, v41;
	[tilespmem:s29+$0x7F20] =	vst v12  }
0xd3: {  	v60 =	vld [tilespmem:s29+$0x7FA0];
	[tilespmem:s29+$0x7F30] =	vst v8;
	v7 =	vmul.f32 v7, v49  }
0xd4: {  	v51 =	vld [tilespmem:s29+$0x7EF0];
	v11 =	vmul.f32 v44, v49;
	[tilespmem:s29+$0x7E50] =	vst v10  }
0xd5: {  	v14 =	vmul.f32 v47, v49;
	[tilespmem:s29+$0x7ED0] =	vst v7;
	v7 =	vld [tilespmem:s29+$0x7F40]  }
0xd6: {  	v48 =	vld [tilespmem:s29+$0x7EC0];
	[tilespmem:s29+$0x7E80] =	vst v11;
	v4 =	vmul.f32 v4, v3  }
0xd7: {  	v58 =	vld [tilespmem:s29+$0x7F80];
	v13 =	vmul.f32 v52, v3;
	[tilespmem:s29+$0x7EB0] =	vst v14  }
0xd8: {  	v8 =	vmul.f32 v60, v6;
	[tilespmem:s29+$0x7F00] =	vst v4;
	v4 =	vld [tilespmem:s29+$0x7F70]  }
0xd9: {  	v57 =	vld [tilespmem:s29+$0x7F60];
	v11 =	vmul.f32 v51, v49;
	[tilespmem:s29+$0x7F10] =	vst v13  }
0xda: {  	v59 =	vld [tilespmem:s29+$0x7F90];
	[tilespmem:s29+$0x7FA0] =	vst v8;
	v7 =	vmul.f32 v7, v3  }
0xdb: {  	v56 =	vld [tilespmem:s29+$0x7F50];
	v10 =	vmul.f32 v48, v49;
	[tilespmem:s29+$0x7EF0] =	vst v11  }
0xdc: {  	v13 =	vmul.f32 v58, v6;
	[tilespmem:s29+$0x7F40] =	vst v7;
	v7 =	vld [tilespmem:s29+$0x7FB0]  }
0xdd: {  	v39 =	vld [tilespmem:s29+$0x7E30];
	[tilespmem:s29+$0x7EC0] =	vst v10;
	v4 =	vmul.f32 v4, v3  }
0xde: {  	v61 =	vld [tilespmem:s29+$0x7FC0];
	v11 =	vmul.f32 v57, v3;
	[tilespmem:s29+$0x7F80] =	vst v13  }
0xdf: {  	v63 =	vld [tilespmem:s29+$0x7FF0];
	[tilespmem:s29+$0x7F70] =	vst v4;
	v4 =	vmul.f32 v59, v6  }
0xe0: {  	v62 =	vld [tilespmem:s29+$0x7FE0];
	[tilespmem:s29+$0x7F60] =	vst v11;
	v3 =	vmul.f32 v56, v3  }
0xe1: {  	[tilespmem:s29+$0x7F90] =	vst v4;
	v4 =	vmul.f32 v7, v6  }
0xe2: {  	v5 =	vld [tilespmem:s29+$0x7E20];
	[tilespmem:s29+$0x7F50] =	vst v3;
	v7 =	vmul.f32 v39, v41  }
0xe3: {  	[tilespmem:s29+$0x7FB0] =	vst v4;
	v4 =	vmul.f32 v61, v6  }
0xe4: {  	[tilespmem:s29+$0x7E30] =	vst v7;
	v7 =	vmul.f32 v63, v6  }
0xe5: {  	v6 =	vmul.f32 v62, v6;
	[tilespmem:s29+$0x7FC0] =	vst v4  }
0xe6: {  	[tilespmem:s29+$0x7FF0] =	vst v7  }
0xe7: {  	s30 =	simm.s32 $0x1;
	v4 =	vmul.f32 v5, v41;
	[tilespmem:s29+$0x7FE0] =	vst v6  }
.LBB2_7:
0xe8: {  	s31 =	sshll.u32 s30, $0x4  }
0xe9: {  	p0 =	sne.s32 s30, $0x7;
	[tilespmem:s29+$0x7E20] =	vst v4;
	s29 =	smov.u32 s30;
	s30 =	sadd.s32 $0x1, s30  }
0xea: {  	s31 =	sand.u32 $0x3FFFFFF0, s31  }
0xeb: {  	v3 =	vld.idx.msk [tilespmem:v2+s31+$0x0 ss:$0x1], $0xffff  }
0xec: {  	s29 =	sshll.u32 s29, $0xB  }
0xed: {  	s29 =	sand.u32 $0x3FFFF800, s29  }
0xee: {  	v10 =	vld [tilespmem:s29+$0x78C0]  }
0xef: {  	v11 =	vld [tilespmem:s29+$0x78D0]  }
0xf0: {  	v12 =	vld [tilespmem:s29+$0x78B0]  }
0xf1: {  	v4 =	vbroadcast v3, $0x0;
	v9 =	vbroadcast v3, $0x4;
	v5 =	vld [tilespmem:s29+$0x7820]  }
0xf2: {  	v7 =	vld [tilespmem:s29+$0x7830]  }
0xf3: {  	v8 =	vld [tilespmem:s29+$0x7D70]  }
0xf4: {  	v13 =	vld [tilespmem:s29+$0x7860]  }
0xf5: {  	v14 =	vld [tilespmem:s29+$0x7870]  }
0xf6: {  	v6 =	vbroadcast v3, $0xA;
	v5 =	vmul.f32 v5, v4;
	v15 =	vld [tilespmem:s29+$0x7880]  }
0xf7: {  	v7 =	vmul.f32 v7, v4;
	v16 =	vld [tilespmem:s29+$0x7890]  }
0xf8: {  	[tilespmem:s29+$0x7820] =	vst v5;
	v17 =	vld [tilespmem:s29+$0x78A0];
	v5 =	vmul.f32 v8, v6  }
0xf9: {  	[tilespmem:s29+$0x7830] =	vst v7;
	v8 =	vmul.f32 v13, v4;
	v13 =	vbroadcast v3, $0x1;
	v7 =	vld [tilespmem:s29+$0x7D80]  }
0xfa: {  	v14 =	vmul.f32 v14, v4;
	[tilespmem:s29+$0x7D70] =	vst v5;
	v5 =	vld [tilespmem:s29+$0x7FD0]  }
0xfb: {  	[tilespmem:s29+$0x7860] =	vst v8;
	v15 =	vmul.f32 v15, v13;
	v8 =	vld [tilespmem:s29+$0x7D90]  }
0xfc: {  	[tilespmem:s29+$0x7870] =	vst v14;
	v14 =	vmul.f32 v16, v13;
	v16 =	vld [tilespmem:s29+$0x78E0]  }
0xfd: {  	[tilespmem:s29+$0x7880] =	vst v15;
	v15 =	vmul.f32 v17, v13;
	v17 =	vld [tilespmem:s29+$0x78F0]  }
0xfe: {  	v12 =	vmul.f32 v12, v13;
	[tilespmem:s29+$0x7890] =	vst v14;
	v14 =	vld [tilespmem:s29+$0x7900]  }
0xff: {  	v10 =	vmul.f32 v10, v13;
	[tilespmem:s29+$0x78A0] =	vst v15;
	v15 =	vld [tilespmem:s29+$0x7910]  }
0x100: {  	v11 =	vmul.f32 v11, v13;
	[tilespmem:s29+$0x78B0] =	vst v12;
	v12 =	vld [tilespmem:s29+$0x7920]  }
0x101: {  	[tilespmem:s29+$0x78C0] =	vst v10;
	v10 =	vmul.f32 v16, v13;
	v16 =	vbroadcast v3, $0x2;
	v18 =	vld [tilespmem:s29+$0x7930]  }
0x102: {  	[tilespmem:s29+$0x78D0] =	vst v11;
	v11 =	vmul.f32 v17, v13;
	v13 =	vld [tilespmem:s29+$0x7940]  }
0x103: {  	[tilespmem:s29+$0x78E0] =	vst v10;
	v10 =	vmul.f32 v14, v16;
	v14 =	vld [tilespmem:s29+$0x7950]  }
0x104: {  	[tilespmem:s29+$0x78F0] =	vst v11;
	v11 =	vmul.f32 v15, v16;
	v15 =	vld [tilespmem:s29+$0x7960]  }
0x105: {  	[tilespmem:s29+$0x7900] =	vst v10;
	v10 =	vmul.f32 v12, v16;
	v12 =	vld [tilespmem:s29+$0x7970]  }
0x106: {  	[tilespmem:s29+$0x7910] =	vst v11;
	v11 =	vmul.f32 v18, v16;
	v17 =	vld [tilespmem:s29+$0x7980]  }
0x107: {  	[tilespmem:s29+$0x7920] =	vst v10;
	v10 =	vmul.f32 v13, v16;
	v13 =	vld [tilespmem:s29+$0x7990]  }
0x108: {  	[tilespmem:s29+$0x7930] =	vst v11;
	v11 =	vmul.f32 v14, v16;
	v14 =	vld [tilespmem:s29+$0x79A0]  }
0x109: {  	[tilespmem:s29+$0x7940] =	vst v10;
	v10 =	vmul.f32 v15, v16;
	v15 =	vbroadcast v3, $0x3;
	v18 =	vld [tilespmem:s29+$0x79B0]  }
0x10a: {  	[tilespmem:s29+$0x7950] =	vst v11;
	v11 =	vmul.f32 v12, v16;
	v12 =	vld [tilespmem:s29+$0x79C0]  }
0x10b: {  	[tilespmem:s29+$0x7960] =	vst v10;
	v10 =	vmul.f32 v17, v15;
	v16 =	vld [tilespmem:s29+$0x79D0]  }
0x10c: {  	[tilespmem:s29+$0x7970] =	vst v11;
	v11 =	vmul.f32 v13, v15;
	v13 =	vld [tilespmem:s29+$0x79E0]  }
0x10d: {  	[tilespmem:s29+$0x7980] =	vst v10;
	v10 =	vmul.f32 v14, v15;
	v14 =	vld [tilespmem:s29+$0x79F0]  }
0x10e: {  	[tilespmem:s29+$0x7990] =	vst v11;
	v11 =	vmul.f32 v18, v15;
	v17 =	vld [tilespmem:s29+$0x7A00]  }
0x10f: {  	[tilespmem:s29+$0x79A0] =	vst v10;
	v10 =	vmul.f32 v12, v15;
	v12 =	vld [tilespmem:s29+$0x7A10]  }
0x110: {  	[tilespmem:s29+$0x79B0] =	vst v11;
	v11 =	vmul.f32 v16, v15;
	v16 =	vld [tilespmem:s29+$0x7A20]  }
0x111: {  	[tilespmem:s29+$0x79C0] =	vst v10;
	v10 =	vmul.f32 v13, v15;
	v13 =	vld [tilespmem:s29+$0x7A30]  }
0x112: {  	[tilespmem:s29+$0x79D0] =	vst v11;
	v11 =	vmul.f32 v14, v15;
	v14 =	vld [tilespmem:s29+$0x7A40]  }
0x113: {  	[tilespmem:s29+$0x79E0] =	vst v10;
	v10 =	vmul.f32 v17, v9;
	v15 =	vld [tilespmem:s29+$0x7A50]  }
0x114: {  	[tilespmem:s29+$0x79F0] =	vst v11;
	v11 =	vmul.f32 v12, v9;
	v12 =	vld [tilespmem:s29+$0x7A60]  }
0x115: {  	[tilespmem:s29+$0x7A00] =	vst v10;
	v10 =	vmul.f32 v16, v9;
	v16 =	vld [tilespmem:s29+$0x7A70]  }
0x116: {  	[tilespmem:s29+$0x7A10] =	vst v11;
	v11 =	vmul.f32 v13, v9;
	v13 =	vld [tilespmem:s29+$0x7A80]  }
0x117: {  	[tilespmem:s29+$0x7A20] =	vst v10;
	v10 =	vmul.f32 v14, v9;
	v14 =	vld [tilespmem:s29+$0x7A90]  }
0x118: {  	[tilespmem:s29+$0x7A30] =	vst v11;
	v11 =	vmul.f32 v15, v9;
	v15 =	vld [tilespmem:s29+$0x7AA0]  }
0x119: {  	[tilespmem:s29+$0x7A40] =	vst v10;
	v10 =	vmul.f32 v12, v9;
	v12 =	vbroadcast v3, $0x5;
	v17 =	vld [tilespmem:s29+$0x7AB0]  }
0x11a: {  	[tilespmem:s29+$0x7A50] =	vst v11;
	v9 =	vmul.f32 v16, v9;
	v11 =	vld [tilespmem:s29+$0x7AC0]  }
0x11b: {  	[tilespmem:s29+$0x7A60] =	vst v10;
	v10 =	vmul.f32 v13, v12;
	v13 =	vld [tilespmem:s29+$0x7AD0]  }
0x11c: {  	[tilespmem:s29+$0x7A70] =	vst v9;
	v9 =	vmul.f32 v14, v12;
	v14 =	vld [tilespmem:s29+$0x7AE0]  }
0x11d: {  	[tilespmem:s29+$0x7A80] =	vst v10;
	v10 =	vmul.f32 v15, v12;
	v15 =	vld [tilespmem:s29+$0x7AF0]  }
0x11e: {  	[tilespmem:s29+$0x7A90] =	vst v9;
	v9 =	vmul.f32 v17, v12;
	v16 =	vld [tilespmem:s29+$0x7B00]  }
0x11f: {  	[tilespmem:s29+$0x7AA0] =	vst v10;
	v10 =	vmul.f32 v11, v12;
	v11 =	vld [tilespmem:s29+$0x7B10]  }
0x120: {  	[tilespmem:s29+$0x7AB0] =	vst v9;
	v9 =	vmul.f32 v13, v12;
	v13 =	vld [tilespmem:s29+$0x7B20]  }
0x121: {  	[tilespmem:s29+$0x7AC0] =	vst v10;
	v10 =	vmul.f32 v14, v12;
	v14 =	vbroadcast v3, $0x6;
	v17 =	vld [tilespmem:s29+$0x7B30]  }
0x122: {  	[tilespmem:s29+$0x7AD0] =	vst v9;
	v9 =	vmul.f32 v15, v12;
	v12 =	vld [tilespmem:s29+$0x7B40]  }
0x123: {  	[tilespmem:s29+$0x7AE0] =	vst v10;
	v10 =	vmul.f32 v16, v14;
	v15 =	vld [tilespmem:s29+$0x7B50]  }
0x124: {  	[tilespmem:s29+$0x7AF0] =	vst v9;
	v9 =	vmul.f32 v11, v14;
	v11 =	vld [tilespmem:s29+$0x7B60]  }
0x125: {  	[tilespmem:s29+$0x7B00] =	vst v10;
	v10 =	vmul.f32 v13, v14;
	v13 =	vld [tilespmem:s29+$0x7B70]  }
0x126: {  	[tilespmem:s29+$0x7B10] =	vst v9;
	v9 =	vmul.f32 v17, v14;
	v16 =	vld [tilespmem:s29+$0x7B80]  }
0x127: {  	[tilespmem:s29+$0x7B20] =	vst v10;
	v10 =	vmul.f32 v12, v14;
	v12 =	vld [tilespmem:s29+$0x7B90]  }
0x128: {  	[tilespmem:s29+$0x7B30] =	vst v9;
	v9 =	vmul.f32 v15, v14;
	v15 =	vld [tilespmem:s29+$0x7BA0]  }
0x129: {  	[tilespmem:s29+$0x7B40] =	vst v10;
	v10 =	vmul.f32 v11, v14;
	v11 =	vbroadcast v3, $0x7;
	v17 =	vld [tilespmem:s29+$0x7BB0]  }
0x12a: {  	[tilespmem:s29+$0x7B50] =	vst v9;
	v9 =	vmul.f32 v13, v14;
	v13 =	vld [tilespmem:s29+$0x7BC0]  }
0x12b: {  	[tilespmem:s29+$0x7B60] =	vst v10;
	v10 =	vmul.f32 v16, v11;
	v14 =	vld [tilespmem:s29+$0x7BD0]  }
0x12c: {  	[tilespmem:s29+$0x7B70] =	vst v9;
	v9 =	vmul.f32 v12, v11;
	v12 =	vld [tilespmem:s29+$0x7BE0]  }
0x12d: {  	[tilespmem:s29+$0x7B80] =	vst v10;
	v10 =	vmul.f32 v15, v11;
	v15 =	vld [tilespmem:s29+$0x7BF0]  }
0x12e: {  	[tilespmem:s29+$0x7B90] =	vst v9;
	v9 =	vmul.f32 v17, v11;
	v16 =	vld [tilespmem:s29+$0x7C00]  }
0x12f: {  	[tilespmem:s29+$0x7BA0] =	vst v10;
	v10 =	vmul.f32 v13, v11;
	v13 =	vld [tilespmem:s29+$0x7C10]  }
0x130: {  	[tilespmem:s29+$0x7BB0] =	vst v9;
	v9 =	vmul.f32 v14, v11;
	v14 =	vld [tilespmem:s29+$0x7C20]  }
0x131: {  	[tilespmem:s29+$0x7BC0] =	vst v10;
	v10 =	vmul.f32 v12, v11;
	v12 =	vbroadcast v3, $0x8;
	v17 =	vld [tilespmem:s29+$0x7C30]  }
0x132: {  	[tilespmem:s29+$0x7BD0] =	vst v9;
	v9 =	vmul.f32 v15, v11;
	v11 =	vld [tilespmem:s29+$0x7C40]  }
0x133: {  	[tilespmem:s29+$0x7BE0] =	vst v10;
	v10 =	vmul.f32 v16, v12;
	v15 =	vld [tilespmem:s29+$0x7C50]  }
0x134: {  	[tilespmem:s29+$0x7BF0] =	vst v9;
	v9 =	vmul.f32 v13, v12;
	v13 =	vld [tilespmem:s29+$0x7C60]  }
0x135: {  	[tilespmem:s29+$0x7C00] =	vst v10;
	v10 =	vmul.f32 v14, v12;
	v14 =	vld [tilespmem:s29+$0x7C70]  }
0x136: {  	[tilespmem:s29+$0x7C10] =	vst v9;
	v9 =	vmul.f32 v17, v12;
	v16 =	vld [tilespmem:s29+$0x7C80]  }
0x137: {  	[tilespmem:s29+$0x7C20] =	vst v10;
	v10 =	vmul.f32 v11, v12;
	v11 =	vld [tilespmem:s29+$0x7C90]  }
0x138: {  	[tilespmem:s29+$0x7C30] =	vst v9;
	v9 =	vmul.f32 v15, v12;
	v15 =	vld [tilespmem:s29+$0x7CA0]  }
0x139: {  	[tilespmem:s29+$0x7C40] =	vst v10;
	v10 =	vmul.f32 v13, v12;
	v13 =	vbroadcast v3, $0x9;
	v17 =	vld [tilespmem:s29+$0x7CB0]  }
0x13a: {  	[tilespmem:s29+$0x7C50] =	vst v9;
	v9 =	vmul.f32 v14, v12;
	v12 =	vld [tilespmem:s29+$0x7CC0]  }
0x13b: {  	[tilespmem:s29+$0x7C60] =	vst v10;
	v10 =	vmul.f32 v16, v13;
	v14 =	vld [tilespmem:s29+$0x7CD0]  }
0x13c: {  	[tilespmem:s29+$0x7C70] =	vst v9;
	v9 =	vmul.f32 v11, v13;
	v11 =	vld [tilespmem:s29+$0x7CE0]  }
0x13d: {  	[tilespmem:s29+$0x7C80] =	vst v10;
	v10 =	vmul.f32 v15, v13;
	v15 =	vld [tilespmem:s29+$0x7CF0]  }
0x13e: {  	[tilespmem:s29+$0x7C90] =	vst v9;
	v9 =	vmul.f32 v17, v13;
	v16 =	vld [tilespmem:s29+$0x7D00]  }
0x13f: {  	[tilespmem:s29+$0x7CA0] =	vst v10;
	v10 =	vmul.f32 v12, v13;
	v12 =	vld [tilespmem:s29+$0x7D10]  }
0x140: {  	[tilespmem:s29+$0x7CB0] =	vst v9;
	v9 =	vmul.f32 v14, v13;
	v14 =	vld [tilespmem:s29+$0x7D20]  }
0x141: {  	[tilespmem:s29+$0x7CC0] =	vst v10;
	v10 =	vmul.f32 v11, v13;
	v11 =	vld [tilespmem:s29+$0x7D30]  }
0x142: {  	[tilespmem:s29+$0x7CD0] =	vst v9;
	v9 =	vmul.f32 v15, v13;
	v13 =	vld [tilespmem:s29+$0x7D40]  }
0x143: {  	[tilespmem:s29+$0x7CE0] =	vst v10;
	v10 =	vmul.f32 v16, v6;
	v15 =	vld [tilespmem:s29+$0x7D50]  }
0x144: {  	[tilespmem:s29+$0x7CF0] =	vst v9;
	v9 =	vmul.f32 v12, v6;
	v12 =	vld [tilespmem:s29+$0x7D60]  }
0x145: {  	v16 =	vld [tilespmem:s29+$0x7800];
	[tilespmem:s29+$0x7D00] =	vst v10;
	v10 =	vmul.f32 v14, v6  }
0x146: {  	v14 =	vld [tilespmem:s29+$0x7810];
	[tilespmem:s29+$0x7D10] =	vst v9;
	v9 =	vmul.f32 v11, v6  }
0x147: {  	v11 =	vld [tilespmem:s29+$0x7840];
	[tilespmem:s29+$0x7D20] =	vst v10;
	v10 =	vmul.f32 v13, v6  }
0x148: {  	v13 =	vld [tilespmem:s29+$0x7850];
	[tilespmem:s29+$0x7D30] =	vst v9;
	v9 =	vmul.f32 v15, v6  }
0x149: {  	[tilespmem:s29+$0x7D40] =	vst v10;
	v10 =	vmul.f32 v12, v6;
	v12 =	vbroadcast v3, $0xB;
	v15 =	vld [tilespmem:s29+$0x7DA0]  }
0x14a: {  	v6 =	vbroadcast v3, $0xF;
	v16 =	vmul.f32 v4, v16;
	[tilespmem:s29+$0x7D50] =	vst v9;
	v9 =	vld [tilespmem:s29+$0x7DB0]  }
0x14b: {  	v14 =	vmul.f32 v14, v4;
	[tilespmem:s29+$0x7D60] =	vst v10;
	v7 =	vmul.f32 v7, v12;
	v10 =	vld [tilespmem:s29+$0x7DC0]  }
0x14c: {  	v8 =	vmul.f32 v8, v12;
	[tilespmem:s29+$0x7800] =	vst v16;
	v11 =	vmul.f32 v11, v4;
	v16 =	vld [tilespmem:s29+$0x7DD0]  }
0x14d: {  	v5 =	vmul.f32 v5, v6;
	v13 =	vmul.f32 v13, v4;
	[tilespmem:s29+$0x7D80] =	vst v7;
	v4 =	vld [tilespmem:s29+$0x7DE0]  }
0x14e: {  	[tilespmem:s29+$0x7D90] =	vst v8;
	v7 =	vmul.f32 v15, v12;
	v8 =	vld [tilespmem:s29+$0x7DF0]  }
0x14f: {  	v9 =	vmul.f32 v9, v12;
	v15 =	vld [tilespmem:s29+$0x7E00];
	[tilespmem:s29+$0x7FD0] =	vst v5  }
0x150: {  	[tilespmem:s29+$0x7810] =	vst v14;
	v5 =	vmul.f32 v10, v12;
	v10 =	vld [tilespmem:s29+$0x7E10]  }
0x151: {  	[tilespmem:s29+$0x7840] =	vst v11;
	v11 =	vmul.f32 v16, v12;
	v14 =	vld [tilespmem:s29+$0x7E20]  }
0x152: {  	v16 =	vbroadcast v3, $0xC;
	[tilespmem:s29+$0x7DA0] =	vst v7;
	v7 =	vmul.f32 v4, v12;
	v17 =	vld [tilespmem:s29+$0x7E30]  }
0x153: {  	[tilespmem:s29+$0x7DD0] =	vst v11;
	v8 =	vmul.f32 v8, v12;
	v11 =	vld [tilespmem:s29+$0x7E40]  }
0x154: {  	[tilespmem:s29+$0x7DB0] =	vst v9;
	v4 =	vmul.f32 v15, v16;
	v9 =	vld [tilespmem:s29+$0x7E50]  }
0x155: {  	[tilespmem:s29+$0x7DC0] =	vst v5;
	v5 =	vmul.f32 v10, v16;
	v10 =	vld [tilespmem:s29+$0x7E60]  }
0x156: {  	[tilespmem:s29+$0x7E00] =	vst v4;
	v4 =	vmul.f32 v14, v16;
	v12 =	vld [tilespmem:s29+$0x7E70]  }
0x157: {  	[tilespmem:s29+$0x7E10] =	vst v5;
	v5 =	vld [tilespmem:s29+$0x7E80]  }
0x158: {  	[tilespmem:s29+$0x7850] =	vst v13;
	v11 =	vmul.f32 v11, v16;
	v13 =	vld [tilespmem:s29+$0x7E90]  }
0x159: {  	[tilespmem:s29+$0x7DE0] =	vst v7;
	v7 =	vmul.f32 v9, v16;
	v9 =	vld [tilespmem:s29+$0x7EA0]  }
0x15a: {  	[tilespmem:s29+$0x7E40] =	vst v11;
	v10 =	vmul.f32 v10, v16;
	v11 =	vbroadcast v3, $0xD;
	v14 =	vld [tilespmem:s29+$0x7EB0]  }
0x15b: {  	[tilespmem:s29+$0x7E50] =	vst v7;
	v7 =	vmul.f32 v12, v16;
	v12 =	vld [tilespmem:s29+$0x7EC0]  }
0x15c: {  	[tilespmem:s29+$0x7E60] =	vst v10;
	v5 =	vmul.f32 v5, v11;
	v10 =	vld [tilespmem:s29+$0x7ED0]  }
0x15d: {  	[tilespmem:s29+$0x7E70] =	vst v7;
	v7 =	vmul.f32 v13, v11;
	v13 =	vld [tilespmem:s29+$0x7EE0]  }
0x15e: {  	[tilespmem:s29+$0x7E80] =	vst v5;
	v5 =	vmul.f32 v9, v11;
	v9 =	vld [tilespmem:s29+$0x7EF0]  }
0x15f: {  	[tilespmem:s29+$0x7E90] =	vst v7;
	v7 =	vmul.f32 v14, v11;
	v14 =	vld [tilespmem:s29+$0x7F00]  }
0x160: {  	[tilespmem:s29+$0x7EA0] =	vst v5;
	v5 =	vmul.f32 v12, v11;
	v12 =	vld [tilespmem:s29+$0x7F10]  }
0x161: {  	[tilespmem:s29+$0x7EB0] =	vst v7;
	v7 =	vmul.f32 v10, v11;
	v10 =	vld [tilespmem:s29+$0x7F20]  }
0x162: {  	v3 =	vbroadcast v3, $0xE;
	[tilespmem:s29+$0x7DF0] =	vst v8;
	v8 =	vmul.f32 v13, v11;
	v13 =	vld [tilespmem:s29+$0x7F30]  }
0x163: {  	[tilespmem:s29+$0x7ED0] =	vst v7;
	v7 =	vmul.f32 v9, v11;
	v9 =	vld [tilespmem:s29+$0x7F40]  }
0x164: {  	[tilespmem:s29+$0x7EE0] =	vst v8;
	v8 =	vmul.f32 v14, v3;
	v11 =	vld [tilespmem:s29+$0x7F50]  }
0x165: {  	[tilespmem:s29+$0x7EF0] =	vst v7;
	v7 =	vmul.f32 v12, v3;
	v12 =	vld [tilespmem:s29+$0x7F60]  }
0x166: {  	[tilespmem:s29+$0x7F00] =	vst v8;
	v8 =	vmul.f32 v10, v3;
	v10 =	vld [tilespmem:s29+$0x7F70]  }
0x167: {  	[tilespmem:s29+$0x7F10] =	vst v7;
	v7 =	vmul.f32 v13, v3;
	v13 =	vld [tilespmem:s29+$0x7F80]  }
0x168: {  	[tilespmem:s29+$0x7F20] =	vst v8;
	v8 =	vmul.f32 v9, v3;
	v9 =	vld [tilespmem:s29+$0x7F90]  }
0x169: {  	[tilespmem:s29+$0x7F30] =	vst v7;
	v7 =	vmul.f32 v11, v3;
	v11 =	vld [tilespmem:s29+$0x7FA0]  }
0x16a: {  	[tilespmem:s29+$0x7F40] =	vst v8;
	v8 =	vmul.f32 v12, v3;
	v12 =	vld [tilespmem:s29+$0x7FB0]  }
0x16b: {  	[tilespmem:s29+$0x7EC0] =	vst v5;
	v3 =	vmul.f32 v10, v3;
	v5 =	vld [tilespmem:s29+$0x7FC0]  }
0x16c: {  	[tilespmem:s29+$0x7F60] =	vst v8;
	v8 =	vmul.f32 v13, v6;
	v10 =	vld [tilespmem:s29+$0x7FE0]  }
0x16d: {  	[tilespmem:s29+$0x7F70] =	vst v3;
	v3 =	vmul.f32 v9, v6;
	v9 =	vld [tilespmem:s29+$0x7FF0]  }
0x16e: {  	[tilespmem:s29+$0x7F80] =	vst v8;
	v8 =	vmul.f32 v11, v6  }
0x16f: {  	[tilespmem:s29+$0x7F90] =	vst v3;
	v3 =	vmul.f32 v12, v6  }
0x170: {  	v11 =	vmul.f32 v17, v16;
	[tilespmem:s29+$0x7FA0] =	vst v8  }
0x171: {  	[tilespmem:s29+$0x7FB0] =	vst v3;
	v3 =	vmul.f32 v5, v6  }
.Ltmp2:
0x172: {  	[tilespmem:s29+$0x7E30] =	vst v11;
	v5 =	vmul.f32 v9, v6;
	(pc) =	sbr.rel @p0 .LBB2_7-.Ltmp2, $4  }
0x173: {  	[tilespmem:s29+$0x7FC0] =	vst v3  }
0x174: {  	v3 =	vmul.f32 v10, v6;
	[tilespmem:s29+$0x7FF0] =	vst v5  }
0x175: {  	[tilespmem:s29+$0x7F50] =	vst v7  }
0x176: {  	[tilespmem:s29+$0x7FE0] =	vst v3  }
0x177: {  	s26 =	sadd.s32 $0x1, s26  }
0x178: {  	p0 =	sne.s32 s26, $0x4F  }
.Ltmp3:
0x179: {  	[tilespmem:s29+$0x7E20] =	vst v4;
	s28 =	sadd.s32 $0x2800, s28;
	(pc) =	sbr.rel @p0 .LBB2_6-.Ltmp3, $4  }
0x17a: {  	[spmem:s2] =	stream.indirect.scatter.add.f32 [tilespmem:s22], [sflag:$0x2], $0x80, s28, s23, $0xb8;
	[tilespmem:$0x1F800] =	vst v63  }
0x17b: {  	_ =	swait.ge [sflag:s19], $0x4000  }
0x17c: {  	[sflag:s19] =	ssyncset.done $0x0  }
0x17d: {  	[sflag:s19] =	ssyncadd.s32 $0xFFFFC000  }
0x17e: {  	s26 =	sshll.u32 s0, $0x6  }
0x17f: {  	[bflag:$0x0] =	sbarrier.arrive $0xFFFF;
	s28 =	sshrl.u32 s8, $0x3;
	s26 =	sor.u32 $0x1C02, s26  }
0x180: {  	[hbm:s13], [sflag:s26] =	dma.local [spmem:s28], $0x800  }
0x181: {  	_ =	swait.ge [sflag:s19], $0x800  }
0x182: {  	[sflag:s19] =	ssyncset.done $0x0  }
0x183: {  	s31 =	sshrl.u32 s9, $0x3;
	[sflag:s19] =	ssyncadd.s32 $0xFFFFF800  }
0x184: {  	[hbm:s14], [sflag:s26] =	dma.local [spmem:s31], $0x800  }
0x185: {  	_ =	swait.ge [sflag:s19], $0x800  }
0x186: {  	[sflag:s19] =	ssyncset.done $0x0  }
0x187: {  	s29 =	sshrl.u32 s10, $0x3;
	[sflag:s19] =	ssyncadd.s32 $0xFFFFF800  }
0x188: {  	[hbm:s15], [sflag:s26] =	dma.local [spmem:s29], $0x800  }
0x189: {  	_ =	swait.ge [sflag:s19], $0x800  }
0x18a: {  	[sflag:s19] =	ssyncset.done $0x0  }
0x18b: {  	s30 =	sshrl.u32 s11, $0x3;
	[sflag:s19] =	ssyncadd.s32 $0xFFFFF800  }
0x18c: {  	[hbm:s16], [sflag:s26] =	dma.local [spmem:s30], $0x800  }
0x18d: {  	s25 =	sadd.s32 $0x1, s25;
	_ =	swait.ge [sflag:s19], $0x800  }
0x18e: {  	p0 =	sne.s32 s25, s18;
	[sflag:s19] =	ssyncset.done $0x0  }
.Ltmp4:
0x18f: {  	s31 =	sshrl.u32 s12, $0x3;
	[sflag:s19] =	ssyncadd.s32 $0xFFFFF800;
	(pc) =	sbr.rel @p0 .LBB2_1-.Ltmp4, $4  }
0x190: {  	[hbm:s17], [sflag:s26] =	dma.local [spmem:s31], $0x800  }
0x191: {  	_ =	swait.ge [sflag:s19], $0x800  }
0x192: {  	[sflag:s19] =	ssyncset.done $0x0  }
0x193: {  	[sflag:s19] =	ssyncadd.s32 $0xFFFFF800  }
0x194: {  	_ =	sfence.sel $0x180000  }
0x195: {  	[bflag:$0x0] =	sbarrier.arrive $0xFFFF  }
0x196: {  	p0 =	sne.s32 s0, $0x0;
	_ =	strace $0x90000047  }
0x197: {  	s0 =	sadd.s32 @!p0 $0x100000, s1;
	[bflag:$0x2] =	sbarrier.arrive $0xFFFF  }
0x198: {  	[sflag:s0] =	ssyncadd.tile.s32 @!p0 $0x1;
	_ =	shalt  }
.Lfunc_end2:
_tile_overlayer_lowered:
.L_overlay_start_2:
0x199: {  	(tag) =	ssettag $0x2  }
0x19a: {  	s0 =	rddreg [dreg:$0x0];
	s2 =	stileid.u32  }
0x19b: {  	s1 =	rddreg [dreg:$0x1];
	p0 =	sne.s32 s2, $0x0  }
0x19c: {  	s3 =	rddreg [dreg:$0x2];
	[bflag:$0x3] =	sbarrier.arrive $0xFFFF;
	s2 =	simm.s32 @!p0 $0x1C02  }
0x19d: {  	[timem:s3], [sflag:s2] =	dma.local @!p0 [hbm:s0], s1  }
0x19e: {  	s0 =	simm.s32 @!p0 $0x2  }
0x19f: {  	_ =	swait.ge @!p0 [sflag:s0], s1  }
0x1a0: {  	s1 =	ssub.s32 @!p0 $0x0, s1;
	[sflag:s0] =	ssyncset.done @!p0 $0x0  }
0x1a1: {  	[sflag:s0] =	ssyncadd.s32 @!p0 s1  }
0x1a2: {  	[bflag:$0x3] =	sbarrier.arrive $0xFFFF  }
0x1a3: {  	_ =	shalt  }

</sc_bundles>
